<compile_context>
chip_gen: v7x
topology: tpu7x:2x2x1
jax: 0.10.2.dev20260603
libtpu: 0.0.44.dev20260713+nightly
codegen_flags: <defaults>
</compile_context>

<pallas_src>
import jax
import jax.numpy as jnp
from jax import lax
from jax.experimental import pallas as pl
from jax.experimental.pallas import tpu as pltpu
from jax.experimental.pallas import tpu_sc as plsc

_HIDDEN = 768
_E = 64
_BM = 4096
_L = 16
_NW = 32


def _logits_body(x_ref, w_ref, b_ref, out_ref):
    w = w_ref[...]
    b = b_ref[...]
    spw = out_ref.shape[0]
    tpw = out_ref.shape[2]
    for j in range(spw):
        xj = x_ref[pl.ds(j * tpw, tpw), :]
        logits = jax.lax.dot_general(
            w, xj, (((1,), (1,)), ((), ())),
            preferred_element_type=jnp.float32,
        )
        out_ref[j] = logits + b


def _tc_logits(x, weight, bias, n_tok, blk_off):
    tpw = n_tok // _NW
    spw = _BM // tpw
    b2 = bias.reshape(_E, 1)
    grid = (n_tok // _BM,)
    return pl.pallas_call(
        _logits_body,
        grid=grid,
        in_specs=[
            pl.BlockSpec((_BM, _HIDDEN), lambda i: (i + blk_off, 0)),
            pl.BlockSpec((_E, _HIDDEN), lambda i: (0, 0)),
            pl.BlockSpec((_E, 1), lambda i: (0, 0)),
        ],
        out_specs=pl.BlockSpec((spw, _E, tpw), lambda i: (i, 0, 0)),
        out_shape=jax.ShapeDtypeStruct((_NW, _E, tpw), jnp.float32),
        compiler_params=pltpu.CompilerParams(
            dimension_semantics=("arbitrary",),
        ),
    )(x, weight, b2)


def _sc_topk_body(lg_hbm, w1_hbm, w2_hbm, i1_hbm, i2_hbm,
                  buf, w1b, w2b, i1b, i2b):
    nc = 2
    wid = lax.axis_index("s") * nc + lax.axis_index("c")
    tpw = buf.shape[1]
    base = wid * tpw
    pltpu.sync_copy(lg_hbm.at[wid, :, :], buf)

    gb = 4

    def group(g, _):
        offs = [g * (gb * _L) + j * _L for j in range(gb)]
        m1 = [buf[0, pl.ds(o, _L)] for o in offs]
        i1 = [jnp.zeros((_L,), jnp.int32) for _ in offs]
        m2 = [jnp.full((_L,), -jnp.inf, jnp.float32) for _ in offs]
        i2 = [jnp.zeros((_L,), jnp.int32) for _ in offs]
        for e in range(1, _E):
            ev = jnp.full((_L,), e, jnp.int32)
            for j in range(gb):
                v = buf[e, pl.ds(offs[j], _L)]
                gt1 = v > m1[j]
                gt2 = v > m2[j]
                m2[j] = jnp.where(gt1, m1[j], jnp.where(gt2, v, m2[j]))
                i2[j] = jnp.where(gt1, i1[j], jnp.where(gt2, ev, i2[j]))
                m1[j] = jnp.where(gt1, v, m1[j])
                i1[j] = jnp.where(gt1, ev, i1[j])
        for j in range(gb):
            ex = jnp.exp(m2[j] - m1[j])
            w1 = 1.0 / (1.0 + ex)
            w1b[pl.ds(offs[j], _L)] = w1
            w2b[pl.ds(offs[j], _L)] = 1.0 - w1
            i1b[pl.ds(offs[j], _L)] = i1[j]
            i2b[pl.ds(offs[j], _L)] = i2[j]
        return 0

    lax.fori_loop(0, tpw // (gb * _L), group, 0)
    pltpu.sync_copy(w1b, w1_hbm.at[pl.ds(base, tpw)])
    pltpu.sync_copy(w2b, w2_hbm.at[pl.ds(base, tpw)])
    pltpu.sync_copy(i1b, i1_hbm.at[pl.ds(base, tpw)])
    pltpu.sync_copy(i2b, i2_hbm.at[pl.ds(base, tpw)])


def _sc_topk(logits_t):
    tpw = logits_t.shape[2]
    n_tok = logits_t.shape[0] * tpw
    mesh = plsc.VectorSubcoreMesh(core_axis_name="c", subcore_axis_name="s")
    f32 = jnp.float32
    i32 = jnp.int32
    run = pl.kernel(
        _sc_topk_body,
        mesh=mesh,
        out_type=[
            jax.ShapeDtypeStruct((n_tok,), f32),
            jax.ShapeDtypeStruct((n_tok,), f32),
            jax.ShapeDtypeStruct((n_tok,), i32),
            jax.ShapeDtypeStruct((n_tok,), i32),
        ],
        scratch_types=[
            pltpu.VMEM((_E, tpw), f32),
            pltpu.VMEM((tpw,), f32),
            pltpu.VMEM((tpw,), f32),
            pltpu.VMEM((tpw,), i32),
            pltpu.VMEM((tpw,), i32),
        ],
    )
    return run(logits_t)


def _fused_body(x_ref, w_ref, b_ref, w_out_ref, i_out_ref):
    x = x_ref[...]
    w = w_ref[...]
    logits = jax.lax.dot_general(
        w, x, (((1,), (1,)), ((), ())), preferred_element_type=jnp.float32
    )
    logits = logits + b_ref[...]
    iota = jax.lax.broadcasted_iota(jnp.int32, logits.shape, 0)
    m1 = jnp.max(logits, axis=0, keepdims=True)
    i1 = jnp.min(jnp.where(logits == m1, iota, _E), axis=0, keepdims=True)
    masked = jnp.where(iota == i1, -jnp.inf, logits)
    m2 = jnp.max(masked, axis=0, keepdims=True)
    i2 = jnp.min(jnp.where(masked == m2, iota, _E), axis=0, keepdims=True)
    ex = jnp.exp(m2 - m1)
    w1 = 1.0 / (1.0 + ex)
    w_out_ref[...] = jnp.concatenate([w1, 1.0 - w1], axis=0)
    i_out_ref[...] = jnp.concatenate([i1, i2], axis=0)


def _tc_fused(x, weight, bias, n_tok, blk_off):
    b2 = bias.reshape(_E, 1)
    grid = (n_tok // _BM,)
    return pl.pallas_call(
        _fused_body,
        grid=grid,
        in_specs=[
            pl.BlockSpec((_BM, _HIDDEN), lambda i: (i + blk_off, 0)),
            pl.BlockSpec((_E, _HIDDEN), lambda i: (0, 0)),
            pl.BlockSpec((_E, 1), lambda i: (0, 0)),
        ],
        out_specs=[
            pl.BlockSpec((2, _BM), lambda i: (0, i)),
            pl.BlockSpec((2, _BM), lambda i: (0, i)),
        ],
        out_shape=[
            jax.ShapeDtypeStruct((2, n_tok), jnp.float32),
            jax.ShapeDtypeStruct((2, n_tok), jnp.int32),
        ],
        compiler_params=pltpu.CompilerParams(
            dimension_semantics=("arbitrary",),
        ),
    )(x, weight, b2)


def kernel(x, weight, bias):
    n_tok = x.shape[0]
    sc_share = n_tok // 4
    tc_share = n_tok - sc_share
    logits_t1 = _tc_logits(x, weight, bias, sc_share, tc_share // _BM)
    w1b_, w2b_, i1b_, i2b_ = _sc_topk(logits_t1)
    wi0, ii0 = _tc_fused(x, weight, bias, tc_share, 0)
    top_w = jnp.concatenate(
        [wi0.T, jnp.stack([w1b_, w2b_], axis=1)], axis=0)
    top_i = jnp.concatenate(
        [ii0.T, jnp.stack([i1b_, i2b_], axis=1)], axis=0)
    return (top_w, top_i)

# --- scband reference (transcript-rebuilt; emitter-appended) ---
"""Pipeline reference for scband-top-krouter-50646254355258 (READ-ONLY COPY).

The authoritative reference and input builder live on the scoring server;
editing this copy changes nothing except your own understanding.
"""

import jax, jax.numpy as jnp
import numpy as np

HIDDEN = 768
NUM_EXPERTS = 64
TOP_K = 2
N_TOK = 32768


def setup_inputs(seed: int = 0) -> dict:
    key = jax.random.key(seed)
    k1, k2, k3 = jax.random.split(key, 3)
    x = jax.random.normal(k1, (N_TOK, HIDDEN), dtype=jnp.float32)
    weight = jax.random.normal(k2, (NUM_EXPERTS, HIDDEN), dtype=jnp.float32) * (1.0 / np.sqrt(HIDDEN))
    bias = jax.random.normal(k3, (NUM_EXPERTS,), dtype=jnp.float32) * 0.01
    return {"x": x, "weight": weight, "bias": bias}


def reference(x, weight, bias):
    # logits = F.linear(x, weight, bias) -> x @ weight.T + bias
    logits = jnp.dot(x, weight.T) + bias
    top_values, top_indices = jax.lax.top_k(logits, TOP_K)
    top_weights = jax.nn.softmax(top_values, axis=-1)
    return (top_weights, top_indices)

if __name__ == "__main__":
    import jax
    _d = setup_inputs()
    print(jax.jit(kernel)(*tuple(_d.values())))

</pallas_src>

<mosaic_0001>
#map = affine_map<(d0, d1) -> (0, 0, 0)>
#map1 = affine_map<(d0, d1) -> (0)>
module attributes {stable_mosaic.version = 14 : i64} {
  func.func @_sc_topk_body(%arg0: i32, %arg1: i32, %arg2: memref<32x64x256xf32, #tpu.memory_space<hbm>>, %arg3: memref<8192xf32, #tpu.memory_space<hbm>>, %arg4: memref<8192xf32, #tpu.memory_space<hbm>>, %arg5: memref<8192xi32, #tpu.memory_space<hbm>>, %arg6: memref<8192xi32, #tpu.memory_space<hbm>>, %arg7: memref<64x256xf32, #tpu.memory_space<vmem>>, %arg8: memref<256xf32, #tpu.memory_space<vmem>>, %arg9: memref<256xf32, #tpu.memory_space<vmem>>, %arg10: memref<256xi32, #tpu.memory_space<vmem>>, %arg11: memref<256xi32, #tpu.memory_space<vmem>>) attributes {dimension_semantics = [#tpu.dimension_semantics<core_parallel>, #tpu.dimension_semantics<subcore_parallel>], iteration_bounds = array<i64: 2, 16>, scalar_prefetch = 0 : i64, scratch_operands = 5 : i64, tpu.core_type = #tpu.core_type<sc_vector_subcore>, window_params = [{transform_indices = #map}, {transform_indices = #map1}, {transform_indices = #map1}, {transform_indices = #map1}, {transform_indices = #map1}]} {
    %mul3A = arith.constant 2 : i32
    %mul3A_0 = arith.muli %arg1, %mul3A : i32
    %add3A = arith.addi %mul3A_0, %arg0 : i32
    %mul3A_1 = arith.constant 256 : i32
    %mul3A_2 = arith.muli %add3A, %mul3A_1 : i32
    "tpu.region"() ({
      %run_scoped3A = tpu.sem_alloc : memref<!tpu.dma_semaphore, #tpu.memory_space<semaphore_mem>>
      %dma_start3A = arith.constant 0 : i32
      %dma_start3A_9 = arith.constant 0 : i32
      %dma_start3A_10 = tpu.memref_slice %arg2[%add3A, %dma_start3A, %dma_start3A_9] : memref<32x64x256xf32, #tpu.memory_space<hbm>> -> memref<1x64x256xf32, #tpu.memory_space<hbm>>
      %dma_start3A_11 = tpu.memref_squeeze %dma_start3A_10 : memref<1x64x256xf32, #tpu.memory_space<hbm>> -> memref<64x256xf32, #tpu.memory_space<hbm>>
      %dma_start3A_12 = arith.constant 0 : i32
      %dma_start3A_13 = arith.constant 0 : i32
      %dma_start3A_14 = tpu.memref_slice %arg2[%add3A, %dma_start3A_12, %dma_start3A_13] : memref<32x64x256xf32, #tpu.memory_space<hbm>> -> memref<1x64x256xf32, #tpu.memory_space<hbm>>
      %dma_start3A_15 = tpu.memref_squeeze %dma_start3A_14 : memref<1x64x256xf32, #tpu.memory_space<hbm>> -> memref<64x256xf32, #tpu.memory_space<hbm>>
      tpu.enqueue_dma source(%dma_start3A_15 : memref<64x256xf32, #tpu.memory_space<hbm>>) target(%arg7 : memref<64x256xf32, #tpu.memory_space<vmem>>) target_semaphore(%run_scoped3A : memref<!tpu.dma_semaphore, #tpu.memory_space<semaphore_mem>>)
      %dma_wait3A = arith.constant 0 : i32
      %dma_wait3A_16 = arith.constant 0 : i32
      %dma_wait3A_17 = tpu.memref_slice %arg2[%add3A, %dma_wait3A, %dma_wait3A_16] : memref<32x64x256xf32, #tpu.memory_space<hbm>> -> memref<1x64x256xf32, #tpu.memory_space<hbm>>
      %dma_wait3A_18 = tpu.memref_squeeze %dma_wait3A_17 : memref<1x64x256xf32, #tpu.memory_space<hbm>> -> memref<64x256xf32, #tpu.memory_space<hbm>>
      %dma_wait3A_19 = arith.constant 0 : i32
      %dma_wait3A_20 = arith.constant 0 : i32
      %dma_wait3A_21 = tpu.memref_slice %arg2[%add3A, %dma_wait3A_19, %dma_wait3A_20] : memref<32x64x256xf32, #tpu.memory_space<hbm>> -> memref<1x64x256xf32, #tpu.memory_space<hbm>>
      %dma_wait3A_22 = tpu.memref_squeeze %dma_wait3A_21 : memref<1x64x256xf32, #tpu.memory_space<hbm>> -> memref<64x256xf32, #tpu.memory_space<hbm>>
      tpu.wait_dma2 semaphore(%run_scoped3A : memref<!tpu.dma_semaphore, #tpu.memory_space<semaphore_mem>>) src(%dma_wait3A_22 : memref<64x256xf32, #tpu.memory_space<hbm>>) dst(%arg7 : memref<64x256xf32, #tpu.memory_space<vmem>>)
      tpu.yield
    }) : () -> ()
    %scan3A = arith.constant 0 : i32
    %scan3A_3 = arith.constant 0 : i32
    %scan3A_4 = arith.constant 4 : i32
    %scan3A_5 = arith.addi %scan3A_3, %scan3A_4 : i32
    %scan3A_6 = arith.constant 1 : i32
    %scan3A_7 = scf.for %scan3A_9 = %scan3A_3 to %scan3A_5 step %scan3A_6 iter_args(%scan3A_10 = %scan3A) -> (i32)  : i32 {
      %mul3A_11 = arith.constant 64 : i32
      %mul3A_12 = arith.muli %scan3A_9, %mul3A_11 : i32
      %add3A_13 = arith.constant 0 : i32
      %add3A_14 = arith.addi %mul3A_12, %add3A_13 : i32
      %mul3A_15 = arith.constant 64 : i32
      %mul3A_16 = arith.muli %scan3A_9, %mul3A_15 : i32
      %add3A_17 = arith.constant 16 : i32
      %add3A_18 = arith.addi %mul3A_16, %add3A_17 : i32
      %mul3A_19 = arith.constant 64 : i32
      %mul3A_20 = arith.muli %scan3A_9, %mul3A_19 : i32
      %add3A_21 = arith.constant 32 : i32
      %add3A_22 = arith.addi %mul3A_20, %add3A_21 : i32
      %mul3A_23 = arith.constant 64 : i32
      %mul3A_24 = arith.muli %scan3A_9, %mul3A_23 : i32
      %add3A_25 = arith.constant 48 : i32
      %add3A_26 = arith.addi %mul3A_24, %add3A_25 : i32
      %get3A = arith.constant 0 : i32
      %get3A_27 = arith.index_cast %get3A : i32 to index
      %get3A_28 = arith.index_cast %add3A_14 : i32 to index
      %get3A_29 = tpu.vector_load %arg7[%get3A_27, %get3A_28] {strides = array<i32>} : memref<64x256xf32, #tpu.memory_space<vmem>>, vector<1x16xf32>,
      %get3A_30 = vector.shape_cast %get3A_29 : vector<1x16xf32> to vector<16xf32>
      %get3A_31 = arith.constant 0 : i32
      %get3A_32 = arith.index_cast %get3A_31 : i32 to index
      %get3A_33 = arith.index_cast %add3A_18 : i32 to index
      %get3A_34 = tpu.vector_load %arg7[%get3A_32, %get3A_33] {strides = array<i32>} : memref<64x256xf32, #tpu.memory_space<vmem>>, vector<1x16xf32>,
      %get3A_35 = vector.shape_cast %get3A_34 : vector<1x16xf32> to vector<16xf32>
      %get3A_36 = arith.constant 0 : i32
      %get3A_37 = arith.index_cast %get3A_36 : i32 to index
      %get3A_38 = arith.index_cast %add3A_22 : i32 to index
      %get3A_39 = tpu.vector_load %arg7[%get3A_37, %get3A_38] {strides = array<i32>} : memref<64x256xf32, #tpu.memory_space<vmem>>, vector<1x16xf32>,
      %get3A_40 = vector.shape_cast %get3A_39 : vector<1x16xf32> to vector<16xf32>
      %get3A_41 = arith.constant 0 : i32
      %get3A_42 = arith.index_cast %get3A_41 : i32 to index
      %get3A_43 = arith.index_cast %add3A_26 : i32 to index
      %get3A_44 = tpu.vector_load %arg7[%get3A_42, %get3A_43] {strides = array<i32>} : memref<64x256xf32, #tpu.memory_space<vmem>>, vector<1x16xf32>,
      %get3A_45 = vector.shape_cast %get3A_44 : vector<1x16xf32> to vector<16xf32>
      %broadcast_in_dim3A = arith.constant 0 : i32
      %broadcast_in_dim3A_46 = vector.broadcast %broadcast_in_dim3A : i32 to vector<16xi32>
      %broadcast_in_dim3A_47 = arith.constant 0 : i32
      %broadcast_in_dim3A_48 = vector.broadcast %broadcast_in_dim3A_47 : i32 to vector<16xi32>
      %broadcast_in_dim3A_49 = arith.constant 0 : i32
      %broadcast_in_dim3A_50 = vector.broadcast %broadcast_in_dim3A_49 : i32 to vector<16xi32>
      %broadcast_in_dim3A_51 = arith.constant 0 : i32
      %broadcast_in_dim3A_52 = vector.broadcast %broadcast_in_dim3A_51 : i32 to vector<16xi32>
      %broadcast_in_dim3A_53 = arith.constant 0xFF800000 : f32
      %broadcast_in_dim3A_54 = vector.broadcast %broadcast_in_dim3A_53 : f32 to vector<16xf32>
      %broadcast_in_dim3A_55 = arith.constant 0xFF800000 : f32
      %broadcast_in_dim3A_56 = vector.broadcast %broadcast_in_dim3A_55 : f32 to vector<16xf32>
      %broadcast_in_dim3A_57 = arith.constant 0xFF800000 : f32
      %broadcast_in_dim3A_58 = vector.broadcast %broadcast_in_dim3A_57 : f32 to vector<16xf32>
      %broadcast_in_dim3A_59 = arith.constant 0xFF800000 : f32
      %broadcast_in_dim3A_60 = vector.broadcast %broadcast_in_dim3A_59 : f32 to vector<16xf32>
      %broadcast_in_dim3A_61 = arith.constant 0 : i32
      %broadcast_in_dim3A_62 = vector.broadcast %broadcast_in_dim3A_61 : i32 to vector<16xi32>
      %broadcast_in_dim3A_63 = arith.constant 0 : i32
      %broadcast_in_dim3A_64 = vector.broadcast %broadcast_in_dim3A_63 : i32 to vector<16xi32>
      %broadcast_in_dim3A_65 = arith.constant 0 : i32
      %broadcast_in_dim3A_66 = vector.broadcast %broadcast_in_dim3A_65 : i32 to vector<16xi32>
      %broadcast_in_dim3A_67 = arith.constant 0 : i32
      %broadcast_in_dim3A_68 = vector.broadcast %broadcast_in_dim3A_67 : i32 to vector<16xi32>
      %broadcast_in_dim3A_69 = arith.constant 1 : i32
      %broadcast_in_dim3A_70 = vector.broadcast %broadcast_in_dim3A_69 : i32 to vector<16xi32>
      %get3A_71 = arith.constant 1 : i32
      %get3A_72 = arith.index_cast %get3A_71 : i32 to index
      %get3A_73 = arith.index_cast %add3A_14 : i32 to index
      %get3A_74 = tpu.vector_load %arg7[%get3A_72, %get3A_73] {strides = array<i32>} : memref<64x256xf32, #tpu.memory_space<vmem>>, vector<1x16xf32>,
      %get3A_75 = vector.shape_cast %get3A_74 : vector<1x16xf32> to vector<16xf32>
      %gt3A = arith.cmpf ogt, %get3A_75, %get3A_30 : vector<16xf32>
      %gt3A_76 = arith.cmpf ogt, %get3A_75, %broadcast_in_dim3A_54 : vector<16xf32>
      %select_n3A = arith.select %gt3A_76, %get3A_75, %broadcast_in_dim3A_54 : vector<16xi1>, vector<16xf32>
      %select_n3A_77 = arith.select %gt3A, %get3A_30, %select_n3A : vector<16xi1>, vector<16xf32>
      %select_n3A_78 = arith.select %gt3A_76, %broadcast_in_dim3A_70, %broadcast_in_dim3A_62 : vector<16xi1>, vector<16xi32>
      %select_n3A_79 = arith.select %gt3A, %broadcast_in_dim3A_46, %select_n3A_78 : vector<16xi1>, vector<16xi32>
      %select_n3A_80 = arith.select %gt3A, %get3A_75, %get3A_30 : vector<16xi1>, vector<16xf32>
      %select_n3A_81 = arith.select %gt3A, %broadcast_in_dim3A_70, %broadcast_in_dim3A_46 : vector<16xi1>, vector<16xi32>
      %get3A_82 = arith.constant 1 : i32
      %get3A_83 = arith.index_cast %get3A_82 : i32 to index
      %get3A_84 = arith.index_cast %add3A_18 : i32 to index
      %get3A_85 = tpu.vector_load %arg7[%get3A_83, %get3A_84] {strides = array<i32>} : memref<64x256xf32, #tpu.memory_space<vmem>>, vector<1x16xf32>,
      %get3A_86 = vector.shape_cast %get3A_85 : vector<1x16xf32> to vector<16xf32>
      %gt3A_87 = arith.cmpf ogt, %get3A_86, %get3A_35 : vector<16xf32>
      %gt3A_88 = arith.cmpf ogt, %get3A_86, %broadcast_in_dim3A_56 : vector<16xf32>
      %select_n3A_89 = arith.select %gt3A_88, %get3A_86, %broadcast_in_dim3A_56 : vector<16xi1>, vector<16xf32>
      %select_n3A_90 = arith.select %gt3A_87, %get3A_35, %select_n3A_89 : vector<16xi1>, vector<16xf32>
      %select_n3A_91 = arith.select %gt3A_88, %broadcast_in_dim3A_70, %broadcast_in_dim3A_64 : vector<16xi1>, vector<16xi32>
      %select_n3A_92 = arith.select %gt3A_87, %broadcast_in_dim3A_48, %select_n3A_91 : vector<16xi1>, vector<16xi32>
      %select_n3A_93 = arith.select %gt3A_87, %get3A_86, %get3A_35 : vector<16xi1>, vector<16xf32>
      %select_n3A_94 = arith.select %gt3A_87, %broadcast_in_dim3A_70, %broadcast_in_dim3A_48 : vector<16xi1>, vector<16xi32>
      %get3A_95 = arith.constant 1 : i32
      %get3A_96 = arith.index_cast %get3A_95 : i32 to index
      %get3A_97 = arith.index_cast %add3A_22 : i32 to index
      %get3A_98 = tpu.vector_load %arg7[%get3A_96, %get3A_97] {strides = array<i32>} : memref<64x256xf32, #tpu.memory_space<vmem>>, vector<1x16xf32>,
      %get3A_99 = vector.shape_cast %get3A_98 : vector<1x16xf32> to vector<16xf32>
      %gt3A_100 = arith.cmpf ogt, %get3A_99, %get3A_40 : vector<16xf32>
      %gt3A_101 = arith.cmpf ogt, %get3A_99, %broadcast_in_dim3A_58 : vector<16xf32>
      %select_n3A_102 = arith.select %gt3A_101, %get3A_99, %broadcast_in_dim3A_58 : vector<16xi1>, vector<16xf32>
      %select_n3A_103 = arith.select %gt3A_100, %get3A_40, %select_n3A_102 : vector<16xi1>, vector<16xf32>
      %select_n3A_104 = arith.select %gt3A_101, %broadcast_in_dim3A_70, %broadcast_in_dim3A_66 : vector<16xi1>, vector<16xi32>
      %select_n3A_105 = arith.select %gt3A_100, %broadcast_in_dim3A_50, %select_n3A_104 : vector<16xi1>, vector<16xi32>
      %select_n3A_106 = arith.select %gt3A_100, %get3A_99, %get3A_40 : vector<16xi1>, vector<16xf32>
      %select_n3A_107 = arith.select %gt3A_100, %broadcast_in_dim3A_70, %broadcast_in_dim3A_50 : vector<16xi1>, vector<16xi32>
      %get3A_108 = arith.constant 1 : i32
      %get3A_109 = arith.index_cast %get3A_108 : i32 to index
      %get3A_110 = arith.index_cast %add3A_26 : i32 to index
      %get3A_111 = tpu.vector_load %arg7[%get3A_109, %get3A_110] {strides = array<i32>} : memref<64x256xf32, #tpu.memory_space<vmem>>, vector<1x16xf32>,
      %get3A_112 = vector.shape_cast %get3A_111 : vector<1x16xf32> to vector<16xf32>
      %gt3A_113 = arith.cmpf ogt, %get3A_112, %get3A_45 : vector<16xf32>
      %gt3A_114 = arith.cmpf ogt, %get3A_112, %broadcast_in_dim3A_60 : vector<16xf32>
      %select_n3A_115 = arith.select %gt3A_114, %get3A_112, %broadcast_in_dim3A_60 : vector<16xi1>, vector<16xf32>
      %select_n3A_116 = arith.select %gt3A_113, %get3A_45, %select_n3A_115 : vector<16xi1>, vector<16xf32>
      %select_n3A_117 = arith.select %gt3A_114, %broadcast_in_dim3A_70, %broadcast_in_dim3A_68 : vector<16xi1>, vector<16xi32>
      %select_n3A_118 = arith.select %gt3A_113, %broadcast_in_dim3A_52, %select_n3A_117 : vector<16xi1>, vector<16xi32>
      %select_n3A_119 = arith.select %gt3A_113, %get3A_112, %get3A_45 : vector<16xi1>, vector<16xf32>
      %select_n3A_120 = arith.select %gt3A_113, %broadcast_in_dim3A_70, %broadcast_in_dim3A_52 : vector<16xi1>, vector<16xi32>
      %broadcast_in_dim3A_121 = arith.constant 2 : i32
      %broadcast_in_dim3A_122 = vector.broadcast %broadcast_in_dim3A_121 : i32 to vector<16xi32>
      %get3A_123 = arith.constant 2 : i32
      %get3A_124 = arith.index_cast %get3A_123 : i32 to index
      %get3A_125 = arith.index_cast %add3A_14 : i32 to index
      %get3A_126 = tpu.vector_load %arg7[%get3A_124, %get3A_125] {strides = array<i32>} : memref<64x256xf32, #tpu.memory_space<vmem>>, vector<1x16xf32>,
      %get3A_127 = vector.shape_cast %get3A_126 : vector<1x16xf32> to vector<16xf32>
      %gt3A_128 = arith.cmpf ogt, %get3A_127, %select_n3A_80 : vector<16xf32>
      %gt3A_129 = arith.cmpf ogt, %get3A_127, %select_n3A_77 : vector<16xf32>
      %select_n3A_130 = arith.select %gt3A_129, %get3A_127, %select_n3A_77 : vector<16xi1>, vector<16xf32>
      %select_n3A_131 = arith.select %gt3A_128, %select_n3A_80, %select_n3A_130 : vector<16xi1>, vector<16xf32>
      %select_n3A_132 = arith.select %gt3A_129, %broadcast_in_dim3A_122, %select_n3A_79 : vector<16xi1>, vector<16xi32>
      %select_n3A_133 = arith.select %gt3A_128, %select_n3A_81, %select_n3A_132 : vector<16xi1>, vector<16xi32>
      %select_n3A_134 = arith.select %gt3A_128, %get3A_127, %select_n3A_80 : vector<16xi1>, vector<16xf32>
      %select_n3A_135 = arith.select %gt3A_128, %broadcast_in_dim3A_122, %select_n3A_81 : vector<16xi1>, vector<16xi32>
      %get3A_136 = arith.constant 2 : i32
      %get3A_137 = arith.index_cast %get3A_136 : i32 to index
      %get3A_138 = arith.index_cast %add3A_18 : i32 to index
      %get3A_139 = tpu.vector_load %arg7[%get3A_137, %get3A_138] {strides = array<i32>} : memref<64x256xf32, #tpu.memory_space<vmem>>, vector<1x16xf32>,
      %get3A_140 = vector.shape_cast %get3A_139 : vector<1x16xf32> to vector<16xf32>
      %gt3A_141 = arith.cmpf ogt, %get3A_140, %select_n3A_93 : vector<16xf32>
      %gt3A_142 = arith.cmpf ogt, %get3A_140, %select_n3A_90 : vector<16xf32>
      %select_n3A_143 = arith.select %gt3A_142, %get3A_140, %select_n3A_90 : vector<16xi1>, vector<16xf32>
      %select_n3A_144 = arith.select %gt3A_141, %select_n3A_93, %select_n3A_143 : vector<16xi1>, vector<16xf32>
      %select_n3A_145 = arith.select %gt3A_142, %broadcast_in_dim3A_122, %select_n3A_92 : vector<16xi1>, vector<16xi32>
      %select_n3A_146 = arith.select %gt3A_141, %select_n3A_94, %select_n3A_145 : vector<16xi1>, vector<16xi32>
      %select_n3A_147 = arith.select %gt3A_141, %get3A_140, %select_n3A_93 : vector<16xi1>, vector<16xf32>
      %select_n3A_148 = arith.select %gt3A_141, %broadcast_in_dim3A_122, %select_n3A_94 : vector<16xi1>, vector<16xi32>
      %get3A_149 = arith.constant 2 : i32
      %get3A_150 = arith.index_cast %get3A_149 : i32 to index
      %get3A_151 = arith.index_cast %add3A_22 : i32 to index
      %get3A_152 = tpu.vector_load %arg7[%get3A_150, %get3A_151] {strides = array<i32>} : memref<64x256xf32, #tpu.memory_space<vmem>>, vector<1x16xf32>,
      %get3A_153 = vector.shape_cast %get3A_152 : vector<1x16xf32> to vector<16xf32>
      %gt3A_154 = arith.cmpf ogt, %get3A_153, %select_n3A_106 : vector<16xf32>
      %gt3A_155 = arith.cmpf ogt, %get3A_153, %select_n3A_103 : vector<16xf32>
      %select_n3A_156 = arith.select %gt3A_155, %get3A_153, %select_n3A_103 : vector<16xi1>, vector<16xf32>
      %select_n3A_157 = arith.select %gt3A_154, %select_n3A_106, %select_n3A_156 : vector<16xi1>, vector<16xf32>
      %select_n3A_158 = arith.select %gt3A_155, %broadcast_in_dim3A_122, %select_n3A_105 : vector<16xi1>, vector<16xi32>
      %select_n3A_159 = arith.select %gt3A_154, %select_n3A_107, %select_n3A_158 : vector<16xi1>, vector<16xi32>
      %select_n3A_160 = arith.select %gt3A_154, %get3A_153, %select_n3A_106 : vector<16xi1>, vector<16xf32>
      %select_n3A_161 = arith.select %gt3A_154, %broadcast_in_dim3A_122, %select_n3A_107 : vector<16xi1>, vector<16xi32>
      %get3A_162 = arith.constant 2 : i32
      %get3A_163 = arith.index_cast %get3A_162 : i32 to index
      %get3A_164 = arith.index_cast %add3A_26 : i32 to index
      %get3A_165 = tpu.vector_load %arg7[%get3A_163, %get3A_164] {strides = array<i32>} : memref<64x256xf32, #tpu.memory_space<vmem>>, vector<1x16xf32>,
      %get3A_166 = vector.shape_cast %get3A_165 : vector<1x16xf32> to vector<16xf32>
      %gt3A_167 = arith.cmpf ogt, %get3A_166, %select_n3A_119 : vector<16xf32>
      %gt3A_168 = arith.cmpf ogt, %get3A_166, %select_n3A_116 : vector<16xf32>
      %select_n3A_169 = arith.select %gt3A_168, %get3A_166, %select_n3A_116 : vector<16xi1>, vector<16xf32>
      %select_n3A_170 = arith.select %gt3A_167, %select_n3A_119, %select_n3A_169 : vector<16xi1>, vector<16xf32>
      %select_n3A_171 = arith.select %gt3A_168, %broadcast_in_dim3A_122, %select_n3A_118 : vector<16xi1>, vector<16xi32>
      %select_n3A_172 = arith.select %gt3A_167, %select_n3A_120, %select_n3A_171 : vector<16xi1>, vector<16xi32>
      %select_n3A_173 = arith.select %gt3A_167, %get3A_166, %select_n3A_119 : vector<16xi1>, vector<16xf32>
      %select_n3A_174 = arith.select %gt3A_167, %broadcast_in_dim3A_122, %select_n3A_120 : vector<16xi1>, vector<16xi32>
      %broadcast_in_dim3A_175 = arith.constant 3 : i32
      %broadcast_in_dim3A_176 = vector.broadcast %broadcast_in_dim3A_175 : i32 to vector<16xi32>
      %get3A_177 = arith.constant 3 : i32
      %get3A_178 = arith.index_cast %get3A_177 : i32 to index
      %get3A_179 = arith.index_cast %add3A_14 : i32 to index
      %get3A_180 = tpu.vector_load %arg7[%get3A_178, %get3A_179] {strides = array<i32>} : memref<64x256xf32, #tpu.memory_space<vmem>>, vector<1x16xf32>,
      %get3A_181 = vector.shape_cast %get3A_180 : vector<1x16xf32> to vector<16xf32>
      %gt3A_182 = arith.cmpf ogt, %get3A_181, %select_n3A_134 : vector<16xf32>
      %gt3A_183 = arith.cmpf ogt, %get3A_181, %select_n3A_131 : vector<16xf32>
      %select_n3A_184 = arith.select %gt3A_183, %get3A_181, %select_n3A_131 : vector<16xi1>, vector<16xf32>
      %select_n3A_185 = arith.select %gt3A_182, %select_n3A_134, %select_n3A_184 : vector<16xi1>, vector<16xf32>
      %select_n3A_186 = arith.select %gt3A_183, %broadcast_in_dim3A_176, %select_n3A_133 : vector<16xi1>, vector<16xi32>
      %select_n3A_187 = arith.select %gt3A_182, %select_n3A_135, %select_n3A_186 : vector<16xi1>, vector<16xi32>
      %select_n3A_188 = arith.select %gt3A_182, %get3A_181, %select_n3A_134 : vector<16xi1>, vector<16xf32>
      %select_n3A_189 = arith.select %gt3A_182, %broadcast_in_dim3A_176, %select_n3A_135 : vector<16xi1>, vector<16xi32>
      %get3A_190 = arith.constant 3 : i32
      %get3A_191 = arith.index_cast %get3A_190 : i32 to index
      %get3A_192 = arith.index_cast %add3A_18 : i32 to index
      %get3A_193 = tpu.vector_load %arg7[%get3A_191, %get3A_192] {strides = array<i32>} : memref<64x256xf32, #tpu.memory_space<vmem>>, vector<1x16xf32>,
      %get3A_194 = vector.shape_cast %get3A_193 : vector<1x16xf32> to vector<16xf32>
      %gt3A_195 = arith.cmpf ogt, %get3A_194, %select_n3A_147 : vector<16xf32>
      %gt3A_196 = arith.cmpf ogt, %get3A_194, %select_n3A_144 : vector<16xf32>
      %select_n3A_197 = arith.select %gt3A_196, %get3A_194, %select_n3A_144 : vector<16xi1>, vector<16xf32>
      %select_n3A_198 = arith.select %gt3A_195, %select_n3A_147, %select_n3A_197 : vector<16xi1>, vector<16xf32>
      %select_n3A_199 = arith.select %gt3A_196, %broadcast_in_dim3A_176, %select_n3A_146 : vector<16xi1>, vector<16xi32>
      %select_n3A_200 = arith.select %gt3A_195, %select_n3A_148, %select_n3A_199 : vector<16xi1>, vector<16xi32>
      %select_n3A_201 = arith.select %gt3A_195, %get3A_194, %select_n3A_147 : vector<16xi1>, vector<16xf32>
      %select_n3A_202 = arith.select %gt3A_195, %broadcast_in_dim3A_176, %select_n3A_148 : vector<16xi1>, vector<16xi32>
      %get3A_203 = arith.constant 3 : i32
      %get3A_204 = arith.index_cast %get3A_203 : i32 to index
      %get3A_205 = arith.index_cast %add3A_22 : i32 to index
      %get3A_206 = tpu.vector_load %arg7[%get3A_204, %get3A_205] {strides = array<i32>} : memref<64x256xf32, #tpu.memory_space<vmem>>, vector<1x16xf32>,
      %get3A_207 = vector.shape_cast %get3A_206 : vector<1x16xf32> to vector<16xf32>
      %gt3A_208 = arith.cmpf ogt, %get3A_207, %select_n3A_160 : vector<16xf32>
      %gt3A_209 = arith.cmpf ogt, %get3A_207, %select_n3A_157 : vector<16xf32>
      %select_n3A_210 = arith.select %gt3A_209, %get3A_207, %select_n3A_157 : vector<16xi1>, vector<16xf32>
      %select_n3A_211 = arith.select %gt3A_208, %select_n3A_160, %select_n3A_210 : vector<16xi1>, vector<16xf32>
      %select_n3A_212 = arith.select %gt3A_209, %broadcast_in_dim3A_176, %select_n3A_159 : vector<16xi1>, vector<16xi32>
      %select_n3A_213 = arith.select %gt3A_208, %select_n3A_161, %select_n3A_212 : vector<16xi1>, vector<16xi32>
      %select_n3A_214 = arith.select %gt3A_208, %get3A_207, %select_n3A_160 : vector<16xi1>, vector<16xf32>
      %select_n3A_215 = arith.select %gt3A_208, %broadcast_in_dim3A_176, %select_n3A_161 : vector<16xi1>, vector<16xi32>
      %get3A_216 = arith.constant 3 : i32
      %get3A_217 = arith.index_cast %get3A_216 : i32 to index
      %get3A_218 = arith.index_cast %add3A_26 : i32 to index
      %get3A_219 = tpu.vector_load %arg7[%get3A_217, %get3A_218] {strides = array<i32>} : memref<64x256xf32, #tpu.memory_space<vmem>>, vector<1x16xf32>,
      %get3A_220 = vector.shape_cast %get3A_219 : vector<1x16xf32> to vector<16xf32>
      %gt3A_221 = arith.cmpf ogt, %get3A_220, %select_n3A_173 : vector<16xf32>
      %gt3A_222 = arith.cmpf ogt, %get3A_220, %select_n3A_170 : vector<16xf32>
      %select_n3A_223 = arith.select %gt3A_222, %get3A_220, %select_n3A_170 : vector<16xi1>, vector<16xf32>
      %select_n3A_224 = arith.select %gt3A_221, %select_n3A_173, %select_n3A_223 : vector<16xi1>, vector<16xf32>
      %select_n3A_225 = arith.select %gt3A_222, %broadcast_in_dim3A_176, %select_n3A_172 : vector<16xi1>, vector<16xi32>
      %select_n3A_226 = arith.select %gt3A_221, %select_n3A_174, %select_n3A_225 : vector<16xi1>, vector<16xi32>
      %select_n3A_227 = arith.select %gt3A_221, %get3A_220, %select_n3A_173 : vector<16xi1>, vector<16xf32>
      %select_n3A_228 = arith.select %gt3A_221, %broadcast_in_dim3A_176, %select_n3A_174 : vector<16xi1>, vector<16xi32>
      %broadcast_in_dim3A_229 = arith.constant 4 : i32
      %broadcast_in_dim3A_230 = vector.broadcast %broadcast_in_dim3A_229 : i32 to vector<16xi32>
      %get3A_231 = arith.constant 4 : i32
      %get3A_232 = arith.index_cast %get3A_231 : i32 to index
      %get3A_233 = arith.index_cast %add3A_14 : i32 to index
      %get3A_234 = tpu.vector_load %arg7[%get3A_232, %get3A_233] {strides = array<i32>} : memref<64x256xf32, #tpu.memory_space<vmem>>, vector<1x16xf32>,
      %get3A_235 = vector.shape_cast %get3A_234 : vector<1x16xf32> to vector<16xf32>
      %gt3A_236 = arith.cmpf ogt, %get3A_235, %select_n3A_188 : vector<16xf32>
      %gt3A_237 = arith.cmpf ogt, %get3A_235, %select_n3A_185 : vector<16xf32>
      %select_n3A_238 = arith.select %gt3A_237, %get3A_235, %select_n3A_185 : vector<16xi1>, vector<16xf32>
      %select_n3A_239 = arith.select %gt3A_236, %select_n3A_188, %select_n3A_238 : vector<16xi1>, vector<16xf32>
      %select_n3A_240 = arith.select %gt3A_237, %broadcast_in_dim3A_230, %select_n3A_187 : vector<16xi1>, vector<16xi32>
      %select_n3A_241 = arith.select %gt3A_236, %select_n3A_189, %select_n3A_240 : vector<16xi1>, vector<16xi32>
      %select_n3A_242 = arith.select %gt3A_236, %get3A_235, %select_n3A_188 : vector<16xi1>, vector<16xf32>
      %select_n3A_243 = arith.select %gt3A_236, %broadcast_in_dim3A_230, %select_n3A_189 : vector<16xi1>, vector<16xi32>
      %get3A_244 = arith.constant 4 : i32
      %get3A_245 = arith.index_cast %get3A_244 : i32 to index
      %get3A_246 = arith.index_cast %add3A_18 : i32 to index
      %get3A_247 = tpu.vector_load %arg7[%get3A_245, %get3A_246] {strides = array<i32>} : memref<64x256xf32, #tpu.memory_space<vmem>>, vector<1x16xf32>,
      %get3A_248 = vector.shape_cast %get3A_247 : vector<1x16xf32> to vector<16xf32>
      %gt3A_249 = arith.cmpf ogt, %get3A_248, %select_n3A_201 : vector<16xf32>
      %gt3A_250 = arith.cmpf ogt, %get3A_248, %select_n3A_198 : vector<16xf32>
      %select_n3A_251 = arith.select %gt3A_250, %get3A_248, %select_n3A_198 : vector<16xi1>, vector<16xf32>
      %select_n3A_252 = arith.select %gt3A_249, %select_n3A_201, %select_n3A_251 : vector<16xi1>, vector<16xf32>
      %select_n3A_253 = arith.select %gt3A_250, %broadcast_in_dim3A_230, %select_n3A_200 : vector<16xi1>, vector<16xi32>
      %select_n3A_254 = arith.select %gt3A_249, %select_n3A_202, %select_n3A_253 : vector<16xi1>, vector<16xi32>
      %select_n3A_255 = arith.select %gt3A_249, %get3A_248, %select_n3A_201 : vector<16xi1>, vector<16xf32>
      %select_n3A_256 = arith.select %gt3A_249, %broadcast_in_dim3A_230, %select_n3A_202 : vector<16xi1>, vector<16xi32>
      %get3A_257 = arith.constant 4 : i32
      %get3A_258 = arith.index_cast %get3A_257 : i32 to index
      %get3A_259 = arith.index_cast %add3A_22 : i32 to index
      %get3A_260 = tpu.vector_load %arg7[%get3A_258, %get3A_259] {strides = array<i32>} : memref<64x256xf32, #tpu.memory_space<vmem>>, vector<1x16xf32>,
      %get3A_261 = vector.shape_cast %get3A_260 : vector<1x16xf32> to vector<16xf32>
      %gt3A_262 = arith.cmpf ogt, %get3A_261, %select_n3A_214 : vector<16xf32>
      %gt3A_263 = arith.cmpf ogt, %get3A_261, %select_n3A_211 : vector<16xf32>
      %select_n3A_264 = arith.select %gt3A_263, %get3A_261, %select_n3A_211 : vector<16xi1>, vector<16xf32>
      %select_n3A_265 = arith.select %gt3A_262, %select_n3A_214, %select_n3A_264 : vector<16xi1>, vector<16xf32>
      %select_n3A_266 = arith.select %gt3A_263, %broadcast_in_dim3A_230, %select_n3A_213 : vector<16xi1>, vector<16xi32>
      %select_n3A_267 = arith.select %gt3A_262, %select_n3A_215, %select_n3A_266 : vector<16xi1>, vector<16xi32>
      %select_n3A_268 = arith.select %gt3A_262, %get3A_261, %select_n3A_214 : vector<16xi1>, vector<16xf32>
      %select_n3A_269 = arith.select %gt3A_262, %broadcast_in_dim3A_230, %select_n3A_215 : vector<16xi1>, vector<16xi32>
      %get3A_270 = arith.constant 4 : i32
      %get3A_271 = arith.index_cast %get3A_270 : i32 to index
      %get3A_272 = arith.index_cast %add3A_26 : i32 to index
      %get3A_273 = tpu.vector_load %arg7[%get3A_271, %get3A_272] {strides = array<i32>} : memref<64x256xf32, #tpu.memory_space<vmem>>, vector<1x16xf32>,
      %get3A_274 = vector.shape_cast %get3A_273 : vector<1x16xf32> to vector<16xf32>
      %gt3A_275 = arith.cmpf ogt, %get3A_274, %select_n3A_227 : vector<16xf32>
      %gt3A_276 = arith.cmpf ogt, %get3A_274, %select_n3A_224 : vector<16xf32>
      %select_n3A_277 = arith.select %gt3A_276, %get3A_274, %select_n3A_224 : vector<16xi1>, vector<16xf32>
      %select_n3A_278 = arith.select %gt3A_275, %select_n3A_227, %select_n3A_277 : vector<16xi1>, vector<16xf32>
      %select_n3A_279 = arith.select %gt3A_276, %broadcast_in_dim3A_230, %select_n3A_226 : vector<16xi1>, vector<16xi32>
      %select_n3A_280 = arith.select %gt3A_275, %select_n3A_228, %select_n3A_279 : vector<16xi1>, vector<16xi32>
      %select_n3A_281 = arith.select %gt3A_275, %get3A_274, %select_n3A_227 : vector<16xi1>, vector<16xf32>
      %select_n3A_282 = arith.select %gt3A_275, %broadcast_in_dim3A_230, %select_n3A_228 : vector<16xi1>, vector<16xi32>
      %broadcast_in_dim3A_283 = arith.constant 5 : i32
      %broadcast_in_dim3A_284 = vector.broadcast %broadcast_in_dim3A_283 : i32 to vector<16xi32>
      %get3A_285 = arith.constant 5 : i32
      %get3A_286 = arith.index_cast %get3A_285 : i32 to index
      %get3A_287 = arith.index_cast %add3A_14 : i32 to index
      %get3A_288 = tpu.vector_load %arg7[%get3A_286, %get3A_287] {strides = array<i32>} : memref<64x256xf32, #tpu.memory_space<vmem>>, vector<1x16xf32>,
      %get3A_289 = vector.shape_cast %get3A_288 : vector<1x16xf32> to vector<16xf32>
      %gt3A_290 = arith.cmpf ogt, %get3A_289, %select_n3A_242 : vector<16xf32>
      %gt3A_291 = arith.cmpf ogt, %get3A_289, %select_n3A_239 : vector<16xf32>
      %select_n3A_292 = arith.select %gt3A_291, %get3A_289, %select_n3A_239 : vector<16xi1>, vector<16xf32>
      %select_n3A_293 = arith.select %gt3A_290, %select_n3A_242, %select_n3A_292 : vector<16xi1>, vector<16xf32>
      %select_n3A_294 = arith.select %gt3A_291, %broadcast_in_dim3A_284, %select_n3A_241 : vector<16xi1>, vector<16xi32>
      %select_n3A_295 = arith.select %gt3A_290, %select_n3A_243, %select_n3A_294 : vector<16xi1>, vector<16xi32>
      %select_n3A_296 = arith.select %gt3A_290, %get3A_289, %select_n3A_242 : vector<16xi1>, vector<16xf32>
      %select_n3A_297 = arith.select %gt3A_290, %broadcast_in_dim3A_284, %select_n3A_243 : vector<16xi1>, vector<16xi32>
      %get3A_298 = arith.constant 5 : i32
      %get3A_299 = arith.index_cast %get3A_298 : i32 to index
      %get3A_300 = arith.index_cast %add3A_18 : i32 to index
      %get3A_301 = tpu.vector_load %arg7[%get3A_299, %get3A_300] {strides = array<i32>} : memref<64x256xf32, #tpu.memory_space<vmem>>, vector<1x16xf32>,
      %get3A_302 = vector.shape_cast %get3A_301 : vector<1x16xf32> to vector<16xf32>
      %gt3A_303 = arith.cmpf ogt, %get3A_302, %select_n3A_255 : vector<16xf32>
      %gt3A_304 = arith.cmpf ogt, %get3A_302, %select_n3A_252 : vector<16xf32>
      %select_n3A_305 = arith.select %gt3A_304, %get3A_302, %select_n3A_252 : vector<16xi1>, vector<16xf32>
      %select_n3A_306 = arith.select %gt3A_303, %select_n3A_255, %select_n3A_305 : vector<16xi1>, vector<16xf32>
      %select_n3A_307 = arith.select %gt3A_304, %broadcast_in_dim3A_284, %select_n3A_254 : vector<16xi1>, vector<16xi32>
      %select_n3A_308 = arith.select %gt3A_303, %select_n3A_256, %select_n3A_307 : vector<16xi1>, vector<16xi32>
      %select_n3A_309 = arith.select %gt3A_303, %get3A_302, %select_n3A_255 : vector<16xi1>, vector<16xf32>
      %select_n3A_310 = arith.select %gt3A_303, %broadcast_in_dim3A_284, %select_n3A_256 : vector<16xi1>, vector<16xi32>
      %get3A_311 = arith.constant 5 : i32
      %get3A_312 = arith.index_cast %get3A_311 : i32 to index
      %get3A_313 = arith.index_cast %add3A_22 : i32 to index
      %get3A_314 = tpu.vector_load %arg7[%get3A_312, %get3A_313] {strides = array<i32>} : memref<64x256xf32, #tpu.memory_space<vmem>>, vector<1x16xf32>,
      %get3A_315 = vector.shape_cast %get3A_314 : vector<1x16xf32> to vector<16xf32>
      %gt3A_316 = arith.cmpf ogt, %get3A_315, %select_n3A_268 : vector<16xf32>
      %gt3A_317 = arith.cmpf ogt, %get3A_315, %select_n3A_265 : vector<16xf32>
      %select_n3A_318 = arith.select %gt3A_317, %get3A_315, %select_n3A_265 : vector<16xi1>, vector<16xf32>
      %select_n3A_319 = arith.select %gt3A_316, %select_n3A_268, %select_n3A_318 : vector<16xi1>, vector<16xf32>
      %select_n3A_320 = arith.select %gt3A_317, %broadcast_in_dim3A_284, %select_n3A_267 : vector<16xi1>, vector<16xi32>
      %select_n3A_321 = arith.select %gt3A_316, %select_n3A_269, %select_n3A_320 : vector<16xi1>, vector<16xi32>
      %select_n3A_322 = arith.select %gt3A_316, %get3A_315, %select_n3A_268 : vector<16xi1>, vector<16xf32>
      %select_n3A_323 = arith.select %gt3A_316, %broadcast_in_dim3A_284, %select_n3A_269 : vector<16xi1>, vector<16xi32>
      %get3A_324 = arith.constant 5 : i32
      %get3A_325 = arith.index_cast %get3A_324 : i32 to index
      %get3A_326 = arith.index_cast %add3A_26 : i32 to index
      %get3A_327 = tpu.vector_load %arg7[%get3A_325, %get3A_326] {strides = array<i32>} : memref<64x256xf32, #tpu.memory_space<vmem>>, vector<1x16xf32>,
      %get3A_328 = vector.shape_cast %get3A_327 : vector<1x16xf32> to vector<16xf32>
      %gt3A_329 = arith.cmpf ogt, %get3A_328, %select_n3A_281 : vector<16xf32>
      %gt3A_330 = arith.cmpf ogt, %get3A_328, %select_n3A_278 : vector<16xf32>
      %select_n3A_331 = arith.select %gt3A_330, %get3A_328, %select_n3A_278 : vector<16xi1>, vector<16xf32>
      %select_n3A_332 = arith.select %gt3A_329, %select_n3A_281, %select_n3A_331 : vector<16xi1>, vector<16xf32>
      %select_n3A_333 = arith.select %gt3A_330, %broadcast_in_dim3A_284, %select_n3A_280 : vector<16xi1>, vector<16xi32>
      %select_n3A_334 = arith.select %gt3A_329, %select_n3A_282, %select_n3A_333 : vector<16xi1>, vector<16xi32>
      %select_n3A_335 = arith.select %gt3A_329, %get3A_328, %select_n3A_281 : vector<16xi1>, vector<16xf32>
      %select_n3A_336 = arith.select %gt3A_329, %broadcast_in_dim3A_284, %select_n3A_282 : vector<16xi1>, vector<16xi32>
      %broadcast_in_dim3A_337 = arith.constant 6 : i32
      %broadcast_in_dim3A_338 = vector.broadcast %broadcast_in_dim3A_337 : i32 to vector<16xi32>
      %get3A_339 = arith.constant 6 : i32
      %get3A_340 = arith.index_cast %get3A_339 : i32 to index
      %get3A_341 = arith.index_cast %add3A_14 : i32 to index
      %get3A_342 = tpu.vector_load %arg7[%get3A_340, %get3A_341] {strides = array<i32>} : memref<64x256xf32, #tpu.memory_space<vmem>>, vector<1x16xf32>,
      %get3A_343 = vector.shape_cast %get3A_342 : vector<1x16xf32> to vector<16xf32>
      %gt3A_344 = arith.cmpf ogt, %get3A_343, %select_n3A_296 : vector<16xf32>
      %gt3A_345 = arith.cmpf ogt, %get3A_343, %select_n3A_293 : vector<16xf32>
      %select_n3A_346 = arith.select %gt3A_345, %get3A_343, %select_n3A_293 : vector<16xi1>, vector<16xf32>
      %select_n3A_347 = arith.select %gt3A_344, %select_n3A_296, %select_n3A_346 : vector<16xi1>, vector<16xf32>
      %select_n3A_348 = arith.select %gt3A_345, %broadcast_in_dim3A_338, %select_n3A_295 : vector<16xi1>, vector<16xi32>
      %select_n3A_349 = arith.select %gt3A_344, %select_n3A_297, %select_n3A_348 : vector<16xi1>, vector<16xi32>
      %select_n3A_350 = arith.select %gt3A_344, %get3A_343, %select_n3A_296 : vector<16xi1>, vector<16xf32>
      %select_n3A_351 = arith.select %gt3A_344, %broadcast_in_dim3A_338, %select_n3A_297 : vector<16xi1>, vector<16xi32>
      %get3A_352 = arith.constant 6 : i32
      %get3A_353 = arith.index_cast %get3A_352 : i32 to index
      %get3A_354 = arith.index_cast %add3A_18 : i32 to index
      %get3A_355 = tpu.vector_load %arg7[%get3A_353, %get3A_354] {strides = array<i32>} : memref<64x256xf32, #tpu.memory_space<vmem>>, vector<1x16xf32>,
      %get3A_356 = vector.shape_cast %get3A_355 : vector<1x16xf32> to vector<16xf32>
      %gt3A_357 = arith.cmpf ogt, %get3A_356, %select_n3A_309 : vector<16xf32>
      %gt3A_358 = arith.cmpf ogt, %get3A_356, %select_n3A_306 : vector<16xf32>
      %select_n3A_359 = arith.select %gt3A_358, %get3A_356, %select_n3A_306 : vector<16xi1>, vector<16xf32>
      %select_n3A_360 = arith.select %gt3A_357, %select_n3A_309, %select_n3A_359 : vector<16xi1>, vector<16xf32>
      %select_n3A_361 = arith.select %gt3A_358, %broadcast_in_dim3A_338, %select_n3A_308 : vector<16xi1>, vector<16xi32>
      %select_n3A_362 = arith.select %gt3A_357, %select_n3A_310, %select_n3A_361 : vector<16xi1>, vector<16xi32>
      %select_n3A_363 = arith.select %gt3A_357, %get3A_356, %select_n3A_309 : vector<16xi1>, vector<16xf32>
      %select_n3A_364 = arith.select %gt3A_357, %broadcast_in_dim3A_338, %select_n3A_310 : vector<16xi1>, vector<16xi32>
      %get3A_365 = arith.constant 6 : i32
      %get3A_366 = arith.index_cast %get3A_365 : i32 to index
      %get3A_367 = arith.index_cast %add3A_22 : i32 to index
      %get3A_368 = tpu.vector_load %arg7[%get3A_366, %get3A_367] {strides = array<i32>} : memref<64x256xf32, #tpu.memory_space<vmem>>, vector<1x16xf32>,
      %get3A_369 = vector.shape_cast %get3A_368 : vector<1x16xf32> to vector<16xf32>
      %gt3A_370 = arith.cmpf ogt, %get3A_369, %select_n3A_322 : vector<16xf32>
      %gt3A_371 = arith.cmpf ogt, %get3A_369, %select_n3A_319 : vector<16xf32>
      %select_n3A_372 = arith.select %gt3A_371, %get3A_369, %select_n3A_319 : vector<16xi1>, vector<16xf32>
      %select_n3A_373 = arith.select %gt3A_370, %select_n3A_322, %select_n3A_372 : vector<16xi1>, vector<16xf32>
      %select_n3A_374 = arith.select %gt3A_371, %broadcast_in_dim3A_338, %select_n3A_321 : vector<16xi1>, vector<16xi32>
      %select_n3A_375 = arith.select %gt3A_370, %select_n3A_323, %select_n3A_374 : vector<16xi1>, vector<16xi32>
      %select_n3A_376 = arith.select %gt3A_370, %get3A_369, %select_n3A_322 : vector<16xi1>, vector<16xf32>
      %select_n3A_377 = arith.select %gt3A_370, %broadcast_in_dim3A_338, %select_n3A_323 : vector<16xi1>, vector<16xi32>
      %get3A_378 = arith.constant 6 : i32
      %get3A_379 = arith.index_cast %get3A_378 : i32 to index
      %get3A_380 = arith.index_cast %add3A_26 : i32 to index
      %get3A_381 = tpu.vector_load %arg7[%get3A_379, %get3A_380] {strides = array<i32>} : memref<64x256xf32, #tpu.memory_space<vmem>>, vector<1x16xf32>,
      %get3A_382 = vector.shape_cast %get3A_381 : vector<1x16xf32> to vector<16xf32>
      %gt3A_383 = arith.cmpf ogt, %get3A_382, %select_n3A_335 : vector<16xf32>
      %gt3A_384 = arith.cmpf ogt, %get3A_382, %select_n3A_332 : vector<16xf32>
      %select_n3A_385 = arith.select %gt3A_384, %get3A_382, %select_n3A_332 : vector<16xi1>, vector<16xf32>
      %select_n3A_386 = arith.select %gt3A_383, %select_n3A_335, %select_n3A_385 : vector<16xi1>, vector<16xf32>
      %select_n3A_387 = arith.select %gt3A_384, %broadcast_in_dim3A_338, %select_n3A_334 : vector<16xi1>, vector<16xi32>
      %select_n3A_388 = arith.select %gt3A_383, %select_n3A_336, %select_n3A_387 : vector<16xi1>, vector<16xi32>
      %select_n3A_389 = arith.select %gt3A_383, %get3A_382, %select_n3A_335 : vector<16xi1>, vector<16xf32>
      %select_n3A_390 = arith.select %gt3A_383, %broadcast_in_dim3A_338, %select_n3A_336 : vector<16xi1>, vector<16xi32>
      %broadcast_in_dim3A_391 = arith.constant 7 : i32
      %broadcast_in_dim3A_392 = vector.broadcast %broadcast_in_dim3A_391 : i32 to vector<16xi32>
      %get3A_393 = arith.constant 7 : i32
      %get3A_394 = arith.index_cast %get3A_393 : i32 to index
      %get3A_395 = arith.index_cast %add3A_14 : i32 to index
      %get3A_396 = tpu.vector_load %arg7[%get3A_394, %get3A_395] {strides = array<i32>} : memref<64x256xf32, #tpu.memory_space<vmem>>, vector<1x16xf32>,
      %get3A_397 = vector.shape_cast %get3A_396 : vector<1x16xf32> to vector<16xf32>
      %gt3A_398 = arith.cmpf ogt, %get3A_397, %select_n3A_350 : vector<16xf32>
      %gt3A_399 = arith.cmpf ogt, %get3A_397, %select_n3A_347 : vector<16xf32>
      %select_n3A_400 = arith.select %gt3A_399, %get3A_397, %select_n3A_347 : vector<16xi1>, vector<16xf32>
      %select_n3A_401 = arith.select %gt3A_398, %select_n3A_350, %select_n3A_400 : vector<16xi1>, vector<16xf32>
      %select_n3A_402 = arith.select %gt3A_399, %broadcast_in_dim3A_392, %select_n3A_349 : vector<16xi1>, vector<16xi32>
      %select_n3A_403 = arith.select %gt3A_398, %select_n3A_351, %select_n3A_402 : vector<16xi1>, vector<16xi32>
      %select_n3A_404 = arith.select %gt3A_398, %get3A_397, %select_n3A_350 : vector<16xi1>, vector<16xf32>
      %select_n3A_405 = arith.select %gt3A_398, %broadcast_in_dim3A_392, %select_n3A_351 : vector<16xi1>, vector<16xi32>
      %get3A_406 = arith.constant 7 : i32
      %get3A_407 = arith.index_cast %get3A_406 : i32 to index
      %get3A_408 = arith.index_cast %add3A_18 : i32 to index
      %get3A_409 = tpu.vector_load %arg7[%get3A_407, %get3A_408] {strides = array<i32>} : memref<64x256xf32, #tpu.memory_space<vmem>>, vector<1x16xf32>,
      %get3A_410 = vector.shape_cast %get3A_409 : vector<1x16xf32> to vector<16xf32>
      %gt3A_411 = arith.cmpf ogt, %get3A_410, %select_n3A_363 : vector<16xf32>
      %gt3A_412 = arith.cmpf ogt, %get3A_410, %select_n3A_360 : vector<16xf32>
      %select_n3A_413 = arith.select %gt3A_412, %get3A_410, %select_n3A_360 : vector<16xi1>, vector<16xf32>
      %select_n3A_414 = arith.select %gt3A_411, %select_n3A_363, %select_n3A_413 : vector<16xi1>, vector<16xf32>
      %select_n3A_415 = arith.select %gt3A_412, %broadcast_in_dim3A_392, %select_n3A_362 : vector<16xi1>, vector<16xi32>
      %select_n3A_416 = arith.select %gt3A_411, %select_n3A_364, %select_n3A_415 : vector<16xi1>, vector<16xi32>
      %select_n3A_417 = arith.select %gt3A_411, %get3A_410, %select_n3A_363 : vector<16xi1>, vector<16xf32>
      %select_n3A_418 = arith.select %gt3A_411, %broadcast_in_dim3A_392, %select_n3A_364 : vector<16xi1>, vector<16xi32>
      %get3A_419 = arith.constant 7 : i32
      %get3A_420 = arith.index_cast %get3A_419 : i32 to index
      %get3A_421 = arith.index_cast %add3A_22 : i32 to index
      %get3A_422 = tpu.vector_load %arg7[%get3A_420, %get3A_421] {strides = array<i32>} : memref<64x256xf32, #tpu.memory_space<vmem>>, vector<1x16xf32>,
      %get3A_423 = vector.shape_cast %get3A_422 : vector<1x16xf32> to vector<16xf32>
      %gt3A_424 = arith.cmpf ogt, %get3A_423, %select_n3A_376 : vector<16xf32>
      %gt3A_425 = arith.cmpf ogt, %get3A_423, %select_n3A_373 : vector<16xf32>
      %select_n3A_426 = arith.select %gt3A_425, %get3A_423, %select_n3A_373 : vector<16xi1>, vector<16xf32>
      %select_n3A_427 = arith.select %gt3A_424, %select_n3A_376, %select_n3A_426 : vector<16xi1>, vector<16xf32>
      %select_n3A_428 = arith.select %gt3A_425, %broadcast_in_dim3A_392, %select_n3A_375 : vector<16xi1>, vector<16xi32>
      %select_n3A_429 = arith.select %gt3A_424, %select_n3A_377, %select_n3A_428 : vector<16xi1>, vector<16xi32>
      %select_n3A_430 = arith.select %gt3A_424, %get3A_423, %select_n3A_376 : vector<16xi1>, vector<16xf32>
      %select_n3A_431 = arith.select %gt3A_424, %broadcast_in_dim3A_392, %select_n3A_377 : vector<16xi1>, vector<16xi32>
      %get3A_432 = arith.constant 7 : i32
      %get3A_433 = arith.index_cast %get3A_432 : i32 to index
      %get3A_434 = arith.index_cast %add3A_26 : i32 to index
      %get3A_435 = tpu.vector_load %arg7[%get3A_433, %get3A_434] {strides = array<i32>} : memref<64x256xf32, #tpu.memory_space<vmem>>, vector<1x16xf32>,
      %get3A_436 = vector.shape_cast %get3A_435 : vector<1x16xf32> to vector<16xf32>
      %gt3A_437 = arith.cmpf ogt, %get3A_436, %select_n3A_389 : vector<16xf32>
      %gt3A_438 = arith.cmpf ogt, %get3A_436, %select_n3A_386 : vector<16xf32>
      %select_n3A_439 = arith.select %gt3A_438, %get3A_436, %select_n3A_386 : vector<16xi1>, vector<16xf32>
      %select_n3A_440 = arith.select %gt3A_437, %select_n3A_389, %select_n3A_439 : vector<16xi1>, vector<16xf32>
      %select_n3A_441 = arith.select %gt3A_438, %broadcast_in_dim3A_392, %select_n3A_388 : vector<16xi1>, vector<16xi32>
      %select_n3A_442 = arith.select %gt3A_437, %select_n3A_390, %select_n3A_441 : vector<16xi1>, vector<16xi32>
      %select_n3A_443 = arith.select %gt3A_437, %get3A_436, %select_n3A_389 : vector<16xi1>, vector<16xf32>
      %select_n3A_444 = arith.select %gt3A_437, %broadcast_in_dim3A_392, %select_n3A_390 : vector<16xi1>, vector<16xi32>
      %broadcast_in_dim3A_445 = arith.constant 8 : i32
      %broadcast_in_dim3A_446 = vector.broadcast %broadcast_in_dim3A_445 : i32 to vector<16xi32>
      %get3A_447 = arith.constant 8 : i32
      %get3A_448 = arith.index_cast %get3A_447 : i32 to index
      %get3A_449 = arith.index_cast %add3A_14 : i32 to index
      %get3A_450 = tpu.vector_load %arg7[%get3A_448, %get3A_449] {strides = array<i32>} : memref<64x256xf32, #tpu.memory_space<vmem>>, vector<1x16xf32>,
      %get3A_451 = vector.shape_cast %get3A_450 : vector<1x16xf32> to vector<16xf32>
      %gt3A_452 = arith.cmpf ogt, %get3A_451, %select_n3A_404 : vector<16xf32>
      %gt3A_453 = arith.cmpf ogt, %get3A_451, %select_n3A_401 : vector<16xf32>
      %select_n3A_454 = arith.select %gt3A_453, %get3A_451, %select_n3A_401 : vector<16xi1>, vector<16xf32>
      %select_n3A_455 = arith.select %gt3A_452, %select_n3A_404, %select_n3A_454 : vector<16xi1>, vector<16xf32>
      %select_n3A_456 = arith.select %gt3A_453, %broadcast_in_dim3A_446, %select_n3A_403 : vector<16xi1>, vector<16xi32>
      %select_n3A_457 = arith.select %gt3A_452, %select_n3A_405, %select_n3A_456 : vector<16xi1>, vector<16xi32>
      %select_n3A_458 = arith.select %gt3A_452, %get3A_451, %select_n3A_404 : vector<16xi1>, vector<16xf32>
      %select_n3A_459 = arith.select %gt3A_452, %broadcast_in_dim3A_446, %select_n3A_405 : vector<16xi1>, vector<16xi32>
      %get3A_460 = arith.constant 8 : i32
      %get3A_461 = arith.index_cast %get3A_460 : i32 to index
      %get3A_462 = arith.index_cast %add3A_18 : i32 to index
      %get3A_463 = tpu.vector_load %arg7[%get3A_461, %get3A_462] {strides = array<i32>} : memref<64x256xf32, #tpu.memory_space<vmem>>, vector<1x16xf32>,
      %get3A_464 = vector.shape_cast %get3A_463 : vector<1x16xf32> to vector<16xf32>
      %gt3A_465 = arith.cmpf ogt, %get3A_464, %select_n3A_417 : vector<16xf32>
      %gt3A_466 = arith.cmpf ogt, %get3A_464, %select_n3A_414 : vector<16xf32>
      %select_n3A_467 = arith.select %gt3A_466, %get3A_464, %select_n3A_414 : vector<16xi1>, vector<16xf32>
      %select_n3A_468 = arith.select %gt3A_465, %select_n3A_417, %select_n3A_467 : vector<16xi1>, vector<16xf32>
      %select_n3A_469 = arith.select %gt3A_466, %broadcast_in_dim3A_446, %select_n3A_416 : vector<16xi1>, vector<16xi32>
      %select_n3A_470 = arith.select %gt3A_465, %select_n3A_418, %select_n3A_469 : vector<16xi1>, vector<16xi32>
      %select_n3A_471 = arith.select %gt3A_465, %get3A_464, %select_n3A_417 : vector<16xi1>, vector<16xf32>
      %select_n3A_472 = arith.select %gt3A_465, %broadcast_in_dim3A_446, %select_n3A_418 : vector<16xi1>, vector<16xi32>
      %get3A_473 = arith.constant 8 : i32
      %get3A_474 = arith.index_cast %get3A_473 : i32 to index
      %get3A_475 = arith.index_cast %add3A_22 : i32 to index
      %get3A_476 = tpu.vector_load %arg7[%get3A_474, %get3A_475] {strides = array<i32>} : memref<64x256xf32, #tpu.memory_space<vmem>>, vector<1x16xf32>,
      %get3A_477 = vector.shape_cast %get3A_476 : vector<1x16xf32> to vector<16xf32>
      %gt3A_478 = arith.cmpf ogt, %get3A_477, %select_n3A_430 : vector<16xf32>
      %gt3A_479 = arith.cmpf ogt, %get3A_477, %select_n3A_427 : vector<16xf32>
      %select_n3A_480 = arith.select %gt3A_479, %get3A_477, %select_n3A_427 : vector<16xi1>, vector<16xf32>
      %select_n3A_481 = arith.select %gt3A_478, %select_n3A_430, %select_n3A_480 : vector<16xi1>, vector<16xf32>
      %select_n3A_482 = arith.select %gt3A_479, %broadcast_in_dim3A_446, %select_n3A_429 : vector<16xi1>, vector<16xi32>
      %select_n3A_483 = arith.select %gt3A_478, %select_n3A_431, %select_n3A_482 : vector<16xi1>, vector<16xi32>
      %select_n3A_484 = arith.select %gt3A_478, %get3A_477, %select_n3A_430 : vector<16xi1>, vector<16xf32>
      %select_n3A_485 = arith.select %gt3A_478, %broadcast_in_dim3A_446, %select_n3A_431 : vector<16xi1>, vector<16xi32>
      %get3A_486 = arith.constant 8 : i32
      %get3A_487 = arith.index_cast %get3A_486 : i32 to index
      %get3A_488 = arith.index_cast %add3A_26 : i32 to index
      %get3A_489 = tpu.vector_load %arg7[%get3A_487, %get3A_488] {strides = array<i32>} : memref<64x256xf32, #tpu.memory_space<vmem>>, vector<1x16xf32>,
      %get3A_490 = vector.shape_cast %get3A_489 : vector<1x16xf32> to vector<16xf32>
      %gt3A_491 = arith.cmpf ogt, %get3A_490, %select_n3A_443 : vector<16xf32>
      %gt3A_492 = arith.cmpf ogt, %get3A_490, %select_n3A_440 : vector<16xf32>
      %select_n3A_493 = arith.select %gt3A_492, %get3A_490, %select_n3A_440 : vector<16xi1>, vector<16xf32>
      %select_n3A_494 = arith.select %gt3A_491, %select_n3A_443, %select_n3A_493 : vector<16xi1>, vector<16xf32>
      %select_n3A_495 = arith.select %gt3A_492, %broadcast_in_dim3A_446, %select_n3A_442 : vector<16xi1>, vector<16xi32>
      %select_n3A_496 = arith.select %gt3A_491, %select_n3A_444, %select_n3A_495 : vector<16xi1>, vector<16xi32>
      %select_n3A_497 = arith.select %gt3A_491, %get3A_490, %select_n3A_443 : vector<16xi1>, vector<16xf32>
      %select_n3A_498 = arith.select %gt3A_491, %broadcast_in_dim3A_446, %select_n3A_444 : vector<16xi1>, vector<16xi32>
      %broadcast_in_dim3A_499 = arith.constant 9 : i32
      %broadcast_in_dim3A_500 = vector.broadcast %broadcast_in_dim3A_499 : i32 to vector<16xi32>
      %get3A_501 = arith.constant 9 : i32
      %get3A_502 = arith.index_cast %get3A_501 : i32 to index
      %get3A_503 = arith.index_cast %add3A_14 : i32 to index
      %get3A_504 = tpu.vector_load %arg7[%get3A_502, %get3A_503] {strides = array<i32>} : memref<64x256xf32, #tpu.memory_space<vmem>>, vector<1x16xf32>,
      %get3A_505 = vector.shape_cast %get3A_504 : vector<1x16xf32> to vector<16xf32>
      %gt3A_506 = arith.cmpf ogt, %get3A_505, %select_n3A_458 : vector<16xf32>
      %gt3A_507 = arith.cmpf ogt, %get3A_505, %select_n3A_455 : vector<16xf32>
      %select_n3A_508 = arith.select %gt3A_507, %get3A_505, %select_n3A_455 : vector<16xi1>, vector<16xf32>
      %select_n3A_509 = arith.select %gt3A_506, %select_n3A_458, %select_n3A_508 : vector<16xi1>, vector<16xf32>
      %select_n3A_510 = arith.select %gt3A_507, %broadcast_in_dim3A_500, %select_n3A_457 : vector<16xi1>, vector<16xi32>
      %select_n3A_511 = arith.select %gt3A_506, %select_n3A_459, %select_n3A_510 : vector<16xi1>, vector<16xi32>
      %select_n3A_512 = arith.select %gt3A_506, %get3A_505, %select_n3A_458 : vector<16xi1>, vector<16xf32>
      %select_n3A_513 = arith.select %gt3A_506, %broadcast_in_dim3A_500, %select_n3A_459 : vector<16xi1>, vector<16xi32>
      %get3A_514 = arith.constant 9 : i32
      %get3A_515 = arith.index_cast %get3A_514 : i32 to index
      %get3A_516 = arith.index_cast %add3A_18 : i32 to index
      %get3A_517 = tpu.vector_load %arg7[%get3A_515, %get3A_516] {strides = array<i32>} : memref<64x256xf32, #tpu.memory_space<vmem>>, vector<1x16xf32>,
      %get3A_518 = vector.shape_cast %get3A_517 : vector<1x16xf32> to vector<16xf32>
      %gt3A_519 = arith.cmpf ogt, %get3A_518, %select_n3A_471 : vector<16xf32>
      %gt3A_520 = arith.cmpf ogt, %get3A_518, %select_n3A_468 : vector<16xf32>
      %select_n3A_521 = arith.select %gt3A_520, %get3A_518, %select_n3A_468 : vector<16xi1>, vector<16xf32>
      %select_n3A_522 = arith.select %gt3A_519, %select_n3A_471, %select_n3A_521 : vector<16xi1>, vector<16xf32>
      %select_n3A_523 = arith.select %gt3A_520, %broadcast_in_dim3A_500, %select_n3A_470 : vector<16xi1>, vector<16xi32>
      %select_n3A_524 = arith.select %gt3A_519, %select_n3A_472, %select_n3A_523 : vector<16xi1>, vector<16xi32>
      %select_n3A_525 = arith.select %gt3A_519, %get3A_518, %select_n3A_471 : vector<16xi1>, vector<16xf32>
      %select_n3A_526 = arith.select %gt3A_519, %broadcast_in_dim3A_500, %select_n3A_472 : vector<16xi1>, vector<16xi32>
      %get3A_527 = arith.constant 9 : i32
      %get3A_528 = arith.index_cast %get3A_527 : i32 to index
      %get3A_529 = arith.index_cast %add3A_22 : i32 to index
      %get3A_530 = tpu.vector_load %arg7[%get3A_528, %get3A_529] {strides = array<i32>} : memref<64x256xf32, #tpu.memory_space<vmem>>, vector<1x16xf32>,
      %get3A_531 = vector.shape_cast %get3A_530 : vector<1x16xf32> to vector<16xf32>
      %gt3A_532 = arith.cmpf ogt, %get3A_531, %select_n3A_484 : vector<16xf32>
      %gt3A_533 = arith.cmpf ogt, %get3A_531, %select_n3A_481 : vector<16xf32>
      %select_n3A_534 = arith.select %gt3A_533, %get3A_531, %select_n3A_481 : vector<16xi1>, vector<16xf32>
      %select_n3A_535 = arith.select %gt3A_532, %select_n3A_484, %select_n3A_534 : vector<16xi1>, vector<16xf32>
      %select_n3A_536 = arith.select %gt3A_533, %broadcast_in_dim3A_500, %select_n3A_483 : vector<16xi1>, vector<16xi32>
      %select_n3A_537 = arith.select %gt3A_532, %select_n3A_485, %select_n3A_536 : vector<16xi1>, vector<16xi32>
      %select_n3A_538 = arith.select %gt3A_532, %get3A_531, %select_n3A_484 : vector<16xi1>, vector<16xf32>
      %select_n3A_539 = arith.select %gt3A_532, %broadcast_in_dim3A_500, %select_n3A_485 : vector<16xi1>, vector<16xi32>
      %get3A_540 = arith.constant 9 : i32
      %get3A_541 = arith.index_cast %get3A_540 : i32 to index
      %get3A_542 = arith.index_cast %add3A_26 : i32 to index
      %get3A_543 = tpu.vector_load %arg7[%get3A_541, %get3A_542] {strides = array<i32>} : memref<64x256xf32, #tpu.memory_space<vmem>>, vector<1x16xf32>,
      %get3A_544 = vector.shape_cast %get3A_543 : vector<1x16xf32> to vector<16xf32>
      %gt3A_545 = arith.cmpf ogt, %get3A_544, %select_n3A_497 : vector<16xf32>
      %gt3A_546 = arith.cmpf ogt, %get3A_544, %select_n3A_494 : vector<16xf32>
      %select_n3A_547 = arith.select %gt3A_546, %get3A_544, %select_n3A_494 : vector<16xi1>, vector<16xf32>
      %select_n3A_548 = arith.select %gt3A_545, %select_n3A_497, %select_n3A_547 : vector<16xi1>, vector<16xf32>
      %select_n3A_549 = arith.select %gt3A_546, %broadcast_in_dim3A_500, %select_n3A_496 : vector<16xi1>, vector<16xi32>
      %select_n3A_550 = arith.select %gt3A_545, %select_n3A_498, %select_n3A_549 : vector<16xi1>, vector<16xi32>
      %select_n3A_551 = arith.select %gt3A_545, %get3A_544, %select_n3A_497 : vector<16xi1>, vector<16xf32>
      %select_n3A_552 = arith.select %gt3A_545, %broadcast_in_dim3A_500, %select_n3A_498 : vector<16xi1>, vector<16xi32>
      %broadcast_in_dim3A_553 = arith.constant 10 : i32
      %broadcast_in_dim3A_554 = vector.broadcast %broadcast_in_dim3A_553 : i32 to vector<16xi32>
      %get3A_555 = arith.constant 10 : i32
      %get3A_556 = arith.index_cast %get3A_555 : i32 to index
      %get3A_557 = arith.index_cast %add3A_14 : i32 to index
      %get3A_558 = tpu.vector_load %arg7[%get3A_556, %get3A_557] {strides = array<i32>} : memref<64x256xf32, #tpu.memory_space<vmem>>, vector<1x16xf32>,
      %get3A_559 = vector.shape_cast %get3A_558 : vector<1x16xf32> to vector<16xf32>
      %gt3A_560 = arith.cmpf ogt, %get3A_559, %select_n3A_512 : vector<16xf32>
      %gt3A_561 = arith.cmpf ogt, %get3A_559, %select_n3A_509 : vector<16xf32>
      %select_n3A_562 = arith.select %gt3A_561, %get3A_559, %select_n3A_509 : vector<16xi1>, vector<16xf32>
      %select_n3A_563 = arith.select %gt3A_560, %select_n3A_512, %select_n3A_562 : vector<16xi1>, vector<16xf32>
      %select_n3A_564 = arith.select %gt3A_561, %broadcast_in_dim3A_554, %select_n3A_511 : vector<16xi1>, vector<16xi32>
      %select_n3A_565 = arith.select %gt3A_560, %select_n3A_513, %select_n3A_564 : vector<16xi1>, vector<16xi32>
      %select_n3A_566 = arith.select %gt3A_560, %get3A_559, %select_n3A_512 : vector<16xi1>, vector<16xf32>
      %select_n3A_567 = arith.select %gt3A_560, %broadcast_in_dim3A_554, %select_n3A_513 : vector<16xi1>, vector<16xi32>
      %get3A_568 = arith.constant 10 : i32
      %get3A_569 = arith.index_cast %get3A_568 : i32 to index
      %get3A_570 = arith.index_cast %add3A_18 : i32 to index
      %get3A_571 = tpu.vector_load %arg7[%get3A_569, %get3A_570] {strides = array<i32>} : memref<64x256xf32, #tpu.memory_space<vmem>>, vector<1x16xf32>,
      %get3A_572 = vector.shape_cast %get3A_571 : vector<1x16xf32> to vector<16xf32>
      %gt3A_573 = arith.cmpf ogt, %get3A_572, %select_n3A_525 : vector<16xf32>
      %gt3A_574 = arith.cmpf ogt, %get3A_572, %select_n3A_522 : vector<16xf32>
      %select_n3A_575 = arith.select %gt3A_574, %get3A_572, %select_n3A_522 : vector<16xi1>, vector<16xf32>
      %select_n3A_576 = arith.select %gt3A_573, %select_n3A_525, %select_n3A_575 : vector<16xi1>, vector<16xf32>
      %select_n3A_577 = arith.select %gt3A_574, %broadcast_in_dim3A_554, %select_n3A_524 : vector<16xi1>, vector<16xi32>
      %select_n3A_578 = arith.select %gt3A_573, %select_n3A_526, %select_n3A_577 : vector<16xi1>, vector<16xi32>
      %select_n3A_579 = arith.select %gt3A_573, %get3A_572, %select_n3A_525 : vector<16xi1>, vector<16xf32>
      %select_n3A_580 = arith.select %gt3A_573, %broadcast_in_dim3A_554, %select_n3A_526 : vector<16xi1>, vector<16xi32>
      %get3A_581 = arith.constant 10 : i32
      %get3A_582 = arith.index_cast %get3A_581 : i32 to index
      %get3A_583 = arith.index_cast %add3A_22 : i32 to index
      %get3A_584 = tpu.vector_load %arg7[%get3A_582, %get3A_583] {strides = array<i32>} : memref<64x256xf32, #tpu.memory_space<vmem>>, vector<1x16xf32>,
      %get3A_585 = vector.shape_cast %get3A_584 : vector<1x16xf32> to vector<16xf32>
      %gt3A_586 = arith.cmpf ogt, %get3A_585, %select_n3A_538 : vector<16xf32>
      %gt3A_587 = arith.cmpf ogt, %get3A_585, %select_n3A_535 : vector<16xf32>
      %select_n3A_588 = arith.select %gt3A_587, %get3A_585, %select_n3A_535 : vector<16xi1>, vector<16xf32>
      %select_n3A_589 = arith.select %gt3A_586, %select_n3A_538, %select_n3A_588 : vector<16xi1>, vector<16xf32>
      %select_n3A_590 = arith.select %gt3A_587, %broadcast_in_dim3A_554, %select_n3A_537 : vector<16xi1>, vector<16xi32>
      %select_n3A_591 = arith.select %gt3A_586, %select_n3A_539, %select_n3A_590 : vector<16xi1>, vector<16xi32>
      %select_n3A_592 = arith.select %gt3A_586, %get3A_585, %select_n3A_538 : vector<16xi1>, vector<16xf32>
      %select_n3A_593 = arith.select %gt3A_586, %broadcast_in_dim3A_554, %select_n3A_539 : vector<16xi1>, vector<16xi32>
      %get3A_594 = arith.constant 10 : i32
      %get3A_595 = arith.index_cast %get3A_594 : i32 to index
      %get3A_596 = arith.index_cast %add3A_26 : i32 to index
      %get3A_597 = tpu.vector_load %arg7[%get3A_595, %get3A_596] {strides = array<i32>} : memref<64x256xf32, #tpu.memory_space<vmem>>, vector<1x16xf32>,
      %get3A_598 = vector.shape_cast %get3A_597 : vector<1x16xf32> to vector<16xf32>
      %gt3A_599 = arith.cmpf ogt, %get3A_598, %select_n3A_551 : vector<16xf32>
      %gt3A_600 = arith.cmpf ogt, %get3A_598, %select_n3A_548 : vector<16xf32>
      %select_n3A_601 = arith.select %gt3A_600, %get3A_598, %select_n3A_548 : vector<16xi1>, vector<16xf32>
      %select_n3A_602 = arith.select %gt3A_599, %select_n3A_551, %select_n3A_601 : vector<16xi1>, vector<16xf32>
      %select_n3A_603 = arith.select %gt3A_600, %broadcast_in_dim3A_554, %select_n3A_550 : vector<16xi1>, vector<16xi32>
      %select_n3A_604 = arith.select %gt3A_599, %select_n3A_552, %select_n3A_603 : vector<16xi1>, vector<16xi32>
      %select_n3A_605 = arith.select %gt3A_599, %get3A_598, %select_n3A_551 : vector<16xi1>, vector<16xf32>
      %select_n3A_606 = arith.select %gt3A_599, %broadcast_in_dim3A_554, %select_n3A_552 : vector<16xi1>, vector<16xi32>
      %broadcast_in_dim3A_607 = arith.constant 11 : i32
      %broadcast_in_dim3A_608 = vector.broadcast %broadcast_in_dim3A_607 : i32 to vector<16xi32>
      %get3A_609 = arith.constant 11 : i32
      %get3A_610 = arith.index_cast %get3A_609 : i32 to index
      %get3A_611 = arith.index_cast %add3A_14 : i32 to index
      %get3A_612 = tpu.vector_load %arg7[%get3A_610, %get3A_611] {strides = array<i32>} : memref<64x256xf32, #tpu.memory_space<vmem>>, vector<1x16xf32>,
      %get3A_613 = vector.shape_cast %get3A_612 : vector<1x16xf32> to vector<16xf32>
      %gt3A_614 = arith.cmpf ogt, %get3A_613, %select_n3A_566 : vector<16xf32>
      %gt3A_615 = arith.cmpf ogt, %get3A_613, %select_n3A_563 : vector<16xf32>
      %select_n3A_616 = arith.select %gt3A_615, %get3A_613, %select_n3A_563 : vector<16xi1>, vector<16xf32>
      %select_n3A_617 = arith.select %gt3A_614, %select_n3A_566, %select_n3A_616 : vector<16xi1>, vector<16xf32>
      %select_n3A_618 = arith.select %gt3A_615, %broadcast_in_dim3A_608, %select_n3A_565 : vector<16xi1>, vector<16xi32>
      %select_n3A_619 = arith.select %gt3A_614, %select_n3A_567, %select_n3A_618 : vector<16xi1>, vector<16xi32>
      %select_n3A_620 = arith.select %gt3A_614, %get3A_613, %select_n3A_566 : vector<16xi1>, vector<16xf32>
      %select_n3A_621 = arith.select %gt3A_614, %broadcast_in_dim3A_608, %select_n3A_567 : vector<16xi1>, vector<16xi32>
      %get3A_622 = arith.constant 11 : i32
      %get3A_623 = arith.index_cast %get3A_622 : i32 to index
      %get3A_624 = arith.index_cast %add3A_18 : i32 to index
      %get3A_625 = tpu.vector_load %arg7[%get3A_623, %get3A_624] {strides = array<i32>} : memref<64x256xf32, #tpu.memory_space<vmem>>, vector<1x16xf32>,
      %get3A_626 = vector.shape_cast %get3A_625 : vector<1x16xf32> to vector<16xf32>
      %gt3A_627 = arith.cmpf ogt, %get3A_626, %select_n3A_579 : vector<16xf32>
      %gt3A_628 = arith.cmpf ogt, %get3A_626, %select_n3A_576 : vector<16xf32>
      %select_n3A_629 = arith.select %gt3A_628, %get3A_626, %select_n3A_576 : vector<16xi1>, vector<16xf32>
      %select_n3A_630 = arith.select %gt3A_627, %select_n3A_579, %select_n3A_629 : vector<16xi1>, vector<16xf32>
      %select_n3A_631 = arith.select %gt3A_628, %broadcast_in_dim3A_608, %select_n3A_578 : vector<16xi1>, vector<16xi32>
      %select_n3A_632 = arith.select %gt3A_627, %select_n3A_580, %select_n3A_631 : vector<16xi1>, vector<16xi32>
      %select_n3A_633 = arith.select %gt3A_627, %get3A_626, %select_n3A_579 : vector<16xi1>, vector<16xf32>
      %select_n3A_634 = arith.select %gt3A_627, %broadcast_in_dim3A_608, %select_n3A_580 : vector<16xi1>, vector<16xi32>
      %get3A_635 = arith.constant 11 : i32
      %get3A_636 = arith.index_cast %get3A_635 : i32 to index
      %get3A_637 = arith.index_cast %add3A_22 : i32 to index
      %get3A_638 = tpu.vector_load %arg7[%get3A_636, %get3A_637] {strides = array<i32>} : memref<64x256xf32, #tpu.memory_space<vmem>>, vector<1x16xf32>,
      %get3A_639 = vector.shape_cast %get3A_638 : vector<1x16xf32> to vector<16xf32>
      %gt3A_640 = arith.cmpf ogt, %get3A_639, %select_n3A_592 : vector<16xf32>
      %gt3A_641 = arith.cmpf ogt, %get3A_639, %select_n3A_589 : vector<16xf32>
      %select_n3A_642 = arith.select %gt3A_641, %get3A_639, %select_n3A_589 : vector<16xi1>, vector<16xf32>
      %select_n3A_643 = arith.select %gt3A_640, %select_n3A_592, %select_n3A_642 : vector<16xi1>, vector<16xf32>
      %select_n3A_644 = arith.select %gt3A_641, %broadcast_in_dim3A_608, %select_n3A_591 : vector<16xi1>, vector<16xi32>
      %select_n3A_645 = arith.select %gt3A_640, %select_n3A_593, %select_n3A_644 : vector<16xi1>, vector<16xi32>
      %select_n3A_646 = arith.select %gt3A_640, %get3A_639, %select_n3A_592 : vector<16xi1>, vector<16xf32>
      %select_n3A_647 = arith.select %gt3A_640, %broadcast_in_dim3A_608, %select_n3A_593 : vector<16xi1>, vector<16xi32>
      %get3A_648 = arith.constant 11 : i32
      %get3A_649 = arith.index_cast %get3A_648 : i32 to index
      %get3A_650 = arith.index_cast %add3A_26 : i32 to index
      %get3A_651 = tpu.vector_load %arg7[%get3A_649, %get3A_650] {strides = array<i32>} : memref<64x256xf32, #tpu.memory_space<vmem>>, vector<1x16xf32>,
      %get3A_652 = vector.shape_cast %get3A_651 : vector<1x16xf32> to vector<16xf32>
      %gt3A_653 = arith.cmpf ogt, %get3A_652, %select_n3A_605 : vector<16xf32>
      %gt3A_654 = arith.cmpf ogt, %get3A_652, %select_n3A_602 : vector<16xf32>
      %select_n3A_655 = arith.select %gt3A_654, %get3A_652, %select_n3A_602 : vector<16xi1>, vector<16xf32>
      %select_n3A_656 = arith.select %gt3A_653, %select_n3A_605, %select_n3A_655 : vector<16xi1>, vector<16xf32>
      %select_n3A_657 = arith.select %gt3A_654, %broadcast_in_dim3A_608, %select_n3A_604 : vector<16xi1>, vector<16xi32>
      %select_n3A_658 = arith.select %gt3A_653, %select_n3A_606, %select_n3A_657 : vector<16xi1>, vector<16xi32>
      %select_n3A_659 = arith.select %gt3A_653, %get3A_652, %select_n3A_605 : vector<16xi1>, vector<16xf32>
      %select_n3A_660 = arith.select %gt3A_653, %broadcast_in_dim3A_608, %select_n3A_606 : vector<16xi1>, vector<16xi32>
      %broadcast_in_dim3A_661 = arith.constant 12 : i32
      %broadcast_in_dim3A_662 = vector.broadcast %broadcast_in_dim3A_661 : i32 to vector<16xi32>
      %get3A_663 = arith.constant 12 : i32
      %get3A_664 = arith.index_cast %get3A_663 : i32 to index
      %get3A_665 = arith.index_cast %add3A_14 : i32 to index
      %get3A_666 = tpu.vector_load %arg7[%get3A_664, %get3A_665] {strides = array<i32>} : memref<64x256xf32, #tpu.memory_space<vmem>>, vector<1x16xf32>,
      %get3A_667 = vector.shape_cast %get3A_666 : vector<1x16xf32> to vector<16xf32>
      %gt3A_668 = arith.cmpf ogt, %get3A_667, %select_n3A_620 : vector<16xf32>
      %gt3A_669 = arith.cmpf ogt, %get3A_667, %select_n3A_617 : vector<16xf32>
      %select_n3A_670 = arith.select %gt3A_669, %get3A_667, %select_n3A_617 : vector<16xi1>, vector<16xf32>
      %select_n3A_671 = arith.select %gt3A_668, %select_n3A_620, %select_n3A_670 : vector<16xi1>, vector<16xf32>
      %select_n3A_672 = arith.select %gt3A_669, %broadcast_in_dim3A_662, %select_n3A_619 : vector<16xi1>, vector<16xi32>
      %select_n3A_673 = arith.select %gt3A_668, %select_n3A_621, %select_n3A_672 : vector<16xi1>, vector<16xi32>
      %select_n3A_674 = arith.select %gt3A_668, %get3A_667, %select_n3A_620 : vector<16xi1>, vector<16xf32>
      %select_n3A_675 = arith.select %gt3A_668, %broadcast_in_dim3A_662, %select_n3A_621 : vector<16xi1>, vector<16xi32>
      %get3A_676 = arith.constant 12 : i32
      %get3A_677 = arith.index_cast %get3A_676 : i32 to index
      %get3A_678 = arith.index_cast %add3A_18 : i32 to index
      %get3A_679 = tpu.vector_load %arg7[%get3A_677, %get3A_678] {strides = array<i32>} : memref<64x256xf32, #tpu.memory_space<vmem>>, vector<1x16xf32>,
      %get3A_680 = vector.shape_cast %get3A_679 : vector<1x16xf32> to vector<16xf32>
      %gt3A_681 = arith.cmpf ogt, %get3A_680, %select_n3A_633 : vector<16xf32>
      %gt3A_682 = arith.cmpf ogt, %get3A_680, %select_n3A_630 : vector<16xf32>
      %select_n3A_683 = arith.select %gt3A_682, %get3A_680, %select_n3A_630 : vector<16xi1>, vector<16xf32>
      %select_n3A_684 = arith.select %gt3A_681, %select_n3A_633, %select_n3A_683 : vector<16xi1>, vector<16xf32>
      %select_n3A_685 = arith.select %gt3A_682, %broadcast_in_dim3A_662, %select_n3A_632 : vector<16xi1>, vector<16xi32>
      %select_n3A_686 = arith.select %gt3A_681, %select_n3A_634, %select_n3A_685 : vector<16xi1>, vector<16xi32>
      %select_n3A_687 = arith.select %gt3A_681, %get3A_680, %select_n3A_633 : vector<16xi1>, vector<16xf32>
      %select_n3A_688 = arith.select %gt3A_681, %broadcast_in_dim3A_662, %select_n3A_634 : vector<16xi1>, vector<16xi32>
      %get3A_689 = arith.constant 12 : i32
      %get3A_690 = arith.index_cast %get3A_689 : i32 to index
      %get3A_691 = arith.index_cast %add3A_22 : i32 to index
      %get3A_692 = tpu.vector_load %arg7[%get3A_690, %get3A_691] {strides = array<i32>} : memref<64x256xf32, #tpu.memory_space<vmem>>, vector<1x16xf32>,
      %get3A_693 = vector.shape_cast %get3A_692 : vector<1x16xf32> to vector<16xf32>
      %gt3A_694 = arith.cmpf ogt, %get3A_693, %select_n3A_646 : vector<16xf32>
      %gt3A_695 = arith.cmpf ogt, %get3A_693, %select_n3A_643 : vector<16xf32>
      %select_n3A_696 = arith.select %gt3A_695, %get3A_693, %select_n3A_643 : vector<16xi1>, vector<16xf32>
      %select_n3A_697 = arith.select %gt3A_694, %select_n3A_646, %select_n3A_696 : vector<16xi1>, vector<16xf32>
      %select_n3A_698 = arith.select %gt3A_695, %broadcast_in_dim3A_662, %select_n3A_645 : vector<16xi1>, vector<16xi32>
      %select_n3A_699 = arith.select %gt3A_694, %select_n3A_647, %select_n3A_698 : vector<16xi1>, vector<16xi32>
      %select_n3A_700 = arith.select %gt3A_694, %get3A_693, %select_n3A_646 : vector<16xi1>, vector<16xf32>
      %select_n3A_701 = arith.select %gt3A_694, %broadcast_in_dim3A_662, %select_n3A_647 : vector<16xi1>, vector<16xi32>
      %get3A_702 = arith.constant 12 : i32
      %get3A_703 = arith.index_cast %get3A_702 : i32 to index
      %get3A_704 = arith.index_cast %add3A_26 : i32 to index
      %get3A_705 = tpu.vector_load %arg7[%get3A_703, %get3A_704] {strides = array<i32>} : memref<64x256xf32, #tpu.memory_space<vmem>>, vector<1x16xf32>,
      %get3A_706 = vector.shape_cast %get3A_705 : vector<1x16xf32> to vector<16xf32>
      %gt3A_707 = arith.cmpf ogt, %get3A_706, %select_n3A_659 : vector<16xf32>
      %gt3A_708 = arith.cmpf ogt, %get3A_706, %select_n3A_656 : vector<16xf32>
      %select_n3A_709 = arith.select %gt3A_708, %get3A_706, %select_n3A_656 : vector<16xi1>, vector<16xf32>
      %select_n3A_710 = arith.select %gt3A_707, %select_n3A_659, %select_n3A_709 : vector<16xi1>, vector<16xf32>
      %select_n3A_711 = arith.select %gt3A_708, %broadcast_in_dim3A_662, %select_n3A_658 : vector<16xi1>, vector<16xi32>
      %select_n3A_712 = arith.select %gt3A_707, %select_n3A_660, %select_n3A_711 : vector<16xi1>, vector<16xi32>
      %select_n3A_713 = arith.select %gt3A_707, %get3A_706, %select_n3A_659 : vector<16xi1>, vector<16xf32>
      %select_n3A_714 = arith.select %gt3A_707, %broadcast_in_dim3A_662, %select_n3A_660 : vector<16xi1>, vector<16xi32>
      %broadcast_in_dim3A_715 = arith.constant 13 : i32
      %broadcast_in_dim3A_716 = vector.broadcast %broadcast_in_dim3A_715 : i32 to vector<16xi32>
      %get3A_717 = arith.constant 13 : i32
      %get3A_718 = arith.index_cast %get3A_717 : i32 to index
      %get3A_719 = arith.index_cast %add3A_14 : i32 to index
      %get3A_720 = tpu.vector_load %arg7[%get3A_718, %get3A_719] {strides = array<i32>} : memref<64x256xf32, #tpu.memory_space<vmem>>, vector<1x16xf32>,
      %get3A_721 = vector.shape_cast %get3A_720 : vector<1x16xf32> to vector<16xf32>
      %gt3A_722 = arith.cmpf ogt, %get3A_721, %select_n3A_674 : vector<16xf32>
      %gt3A_723 = arith.cmpf ogt, %get3A_721, %select_n3A_671 : vector<16xf32>
      %select_n3A_724 = arith.select %gt3A_723, %get3A_721, %select_n3A_671 : vector<16xi1>, vector<16xf32>
      %select_n3A_725 = arith.select %gt3A_722, %select_n3A_674, %select_n3A_724 : vector<16xi1>, vector<16xf32>
      %select_n3A_726 = arith.select %gt3A_723, %broadcast_in_dim3A_716, %select_n3A_673 : vector<16xi1>, vector<16xi32>
      %select_n3A_727 = arith.select %gt3A_722, %select_n3A_675, %select_n3A_726 : vector<16xi1>, vector<16xi32>
      %select_n3A_728 = arith.select %gt3A_722, %get3A_721, %select_n3A_674 : vector<16xi1>, vector<16xf32>
      %select_n3A_729 = arith.select %gt3A_722, %broadcast_in_dim3A_716, %select_n3A_675 : vector<16xi1>, vector<16xi32>
      %get3A_730 = arith.constant 13 : i32
      %get3A_731 = arith.index_cast %get3A_730 : i32 to index
      %get3A_732 = arith.index_cast %add3A_18 : i32 to index
      %get3A_733 = tpu.vector_load %arg7[%get3A_731, %get3A_732] {strides = array<i32>} : memref<64x256xf32, #tpu.memory_space<vmem>>, vector<1x16xf32>,
      %get3A_734 = vector.shape_cast %get3A_733 : vector<1x16xf32> to vector<16xf32>
      %gt3A_735 = arith.cmpf ogt, %get3A_734, %select_n3A_687 : vector<16xf32>
      %gt3A_736 = arith.cmpf ogt, %get3A_734, %select_n3A_684 : vector<16xf32>
      %select_n3A_737 = arith.select %gt3A_736, %get3A_734, %select_n3A_684 : vector<16xi1>, vector<16xf32>
      %select_n3A_738 = arith.select %gt3A_735, %select_n3A_687, %select_n3A_737 : vector<16xi1>, vector<16xf32>
      %select_n3A_739 = arith.select %gt3A_736, %broadcast_in_dim3A_716, %select_n3A_686 : vector<16xi1>, vector<16xi32>
      %select_n3A_740 = arith.select %gt3A_735, %select_n3A_688, %select_n3A_739 : vector<16xi1>, vector<16xi32>
      %select_n3A_741 = arith.select %gt3A_735, %get3A_734, %select_n3A_687 : vector<16xi1>, vector<16xf32>
      %select_n3A_742 = arith.select %gt3A_735, %broadcast_in_dim3A_716, %select_n3A_688 : vector<16xi1>, vector<16xi32>
      %get3A_743 = arith.constant 13 : i32
      %get3A_744 = arith.index_cast %get3A_743 : i32 to index
      %get3A_745 = arith.index_cast %add3A_22 : i32 to index
      %get3A_746 = tpu.vector_load %arg7[%get3A_744, %get3A_745] {strides = array<i32>} : memref<64x256xf32, #tpu.memory_space<vmem>>, vector<1x16xf32>,
      %get3A_747 = vector.shape_cast %get3A_746 : vector<1x16xf32> to vector<16xf32>
      %gt3A_748 = arith.cmpf ogt, %get3A_747, %select_n3A_700 : vector<16xf32>
      %gt3A_749 = arith.cmpf ogt, %get3A_747, %select_n3A_697 : vector<16xf32>
      %select_n3A_750 = arith.select %gt3A_749, %get3A_747, %select_n3A_697 : vector<16xi1>, vector<16xf32>
      %select_n3A_751 = arith.select %gt3A_748, %select_n3A_700, %select_n3A_750 : vector<16xi1>, vector<16xf32>
      %select_n3A_752 = arith.select %gt3A_749, %broadcast_in_dim3A_716, %select_n3A_699 : vector<16xi1>, vector<16xi32>
      %select_n3A_753 = arith.select %gt3A_748, %select_n3A_701, %select_n3A_752 : vector<16xi1>, vector<16xi32>
      %select_n3A_754 = arith.select %gt3A_748, %get3A_747, %select_n3A_700 : vector<16xi1>, vector<16xf32>
      %select_n3A_755 = arith.select %gt3A_748, %broadcast_in_dim3A_716, %select_n3A_701 : vector<16xi1>, vector<16xi32>
      %get3A_756 = arith.constant 13 : i32
      %get3A_757 = arith.index_cast %get3A_756 : i32 to index
      %get3A_758 = arith.index_cast %add3A_26 : i32 to index
      %get3A_759 = tpu.vector_load %arg7[%get3A_757, %get3A_758] {strides = array<i32>} : memref<64x256xf32, #tpu.memory_space<vmem>>, vector<1x16xf32>,
      %get3A_760 = vector.shape_cast %get3A_759 : vector<1x16xf32> to vector<16xf32>
      %gt3A_761 = arith.cmpf ogt, %get3A_760, %select_n3A_713 : vector<16xf32>
      %gt3A_762 = arith.cmpf ogt, %get3A_760, %select_n3A_710 : vector<16xf32>
      %select_n3A_763 = arith.select %gt3A_762, %get3A_760, %select_n3A_710 : vector<16xi1>, vector<16xf32>
      %select_n3A_764 = arith.select %gt3A_761, %select_n3A_713, %select_n3A_763 : vector<16xi1>, vector<16xf32>
      %select_n3A_765 = arith.select %gt3A_762, %broadcast_in_dim3A_716, %select_n3A_712 : vector<16xi1>, vector<16xi32>
      %select_n3A_766 = arith.select %gt3A_761, %select_n3A_714, %select_n3A_765 : vector<16xi1>, vector<16xi32>
      %select_n3A_767 = arith.select %gt3A_761, %get3A_760, %select_n3A_713 : vector<16xi1>, vector<16xf32>
      %select_n3A_768 = arith.select %gt3A_761, %broadcast_in_dim3A_716, %select_n3A_714 : vector<16xi1>, vector<16xi32>
      %broadcast_in_dim3A_769 = arith.constant 14 : i32
      %broadcast_in_dim3A_770 = vector.broadcast %broadcast_in_dim3A_769 : i32 to vector<16xi32>
      %get3A_771 = arith.constant 14 : i32
      %get3A_772 = arith.index_cast %get3A_771 : i32 to index
      %get3A_773 = arith.index_cast %add3A_14 : i32 to index
      %get3A_774 = tpu.vector_load %arg7[%get3A_772, %get3A_773] {strides = array<i32>} : memref<64x256xf32, #tpu.memory_space<vmem>>, vector<1x16xf32>,
      %get3A_775 = vector.shape_cast %get3A_774 : vector<1x16xf32> to vector<16xf32>
      %gt3A_776 = arith.cmpf ogt, %get3A_775, %select_n3A_728 : vector<16xf32>
      %gt3A_777 = arith.cmpf ogt, %get3A_775, %select_n3A_725 : vector<16xf32>
      %select_n3A_778 = arith.select %gt3A_777, %get3A_775, %select_n3A_725 : vector<16xi1>, vector<16xf32>
      %select_n3A_779 = arith.select %gt3A_776, %select_n3A_728, %select_n3A_778 : vector<16xi1>, vector<16xf32>
      %select_n3A_780 = arith.select %gt3A_777, %broadcast_in_dim3A_770, %select_n3A_727 : vector<16xi1>, vector<16xi32>
      %select_n3A_781 = arith.select %gt3A_776, %select_n3A_729, %select_n3A_780 : vector<16xi1>, vector<16xi32>
      %select_n3A_782 = arith.select %gt3A_776, %get3A_775, %select_n3A_728 : vector<16xi1>, vector<16xf32>
      %select_n3A_783 = arith.select %gt3A_776, %broadcast_in_dim3A_770, %select_n3A_729 : vector<16xi1>, vector<16xi32>
      %get3A_784 = arith.constant 14 : i32
      %get3A_785 = arith.index_cast %get3A_784 : i32 to index
      %get3A_786 = arith.index_cast %add3A_18 : i32 to index
      %get3A_787 = tpu.vector_load %arg7[%get3A_785, %get3A_786] {strides = array<i32>} : memref<64x256xf32, #tpu.memory_space<vmem>>, vector<1x16xf32>,
      %get3A_788 = vector.shape_cast %get3A_787 : vector<1x16xf32> to vector<16xf32>
      %gt3A_789 = arith.cmpf ogt, %get3A_788, %select_n3A_741 : vector<16xf32>
      %gt3A_790 = arith.cmpf ogt, %get3A_788, %select_n3A_738 : vector<16xf32>
      %select_n3A_791 = arith.select %gt3A_790, %get3A_788, %select_n3A_738 : vector<16xi1>, vector<16xf32>
      %select_n3A_792 = arith.select %gt3A_789, %select_n3A_741, %select_n3A_791 : vector<16xi1>, vector<16xf32>
      %select_n3A_793 = arith.select %gt3A_790, %broadcast_in_dim3A_770, %select_n3A_740 : vector<16xi1>, vector<16xi32>
      %select_n3A_794 = arith.select %gt3A_789, %select_n3A_742, %select_n3A_793 : vector<16xi1>, vector<16xi32>
      %select_n3A_795 = arith.select %gt3A_789, %get3A_788, %select_n3A_741 : vector<16xi1>, vector<16xf32>
      %select_n3A_796 = arith.select %gt3A_789, %broadcast_in_dim3A_770, %select_n3A_742 : vector<16xi1>, vector<16xi32>
      %get3A_797 = arith.constant 14 : i32
      %get3A_798 = arith.index_cast %get3A_797 : i32 to index
      %get3A_799 = arith.index_cast %add3A_22 : i32 to index
      %get3A_800 = tpu.vector_load %arg7[%get3A_798, %get3A_799] {strides = array<i32>} : memref<64x256xf32, #tpu.memory_space<vmem>>, vector<1x16xf32>,
      %get3A_801 = vector.shape_cast %get3A_800 : vector<1x16xf32> to vector<16xf32>
      %gt3A_802 = arith.cmpf ogt, %get3A_801, %select_n3A_754 : vector<16xf32>
      %gt3A_803 = arith.cmpf ogt, %get3A_801, %select_n3A_751 : vector<16xf32>
      %select_n3A_804 = arith.select %gt3A_803, %get3A_801, %select_n3A_751 : vector<16xi1>, vector<16xf32>
      %select_n3A_805 = arith.select %gt3A_802, %select_n3A_754, %select_n3A_804 : vector<16xi1>, vector<16xf32>
      %select_n3A_806 = arith.select %gt3A_803, %broadcast_in_dim3A_770, %select_n3A_753 : vector<16xi1>, vector<16xi32>
      %select_n3A_807 = arith.select %gt3A_802, %select_n3A_755, %select_n3A_806 : vector<16xi1>, vector<16xi32>
      %select_n3A_808 = arith.select %gt3A_802, %get3A_801, %select_n3A_754 : vector<16xi1>, vector<16xf32>
      %select_n3A_809 = arith.select %gt3A_802, %broadcast_in_dim3A_770, %select_n3A_755 : vector<16xi1>, vector<16xi32>
      %get3A_810 = arith.constant 14 : i32
      %get3A_811 = arith.index_cast %get3A_810 : i32 to index
      %get3A_812 = arith.index_cast %add3A_26 : i32 to index
      %get3A_813 = tpu.vector_load %arg7[%get3A_811, %get3A_812] {strides = array<i32>} : memref<64x256xf32, #tpu.memory_space<vmem>>, vector<1x16xf32>,
      %get3A_814 = vector.shape_cast %get3A_813 : vector<1x16xf32> to vector<16xf32>
      %gt3A_815 = arith.cmpf ogt, %get3A_814, %select_n3A_767 : vector<16xf32>
      %gt3A_816 = arith.cmpf ogt, %get3A_814, %select_n3A_764 : vector<16xf32>
      %select_n3A_817 = arith.select %gt3A_816, %get3A_814, %select_n3A_764 : vector<16xi1>, vector<16xf32>
      %select_n3A_818 = arith.select %gt3A_815, %select_n3A_767, %select_n3A_817 : vector<16xi1>, vector<16xf32>
      %select_n3A_819 = arith.select %gt3A_816, %broadcast_in_dim3A_770, %select_n3A_766 : vector<16xi1>, vector<16xi32>
      %select_n3A_820 = arith.select %gt3A_815, %select_n3A_768, %select_n3A_819 : vector<16xi1>, vector<16xi32>
      %select_n3A_821 = arith.select %gt3A_815, %get3A_814, %select_n3A_767 : vector<16xi1>, vector<16xf32>
      %select_n3A_822 = arith.select %gt3A_815, %broadcast_in_dim3A_770, %select_n3A_768 : vector<16xi1>, vector<16xi32>
      %broadcast_in_dim3A_823 = arith.constant 15 : i32
      %broadcast_in_dim3A_824 = vector.broadcast %broadcast_in_dim3A_823 : i32 to vector<16xi32>
      %get3A_825 = arith.constant 15 : i32
      %get3A_826 = arith.index_cast %get3A_825 : i32 to index
      %get3A_827 = arith.index_cast %add3A_14 : i32 to index
      %get3A_828 = tpu.vector_load %arg7[%get3A_826, %get3A_827] {strides = array<i32>} : memref<64x256xf32, #tpu.memory_space<vmem>>, vector<1x16xf32>,
      %get3A_829 = vector.shape_cast %get3A_828 : vector<1x16xf32> to vector<16xf32>
      %gt3A_830 = arith.cmpf ogt, %get3A_829, %select_n3A_782 : vector<16xf32>
      %gt3A_831 = arith.cmpf ogt, %get3A_829, %select_n3A_779 : vector<16xf32>
      %select_n3A_832 = arith.select %gt3A_831, %get3A_829, %select_n3A_779 : vector<16xi1>, vector<16xf32>
      %select_n3A_833 = arith.select %gt3A_830, %select_n3A_782, %select_n3A_832 : vector<16xi1>, vector<16xf32>
      %select_n3A_834 = arith.select %gt3A_831, %broadcast_in_dim3A_824, %select_n3A_781 : vector<16xi1>, vector<16xi32>
      %select_n3A_835 = arith.select %gt3A_830, %select_n3A_783, %select_n3A_834 : vector<16xi1>, vector<16xi32>
      %select_n3A_836 = arith.select %gt3A_830, %get3A_829, %select_n3A_782 : vector<16xi1>, vector<16xf32>
      %select_n3A_837 = arith.select %gt3A_830, %broadcast_in_dim3A_824, %select_n3A_783 : vector<16xi1>, vector<16xi32>
      %get3A_838 = arith.constant 15 : i32
      %get3A_839 = arith.index_cast %get3A_838 : i32 to index
      %get3A_840 = arith.index_cast %add3A_18 : i32 to index
      %get3A_841 = tpu.vector_load %arg7[%get3A_839, %get3A_840] {strides = array<i32>} : memref<64x256xf32, #tpu.memory_space<vmem>>, vector<1x16xf32>,
      %get3A_842 = vector.shape_cast %get3A_841 : vector<1x16xf32> to vector<16xf32>
      %gt3A_843 = arith.cmpf ogt, %get3A_842, %select_n3A_795 : vector<16xf32>
      %gt3A_844 = arith.cmpf ogt, %get3A_842, %select_n3A_792 : vector<16xf32>
      %select_n3A_845 = arith.select %gt3A_844, %get3A_842, %select_n3A_792 : vector<16xi1>, vector<16xf32>
      %select_n3A_846 = arith.select %gt3A_843, %select_n3A_795, %select_n3A_845 : vector<16xi1>, vector<16xf32>
      %select_n3A_847 = arith.select %gt3A_844, %broadcast_in_dim3A_824, %select_n3A_794 : vector<16xi1>, vector<16xi32>
      %select_n3A_848 = arith.select %gt3A_843, %select_n3A_796, %select_n3A_847 : vector<16xi1>, vector<16xi32>
      %select_n3A_849 = arith.select %gt3A_843, %get3A_842, %select_n3A_795 : vector<16xi1>, vector<16xf32>
      %select_n3A_850 = arith.select %gt3A_843, %broadcast_in_dim3A_824, %select_n3A_796 : vector<16xi1>, vector<16xi32>
      %get3A_851 = arith.constant 15 : i32
      %get3A_852 = arith.index_cast %get3A_851 : i32 to index
      %get3A_853 = arith.index_cast %add3A_22 : i32 to index
      %get3A_854 = tpu.vector_load %arg7[%get3A_852, %get3A_853] {strides = array<i32>} : memref<64x256xf32, #tpu.memory_space<vmem>>, vector<1x16xf32>,
      %get3A_855 = vector.shape_cast %get3A_854 : vector<1x16xf32> to vector<16xf32>
      %gt3A_856 = arith.cmpf ogt, %get3A_855, %select_n3A_808 : vector<16xf32>
      %gt3A_857 = arith.cmpf ogt, %get3A_855, %select_n3A_805 : vector<16xf32>
      %select_n3A_858 = arith.select %gt3A_857, %get3A_855, %select_n3A_805 : vector<16xi1>, vector<16xf32>
      %select_n3A_859 = arith.select %gt3A_856, %select_n3A_808, %select_n3A_858 : vector<16xi1>, vector<16xf32>
      %select_n3A_860 = arith.select %gt3A_857, %broadcast_in_dim3A_824, %select_n3A_807 : vector<16xi1>, vector<16xi32>
      %select_n3A_861 = arith.select %gt3A_856, %select_n3A_809, %select_n3A_860 : vector<16xi1>, vector<16xi32>
      %select_n3A_862 = arith.select %gt3A_856, %get3A_855, %select_n3A_808 : vector<16xi1>, vector<16xf32>
      %select_n3A_863 = arith.select %gt3A_856, %broadcast_in_dim3A_824, %select_n3A_809 : vector<16xi1>, vector<16xi32>
      %get3A_864 = arith.constant 15 : i32
      %get3A_865 = arith.index_cast %get3A_864 : i32 to index
      %get3A_866 = arith.index_cast %add3A_26 : i32 to index
      %get3A_867 = tpu.vector_load %arg7[%get3A_865, %get3A_866] {strides = array<i32>} : memref<64x256xf32, #tpu.memory_space<vmem>>, vector<1x16xf32>,
      %get3A_868 = vector.shape_cast %get3A_867 : vector<1x16xf32> to vector<16xf32>
      %gt3A_869 = arith.cmpf ogt, %get3A_868, %select_n3A_821 : vector<16xf32>
      %gt3A_870 = arith.cmpf ogt, %get3A_868, %select_n3A_818 : vector<16xf32>
      %select_n3A_871 = arith.select %gt3A_870, %get3A_868, %select_n3A_818 : vector<16xi1>, vector<16xf32>
      %select_n3A_872 = arith.select %gt3A_869, %select_n3A_821, %select_n3A_871 : vector<16xi1>, vector<16xf32>
      %select_n3A_873 = arith.select %gt3A_870, %broadcast_in_dim3A_824, %select_n3A_820 : vector<16xi1>, vector<16xi32>
      %select_n3A_874 = arith.select %gt3A_869, %select_n3A_822, %select_n3A_873 : vector<16xi1>, vector<16xi32>
      %select_n3A_875 = arith.select %gt3A_869, %get3A_868, %select_n3A_821 : vector<16xi1>, vector<16xf32>
      %select_n3A_876 = arith.select %gt3A_869, %broadcast_in_dim3A_824, %select_n3A_822 : vector<16xi1>, vector<16xi32>
      %broadcast_in_dim3A_877 = arith.constant 16 : i32
      %broadcast_in_dim3A_878 = vector.broadcast %broadcast_in_dim3A_877 : i32 to vector<16xi32>
      %get3A_879 = arith.constant 16 : i32
      %get3A_880 = arith.index_cast %get3A_879 : i32 to index
      %get3A_881 = arith.index_cast %add3A_14 : i32 to index
      %get3A_882 = tpu.vector_load %arg7[%get3A_880, %get3A_881] {strides = array<i32>} : memref<64x256xf32, #tpu.memory_space<vmem>>, vector<1x16xf32>,
      %get3A_883 = vector.shape_cast %get3A_882 : vector<1x16xf32> to vector<16xf32>
      %gt3A_884 = arith.cmpf ogt, %get3A_883, %select_n3A_836 : vector<16xf32>
      %gt3A_885 = arith.cmpf ogt, %get3A_883, %select_n3A_833 : vector<16xf32>
      %select_n3A_886 = arith.select %gt3A_885, %get3A_883, %select_n3A_833 : vector<16xi1>, vector<16xf32>
      %select_n3A_887 = arith.select %gt3A_884, %select_n3A_836, %select_n3A_886 : vector<16xi1>, vector<16xf32>
      %select_n3A_888 = arith.select %gt3A_885, %broadcast_in_dim3A_878, %select_n3A_835 : vector<16xi1>, vector<16xi32>
      %select_n3A_889 = arith.select %gt3A_884, %select_n3A_837, %select_n3A_888 : vector<16xi1>, vector<16xi32>
      %select_n3A_890 = arith.select %gt3A_884, %get3A_883, %select_n3A_836 : vector<16xi1>, vector<16xf32>
      %select_n3A_891 = arith.select %gt3A_884, %broadcast_in_dim3A_878, %select_n3A_837 : vector<16xi1>, vector<16xi32>
      %get3A_892 = arith.constant 16 : i32
      %get3A_893 = arith.index_cast %get3A_892 : i32 to index
      %get3A_894 = arith.index_cast %add3A_18 : i32 to index
      %get3A_895 = tpu.vector_load %arg7[%get3A_893, %get3A_894] {strides = array<i32>} : memref<64x256xf32, #tpu.memory_space<vmem>>, vector<1x16xf32>,
      %get3A_896 = vector.shape_cast %get3A_895 : vector<1x16xf32> to vector<16xf32>
      %gt3A_897 = arith.cmpf ogt, %get3A_896, %select_n3A_849 : vector<16xf32>
      %gt3A_898 = arith.cmpf ogt, %get3A_896, %select_n3A_846 : vector<16xf32>
      %select_n3A_899 = arith.select %gt3A_898, %get3A_896, %select_n3A_846 : vector<16xi1>, vector<16xf32>
      %select_n3A_900 = arith.select %gt3A_897, %select_n3A_849, %select_n3A_899 : vector<16xi1>, vector<16xf32>
      %select_n3A_901 = arith.select %gt3A_898, %broadcast_in_dim3A_878, %select_n3A_848 : vector<16xi1>, vector<16xi32>
      %select_n3A_902 = arith.select %gt3A_897, %select_n3A_850, %select_n3A_901 : vector<16xi1>, vector<16xi32>
      %select_n3A_903 = arith.select %gt3A_897, %get3A_896, %select_n3A_849 : vector<16xi1>, vector<16xf32>
      %select_n3A_904 = arith.select %gt3A_897, %broadcast_in_dim3A_878, %select_n3A_850 : vector<16xi1>, vector<16xi32>
      %get3A_905 = arith.constant 16 : i32
      %get3A_906 = arith.index_cast %get3A_905 : i32 to index
      %get3A_907 = arith.index_cast %add3A_22 : i32 to index
      %get3A_908 = tpu.vector_load %arg7[%get3A_906, %get3A_907] {strides = array<i32>} : memref<64x256xf32, #tpu.memory_space<vmem>>, vector<1x16xf32>,
      %get3A_909 = vector.shape_cast %get3A_908 : vector<1x16xf32> to vector<16xf32>
      %gt3A_910 = arith.cmpf ogt, %get3A_909, %select_n3A_862 : vector<16xf32>
      %gt3A_911 = arith.cmpf ogt, %get3A_909, %select_n3A_859 : vector<16xf32>
      %select_n3A_912 = arith.select %gt3A_911, %get3A_909, %select_n3A_859 : vector<16xi1>, vector<16xf32>
      %select_n3A_913 = arith.select %gt3A_910, %select_n3A_862, %select_n3A_912 : vector<16xi1>, vector<16xf32>
      %select_n3A_914 = arith.select %gt3A_911, %broadcast_in_dim3A_878, %select_n3A_861 : vector<16xi1>, vector<16xi32>
      %select_n3A_915 = arith.select %gt3A_910, %select_n3A_863, %select_n3A_914 : vector<16xi1>, vector<16xi32>
      %select_n3A_916 = arith.select %gt3A_910, %get3A_909, %select_n3A_862 : vector<16xi1>, vector<16xf32>
      %select_n3A_917 = arith.select %gt3A_910, %broadcast_in_dim3A_878, %select_n3A_863 : vector<16xi1>, vector<16xi32>
      %get3A_918 = arith.constant 16 : i32
      %get3A_919 = arith.index_cast %get3A_918 : i32 to index
      %get3A_920 = arith.index_cast %add3A_26 : i32 to index
      %get3A_921 = tpu.vector_load %arg7[%get3A_919, %get3A_920] {strides = array<i32>} : memref<64x256xf32, #tpu.memory_space<vmem>>, vector<1x16xf32>,
      %get3A_922 = vector.shape_cast %get3A_921 : vector<1x16xf32> to vector<16xf32>
      %gt3A_923 = arith.cmpf ogt, %get3A_922, %select_n3A_875 : vector<16xf32>
      %gt3A_924 = arith.cmpf ogt, %get3A_922, %select_n3A_872 : vector<16xf32>
      %select_n3A_925 = arith.select %gt3A_924, %get3A_922, %select_n3A_872 : vector<16xi1>, vector<16xf32>
      %select_n3A_926 = arith.select %gt3A_923, %select_n3A_875, %select_n3A_925 : vector<16xi1>, vector<16xf32>
      %select_n3A_927 = arith.select %gt3A_924, %broadcast_in_dim3A_878, %select_n3A_874 : vector<16xi1>, vector<16xi32>
      %select_n3A_928 = arith.select %gt3A_923, %select_n3A_876, %select_n3A_927 : vector<16xi1>, vector<16xi32>
      %select_n3A_929 = arith.select %gt3A_923, %get3A_922, %select_n3A_875 : vector<16xi1>, vector<16xf32>
      %select_n3A_930 = arith.select %gt3A_923, %broadcast_in_dim3A_878, %select_n3A_876 : vector<16xi1>, vector<16xi32>
      %broadcast_in_dim3A_931 = arith.constant 17 : i32
      %broadcast_in_dim3A_932 = vector.broadcast %broadcast_in_dim3A_931 : i32 to vector<16xi32>
      %get3A_933 = arith.constant 17 : i32
      %get3A_934 = arith.index_cast %get3A_933 : i32 to index
      %get3A_935 = arith.index_cast %add3A_14 : i32 to index
      %get3A_936 = tpu.vector_load %arg7[%get3A_934, %get3A_935] {strides = array<i32>} : memref<64x256xf32, #tpu.memory_space<vmem>>, vector<1x16xf32>,
      %get3A_937 = vector.shape_cast %get3A_936 : vector<1x16xf32> to vector<16xf32>
      %gt3A_938 = arith.cmpf ogt, %get3A_937, %select_n3A_890 : vector<16xf32>
      %gt3A_939 = arith.cmpf ogt, %get3A_937, %select_n3A_887 : vector<16xf32>
      %select_n3A_940 = arith.select %gt3A_939, %get3A_937, %select_n3A_887 : vector<16xi1>, vector<16xf32>
      %select_n3A_941 = arith.select %gt3A_938, %select_n3A_890, %select_n3A_940 : vector<16xi1>, vector<16xf32>
      %select_n3A_942 = arith.select %gt3A_939, %broadcast_in_dim3A_932, %select_n3A_889 : vector<16xi1>, vector<16xi32>
      %select_n3A_943 = arith.select %gt3A_938, %select_n3A_891, %select_n3A_942 : vector<16xi1>, vector<16xi32>
      %select_n3A_944 = arith.select %gt3A_938, %get3A_937, %select_n3A_890 : vector<16xi1>, vector<16xf32>
      %select_n3A_945 = arith.select %gt3A_938, %broadcast_in_dim3A_932, %select_n3A_891 : vector<16xi1>, vector<16xi32>
      %get3A_946 = arith.constant 17 : i32
      %get3A_947 = arith.index_cast %get3A_946 : i32 to index
      %get3A_948 = arith.index_cast %add3A_18 : i32 to index
      %get3A_949 = tpu.vector_load %arg7[%get3A_947, %get3A_948] {strides = array<i32>} : memref<64x256xf32, #tpu.memory_space<vmem>>, vector<1x16xf32>,
      %get3A_950 = vector.shape_cast %get3A_949 : vector<1x16xf32> to vector<16xf32>
      %gt3A_951 = arith.cmpf ogt, %get3A_950, %select_n3A_903 : vector<16xf32>
      %gt3A_952 = arith.cmpf ogt, %get3A_950, %select_n3A_900 : vector<16xf32>
      %select_n3A_953 = arith.select %gt3A_952, %get3A_950, %select_n3A_900 : vector<16xi1>, vector<16xf32>
      %select_n3A_954 = arith.select %gt3A_951, %select_n3A_903, %select_n3A_953 : vector<16xi1>, vector<16xf32>
      %select_n3A_955 = arith.select %gt3A_952, %broadcast_in_dim3A_932, %select_n3A_902 : vector<16xi1>, vector<16xi32>
      %select_n3A_956 = arith.select %gt3A_951, %select_n3A_904, %select_n3A_955 : vector<16xi1>, vector<16xi32>
      %select_n3A_957 = arith.select %gt3A_951, %get3A_950, %select_n3A_903 : vector<16xi1>, vector<16xf32>
      %select_n3A_958 = arith.select %gt3A_951, %broadcast_in_dim3A_932, %select_n3A_904 : vector<16xi1>, vector<16xi32>
      %get3A_959 = arith.constant 17 : i32
      %get3A_960 = arith.index_cast %get3A_959 : i32 to index
      %get3A_961 = arith.index_cast %add3A_22 : i32 to index
      %get3A_962 = tpu.vector_load %arg7[%get3A_960, %get3A_961] {strides = array<i32>} : memref<64x256xf32, #tpu.memory_space<vmem>>, vector<1x16xf32>,
      %get3A_963 = vector.shape_cast %get3A_962 : vector<1x16xf32> to vector<16xf32>
      %gt3A_964 = arith.cmpf ogt, %get3A_963, %select_n3A_916 : vector<16xf32>
      %gt3A_965 = arith.cmpf ogt, %get3A_963, %select_n3A_913 : vector<16xf32>
      %select_n3A_966 = arith.select %gt3A_965, %get3A_963, %select_n3A_913 : vector<16xi1>, vector<16xf32>
      %select_n3A_967 = arith.select %gt3A_964, %select_n3A_916, %select_n3A_966 : vector<16xi1>, vector<16xf32>
      %select_n3A_968 = arith.select %gt3A_965, %broadcast_in_dim3A_932, %select_n3A_915 : vector<16xi1>, vector<16xi32>
      %select_n3A_969 = arith.select %gt3A_964, %select_n3A_917, %select_n3A_968 : vector<16xi1>, vector<16xi32>
      %select_n3A_970 = arith.select %gt3A_964, %get3A_963, %select_n3A_916 : vector<16xi1>, vector<16xf32>
      %select_n3A_971 = arith.select %gt3A_964, %broadcast_in_dim3A_932, %select_n3A_917 : vector<16xi1>, vector<16xi32>
      %get3A_972 = arith.constant 17 : i32
      %get3A_973 = arith.index_cast %get3A_972 : i32 to index
      %get3A_974 = arith.index_cast %add3A_26 : i32 to index
      %get3A_975 = tpu.vector_load %arg7[%get3A_973, %get3A_974] {strides = array<i32>} : memref<64x256xf32, #tpu.memory_space<vmem>>, vector<1x16xf32>,
      %get3A_976 = vector.shape_cast %get3A_975 : vector<1x16xf32> to vector<16xf32>
      %gt3A_977 = arith.cmpf ogt, %get3A_976, %select_n3A_929 : vector<16xf32>
      %gt3A_978 = arith.cmpf ogt, %get3A_976, %select_n3A_926 : vector<16xf32>
      %select_n3A_979 = arith.select %gt3A_978, %get3A_976, %select_n3A_926 : vector<16xi1>, vector<16xf32>
      %select_n3A_980 = arith.select %gt3A_977, %select_n3A_929, %select_n3A_979 : vector<16xi1>, vector<16xf32>
      %select_n3A_981 = arith.select %gt3A_978, %broadcast_in_dim3A_932, %select_n3A_928 : vector<16xi1>, vector<16xi32>
      %select_n3A_982 = arith.select %gt3A_977, %select_n3A_930, %select_n3A_981 : vector<16xi1>, vector<16xi32>
      %select_n3A_983 = arith.select %gt3A_977, %get3A_976, %select_n3A_929 : vector<16xi1>, vector<16xf32>
      %select_n3A_984 = arith.select %gt3A_977, %broadcast_in_dim3A_932, %select_n3A_930 : vector<16xi1>, vector<16xi32>
      %broadcast_in_dim3A_985 = arith.constant 18 : i32
      %broadcast_in_dim3A_986 = vector.broadcast %broadcast_in_dim3A_985 : i32 to vector<16xi32>
      %get3A_987 = arith.constant 18 : i32
      %get3A_988 = arith.index_cast %get3A_987 : i32 to index
      %get3A_989 = arith.index_cast %add3A_14 : i32 to index
      %get3A_990 = tpu.vector_load %arg7[%get3A_988, %get3A_989] {strides = array<i32>} : memref<64x256xf32, #tpu.memory_space<vmem>>, vector<1x16xf32>,
      %get3A_991 = vector.shape_cast %get3A_990 : vector<1x16xf32> to vector<16xf32>
      %gt3A_992 = arith.cmpf ogt, %get3A_991, %select_n3A_944 : vector<16xf32>
      %gt3A_993 = arith.cmpf ogt, %get3A_991, %select_n3A_941 : vector<16xf32>
      %select_n3A_994 = arith.select %gt3A_993, %get3A_991, %select_n3A_941 : vector<16xi1>, vector<16xf32>
      %select_n3A_995 = arith.select %gt3A_992, %select_n3A_944, %select_n3A_994 : vector<16xi1>, vector<16xf32>
      %select_n3A_996 = arith.select %gt3A_993, %broadcast_in_dim3A_986, %select_n3A_943 : vector<16xi1>, vector<16xi32>
      %select_n3A_997 = arith.select %gt3A_992, %select_n3A_945, %select_n3A_996 : vector<16xi1>, vector<16xi32>
      %select_n3A_998 = arith.select %gt3A_992, %get3A_991, %select_n3A_944 : vector<16xi1>, vector<16xf32>
      %select_n3A_999 = arith.select %gt3A_992, %broadcast_in_dim3A_986, %select_n3A_945 : vector<16xi1>, vector<16xi32>
      %get3A_1000 = arith.constant 18 : i32
      %get3A_1001 = arith.index_cast %get3A_1000 : i32 to index
      %get3A_1002 = arith.index_cast %add3A_18 : i32 to index
      %get3A_1003 = tpu.vector_load %arg7[%get3A_1001, %get3A_1002] {strides = array<i32>} : memref<64x256xf32, #tpu.memory_space<vmem>>, vector<1x16xf32>,
      %get3A_1004 = vector.shape_cast %get3A_1003 : vector<1x16xf32> to vector<16xf32>
      %gt3A_1005 = arith.cmpf ogt, %get3A_1004, %select_n3A_957 : vector<16xf32>
      %gt3A_1006 = arith.cmpf ogt, %get3A_1004, %select_n3A_954 : vector<16xf32>
      %select_n3A_1007 = arith.select %gt3A_1006, %get3A_1004, %select_n3A_954 : vector<16xi1>, vector<16xf32>
      %select_n3A_1008 = arith.select %gt3A_1005, %select_n3A_957, %select_n3A_1007 : vector<16xi1>, vector<16xf32>
      %select_n3A_1009 = arith.select %gt3A_1006, %broadcast_in_dim3A_986, %select_n3A_956 : vector<16xi1>, vector<16xi32>
      %select_n3A_1010 = arith.select %gt3A_1005, %select_n3A_958, %select_n3A_1009 : vector<16xi1>, vector<16xi32>
      %select_n3A_1011 = arith.select %gt3A_1005, %get3A_1004, %select_n3A_957 : vector<16xi1>, vector<16xf32>
      %select_n3A_1012 = arith.select %gt3A_1005, %broadcast_in_dim3A_986, %select_n3A_958 : vector<16xi1>, vector<16xi32>
      %get3A_1013 = arith.constant 18 : i32
      %get3A_1014 = arith.index_cast %get3A_1013 : i32 to index
      %get3A_1015 = arith.index_cast %add3A_22 : i32 to index
      %get3A_1016 = tpu.vector_load %arg7[%get3A_1014, %get3A_1015] {strides = array<i32>} : memref<64x256xf32, #tpu.memory_space<vmem>>, vector<1x16xf32>,
      %get3A_1017 = vector.shape_cast %get3A_1016 : vector<1x16xf32> to vector<16xf32>
      %gt3A_1018 = arith.cmpf ogt, %get3A_1017, %select_n3A_970 : vector<16xf32>
      %gt3A_1019 = arith.cmpf ogt, %get3A_1017, %select_n3A_967 : vector<16xf32>
      %select_n3A_1020 = arith.select %gt3A_1019, %get3A_1017, %select_n3A_967 : vector<16xi1>, vector<16xf32>
      %select_n3A_1021 = arith.select %gt3A_1018, %select_n3A_970, %select_n3A_1020 : vector<16xi1>, vector<16xf32>
      %select_n3A_1022 = arith.select %gt3A_1019, %broadcast_in_dim3A_986, %select_n3A_969 : vector<16xi1>, vector<16xi32>
      %select_n3A_1023 = arith.select %gt3A_1018, %select_n3A_971, %select_n3A_1022 : vector<16xi1>, vector<16xi32>
      %select_n3A_1024 = arith.select %gt3A_1018, %get3A_1017, %select_n3A_970 : vector<16xi1>, vector<16xf32>
      %select_n3A_1025 = arith.select %gt3A_1018, %broadcast_in_dim3A_986, %select_n3A_971 : vector<16xi1>, vector<16xi32>
      %get3A_1026 = arith.constant 18 : i32
      %get3A_1027 = arith.index_cast %get3A_1026 : i32 to index
      %get3A_1028 = arith.index_cast %add3A_26 : i32 to index
      %get3A_1029 = tpu.vector_load %arg7[%get3A_1027, %get3A_1028] {strides = array<i32>} : memref<64x256xf32, #tpu.memory_space<vmem>>, vector<1x16xf32>,
      %get3A_1030 = vector.shape_cast %get3A_1029 : vector<1x16xf32> to vector<16xf32>
      %gt3A_1031 = arith.cmpf ogt, %get3A_1030, %select_n3A_983 : vector<16xf32>
      %gt3A_1032 = arith.cmpf ogt, %get3A_1030, %select_n3A_980 : vector<16xf32>
      %select_n3A_1033 = arith.select %gt3A_1032, %get3A_1030, %select_n3A_980 : vector<16xi1>, vector<16xf32>
      %select_n3A_1034 = arith.select %gt3A_1031, %select_n3A_983, %select_n3A_1033 : vector<16xi1>, vector<16xf32>
      %select_n3A_1035 = arith.select %gt3A_1032, %broadcast_in_dim3A_986, %select_n3A_982 : vector<16xi1>, vector<16xi32>
      %select_n3A_1036 = arith.select %gt3A_1031, %select_n3A_984, %select_n3A_1035 : vector<16xi1>, vector<16xi32>
      %select_n3A_1037 = arith.select %gt3A_1031, %get3A_1030, %select_n3A_983 : vector<16xi1>, vector<16xf32>
      %select_n3A_1038 = arith.select %gt3A_1031, %broadcast_in_dim3A_986, %select_n3A_984 : vector<16xi1>, vector<16xi32>
      %broadcast_in_dim3A_1039 = arith.constant 19 : i32
      %broadcast_in_dim3A_1040 = vector.broadcast %broadcast_in_dim3A_1039 : i32 to vector<16xi32>
      %get3A_1041 = arith.constant 19 : i32
      %get3A_1042 = arith.index_cast %get3A_1041 : i32 to index
      %get3A_1043 = arith.index_cast %add3A_14 : i32 to index
      %get3A_1044 = tpu.vector_load %arg7[%get3A_1042, %get3A_1043] {strides = array<i32>} : memref<64x256xf32, #tpu.memory_space<vmem>>, vector<1x16xf32>,
      %get3A_1045 = vector.shape_cast %get3A_1044 : vector<1x16xf32> to vector<16xf32>
      %gt3A_1046 = arith.cmpf ogt, %get3A_1045, %select_n3A_998 : vector<16xf32>
      %gt3A_1047 = arith.cmpf ogt, %get3A_1045, %select_n3A_995 : vector<16xf32>
      %select_n3A_1048 = arith.select %gt3A_1047, %get3A_1045, %select_n3A_995 : vector<16xi1>, vector<16xf32>
      %select_n3A_1049 = arith.select %gt3A_1046, %select_n3A_998, %select_n3A_1048 : vector<16xi1>, vector<16xf32>
      %select_n3A_1050 = arith.select %gt3A_1047, %broadcast_in_dim3A_1040, %select_n3A_997 : vector<16xi1>, vector<16xi32>
      %select_n3A_1051 = arith.select %gt3A_1046, %select_n3A_999, %select_n3A_1050 : vector<16xi1>, vector<16xi32>
      %select_n3A_1052 = arith.select %gt3A_1046, %get3A_1045, %select_n3A_998 : vector<16xi1>, vector<16xf32>
      %select_n3A_1053 = arith.select %gt3A_1046, %broadcast_in_dim3A_1040, %select_n3A_999 : vector<16xi1>, vector<16xi32>
      %get3A_1054 = arith.constant 19 : i32
      %get3A_1055 = arith.index_cast %get3A_1054 : i32 to index
      %get3A_1056 = arith.index_cast %add3A_18 : i32 to index
      %get3A_1057 = tpu.vector_load %arg7[%get3A_1055, %get3A_1056] {strides = array<i32>} : memref<64x256xf32, #tpu.memory_space<vmem>>, vector<1x16xf32>,
      %get3A_1058 = vector.shape_cast %get3A_1057 : vector<1x16xf32> to vector<16xf32>
      %gt3A_1059 = arith.cmpf ogt, %get3A_1058, %select_n3A_1011 : vector<16xf32>
      %gt3A_1060 = arith.cmpf ogt, %get3A_1058, %select_n3A_1008 : vector<16xf32>
      %select_n3A_1061 = arith.select %gt3A_1060, %get3A_1058, %select_n3A_1008 : vector<16xi1>, vector<16xf32>
      %select_n3A_1062 = arith.select %gt3A_1059, %select_n3A_1011, %select_n3A_1061 : vector<16xi1>, vector<16xf32>
      %select_n3A_1063 = arith.select %gt3A_1060, %broadcast_in_dim3A_1040, %select_n3A_1010 : vector<16xi1>, vector<16xi32>
      %select_n3A_1064 = arith.select %gt3A_1059, %select_n3A_1012, %select_n3A_1063 : vector<16xi1>, vector<16xi32>
      %select_n3A_1065 = arith.select %gt3A_1059, %get3A_1058, %select_n3A_1011 : vector<16xi1>, vector<16xf32>
      %select_n3A_1066 = arith.select %gt3A_1059, %broadcast_in_dim3A_1040, %select_n3A_1012 : vector<16xi1>, vector<16xi32>
      %get3A_1067 = arith.constant 19 : i32
      %get3A_1068 = arith.index_cast %get3A_1067 : i32 to index
      %get3A_1069 = arith.index_cast %add3A_22 : i32 to index
      %get3A_1070 = tpu.vector_load %arg7[%get3A_1068, %get3A_1069] {strides = array<i32>} : memref<64x256xf32, #tpu.memory_space<vmem>>, vector<1x16xf32>,
      %get3A_1071 = vector.shape_cast %get3A_1070 : vector<1x16xf32> to vector<16xf32>
      %gt3A_1072 = arith.cmpf ogt, %get3A_1071, %select_n3A_1024 : vector<16xf32>
      %gt3A_1073 = arith.cmpf ogt, %get3A_1071, %select_n3A_1021 : vector<16xf32>
      %select_n3A_1074 = arith.select %gt3A_1073, %get3A_1071, %select_n3A_1021 : vector<16xi1>, vector<16xf32>
      %select_n3A_1075 = arith.select %gt3A_1072, %select_n3A_1024, %select_n3A_1074 : vector<16xi1>, vector<16xf32>
      %select_n3A_1076 = arith.select %gt3A_1073, %broadcast_in_dim3A_1040, %select_n3A_1023 : vector<16xi1>, vector<16xi32>
      %select_n3A_1077 = arith.select %gt3A_1072, %select_n3A_1025, %select_n3A_1076 : vector<16xi1>, vector<16xi32>
      %select_n3A_1078 = arith.select %gt3A_1072, %get3A_1071, %select_n3A_1024 : vector<16xi1>, vector<16xf32>
      %select_n3A_1079 = arith.select %gt3A_1072, %broadcast_in_dim3A_1040, %select_n3A_1025 : vector<16xi1>, vector<16xi32>
      %get3A_1080 = arith.constant 19 : i32
      %get3A_1081 = arith.index_cast %get3A_1080 : i32 to index
      %get3A_1082 = arith.index_cast %add3A_26 : i32 to index
      %get3A_1083 = tpu.vector_load %arg7[%get3A_1081, %get3A_1082] {strides = array<i32>} : memref<64x256xf32, #tpu.memory_space<vmem>>, vector<1x16xf32>,
      %get3A_1084 = vector.shape_cast %get3A_1083 : vector<1x16xf32> to vector<16xf32>
      %gt3A_1085 = arith.cmpf ogt, %get3A_1084, %select_n3A_1037 : vector<16xf32>
      %gt3A_1086 = arith.cmpf ogt, %get3A_1084, %select_n3A_1034 : vector<16xf32>
      %select_n3A_1087 = arith.select %gt3A_1086, %get3A_1084, %select_n3A_1034 : vector<16xi1>, vector<16xf32>
      %select_n3A_1088 = arith.select %gt3A_1085, %select_n3A_1037, %select_n3A_1087 : vector<16xi1>, vector<16xf32>
      %select_n3A_1089 = arith.select %gt3A_1086, %broadcast_in_dim3A_1040, %select_n3A_1036 : vector<16xi1>, vector<16xi32>
      %select_n3A_1090 = arith.select %gt3A_1085, %select_n3A_1038, %select_n3A_1089 : vector<16xi1>, vector<16xi32>
      %select_n3A_1091 = arith.select %gt3A_1085, %get3A_1084, %select_n3A_1037 : vector<16xi1>, vector<16xf32>
      %select_n3A_1092 = arith.select %gt3A_1085, %broadcast_in_dim3A_1040, %select_n3A_1038 : vector<16xi1>, vector<16xi32>
      %broadcast_in_dim3A_1093 = arith.constant 20 : i32
      %broadcast_in_dim3A_1094 = vector.broadcast %broadcast_in_dim3A_1093 : i32 to vector<16xi32>
      %get3A_1095 = arith.constant 20 : i32
      %get3A_1096 = arith.index_cast %get3A_1095 : i32 to index
      %get3A_1097 = arith.index_cast %add3A_14 : i32 to index
      %get3A_1098 = tpu.vector_load %arg7[%get3A_1096, %get3A_1097] {strides = array<i32>} : memref<64x256xf32, #tpu.memory_space<vmem>>, vector<1x16xf32>,
      %get3A_1099 = vector.shape_cast %get3A_1098 : vector<1x16xf32> to vector<16xf32>
      %gt3A_1100 = arith.cmpf ogt, %get3A_1099, %select_n3A_1052 : vector<16xf32>
      %gt3A_1101 = arith.cmpf ogt, %get3A_1099, %select_n3A_1049 : vector<16xf32>
      %select_n3A_1102 = arith.select %gt3A_1101, %get3A_1099, %select_n3A_1049 : vector<16xi1>, vector<16xf32>
      %select_n3A_1103 = arith.select %gt3A_1100, %select_n3A_1052, %select_n3A_1102 : vector<16xi1>, vector<16xf32>
      %select_n3A_1104 = arith.select %gt3A_1101, %broadcast_in_dim3A_1094, %select_n3A_1051 : vector<16xi1>, vector<16xi32>
      %select_n3A_1105 = arith.select %gt3A_1100, %select_n3A_1053, %select_n3A_1104 : vector<16xi1>, vector<16xi32>
      %select_n3A_1106 = arith.select %gt3A_1100, %get3A_1099, %select_n3A_1052 : vector<16xi1>, vector<16xf32>
      %select_n3A_1107 = arith.select %gt3A_1100, %broadcast_in_dim3A_1094, %select_n3A_1053 : vector<16xi1>, vector<16xi32>
      %get3A_1108 = arith.constant 20 : i32
      %get3A_1109 = arith.index_cast %get3A_1108 : i32 to index
      %get3A_1110 = arith.index_cast %add3A_18 : i32 to index
      %get3A_1111 = tpu.vector_load %arg7[%get3A_1109, %get3A_1110] {strides = array<i32>} : memref<64x256xf32, #tpu.memory_space<vmem>>, vector<1x16xf32>,
      %get3A_1112 = vector.shape_cast %get3A_1111 : vector<1x16xf32> to vector<16xf32>
      %gt3A_1113 = arith.cmpf ogt, %get3A_1112, %select_n3A_1065 : vector<16xf32>
      %gt3A_1114 = arith.cmpf ogt, %get3A_1112, %select_n3A_1062 : vector<16xf32>
      %select_n3A_1115 = arith.select %gt3A_1114, %get3A_1112, %select_n3A_1062 : vector<16xi1>, vector<16xf32>
      %select_n3A_1116 = arith.select %gt3A_1113, %select_n3A_1065, %select_n3A_1115 : vector<16xi1>, vector<16xf32>
      %select_n3A_1117 = arith.select %gt3A_1114, %broadcast_in_dim3A_1094, %select_n3A_1064 : vector<16xi1>, vector<16xi32>
      %select_n3A_1118 = arith.select %gt3A_1113, %select_n3A_1066, %select_n3A_1117 : vector<16xi1>, vector<16xi32>
      %select_n3A_1119 = arith.select %gt3A_1113, %get3A_1112, %select_n3A_1065 : vector<16xi1>, vector<16xf32>
      %select_n3A_1120 = arith.select %gt3A_1113, %broadcast_in_dim3A_1094, %select_n3A_1066 : vector<16xi1>, vector<16xi32>
      %get3A_1121 = arith.constant 20 : i32
      %get3A_1122 = arith.index_cast %get3A_1121 : i32 to index
      %get3A_1123 = arith.index_cast %add3A_22 : i32 to index
      %get3A_1124 = tpu.vector_load %arg7[%get3A_1122, %get3A_1123] {strides = array<i32>} : memref<64x256xf32, #tpu.memory_space<vmem>>, vector<1x16xf32>,
      %get3A_1125 = vector.shape_cast %get3A_1124 : vector<1x16xf32> to vector<16xf32>
      %gt3A_1126 = arith.cmpf ogt, %get3A_1125, %select_n3A_1078 : vector<16xf32>
      %gt3A_1127 = arith.cmpf ogt, %get3A_1125, %select_n3A_1075 : vector<16xf32>
      %select_n3A_1128 = arith.select %gt3A_1127, %get3A_1125, %select_n3A_1075 : vector<16xi1>, vector<16xf32>
      %select_n3A_1129 = arith.select %gt3A_1126, %select_n3A_1078, %select_n3A_1128 : vector<16xi1>, vector<16xf32>
      %select_n3A_1130 = arith.select %gt3A_1127, %broadcast_in_dim3A_1094, %select_n3A_1077 : vector<16xi1>, vector<16xi32>
      %select_n3A_1131 = arith.select %gt3A_1126, %select_n3A_1079, %select_n3A_1130 : vector<16xi1>, vector<16xi32>
      %select_n3A_1132 = arith.select %gt3A_1126, %get3A_1125, %select_n3A_1078 : vector<16xi1>, vector<16xf32>
      %select_n3A_1133 = arith.select %gt3A_1126, %broadcast_in_dim3A_1094, %select_n3A_1079 : vector<16xi1>, vector<16xi32>
      %get3A_1134 = arith.constant 20 : i32
      %get3A_1135 = arith.index_cast %get3A_1134 : i32 to index
      %get3A_1136 = arith.index_cast %add3A_26 : i32 to index
      %get3A_1137 = tpu.vector_load %arg7[%get3A_1135, %get3A_1136] {strides = array<i32>} : memref<64x256xf32, #tpu.memory_space<vmem>>, vector<1x16xf32>,
      %get3A_1138 = vector.shape_cast %get3A_1137 : vector<1x16xf32> to vector<16xf32>
      %gt3A_1139 = arith.cmpf ogt, %get3A_1138, %select_n3A_1091 : vector<16xf32>
      %gt3A_1140 = arith.cmpf ogt, %get3A_1138, %select_n3A_1088 : vector<16xf32>
      %select_n3A_1141 = arith.select %gt3A_1140, %get3A_1138, %select_n3A_1088 : vector<16xi1>, vector<16xf32>
      %select_n3A_1142 = arith.select %gt3A_1139, %select_n3A_1091, %select_n3A_1141 : vector<16xi1>, vector<16xf32>
      %select_n3A_1143 = arith.select %gt3A_1140, %broadcast_in_dim3A_1094, %select_n3A_1090 : vector<16xi1>, vector<16xi32>
      %select_n3A_1144 = arith.select %gt3A_1139, %select_n3A_1092, %select_n3A_1143 : vector<16xi1>, vector<16xi32>
      %select_n3A_1145 = arith.select %gt3A_1139, %get3A_1138, %select_n3A_1091 : vector<16xi1>, vector<16xf32>
      %select_n3A_1146 = arith.select %gt3A_1139, %broadcast_in_dim3A_1094, %select_n3A_1092 : vector<16xi1>, vector<16xi32>
      %broadcast_in_dim3A_1147 = arith.constant 21 : i32
      %broadcast_in_dim3A_1148 = vector.broadcast %broadcast_in_dim3A_1147 : i32 to vector<16xi32>
      %get3A_1149 = arith.constant 21 : i32
      %get3A_1150 = arith.index_cast %get3A_1149 : i32 to index
      %get3A_1151 = arith.index_cast %add3A_14 : i32 to index
      %get3A_1152 = tpu.vector_load %arg7[%get3A_1150, %get3A_1151] {strides = array<i32>} : memref<64x256xf32, #tpu.memory_space<vmem>>, vector<1x16xf32>,
      %get3A_1153 = vector.shape_cast %get3A_1152 : vector<1x16xf32> to vector<16xf32>
      %gt3A_1154 = arith.cmpf ogt, %get3A_1153, %select_n3A_1106 : vector<16xf32>
      %gt3A_1155 = arith.cmpf ogt, %get3A_1153, %select_n3A_1103 : vector<16xf32>
      %select_n3A_1156 = arith.select %gt3A_1155, %get3A_1153, %select_n3A_1103 : vector<16xi1>, vector<16xf32>
      %select_n3A_1157 = arith.select %gt3A_1154, %select_n3A_1106, %select_n3A_1156 : vector<16xi1>, vector<16xf32>
      %select_n3A_1158 = arith.select %gt3A_1155, %broadcast_in_dim3A_1148, %select_n3A_1105 : vector<16xi1>, vector<16xi32>
      %select_n3A_1159 = arith.select %gt3A_1154, %select_n3A_1107, %select_n3A_1158 : vector<16xi1>, vector<16xi32>
      %select_n3A_1160 = arith.select %gt3A_1154, %get3A_1153, %select_n3A_1106 : vector<16xi1>, vector<16xf32>
      %select_n3A_1161 = arith.select %gt3A_1154, %broadcast_in_dim3A_1148, %select_n3A_1107 : vector<16xi1>, vector<16xi32>
      %get3A_1162 = arith.constant 21 : i32
      %get3A_1163 = arith.index_cast %get3A_1162 : i32 to index
      %get3A_1164 = arith.index_cast %add3A_18 : i32 to index
      %get3A_1165 = tpu.vector_load %arg7[%get3A_1163, %get3A_1164] {strides = array<i32>} : memref<64x256xf32, #tpu.memory_space<vmem>>, vector<1x16xf32>,
      %get3A_1166 = vector.shape_cast %get3A_1165 : vector<1x16xf32> to vector<16xf32>
      %gt3A_1167 = arith.cmpf ogt, %get3A_1166, %select_n3A_1119 : vector<16xf32>
      %gt3A_1168 = arith.cmpf ogt, %get3A_1166, %select_n3A_1116 : vector<16xf32>
      %select_n3A_1169 = arith.select %gt3A_1168, %get3A_1166, %select_n3A_1116 : vector<16xi1>, vector<16xf32>
      %select_n3A_1170 = arith.select %gt3A_1167, %select_n3A_1119, %select_n3A_1169 : vector<16xi1>, vector<16xf32>
      %select_n3A_1171 = arith.select %gt3A_1168, %broadcast_in_dim3A_1148, %select_n3A_1118 : vector<16xi1>, vector<16xi32>
      %select_n3A_1172 = arith.select %gt3A_1167, %select_n3A_1120, %select_n3A_1171 : vector<16xi1>, vector<16xi32>
      %select_n3A_1173 = arith.select %gt3A_1167, %get3A_1166, %select_n3A_1119 : vector<16xi1>, vector<16xf32>
      %select_n3A_1174 = arith.select %gt3A_1167, %broadcast_in_dim3A_1148, %select_n3A_1120 : vector<16xi1>, vector<16xi32>
      %get3A_1175 = arith.constant 21 : i32
      %get3A_1176 = arith.index_cast %get3A_1175 : i32 to index
      %get3A_1177 = arith.index_cast %add3A_22 : i32 to index
      %get3A_1178 = tpu.vector_load %arg7[%get3A_1176, %get3A_1177] {strides = array<i32>} : memref<64x256xf32, #tpu.memory_space<vmem>>, vector<1x16xf32>,
      %get3A_1179 = vector.shape_cast %get3A_1178 : vector<1x16xf32> to vector<16xf32>
      %gt3A_1180 = arith.cmpf ogt, %get3A_1179, %select_n3A_1132 : vector<16xf32>
      %gt3A_1181 = arith.cmpf ogt, %get3A_1179, %select_n3A_1129 : vector<16xf32>
      %select_n3A_1182 = arith.select %gt3A_1181, %get3A_1179, %select_n3A_1129 : vector<16xi1>, vector<16xf32>
      %select_n3A_1183 = arith.select %gt3A_1180, %select_n3A_1132, %select_n3A_1182 : vector<16xi1>, vector<16xf32>
      %select_n3A_1184 = arith.select %gt3A_1181, %broadcast_in_dim3A_1148, %select_n3A_1131 : vector<16xi1>, vector<16xi32>
      %select_n3A_1185 = arith.select %gt3A_1180, %select_n3A_1133, %select_n3A_1184 : vector<16xi1>, vector<16xi32>
      %select_n3A_1186 = arith.select %gt3A_1180, %get3A_1179, %select_n3A_1132 : vector<16xi1>, vector<16xf32>
      %select_n3A_1187 = arith.select %gt3A_1180, %broadcast_in_dim3A_1148, %select_n3A_1133 : vector<16xi1>, vector<16xi32>
      %get3A_1188 = arith.constant 21 : i32
      %get3A_1189 = arith.index_cast %get3A_1188 : i32 to index
      %get3A_1190 = arith.index_cast %add3A_26 : i32 to index
      %get3A_1191 = tpu.vector_load %arg7[%get3A_1189, %get3A_1190] {strides = array<i32>} : memref<64x256xf32, #tpu.memory_space<vmem>>, vector<1x16xf32>,
      %get3A_1192 = vector.shape_cast %get3A_1191 : vector<1x16xf32> to vector<16xf32>
      %gt3A_1193 = arith.cmpf ogt, %get3A_1192, %select_n3A_1145 : vector<16xf32>
      %gt3A_1194 = arith.cmpf ogt, %get3A_1192, %select_n3A_1142 : vector<16xf32>
      %select_n3A_1195 = arith.select %gt3A_1194, %get3A_1192, %select_n3A_1142 : vector<16xi1>, vector<16xf32>
      %select_n3A_1196 = arith.select %gt3A_1193, %select_n3A_1145, %select_n3A_1195 : vector<16xi1>, vector<16xf32>
      %select_n3A_1197 = arith.select %gt3A_1194, %broadcast_in_dim3A_1148, %select_n3A_1144 : vector<16xi1>, vector<16xi32>
      %select_n3A_1198 = arith.select %gt3A_1193, %select_n3A_1146, %select_n3A_1197 : vector<16xi1>, vector<16xi32>
      %select_n3A_1199 = arith.select %gt3A_1193, %get3A_1192, %select_n3A_1145 : vector<16xi1>, vector<16xf32>
      %select_n3A_1200 = arith.select %gt3A_1193, %broadcast_in_dim3A_1148, %select_n3A_1146 : vector<16xi1>, vector<16xi32>
      %broadcast_in_dim3A_1201 = arith.constant 22 : i32
      %broadcast_in_dim3A_1202 = vector.broadcast %broadcast_in_dim3A_1201 : i32 to vector<16xi32>
      %get3A_1203 = arith.constant 22 : i32
      %get3A_1204 = arith.index_cast %get3A_1203 : i32 to index
      %get3A_1205 = arith.index_cast %add3A_14 : i32 to index
      %get3A_1206 = tpu.vector_load %arg7[%get3A_1204, %get3A_1205] {strides = array<i32>} : memref<64x256xf32, #tpu.memory_space<vmem>>, vector<1x16xf32>,
      %get3A_1207 = vector.shape_cast %get3A_1206 : vector<1x16xf32> to vector<16xf32>
      %gt3A_1208 = arith.cmpf ogt, %get3A_1207, %select_n3A_1160 : vector<16xf32>
      %gt3A_1209 = arith.cmpf ogt, %get3A_1207, %select_n3A_1157 : vector<16xf32>
      %select_n3A_1210 = arith.select %gt3A_1209, %get3A_1207, %select_n3A_1157 : vector<16xi1>, vector<16xf32>
      %select_n3A_1211 = arith.select %gt3A_1208, %select_n3A_1160, %select_n3A_1210 : vector<16xi1>, vector<16xf32>
      %select_n3A_1212 = arith.select %gt3A_1209, %broadcast_in_dim3A_1202, %select_n3A_1159 : vector<16xi1>, vector<16xi32>
      %select_n3A_1213 = arith.select %gt3A_1208, %select_n3A_1161, %select_n3A_1212 : vector<16xi1>, vector<16xi32>
      %select_n3A_1214 = arith.select %gt3A_1208, %get3A_1207, %select_n3A_1160 : vector<16xi1>, vector<16xf32>
      %select_n3A_1215 = arith.select %gt3A_1208, %broadcast_in_dim3A_1202, %select_n3A_1161 : vector<16xi1>, vector<16xi32>
      %get3A_1216 = arith.constant 22 : i32
      %get3A_1217 = arith.index_cast %get3A_1216 : i32 to index
      %get3A_1218 = arith.index_cast %add3A_18 : i32 to index
      %get3A_1219 = tpu.vector_load %arg7[%get3A_1217, %get3A_1218] {strides = array<i32>} : memref<64x256xf32, #tpu.memory_space<vmem>>, vector<1x16xf32>,
      %get3A_1220 = vector.shape_cast %get3A_1219 : vector<1x16xf32> to vector<16xf32>
      %gt3A_1221 = arith.cmpf ogt, %get3A_1220, %select_n3A_1173 : vector<16xf32>
      %gt3A_1222 = arith.cmpf ogt, %get3A_1220, %select_n3A_1170 : vector<16xf32>
      %select_n3A_1223 = arith.select %gt3A_1222, %get3A_1220, %select_n3A_1170 : vector<16xi1>, vector<16xf32>
      %select_n3A_1224 = arith.select %gt3A_1221, %select_n3A_1173, %select_n3A_1223 : vector<16xi1>, vector<16xf32>
      %select_n3A_1225 = arith.select %gt3A_1222, %broadcast_in_dim3A_1202, %select_n3A_1172 : vector<16xi1>, vector<16xi32>
      %select_n3A_1226 = arith.select %gt3A_1221, %select_n3A_1174, %select_n3A_1225 : vector<16xi1>, vector<16xi32>
      %select_n3A_1227 = arith.select %gt3A_1221, %get3A_1220, %select_n3A_1173 : vector<16xi1>, vector<16xf32>
      %select_n3A_1228 = arith.select %gt3A_1221, %broadcast_in_dim3A_1202, %select_n3A_1174 : vector<16xi1>, vector<16xi32>
      %get3A_1229 = arith.constant 22 : i32
      %get3A_1230 = arith.index_cast %get3A_1229 : i32 to index
      %get3A_1231 = arith.index_cast %add3A_22 : i32 to index
      %get3A_1232 = tpu.vector_load %arg7[%get3A_1230, %get3A_1231] {strides = array<i32>} : memref<64x256xf32, #tpu.memory_space<vmem>>, vector<1x16xf32>,
      %get3A_1233 = vector.shape_cast %get3A_1232 : vector<1x16xf32> to vector<16xf32>
      %gt3A_1234 = arith.cmpf ogt, %get3A_1233, %select_n3A_1186 : vector<16xf32>
      %gt3A_1235 = arith.cmpf ogt, %get3A_1233, %select_n3A_1183 : vector<16xf32>
      %select_n3A_1236 = arith.select %gt3A_1235, %get3A_1233, %select_n3A_1183 : vector<16xi1>, vector<16xf32>
      %select_n3A_1237 = arith.select %gt3A_1234, %select_n3A_1186, %select_n3A_1236 : vector<16xi1>, vector<16xf32>
      %select_n3A_1238 = arith.select %gt3A_1235, %broadcast_in_dim3A_1202, %select_n3A_1185 : vector<16xi1>, vector<16xi32>
      %select_n3A_1239 = arith.select %gt3A_1234, %select_n3A_1187, %select_n3A_1238 : vector<16xi1>, vector<16xi32>
      %select_n3A_1240 = arith.select %gt3A_1234, %get3A_1233, %select_n3A_1186 : vector<16xi1>, vector<16xf32>
      %select_n3A_1241 = arith.select %gt3A_1234, %broadcast_in_dim3A_1202, %select_n3A_1187 : vector<16xi1>, vector<16xi32>
      %get3A_1242 = arith.constant 22 : i32
      %get3A_1243 = arith.index_cast %get3A_1242 : i32 to index
      %get3A_1244 = arith.index_cast %add3A_26 : i32 to index
      %get3A_1245 = tpu.vector_load %arg7[%get3A_1243, %get3A_1244] {strides = array<i32>} : memref<64x256xf32, #tpu.memory_space<vmem>>, vector<1x16xf32>,
      %get3A_1246 = vector.shape_cast %get3A_1245 : vector<1x16xf32> to vector<16xf32>
      %gt3A_1247 = arith.cmpf ogt, %get3A_1246, %select_n3A_1199 : vector<16xf32>
      %gt3A_1248 = arith.cmpf ogt, %get3A_1246, %select_n3A_1196 : vector<16xf32>
      %select_n3A_1249 = arith.select %gt3A_1248, %get3A_1246, %select_n3A_1196 : vector<16xi1>, vector<16xf32>
      %select_n3A_1250 = arith.select %gt3A_1247, %select_n3A_1199, %select_n3A_1249 : vector<16xi1>, vector<16xf32>
      %select_n3A_1251 = arith.select %gt3A_1248, %broadcast_in_dim3A_1202, %select_n3A_1198 : vector<16xi1>, vector<16xi32>
      %select_n3A_1252 = arith.select %gt3A_1247, %select_n3A_1200, %select_n3A_1251 : vector<16xi1>, vector<16xi32>
      %select_n3A_1253 = arith.select %gt3A_1247, %get3A_1246, %select_n3A_1199 : vector<16xi1>, vector<16xf32>
      %select_n3A_1254 = arith.select %gt3A_1247, %broadcast_in_dim3A_1202, %select_n3A_1200 : vector<16xi1>, vector<16xi32>
      %broadcast_in_dim3A_1255 = arith.constant 23 : i32
      %broadcast_in_dim3A_1256 = vector.broadcast %broadcast_in_dim3A_1255 : i32 to vector<16xi32>
      %get3A_1257 = arith.constant 23 : i32
      %get3A_1258 = arith.index_cast %get3A_1257 : i32 to index
      %get3A_1259 = arith.index_cast %add3A_14 : i32 to index
      %get3A_1260 = tpu.vector_load %arg7[%get3A_1258, %get3A_1259] {strides = array<i32>} : memref<64x256xf32, #tpu.memory_space<vmem>>, vector<1x16xf32>,
      %get3A_1261 = vector.shape_cast %get3A_1260 : vector<1x16xf32> to vector<16xf32>
      %gt3A_1262 = arith.cmpf ogt, %get3A_1261, %select_n3A_1214 : vector<16xf32>
      %gt3A_1263 = arith.cmpf ogt, %get3A_1261, %select_n3A_1211 : vector<16xf32>
      %select_n3A_1264 = arith.select %gt3A_1263, %get3A_1261, %select_n3A_1211 : vector<16xi1>, vector<16xf32>
      %select_n3A_1265 = arith.select %gt3A_1262, %select_n3A_1214, %select_n3A_1264 : vector<16xi1>, vector<16xf32>
      %select_n3A_1266 = arith.select %gt3A_1263, %broadcast_in_dim3A_1256, %select_n3A_1213 : vector<16xi1>, vector<16xi32>
      %select_n3A_1267 = arith.select %gt3A_1262, %select_n3A_1215, %select_n3A_1266 : vector<16xi1>, vector<16xi32>
      %select_n3A_1268 = arith.select %gt3A_1262, %get3A_1261, %select_n3A_1214 : vector<16xi1>, vector<16xf32>
      %select_n3A_1269 = arith.select %gt3A_1262, %broadcast_in_dim3A_1256, %select_n3A_1215 : vector<16xi1>, vector<16xi32>
      %get3A_1270 = arith.constant 23 : i32
      %get3A_1271 = arith.index_cast %get3A_1270 : i32 to index
      %get3A_1272 = arith.index_cast %add3A_18 : i32 to index
      %get3A_1273 = tpu.vector_load %arg7[%get3A_1271, %get3A_1272] {strides = array<i32>} : memref<64x256xf32, #tpu.memory_space<vmem>>, vector<1x16xf32>,
      %get3A_1274 = vector.shape_cast %get3A_1273 : vector<1x16xf32> to vector<16xf32>
      %gt3A_1275 = arith.cmpf ogt, %get3A_1274, %select_n3A_1227 : vector<16xf32>
      %gt3A_1276 = arith.cmpf ogt, %get3A_1274, %select_n3A_1224 : vector<16xf32>
      %select_n3A_1277 = arith.select %gt3A_1276, %get3A_1274, %select_n3A_1224 : vector<16xi1>, vector<16xf32>
      %select_n3A_1278 = arith.select %gt3A_1275, %select_n3A_1227, %select_n3A_1277 : vector<16xi1>, vector<16xf32>
      %select_n3A_1279 = arith.select %gt3A_1276, %broadcast_in_dim3A_1256, %select_n3A_1226 : vector<16xi1>, vector<16xi32>
      %select_n3A_1280 = arith.select %gt3A_1275, %select_n3A_1228, %select_n3A_1279 : vector<16xi1>, vector<16xi32>
      %select_n3A_1281 = arith.select %gt3A_1275, %get3A_1274, %select_n3A_1227 : vector<16xi1>, vector<16xf32>
      %select_n3A_1282 = arith.select %gt3A_1275, %broadcast_in_dim3A_1256, %select_n3A_1228 : vector<16xi1>, vector<16xi32>
      %get3A_1283 = arith.constant 23 : i32
      %get3A_1284 = arith.index_cast %get3A_1283 : i32 to index
      %get3A_1285 = arith.index_cast %add3A_22 : i32 to index
      %get3A_1286 = tpu.vector_load %arg7[%get3A_1284, %get3A_1285] {strides = array<i32>} : memref<64x256xf32, #tpu.memory_space<vmem>>, vector<1x16xf32>,
      %get3A_1287 = vector.shape_cast %get3A_1286 : vector<1x16xf32> to vector<16xf32>
      %gt3A_1288 = arith.cmpf ogt, %get3A_1287, %select_n3A_1240 : vector<16xf32>
      %gt3A_1289 = arith.cmpf ogt, %get3A_1287, %select_n3A_1237 : vector<16xf32>
      %select_n3A_1290 = arith.select %gt3A_1289, %get3A_1287, %select_n3A_1237 : vector<16xi1>, vector<16xf32>
      %select_n3A_1291 = arith.select %gt3A_1288, %select_n3A_1240, %select_n3A_1290 : vector<16xi1>, vector<16xf32>
      %select_n3A_1292 = arith.select %gt3A_1289, %broadcast_in_dim3A_1256, %select_n3A_1239 : vector<16xi1>, vector<16xi32>
      %select_n3A_1293 = arith.select %gt3A_1288, %select_n3A_1241, %select_n3A_1292 : vector<16xi1>, vector<16xi32>
      %select_n3A_1294 = arith.select %gt3A_1288, %get3A_1287, %select_n3A_1240 : vector<16xi1>, vector<16xf32>
      %select_n3A_1295 = arith.select %gt3A_1288, %broadcast_in_dim3A_1256, %select_n3A_1241 : vector<16xi1>, vector<16xi32>
      %get3A_1296 = arith.constant 23 : i32
      %get3A_1297 = arith.index_cast %get3A_1296 : i32 to index
      %get3A_1298 = arith.index_cast %add3A_26 : i32 to index
      %get3A_1299 = tpu.vector_load %arg7[%get3A_1297, %get3A_1298] {strides = array<i32>} : memref<64x256xf32, #tpu.memory_space<vmem>>, vector<1x16xf32>,
      %get3A_1300 = vector.shape_cast %get3A_1299 : vector<1x16xf32> to vector<16xf32>
      %gt3A_1301 = arith.cmpf ogt, %get3A_1300, %select_n3A_1253 : vector<16xf32>
      %gt3A_1302 = arith.cmpf ogt, %get3A_1300, %select_n3A_1250 : vector<16xf32>
      %select_n3A_1303 = arith.select %gt3A_1302, %get3A_1300, %select_n3A_1250 : vector<16xi1>, vector<16xf32>
      %select_n3A_1304 = arith.select %gt3A_1301, %select_n3A_1253, %select_n3A_1303 : vector<16xi1>, vector<16xf32>
      %select_n3A_1305 = arith.select %gt3A_1302, %broadcast_in_dim3A_1256, %select_n3A_1252 : vector<16xi1>, vector<16xi32>
      %select_n3A_1306 = arith.select %gt3A_1301, %select_n3A_1254, %select_n3A_1305 : vector<16xi1>, vector<16xi32>
      %select_n3A_1307 = arith.select %gt3A_1301, %get3A_1300, %select_n3A_1253 : vector<16xi1>, vector<16xf32>
      %select_n3A_1308 = arith.select %gt3A_1301, %broadcast_in_dim3A_1256, %select_n3A_1254 : vector<16xi1>, vector<16xi32>
      %broadcast_in_dim3A_1309 = arith.constant 24 : i32
      %broadcast_in_dim3A_1310 = vector.broadcast %broadcast_in_dim3A_1309 : i32 to vector<16xi32>
      %get3A_1311 = arith.constant 24 : i32
      %get3A_1312 = arith.index_cast %get3A_1311 : i32 to index
      %get3A_1313 = arith.index_cast %add3A_14 : i32 to index
      %get3A_1314 = tpu.vector_load %arg7[%get3A_1312, %get3A_1313] {strides = array<i32>} : memref<64x256xf32, #tpu.memory_space<vmem>>, vector<1x16xf32>,
      %get3A_1315 = vector.shape_cast %get3A_1314 : vector<1x16xf32> to vector<16xf32>
      %gt3A_1316 = arith.cmpf ogt, %get3A_1315, %select_n3A_1268 : vector<16xf32>
      %gt3A_1317 = arith.cmpf ogt, %get3A_1315, %select_n3A_1265 : vector<16xf32>
      %select_n3A_1318 = arith.select %gt3A_1317, %get3A_1315, %select_n3A_1265 : vector<16xi1>, vector<16xf32>
      %select_n3A_1319 = arith.select %gt3A_1316, %select_n3A_1268, %select_n3A_1318 : vector<16xi1>, vector<16xf32>
      %select_n3A_1320 = arith.select %gt3A_1317, %broadcast_in_dim3A_1310, %select_n3A_1267 : vector<16xi1>, vector<16xi32>
      %select_n3A_1321 = arith.select %gt3A_1316, %select_n3A_1269, %select_n3A_1320 : vector<16xi1>, vector<16xi32>
      %select_n3A_1322 = arith.select %gt3A_1316, %get3A_1315, %select_n3A_1268 : vector<16xi1>, vector<16xf32>
      %select_n3A_1323 = arith.select %gt3A_1316, %broadcast_in_dim3A_1310, %select_n3A_1269 : vector<16xi1>, vector<16xi32>
      %get3A_1324 = arith.constant 24 : i32
      %get3A_1325 = arith.index_cast %get3A_1324 : i32 to index
      %get3A_1326 = arith.index_cast %add3A_18 : i32 to index
      %get3A_1327 = tpu.vector_load %arg7[%get3A_1325, %get3A_1326] {strides = array<i32>} : memref<64x256xf32, #tpu.memory_space<vmem>>, vector<1x16xf32>,
      %get3A_1328 = vector.shape_cast %get3A_1327 : vector<1x16xf32> to vector<16xf32>
      %gt3A_1329 = arith.cmpf ogt, %get3A_1328, %select_n3A_1281 : vector<16xf32>
      %gt3A_1330 = arith.cmpf ogt, %get3A_1328, %select_n3A_1278 : vector<16xf32>
      %select_n3A_1331 = arith.select %gt3A_1330, %get3A_1328, %select_n3A_1278 : vector<16xi1>, vector<16xf32>
      %select_n3A_1332 = arith.select %gt3A_1329, %select_n3A_1281, %select_n3A_1331 : vector<16xi1>, vector<16xf32>
      %select_n3A_1333 = arith.select %gt3A_1330, %broadcast_in_dim3A_1310, %select_n3A_1280 : vector<16xi1>, vector<16xi32>
      %select_n3A_1334 = arith.select %gt3A_1329, %select_n3A_1282, %select_n3A_1333 : vector<16xi1>, vector<16xi32>
      %select_n3A_1335 = arith.select %gt3A_1329, %get3A_1328, %select_n3A_1281 : vector<16xi1>, vector<16xf32>
      %select_n3A_1336 = arith.select %gt3A_1329, %broadcast_in_dim3A_1310, %select_n3A_1282 : vector<16xi1>, vector<16xi32>
      %get3A_1337 = arith.constant 24 : i32
      %get3A_1338 = arith.index_cast %get3A_1337 : i32 to index
      %get3A_1339 = arith.index_cast %add3A_22 : i32 to index
      %get3A_1340 = tpu.vector_load %arg7[%get3A_1338, %get3A_1339] {strides = array<i32>} : memref<64x256xf32, #tpu.memory_space<vmem>>, vector<1x16xf32>,
      %get3A_1341 = vector.shape_cast %get3A_1340 : vector<1x16xf32> to vector<16xf32>
      %gt3A_1342 = arith.cmpf ogt, %get3A_1341, %select_n3A_1294 : vector<16xf32>
      %gt3A_1343 = arith.cmpf ogt, %get3A_1341, %select_n3A_1291 : vector<16xf32>
      %select_n3A_1344 = arith.select %gt3A_1343, %get3A_1341, %select_n3A_1291 : vector<16xi1>, vector<16xf32>
      %select_n3A_1345 = arith.select %gt3A_1342, %select_n3A_1294, %select_n3A_1344 : vector<16xi1>, vector<16xf32>
      %select_n3A_1346 = arith.select %gt3A_1343, %broadcast_in_dim3A_1310, %select_n3A_1293 : vector<16xi1>, vector<16xi32>
      %select_n3A_1347 = arith.select %gt3A_1342, %select_n3A_1295, %select_n3A_1346 : vector<16xi1>, vector<16xi32>
      %select_n3A_1348 = arith.select %gt3A_1342, %get3A_1341, %select_n3A_1294 : vector<16xi1>, vector<16xf32>
      %select_n3A_1349 = arith.select %gt3A_1342, %broadcast_in_dim3A_1310, %select_n3A_1295 : vector<16xi1>, vector<16xi32>
      %get3A_1350 = arith.constant 24 : i32
      %get3A_1351 = arith.index_cast %get3A_1350 : i32 to index
      %get3A_1352 = arith.index_cast %add3A_26 : i32 to index
      %get3A_1353 = tpu.vector_load %arg7[%get3A_1351, %get3A_1352] {strides = array<i32>} : memref<64x256xf32, #tpu.memory_space<vmem>>, vector<1x16xf32>,
      %get3A_1354 = vector.shape_cast %get3A_1353 : vector<1x16xf32> to vector<16xf32>
      %gt3A_1355 = arith.cmpf ogt, %get3A_1354, %select_n3A_1307 : vector<16xf32>
      %gt3A_1356 = arith.cmpf ogt, %get3A_1354, %select_n3A_1304 : vector<16xf32>
      %select_n3A_1357 = arith.select %gt3A_1356, %get3A_1354, %select_n3A_1304 : vector<16xi1>, vector<16xf32>
      %select_n3A_1358 = arith.select %gt3A_1355, %select_n3A_1307, %select_n3A_1357 : vector<16xi1>, vector<16xf32>
      %select_n3A_1359 = arith.select %gt3A_1356, %broadcast_in_dim3A_1310, %select_n3A_1306 : vector<16xi1>, vector<16xi32>
      %select_n3A_1360 = arith.select %gt3A_1355, %select_n3A_1308, %select_n3A_1359 : vector<16xi1>, vector<16xi32>
      %select_n3A_1361 = arith.select %gt3A_1355, %get3A_1354, %select_n3A_1307 : vector<16xi1>, vector<16xf32>
      %select_n3A_1362 = arith.select %gt3A_1355, %broadcast_in_dim3A_1310, %select_n3A_1308 : vector<16xi1>, vector<16xi32>
      %broadcast_in_dim3A_1363 = arith.constant 25 : i32
      %broadcast_in_dim3A_1364 = vector.broadcast %broadcast_in_dim3A_1363 : i32 to vector<16xi32>
      %get3A_1365 = arith.constant 25 : i32
      %get3A_1366 = arith.index_cast %get3A_1365 : i32 to index
      %get3A_1367 = arith.index_cast %add3A_14 : i32 to index
      %get3A_1368 = tpu.vector_load %arg7[%get3A_1366, %get3A_1367] {strides = array<i32>} : memref<64x256xf32, #tpu.memory_space<vmem>>, vector<1x16xf32>,
      %get3A_1369 = vector.shape_cast %get3A_1368 : vector<1x16xf32> to vector<16xf32>
      %gt3A_1370 = arith.cmpf ogt, %get3A_1369, %select_n3A_1322 : vector<16xf32>
      %gt3A_1371 = arith.cmpf ogt, %get3A_1369, %select_n3A_1319 : vector<16xf32>
      %select_n3A_1372 = arith.select %gt3A_1371, %get3A_1369, %select_n3A_1319 : vector<16xi1>, vector<16xf32>
      %select_n3A_1373 = arith.select %gt3A_1370, %select_n3A_1322, %select_n3A_1372 : vector<16xi1>, vector<16xf32>
      %select_n3A_1374 = arith.select %gt3A_1371, %broadcast_in_dim3A_1364, %select_n3A_1321 : vector<16xi1>, vector<16xi32>
      %select_n3A_1375 = arith.select %gt3A_1370, %select_n3A_1323, %select_n3A_1374 : vector<16xi1>, vector<16xi32>
      %select_n3A_1376 = arith.select %gt3A_1370, %get3A_1369, %select_n3A_1322 : vector<16xi1>, vector<16xf32>
      %select_n3A_1377 = arith.select %gt3A_1370, %broadcast_in_dim3A_1364, %select_n3A_1323 : vector<16xi1>, vector<16xi32>
      %get3A_1378 = arith.constant 25 : i32
      %get3A_1379 = arith.index_cast %get3A_1378 : i32 to index
      %get3A_1380 = arith.index_cast %add3A_18 : i32 to index
      %get3A_1381 = tpu.vector_load %arg7[%get3A_1379, %get3A_1380] {strides = array<i32>} : memref<64x256xf32, #tpu.memory_space<vmem>>, vector<1x16xf32>,
      %get3A_1382 = vector.shape_cast %get3A_1381 : vector<1x16xf32> to vector<16xf32>
      %gt3A_1383 = arith.cmpf ogt, %get3A_1382, %select_n3A_1335 : vector<16xf32>
      %gt3A_1384 = arith.cmpf ogt, %get3A_1382, %select_n3A_1332 : vector<16xf32>
      %select_n3A_1385 = arith.select %gt3A_1384, %get3A_1382, %select_n3A_1332 : vector<16xi1>, vector<16xf32>
      %select_n3A_1386 = arith.select %gt3A_1383, %select_n3A_1335, %select_n3A_1385 : vector<16xi1>, vector<16xf32>
      %select_n3A_1387 = arith.select %gt3A_1384, %broadcast_in_dim3A_1364, %select_n3A_1334 : vector<16xi1>, vector<16xi32>
      %select_n3A_1388 = arith.select %gt3A_1383, %select_n3A_1336, %select_n3A_1387 : vector<16xi1>, vector<16xi32>
      %select_n3A_1389 = arith.select %gt3A_1383, %get3A_1382, %select_n3A_1335 : vector<16xi1>, vector<16xf32>
      %select_n3A_1390 = arith.select %gt3A_1383, %broadcast_in_dim3A_1364, %select_n3A_1336 : vector<16xi1>, vector<16xi32>
      %get3A_1391 = arith.constant 25 : i32
      %get3A_1392 = arith.index_cast %get3A_1391 : i32 to index
      %get3A_1393 = arith.index_cast %add3A_22 : i32 to index
      %get3A_1394 = tpu.vector_load %arg7[%get3A_1392, %get3A_1393] {strides = array<i32>} : memref<64x256xf32, #tpu.memory_space<vmem>>, vector<1x16xf32>,
      %get3A_1395 = vector.shape_cast %get3A_1394 : vector<1x16xf32> to vector<16xf32>
      %gt3A_1396 = arith.cmpf ogt, %get3A_1395, %select_n3A_1348 : vector<16xf32>
      %gt3A_1397 = arith.cmpf ogt, %get3A_1395, %select_n3A_1345 : vector<16xf32>
      %select_n3A_1398 = arith.select %gt3A_1397, %get3A_1395, %select_n3A_1345 : vector<16xi1>, vector<16xf32>
      %select_n3A_1399 = arith.select %gt3A_1396, %select_n3A_1348, %select_n3A_1398 : vector<16xi1>, vector<16xf32>
      %select_n3A_1400 = arith.select %gt3A_1397, %broadcast_in_dim3A_1364, %select_n3A_1347 : vector<16xi1>, vector<16xi32>
      %select_n3A_1401 = arith.select %gt3A_1396, %select_n3A_1349, %select_n3A_1400 : vector<16xi1>, vector<16xi32>
      %select_n3A_1402 = arith.select %gt3A_1396, %get3A_1395, %select_n3A_1348 : vector<16xi1>, vector<16xf32>
      %select_n3A_1403 = arith.select %gt3A_1396, %broadcast_in_dim3A_1364, %select_n3A_1349 : vector<16xi1>, vector<16xi32>
      %get3A_1404 = arith.constant 25 : i32
      %get3A_1405 = arith.index_cast %get3A_1404 : i32 to index
      %get3A_1406 = arith.index_cast %add3A_26 : i32 to index
      %get3A_1407 = tpu.vector_load %arg7[%get3A_1405, %get3A_1406] {strides = array<i32>} : memref<64x256xf32, #tpu.memory_space<vmem>>, vector<1x16xf32>,
      %get3A_1408 = vector.shape_cast %get3A_1407 : vector<1x16xf32> to vector<16xf32>
      %gt3A_1409 = arith.cmpf ogt, %get3A_1408, %select_n3A_1361 : vector<16xf32>
      %gt3A_1410 = arith.cmpf ogt, %get3A_1408, %select_n3A_1358 : vector<16xf32>
      %select_n3A_1411 = arith.select %gt3A_1410, %get3A_1408, %select_n3A_1358 : vector<16xi1>, vector<16xf32>
      %select_n3A_1412 = arith.select %gt3A_1409, %select_n3A_1361, %select_n3A_1411 : vector<16xi1>, vector<16xf32>
      %select_n3A_1413 = arith.select %gt3A_1410, %broadcast_in_dim3A_1364, %select_n3A_1360 : vector<16xi1>, vector<16xi32>
      %select_n3A_1414 = arith.select %gt3A_1409, %select_n3A_1362, %select_n3A_1413 : vector<16xi1>, vector<16xi32>
      %select_n3A_1415 = arith.select %gt3A_1409, %get3A_1408, %select_n3A_1361 : vector<16xi1>, vector<16xf32>
      %select_n3A_1416 = arith.select %gt3A_1409, %broadcast_in_dim3A_1364, %select_n3A_1362 : vector<16xi1>, vector<16xi32>
      %broadcast_in_dim3A_1417 = arith.constant 26 : i32
      %broadcast_in_dim3A_1418 = vector.broadcast %broadcast_in_dim3A_1417 : i32 to vector<16xi32>
      %get3A_1419 = arith.constant 26 : i32
      %get3A_1420 = arith.index_cast %get3A_1419 : i32 to index
      %get3A_1421 = arith.index_cast %add3A_14 : i32 to index
      %get3A_1422 = tpu.vector_load %arg7[%get3A_1420, %get3A_1421] {strides = array<i32>} : memref<64x256xf32, #tpu.memory_space<vmem>>, vector<1x16xf32>,
      %get3A_1423 = vector.shape_cast %get3A_1422 : vector<1x16xf32> to vector<16xf32>
      %gt3A_1424 = arith.cmpf ogt, %get3A_1423, %select_n3A_1376 : vector<16xf32>
      %gt3A_1425 = arith.cmpf ogt, %get3A_1423, %select_n3A_1373 : vector<16xf32>
      %select_n3A_1426 = arith.select %gt3A_1425, %get3A_1423, %select_n3A_1373 : vector<16xi1>, vector<16xf32>
      %select_n3A_1427 = arith.select %gt3A_1424, %select_n3A_1376, %select_n3A_1426 : vector<16xi1>, vector<16xf32>
      %select_n3A_1428 = arith.select %gt3A_1425, %broadcast_in_dim3A_1418, %select_n3A_1375 : vector<16xi1>, vector<16xi32>
      %select_n3A_1429 = arith.select %gt3A_1424, %select_n3A_1377, %select_n3A_1428 : vector<16xi1>, vector<16xi32>
      %select_n3A_1430 = arith.select %gt3A_1424, %get3A_1423, %select_n3A_1376 : vector<16xi1>, vector<16xf32>
      %select_n3A_1431 = arith.select %gt3A_1424, %broadcast_in_dim3A_1418, %select_n3A_1377 : vector<16xi1>, vector<16xi32>
      %get3A_1432 = arith.constant 26 : i32
      %get3A_1433 = arith.index_cast %get3A_1432 : i32 to index
      %get3A_1434 = arith.index_cast %add3A_18 : i32 to index
      %get3A_1435 = tpu.vector_load %arg7[%get3A_1433, %get3A_1434] {strides = array<i32>} : memref<64x256xf32, #tpu.memory_space<vmem>>, vector<1x16xf32>,
      %get3A_1436 = vector.shape_cast %get3A_1435 : vector<1x16xf32> to vector<16xf32>
      %gt3A_1437 = arith.cmpf ogt, %get3A_1436, %select_n3A_1389 : vector<16xf32>
      %gt3A_1438 = arith.cmpf ogt, %get3A_1436, %select_n3A_1386 : vector<16xf32>
      %select_n3A_1439 = arith.select %gt3A_1438, %get3A_1436, %select_n3A_1386 : vector<16xi1>, vector<16xf32>
      %select_n3A_1440 = arith.select %gt3A_1437, %select_n3A_1389, %select_n3A_1439 : vector<16xi1>, vector<16xf32>
      %select_n3A_1441 = arith.select %gt3A_1438, %broadcast_in_dim3A_1418, %select_n3A_1388 : vector<16xi1>, vector<16xi32>
      %select_n3A_1442 = arith.select %gt3A_1437, %select_n3A_1390, %select_n3A_1441 : vector<16xi1>, vector<16xi32>
      %select_n3A_1443 = arith.select %gt3A_1437, %get3A_1436, %select_n3A_1389 : vector<16xi1>, vector<16xf32>
      %select_n3A_1444 = arith.select %gt3A_1437, %broadcast_in_dim3A_1418, %select_n3A_1390 : vector<16xi1>, vector<16xi32>
      %get3A_1445 = arith.constant 26 : i32
      %get3A_1446 = arith.index_cast %get3A_1445 : i32 to index
      %get3A_1447 = arith.index_cast %add3A_22 : i32 to index
      %get3A_1448 = tpu.vector_load %arg7[%get3A_1446, %get3A_1447] {strides = array<i32>} : memref<64x256xf32, #tpu.memory_space<vmem>>, vector<1x16xf32>,
      %get3A_1449 = vector.shape_cast %get3A_1448 : vector<1x16xf32> to vector<16xf32>
      %gt3A_1450 = arith.cmpf ogt, %get3A_1449, %select_n3A_1402 : vector<16xf32>
      %gt3A_1451 = arith.cmpf ogt, %get3A_1449, %select_n3A_1399 : vector<16xf32>
      %select_n3A_1452 = arith.select %gt3A_1451, %get3A_1449, %select_n3A_1399 : vector<16xi1>, vector<16xf32>
      %select_n3A_1453 = arith.select %gt3A_1450, %select_n3A_1402, %select_n3A_1452 : vector<16xi1>, vector<16xf32>
      %select_n3A_1454 = arith.select %gt3A_1451, %broadcast_in_dim3A_1418, %select_n3A_1401 : vector<16xi1>, vector<16xi32>
      %select_n3A_1455 = arith.select %gt3A_1450, %select_n3A_1403, %select_n3A_1454 : vector<16xi1>, vector<16xi32>
      %select_n3A_1456 = arith.select %gt3A_1450, %get3A_1449, %select_n3A_1402 : vector<16xi1>, vector<16xf32>
      %select_n3A_1457 = arith.select %gt3A_1450, %broadcast_in_dim3A_1418, %select_n3A_1403 : vector<16xi1>, vector<16xi32>
      %get3A_1458 = arith.constant 26 : i32
      %get3A_1459 = arith.index_cast %get3A_1458 : i32 to index
      %get3A_1460 = arith.index_cast %add3A_26 : i32 to index
      %get3A_1461 = tpu.vector_load %arg7[%get3A_1459, %get3A_1460] {strides = array<i32>} : memref<64x256xf32, #tpu.memory_space<vmem>>, vector<1x16xf32>,
      %get3A_1462 = vector.shape_cast %get3A_1461 : vector<1x16xf32> to vector<16xf32>
      %gt3A_1463 = arith.cmpf ogt, %get3A_1462, %select_n3A_1415 : vector<16xf32>
      %gt3A_1464 = arith.cmpf ogt, %get3A_1462, %select_n3A_1412 : vector<16xf32>
      %select_n3A_1465 = arith.select %gt3A_1464, %get3A_1462, %select_n3A_1412 : vector<16xi1>, vector<16xf32>
      %select_n3A_1466 = arith.select %gt3A_1463, %select_n3A_1415, %select_n3A_1465 : vector<16xi1>, vector<16xf32>
      %select_n3A_1467 = arith.select %gt3A_1464, %broadcast_in_dim3A_1418, %select_n3A_1414 : vector<16xi1>, vector<16xi32>
      %select_n3A_1468 = arith.select %gt3A_1463, %select_n3A_1416, %select_n3A_1467 : vector<16xi1>, vector<16xi32>
      %select_n3A_1469 = arith.select %gt3A_1463, %get3A_1462, %select_n3A_1415 : vector<16xi1>, vector<16xf32>
      %select_n3A_1470 = arith.select %gt3A_1463, %broadcast_in_dim3A_1418, %select_n3A_1416 : vector<16xi1>, vector<16xi32>
      %broadcast_in_dim3A_1471 = arith.constant 27 : i32
      %broadcast_in_dim3A_1472 = vector.broadcast %broadcast_in_dim3A_1471 : i32 to vector<16xi32>
      %get3A_1473 = arith.constant 27 : i32
      %get3A_1474 = arith.index_cast %get3A_1473 : i32 to index
      %get3A_1475 = arith.index_cast %add3A_14 : i32 to index
      %get3A_1476 = tpu.vector_load %arg7[%get3A_1474, %get3A_1475] {strides = array<i32>} : memref<64x256xf32, #tpu.memory_space<vmem>>, vector<1x16xf32>,
      %get3A_1477 = vector.shape_cast %get3A_1476 : vector<1x16xf32> to vector<16xf32>
      %gt3A_1478 = arith.cmpf ogt, %get3A_1477, %select_n3A_1430 : vector<16xf32>
      %gt3A_1479 = arith.cmpf ogt, %get3A_1477, %select_n3A_1427 : vector<16xf32>
      %select_n3A_1480 = arith.select %gt3A_1479, %get3A_1477, %select_n3A_1427 : vector<16xi1>, vector<16xf32>
      %select_n3A_1481 = arith.select %gt3A_1478, %select_n3A_1430, %select_n3A_1480 : vector<16xi1>, vector<16xf32>
      %select_n3A_1482 = arith.select %gt3A_1479, %broadcast_in_dim3A_1472, %select_n3A_1429 : vector<16xi1>, vector<16xi32>
      %select_n3A_1483 = arith.select %gt3A_1478, %select_n3A_1431, %select_n3A_1482 : vector<16xi1>, vector<16xi32>
      %select_n3A_1484 = arith.select %gt3A_1478, %get3A_1477, %select_n3A_1430 : vector<16xi1>, vector<16xf32>
      %select_n3A_1485 = arith.select %gt3A_1478, %broadcast_in_dim3A_1472, %select_n3A_1431 : vector<16xi1>, vector<16xi32>
      %get3A_1486 = arith.constant 27 : i32
      %get3A_1487 = arith.index_cast %get3A_1486 : i32 to index
      %get3A_1488 = arith.index_cast %add3A_18 : i32 to index
      %get3A_1489 = tpu.vector_load %arg7[%get3A_1487, %get3A_1488] {strides = array<i32>} : memref<64x256xf32, #tpu.memory_space<vmem>>, vector<1x16xf32>,
      %get3A_1490 = vector.shape_cast %get3A_1489 : vector<1x16xf32> to vector<16xf32>
      %gt3A_1491 = arith.cmpf ogt, %get3A_1490, %select_n3A_1443 : vector<16xf32>
      %gt3A_1492 = arith.cmpf ogt, %get3A_1490, %select_n3A_1440 : vector<16xf32>
      %select_n3A_1493 = arith.select %gt3A_1492, %get3A_1490, %select_n3A_1440 : vector<16xi1>, vector<16xf32>
      %select_n3A_1494 = arith.select %gt3A_1491, %select_n3A_1443, %select_n3A_1493 : vector<16xi1>, vector<16xf32>
      %select_n3A_1495 = arith.select %gt3A_1492, %broadcast_in_dim3A_1472, %select_n3A_1442 : vector<16xi1>, vector<16xi32>
      %select_n3A_1496 = arith.select %gt3A_1491, %select_n3A_1444, %select_n3A_1495 : vector<16xi1>, vector<16xi32>
      %select_n3A_1497 = arith.select %gt3A_1491, %get3A_1490, %select_n3A_1443 : vector<16xi1>, vector<16xf32>
      %select_n3A_1498 = arith.select %gt3A_1491, %broadcast_in_dim3A_1472, %select_n3A_1444 : vector<16xi1>, vector<16xi32>
      %get3A_1499 = arith.constant 27 : i32
      %get3A_1500 = arith.index_cast %get3A_1499 : i32 to index
      %get3A_1501 = arith.index_cast %add3A_22 : i32 to index
      %get3A_1502 = tpu.vector_load %arg7[%get3A_1500, %get3A_1501] {strides = array<i32>} : memref<64x256xf32, #tpu.memory_space<vmem>>, vector<1x16xf32>,
      %get3A_1503 = vector.shape_cast %get3A_1502 : vector<1x16xf32> to vector<16xf32>
      %gt3A_1504 = arith.cmpf ogt, %get3A_1503, %select_n3A_1456 : vector<16xf32>
      %gt3A_1505 = arith.cmpf ogt, %get3A_1503, %select_n3A_1453 : vector<16xf32>
      %select_n3A_1506 = arith.select %gt3A_1505, %get3A_1503, %select_n3A_1453 : vector<16xi1>, vector<16xf32>
      %select_n3A_1507 = arith.select %gt3A_1504, %select_n3A_1456, %select_n3A_1506 : vector<16xi1>, vector<16xf32>
      %select_n3A_1508 = arith.select %gt3A_1505, %broadcast_in_dim3A_1472, %select_n3A_1455 : vector<16xi1>, vector<16xi32>
      %select_n3A_1509 = arith.select %gt3A_1504, %select_n3A_1457, %select_n3A_1508 : vector<16xi1>, vector<16xi32>
      %select_n3A_1510 = arith.select %gt3A_1504, %get3A_1503, %select_n3A_1456 : vector<16xi1>, vector<16xf32>
      %select_n3A_1511 = arith.select %gt3A_1504, %broadcast_in_dim3A_1472, %select_n3A_1457 : vector<16xi1>, vector<16xi32>
      %get3A_1512 = arith.constant 27 : i32
      %get3A_1513 = arith.index_cast %get3A_1512 : i32 to index
      %get3A_1514 = arith.index_cast %add3A_26 : i32 to index
      %get3A_1515 = tpu.vector_load %arg7[%get3A_1513, %get3A_1514] {strides = array<i32>} : memref<64x256xf32, #tpu.memory_space<vmem>>, vector<1x16xf32>,
      %get3A_1516 = vector.shape_cast %get3A_1515 : vector<1x16xf32> to vector<16xf32>
      %gt3A_1517 = arith.cmpf ogt, %get3A_1516, %select_n3A_1469 : vector<16xf32>
      %gt3A_1518 = arith.cmpf ogt, %get3A_1516, %select_n3A_1466 : vector<16xf32>
      %select_n3A_1519 = arith.select %gt3A_1518, %get3A_1516, %select_n3A_1466 : vector<16xi1>, vector<16xf32>
      %select_n3A_1520 = arith.select %gt3A_1517, %select_n3A_1469, %select_n3A_1519 : vector<16xi1>, vector<16xf32>
      %select_n3A_1521 = arith.select %gt3A_1518, %broadcast_in_dim3A_1472, %select_n3A_1468 : vector<16xi1>, vector<16xi32>
      %select_n3A_1522 = arith.select %gt3A_1517, %select_n3A_1470, %select_n3A_1521 : vector<16xi1>, vector<16xi32>
      %select_n3A_1523 = arith.select %gt3A_1517, %get3A_1516, %select_n3A_1469 : vector<16xi1>, vector<16xf32>
      %select_n3A_1524 = arith.select %gt3A_1517, %broadcast_in_dim3A_1472, %select_n3A_1470 : vector<16xi1>, vector<16xi32>
      %broadcast_in_dim3A_1525 = arith.constant 28 : i32
      %broadcast_in_dim3A_1526 = vector.broadcast %broadcast_in_dim3A_1525 : i32 to vector<16xi32>
      %get3A_1527 = arith.constant 28 : i32
      %get3A_1528 = arith.index_cast %get3A_1527 : i32 to index
      %get3A_1529 = arith.index_cast %add3A_14 : i32 to index
      %get3A_1530 = tpu.vector_load %arg7[%get3A_1528, %get3A_1529] {strides = array<i32>} : memref<64x256xf32, #tpu.memory_space<vmem>>, vector<1x16xf32>,
      %get3A_1531 = vector.shape_cast %get3A_1530 : vector<1x16xf32> to vector<16xf32>
      %gt3A_1532 = arith.cmpf ogt, %get3A_1531, %select_n3A_1484 : vector<16xf32>
      %gt3A_1533 = arith.cmpf ogt, %get3A_1531, %select_n3A_1481 : vector<16xf32>
      %select_n3A_1534 = arith.select %gt3A_1533, %get3A_1531, %select_n3A_1481 : vector<16xi1>, vector<16xf32>
      %select_n3A_1535 = arith.select %gt3A_1532, %select_n3A_1484, %select_n3A_1534 : vector<16xi1>, vector<16xf32>
      %select_n3A_1536 = arith.select %gt3A_1533, %broadcast_in_dim3A_1526, %select_n3A_1483 : vector<16xi1>, vector<16xi32>
      %select_n3A_1537 = arith.select %gt3A_1532, %select_n3A_1485, %select_n3A_1536 : vector<16xi1>, vector<16xi32>
      %select_n3A_1538 = arith.select %gt3A_1532, %get3A_1531, %select_n3A_1484 : vector<16xi1>, vector<16xf32>
      %select_n3A_1539 = arith.select %gt3A_1532, %broadcast_in_dim3A_1526, %select_n3A_1485 : vector<16xi1>, vector<16xi32>
      %get3A_1540 = arith.constant 28 : i32
      %get3A_1541 = arith.index_cast %get3A_1540 : i32 to index
      %get3A_1542 = arith.index_cast %add3A_18 : i32 to index
      %get3A_1543 = tpu.vector_load %arg7[%get3A_1541, %get3A_1542] {strides = array<i32>} : memref<64x256xf32, #tpu.memory_space<vmem>>, vector<1x16xf32>,
      %get3A_1544 = vector.shape_cast %get3A_1543 : vector<1x16xf32> to vector<16xf32>
      %gt3A_1545 = arith.cmpf ogt, %get3A_1544, %select_n3A_1497 : vector<16xf32>
      %gt3A_1546 = arith.cmpf ogt, %get3A_1544, %select_n3A_1494 : vector<16xf32>
      %select_n3A_1547 = arith.select %gt3A_1546, %get3A_1544, %select_n3A_1494 : vector<16xi1>, vector<16xf32>
      %select_n3A_1548 = arith.select %gt3A_1545, %select_n3A_1497, %select_n3A_1547 : vector<16xi1>, vector<16xf32>
      %select_n3A_1549 = arith.select %gt3A_1546, %broadcast_in_dim3A_1526, %select_n3A_1496 : vector<16xi1>, vector<16xi32>
      %select_n3A_1550 = arith.select %gt3A_1545, %select_n3A_1498, %select_n3A_1549 : vector<16xi1>, vector<16xi32>
      %select_n3A_1551 = arith.select %gt3A_1545, %get3A_1544, %select_n3A_1497 : vector<16xi1>, vector<16xf32>
      %select_n3A_1552 = arith.select %gt3A_1545, %broadcast_in_dim3A_1526, %select_n3A_1498 : vector<16xi1>, vector<16xi32>
      %get3A_1553 = arith.constant 28 : i32
      %get3A_1554 = arith.index_cast %get3A_1553 : i32 to index
      %get3A_1555 = arith.index_cast %add3A_22 : i32 to index
      %get3A_1556 = tpu.vector_load %arg7[%get3A_1554, %get3A_1555] {strides = array<i32>} : memref<64x256xf32, #tpu.memory_space<vmem>>, vector<1x16xf32>,
      %get3A_1557 = vector.shape_cast %get3A_1556 : vector<1x16xf32> to vector<16xf32>
      %gt3A_1558 = arith.cmpf ogt, %get3A_1557, %select_n3A_1510 : vector<16xf32>
      %gt3A_1559 = arith.cmpf ogt, %get3A_1557, %select_n3A_1507 : vector<16xf32>
      %select_n3A_1560 = arith.select %gt3A_1559, %get3A_1557, %select_n3A_1507 : vector<16xi1>, vector<16xf32>
      %select_n3A_1561 = arith.select %gt3A_1558, %select_n3A_1510, %select_n3A_1560 : vector<16xi1>, vector<16xf32>
      %select_n3A_1562 = arith.select %gt3A_1559, %broadcast_in_dim3A_1526, %select_n3A_1509 : vector<16xi1>, vector<16xi32>
      %select_n3A_1563 = arith.select %gt3A_1558, %select_n3A_1511, %select_n3A_1562 : vector<16xi1>, vector<16xi32>
      %select_n3A_1564 = arith.select %gt3A_1558, %get3A_1557, %select_n3A_1510 : vector<16xi1>, vector<16xf32>
      %select_n3A_1565 = arith.select %gt3A_1558, %broadcast_in_dim3A_1526, %select_n3A_1511 : vector<16xi1>, vector<16xi32>
      %get3A_1566 = arith.constant 28 : i32
      %get3A_1567 = arith.index_cast %get3A_1566 : i32 to index
      %get3A_1568 = arith.index_cast %add3A_26 : i32 to index
      %get3A_1569 = tpu.vector_load %arg7[%get3A_1567, %get3A_1568] {strides = array<i32>} : memref<64x256xf32, #tpu.memory_space<vmem>>, vector<1x16xf32>,
      %get3A_1570 = vector.shape_cast %get3A_1569 : vector<1x16xf32> to vector<16xf32>
      %gt3A_1571 = arith.cmpf ogt, %get3A_1570, %select_n3A_1523 : vector<16xf32>
      %gt3A_1572 = arith.cmpf ogt, %get3A_1570, %select_n3A_1520 : vector<16xf32>
      %select_n3A_1573 = arith.select %gt3A_1572, %get3A_1570, %select_n3A_1520 : vector<16xi1>, vector<16xf32>
      %select_n3A_1574 = arith.select %gt3A_1571, %select_n3A_1523, %select_n3A_1573 : vector<16xi1>, vector<16xf32>
      %select_n3A_1575 = arith.select %gt3A_1572, %broadcast_in_dim3A_1526, %select_n3A_1522 : vector<16xi1>, vector<16xi32>
      %select_n3A_1576 = arith.select %gt3A_1571, %select_n3A_1524, %select_n3A_1575 : vector<16xi1>, vector<16xi32>
      %select_n3A_1577 = arith.select %gt3A_1571, %get3A_1570, %select_n3A_1523 : vector<16xi1>, vector<16xf32>
      %select_n3A_1578 = arith.select %gt3A_1571, %broadcast_in_dim3A_1526, %select_n3A_1524 : vector<16xi1>, vector<16xi32>
      %broadcast_in_dim3A_1579 = arith.constant 29 : i32
      %broadcast_in_dim3A_1580 = vector.broadcast %broadcast_in_dim3A_1579 : i32 to vector<16xi32>
      %get3A_1581 = arith.constant 29 : i32
      %get3A_1582 = arith.index_cast %get3A_1581 : i32 to index
      %get3A_1583 = arith.index_cast %add3A_14 : i32 to index
      %get3A_1584 = tpu.vector_load %arg7[%get3A_1582, %get3A_1583] {strides = array<i32>} : memref<64x256xf32, #tpu.memory_space<vmem>>, vector<1x16xf32>,
      %get3A_1585 = vector.shape_cast %get3A_1584 : vector<1x16xf32> to vector<16xf32>
      %gt3A_1586 = arith.cmpf ogt, %get3A_1585, %select_n3A_1538 : vector<16xf32>
      %gt3A_1587 = arith.cmpf ogt, %get3A_1585, %select_n3A_1535 : vector<16xf32>
      %select_n3A_1588 = arith.select %gt3A_1587, %get3A_1585, %select_n3A_1535 : vector<16xi1>, vector<16xf32>
      %select_n3A_1589 = arith.select %gt3A_1586, %select_n3A_1538, %select_n3A_1588 : vector<16xi1>, vector<16xf32>
      %select_n3A_1590 = arith.select %gt3A_1587, %broadcast_in_dim3A_1580, %select_n3A_1537 : vector<16xi1>, vector<16xi32>
      %select_n3A_1591 = arith.select %gt3A_1586, %select_n3A_1539, %select_n3A_1590 : vector<16xi1>, vector<16xi32>
      %select_n3A_1592 = arith.select %gt3A_1586, %get3A_1585, %select_n3A_1538 : vector<16xi1>, vector<16xf32>
      %select_n3A_1593 = arith.select %gt3A_1586, %broadcast_in_dim3A_1580, %select_n3A_1539 : vector<16xi1>, vector<16xi32>
      %get3A_1594 = arith.constant 29 : i32
      %get3A_1595 = arith.index_cast %get3A_1594 : i32 to index
      %get3A_1596 = arith.index_cast %add3A_18 : i32 to index
      %get3A_1597 = tpu.vector_load %arg7[%get3A_1595, %get3A_1596] {strides = array<i32>} : memref<64x256xf32, #tpu.memory_space<vmem>>, vector<1x16xf32>,
      %get3A_1598 = vector.shape_cast %get3A_1597 : vector<1x16xf32> to vector<16xf32>
      %gt3A_1599 = arith.cmpf ogt, %get3A_1598, %select_n3A_1551 : vector<16xf32>
      %gt3A_1600 = arith.cmpf ogt, %get3A_1598, %select_n3A_1548 : vector<16xf32>
      %select_n3A_1601 = arith.select %gt3A_1600, %get3A_1598, %select_n3A_1548 : vector<16xi1>, vector<16xf32>
      %select_n3A_1602 = arith.select %gt3A_1599, %select_n3A_1551, %select_n3A_1601 : vector<16xi1>, vector<16xf32>
      %select_n3A_1603 = arith.select %gt3A_1600, %broadcast_in_dim3A_1580, %select_n3A_1550 : vector<16xi1>, vector<16xi32>
      %select_n3A_1604 = arith.select %gt3A_1599, %select_n3A_1552, %select_n3A_1603 : vector<16xi1>, vector<16xi32>
      %select_n3A_1605 = arith.select %gt3A_1599, %get3A_1598, %select_n3A_1551 : vector<16xi1>, vector<16xf32>
      %select_n3A_1606 = arith.select %gt3A_1599, %broadcast_in_dim3A_1580, %select_n3A_1552 : vector<16xi1>, vector<16xi32>
      %get3A_1607 = arith.constant 29 : i32
      %get3A_1608 = arith.index_cast %get3A_1607 : i32 to index
      %get3A_1609 = arith.index_cast %add3A_22 : i32 to index
      %get3A_1610 = tpu.vector_load %arg7[%get3A_1608, %get3A_1609] {strides = array<i32>} : memref<64x256xf32, #tpu.memory_space<vmem>>, vector<1x16xf32>,
      %get3A_1611 = vector.shape_cast %get3A_1610 : vector<1x16xf32> to vector<16xf32>
      %gt3A_1612 = arith.cmpf ogt, %get3A_1611, %select_n3A_1564 : vector<16xf32>
      %gt3A_1613 = arith.cmpf ogt, %get3A_1611, %select_n3A_1561 : vector<16xf32>
      %select_n3A_1614 = arith.select %gt3A_1613, %get3A_1611, %select_n3A_1561 : vector<16xi1>, vector<16xf32>
      %select_n3A_1615 = arith.select %gt3A_1612, %select_n3A_1564, %select_n3A_1614 : vector<16xi1>, vector<16xf32>
      %select_n3A_1616 = arith.select %gt3A_1613, %broadcast_in_dim3A_1580, %select_n3A_1563 : vector<16xi1>, vector<16xi32>
      %select_n3A_1617 = arith.select %gt3A_1612, %select_n3A_1565, %select_n3A_1616 : vector<16xi1>, vector<16xi32>
      %select_n3A_1618 = arith.select %gt3A_1612, %get3A_1611, %select_n3A_1564 : vector<16xi1>, vector<16xf32>
      %select_n3A_1619 = arith.select %gt3A_1612, %broadcast_in_dim3A_1580, %select_n3A_1565 : vector<16xi1>, vector<16xi32>
      %get3A_1620 = arith.constant 29 : i32
      %get3A_1621 = arith.index_cast %get3A_1620 : i32 to index
      %get3A_1622 = arith.index_cast %add3A_26 : i32 to index
      %get3A_1623 = tpu.vector_load %arg7[%get3A_1621, %get3A_1622] {strides = array<i32>} : memref<64x256xf32, #tpu.memory_space<vmem>>, vector<1x16xf32>,
      %get3A_1624 = vector.shape_cast %get3A_1623 : vector<1x16xf32> to vector<16xf32>
      %gt3A_1625 = arith.cmpf ogt, %get3A_1624, %select_n3A_1577 : vector<16xf32>
      %gt3A_1626 = arith.cmpf ogt, %get3A_1624, %select_n3A_1574 : vector<16xf32>
      %select_n3A_1627 = arith.select %gt3A_1626, %get3A_1624, %select_n3A_1574 : vector<16xi1>, vector<16xf32>
      %select_n3A_1628 = arith.select %gt3A_1625, %select_n3A_1577, %select_n3A_1627 : vector<16xi1>, vector<16xf32>
      %select_n3A_1629 = arith.select %gt3A_1626, %broadcast_in_dim3A_1580, %select_n3A_1576 : vector<16xi1>, vector<16xi32>
      %select_n3A_1630 = arith.select %gt3A_1625, %select_n3A_1578, %select_n3A_1629 : vector<16xi1>, vector<16xi32>
      %select_n3A_1631 = arith.select %gt3A_1625, %get3A_1624, %select_n3A_1577 : vector<16xi1>, vector<16xf32>
      %select_n3A_1632 = arith.select %gt3A_1625, %broadcast_in_dim3A_1580, %select_n3A_1578 : vector<16xi1>, vector<16xi32>
      %broadcast_in_dim3A_1633 = arith.constant 30 : i32
      %broadcast_in_dim3A_1634 = vector.broadcast %broadcast_in_dim3A_1633 : i32 to vector<16xi32>
      %get3A_1635 = arith.constant 30 : i32
      %get3A_1636 = arith.index_cast %get3A_1635 : i32 to index
      %get3A_1637 = arith.index_cast %add3A_14 : i32 to index
      %get3A_1638 = tpu.vector_load %arg7[%get3A_1636, %get3A_1637] {strides = array<i32>} : memref<64x256xf32, #tpu.memory_space<vmem>>, vector<1x16xf32>,
      %get3A_1639 = vector.shape_cast %get3A_1638 : vector<1x16xf32> to vector<16xf32>
      %gt3A_1640 = arith.cmpf ogt, %get3A_1639, %select_n3A_1592 : vector<16xf32>
      %gt3A_1641 = arith.cmpf ogt, %get3A_1639, %select_n3A_1589 : vector<16xf32>
      %select_n3A_1642 = arith.select %gt3A_1641, %get3A_1639, %select_n3A_1589 : vector<16xi1>, vector<16xf32>
      %select_n3A_1643 = arith.select %gt3A_1640, %select_n3A_1592, %select_n3A_1642 : vector<16xi1>, vector<16xf32>
      %select_n3A_1644 = arith.select %gt3A_1641, %broadcast_in_dim3A_1634, %select_n3A_1591 : vector<16xi1>, vector<16xi32>
      %select_n3A_1645 = arith.select %gt3A_1640, %select_n3A_1593, %select_n3A_1644 : vector<16xi1>, vector<16xi32>
      %select_n3A_1646 = arith.select %gt3A_1640, %get3A_1639, %select_n3A_1592 : vector<16xi1>, vector<16xf32>
      %select_n3A_1647 = arith.select %gt3A_1640, %broadcast_in_dim3A_1634, %select_n3A_1593 : vector<16xi1>, vector<16xi32>
      %get3A_1648 = arith.constant 30 : i32
      %get3A_1649 = arith.index_cast %get3A_1648 : i32 to index
      %get3A_1650 = arith.index_cast %add3A_18 : i32 to index
      %get3A_1651 = tpu.vector_load %arg7[%get3A_1649, %get3A_1650] {strides = array<i32>} : memref<64x256xf32, #tpu.memory_space<vmem>>, vector<1x16xf32>,
      %get3A_1652 = vector.shape_cast %get3A_1651 : vector<1x16xf32> to vector<16xf32>
      %gt3A_1653 = arith.cmpf ogt, %get3A_1652, %select_n3A_1605 : vector<16xf32>
      %gt3A_1654 = arith.cmpf ogt, %get3A_1652, %select_n3A_1602 : vector<16xf32>
      %select_n3A_1655 = arith.select %gt3A_1654, %get3A_1652, %select_n3A_1602 : vector<16xi1>, vector<16xf32>
      %select_n3A_1656 = arith.select %gt3A_1653, %select_n3A_1605, %select_n3A_1655 : vector<16xi1>, vector<16xf32>
      %select_n3A_1657 = arith.select %gt3A_1654, %broadcast_in_dim3A_1634, %select_n3A_1604 : vector<16xi1>, vector<16xi32>
      %select_n3A_1658 = arith.select %gt3A_1653, %select_n3A_1606, %select_n3A_1657 : vector<16xi1>, vector<16xi32>
      %select_n3A_1659 = arith.select %gt3A_1653, %get3A_1652, %select_n3A_1605 : vector<16xi1>, vector<16xf32>
      %select_n3A_1660 = arith.select %gt3A_1653, %broadcast_in_dim3A_1634, %select_n3A_1606 : vector<16xi1>, vector<16xi32>
      %get3A_1661 = arith.constant 30 : i32
      %get3A_1662 = arith.index_cast %get3A_1661 : i32 to index
      %get3A_1663 = arith.index_cast %add3A_22 : i32 to index
      %get3A_1664 = tpu.vector_load %arg7[%get3A_1662, %get3A_1663] {strides = array<i32>} : memref<64x256xf32, #tpu.memory_space<vmem>>, vector<1x16xf32>,
      %get3A_1665 = vector.shape_cast %get3A_1664 : vector<1x16xf32> to vector<16xf32>
      %gt3A_1666 = arith.cmpf ogt, %get3A_1665, %select_n3A_1618 : vector<16xf32>
      %gt3A_1667 = arith.cmpf ogt, %get3A_1665, %select_n3A_1615 : vector<16xf32>
      %select_n3A_1668 = arith.select %gt3A_1667, %get3A_1665, %select_n3A_1615 : vector<16xi1>, vector<16xf32>
      %select_n3A_1669 = arith.select %gt3A_1666, %select_n3A_1618, %select_n3A_1668 : vector<16xi1>, vector<16xf32>
      %select_n3A_1670 = arith.select %gt3A_1667, %broadcast_in_dim3A_1634, %select_n3A_1617 : vector<16xi1>, vector<16xi32>
      %select_n3A_1671 = arith.select %gt3A_1666, %select_n3A_1619, %select_n3A_1670 : vector<16xi1>, vector<16xi32>
      %select_n3A_1672 = arith.select %gt3A_1666, %get3A_1665, %select_n3A_1618 : vector<16xi1>, vector<16xf32>
      %select_n3A_1673 = arith.select %gt3A_1666, %broadcast_in_dim3A_1634, %select_n3A_1619 : vector<16xi1>, vector<16xi32>
      %get3A_1674 = arith.constant 30 : i32
      %get3A_1675 = arith.index_cast %get3A_1674 : i32 to index
      %get3A_1676 = arith.index_cast %add3A_26 : i32 to index
      %get3A_1677 = tpu.vector_load %arg7[%get3A_1675, %get3A_1676] {strides = array<i32>} : memref<64x256xf32, #tpu.memory_space<vmem>>, vector<1x16xf32>,
      %get3A_1678 = vector.shape_cast %get3A_1677 : vector<1x16xf32> to vector<16xf32>
      %gt3A_1679 = arith.cmpf ogt, %get3A_1678, %select_n3A_1631 : vector<16xf32>
      %gt3A_1680 = arith.cmpf ogt, %get3A_1678, %select_n3A_1628 : vector<16xf32>
      %select_n3A_1681 = arith.select %gt3A_1680, %get3A_1678, %select_n3A_1628 : vector<16xi1>, vector<16xf32>
      %select_n3A_1682 = arith.select %gt3A_1679, %select_n3A_1631, %select_n3A_1681 : vector<16xi1>, vector<16xf32>
      %select_n3A_1683 = arith.select %gt3A_1680, %broadcast_in_dim3A_1634, %select_n3A_1630 : vector<16xi1>, vector<16xi32>
      %select_n3A_1684 = arith.select %gt3A_1679, %select_n3A_1632, %select_n3A_1683 : vector<16xi1>, vector<16xi32>
      %select_n3A_1685 = arith.select %gt3A_1679, %get3A_1678, %select_n3A_1631 : vector<16xi1>, vector<16xf32>
      %select_n3A_1686 = arith.select %gt3A_1679, %broadcast_in_dim3A_1634, %select_n3A_1632 : vector<16xi1>, vector<16xi32>
      %broadcast_in_dim3A_1687 = arith.constant 31 : i32
      %broadcast_in_dim3A_1688 = vector.broadcast %broadcast_in_dim3A_1687 : i32 to vector<16xi32>
      %get3A_1689 = arith.constant 31 : i32
      %get3A_1690 = arith.index_cast %get3A_1689 : i32 to index
      %get3A_1691 = arith.index_cast %add3A_14 : i32 to index
      %get3A_1692 = tpu.vector_load %arg7[%get3A_1690, %get3A_1691] {strides = array<i32>} : memref<64x256xf32, #tpu.memory_space<vmem>>, vector<1x16xf32>,
      %get3A_1693 = vector.shape_cast %get3A_1692 : vector<1x16xf32> to vector<16xf32>
      %gt3A_1694 = arith.cmpf ogt, %get3A_1693, %select_n3A_1646 : vector<16xf32>
      %gt3A_1695 = arith.cmpf ogt, %get3A_1693, %select_n3A_1643 : vector<16xf32>
      %select_n3A_1696 = arith.select %gt3A_1695, %get3A_1693, %select_n3A_1643 : vector<16xi1>, vector<16xf32>
      %select_n3A_1697 = arith.select %gt3A_1694, %select_n3A_1646, %select_n3A_1696 : vector<16xi1>, vector<16xf32>
      %select_n3A_1698 = arith.select %gt3A_1695, %broadcast_in_dim3A_1688, %select_n3A_1645 : vector<16xi1>, vector<16xi32>
      %select_n3A_1699 = arith.select %gt3A_1694, %select_n3A_1647, %select_n3A_1698 : vector<16xi1>, vector<16xi32>
      %select_n3A_1700 = arith.select %gt3A_1694, %get3A_1693, %select_n3A_1646 : vector<16xi1>, vector<16xf32>
      %select_n3A_1701 = arith.select %gt3A_1694, %broadcast_in_dim3A_1688, %select_n3A_1647 : vector<16xi1>, vector<16xi32>
      %get3A_1702 = arith.constant 31 : i32
      %get3A_1703 = arith.index_cast %get3A_1702 : i32 to index
      %get3A_1704 = arith.index_cast %add3A_18 : i32 to index
      %get3A_1705 = tpu.vector_load %arg7[%get3A_1703, %get3A_1704] {strides = array<i32>} : memref<64x256xf32, #tpu.memory_space<vmem>>, vector<1x16xf32>,
      %get3A_1706 = vector.shape_cast %get3A_1705 : vector<1x16xf32> to vector<16xf32>
      %gt3A_1707 = arith.cmpf ogt, %get3A_1706, %select_n3A_1659 : vector<16xf32>
      %gt3A_1708 = arith.cmpf ogt, %get3A_1706, %select_n3A_1656 : vector<16xf32>
      %select_n3A_1709 = arith.select %gt3A_1708, %get3A_1706, %select_n3A_1656 : vector<16xi1>, vector<16xf32>
      %select_n3A_1710 = arith.select %gt3A_1707, %select_n3A_1659, %select_n3A_1709 : vector<16xi1>, vector<16xf32>
      %select_n3A_1711 = arith.select %gt3A_1708, %broadcast_in_dim3A_1688, %select_n3A_1658 : vector<16xi1>, vector<16xi32>
      %select_n3A_1712 = arith.select %gt3A_1707, %select_n3A_1660, %select_n3A_1711 : vector<16xi1>, vector<16xi32>
      %select_n3A_1713 = arith.select %gt3A_1707, %get3A_1706, %select_n3A_1659 : vector<16xi1>, vector<16xf32>
      %select_n3A_1714 = arith.select %gt3A_1707, %broadcast_in_dim3A_1688, %select_n3A_1660 : vector<16xi1>, vector<16xi32>
      %get3A_1715 = arith.constant 31 : i32
      %get3A_1716 = arith.index_cast %get3A_1715 : i32 to index
      %get3A_1717 = arith.index_cast %add3A_22 : i32 to index
      %get3A_1718 = tpu.vector_load %arg7[%get3A_1716, %get3A_1717] {strides = array<i32>} : memref<64x256xf32, #tpu.memory_space<vmem>>, vector<1x16xf32>,
      %get3A_1719 = vector.shape_cast %get3A_1718 : vector<1x16xf32> to vector<16xf32>
      %gt3A_1720 = arith.cmpf ogt, %get3A_1719, %select_n3A_1672 : vector<16xf32>
      %gt3A_1721 = arith.cmpf ogt, %get3A_1719, %select_n3A_1669 : vector<16xf32>
      %select_n3A_1722 = arith.select %gt3A_1721, %get3A_1719, %select_n3A_1669 : vector<16xi1>, vector<16xf32>
      %select_n3A_1723 = arith.select %gt3A_1720, %select_n3A_1672, %select_n3A_1722 : vector<16xi1>, vector<16xf32>
      %select_n3A_1724 = arith.select %gt3A_1721, %broadcast_in_dim3A_1688, %select_n3A_1671 : vector<16xi1>, vector<16xi32>
      %select_n3A_1725 = arith.select %gt3A_1720, %select_n3A_1673, %select_n3A_1724 : vector<16xi1>, vector<16xi32>
      %select_n3A_1726 = arith.select %gt3A_1720, %get3A_1719, %select_n3A_1672 : vector<16xi1>, vector<16xf32>
      %select_n3A_1727 = arith.select %gt3A_1720, %broadcast_in_dim3A_1688, %select_n3A_1673 : vector<16xi1>, vector<16xi32>
      %get3A_1728 = arith.constant 31 : i32
      %get3A_1729 = arith.index_cast %get3A_1728 : i32 to index
      %get3A_1730 = arith.index_cast %add3A_26 : i32 to index
      %get3A_1731 = tpu.vector_load %arg7[%get3A_1729, %get3A_1730] {strides = array<i32>} : memref<64x256xf32, #tpu.memory_space<vmem>>, vector<1x16xf32>,
      %get3A_1732 = vector.shape_cast %get3A_1731 : vector<1x16xf32> to vector<16xf32>
      %gt3A_1733 = arith.cmpf ogt, %get3A_1732, %select_n3A_1685 : vector<16xf32>
      %gt3A_1734 = arith.cmpf ogt, %get3A_1732, %select_n3A_1682 : vector<16xf32>
      %select_n3A_1735 = arith.select %gt3A_1734, %get3A_1732, %select_n3A_1682 : vector<16xi1>, vector<16xf32>
      %select_n3A_1736 = arith.select %gt3A_1733, %select_n3A_1685, %select_n3A_1735 : vector<16xi1>, vector<16xf32>
      %select_n3A_1737 = arith.select %gt3A_1734, %broadcast_in_dim3A_1688, %select_n3A_1684 : vector<16xi1>, vector<16xi32>
      %select_n3A_1738 = arith.select %gt3A_1733, %select_n3A_1686, %select_n3A_1737 : vector<16xi1>, vector<16xi32>
      %select_n3A_1739 = arith.select %gt3A_1733, %get3A_1732, %select_n3A_1685 : vector<16xi1>, vector<16xf32>
      %select_n3A_1740 = arith.select %gt3A_1733, %broadcast_in_dim3A_1688, %select_n3A_1686 : vector<16xi1>, vector<16xi32>
      %broadcast_in_dim3A_1741 = arith.constant 32 : i32
      %broadcast_in_dim3A_1742 = vector.broadcast %broadcast_in_dim3A_1741 : i32 to vector<16xi32>
      %get3A_1743 = arith.constant 32 : i32
      %get3A_1744 = arith.index_cast %get3A_1743 : i32 to index
      %get3A_1745 = arith.index_cast %add3A_14 : i32 to index
      %get3A_1746 = tpu.vector_load %arg7[%get3A_1744, %get3A_1745] {strides = array<i32>} : memref<64x256xf32, #tpu.memory_space<vmem>>, vector<1x16xf32>,
      %get3A_1747 = vector.shape_cast %get3A_1746 : vector<1x16xf32> to vector<16xf32>
      %gt3A_1748 = arith.cmpf ogt, %get3A_1747, %select_n3A_1700 : vector<16xf32>
      %gt3A_1749 = arith.cmpf ogt, %get3A_1747, %select_n3A_1697 : vector<16xf32>
      %select_n3A_1750 = arith.select %gt3A_1749, %get3A_1747, %select_n3A_1697 : vector<16xi1>, vector<16xf32>
      %select_n3A_1751 = arith.select %gt3A_1748, %select_n3A_1700, %select_n3A_1750 : vector<16xi1>, vector<16xf32>
      %select_n3A_1752 = arith.select %gt3A_1749, %broadcast_in_dim3A_1742, %select_n3A_1699 : vector<16xi1>, vector<16xi32>
      %select_n3A_1753 = arith.select %gt3A_1748, %select_n3A_1701, %select_n3A_1752 : vector<16xi1>, vector<16xi32>
      %select_n3A_1754 = arith.select %gt3A_1748, %get3A_1747, %select_n3A_1700 : vector<16xi1>, vector<16xf32>
      %select_n3A_1755 = arith.select %gt3A_1748, %broadcast_in_dim3A_1742, %select_n3A_1701 : vector<16xi1>, vector<16xi32>
      %get3A_1756 = arith.constant 32 : i32
      %get3A_1757 = arith.index_cast %get3A_1756 : i32 to index
      %get3A_1758 = arith.index_cast %add3A_18 : i32 to index
      %get3A_1759 = tpu.vector_load %arg7[%get3A_1757, %get3A_1758] {strides = array<i32>} : memref<64x256xf32, #tpu.memory_space<vmem>>, vector<1x16xf32>,
      %get3A_1760 = vector.shape_cast %get3A_1759 : vector<1x16xf32> to vector<16xf32>
      %gt3A_1761 = arith.cmpf ogt, %get3A_1760, %select_n3A_1713 : vector<16xf32>
      %gt3A_1762 = arith.cmpf ogt, %get3A_1760, %select_n3A_1710 : vector<16xf32>
      %select_n3A_1763 = arith.select %gt3A_1762, %get3A_1760, %select_n3A_1710 : vector<16xi1>, vector<16xf32>
      %select_n3A_1764 = arith.select %gt3A_1761, %select_n3A_1713, %select_n3A_1763 : vector<16xi1>, vector<16xf32>
      %select_n3A_1765 = arith.select %gt3A_1762, %broadcast_in_dim3A_1742, %select_n3A_1712 : vector<16xi1>, vector<16xi32>
      %select_n3A_1766 = arith.select %gt3A_1761, %select_n3A_1714, %select_n3A_1765 : vector<16xi1>, vector<16xi32>
      %select_n3A_1767 = arith.select %gt3A_1761, %get3A_1760, %select_n3A_1713 : vector<16xi1>, vector<16xf32>
      %select_n3A_1768 = arith.select %gt3A_1761, %broadcast_in_dim3A_1742, %select_n3A_1714 : vector<16xi1>, vector<16xi32>
      %get3A_1769 = arith.constant 32 : i32
      %get3A_1770 = arith.index_cast %get3A_1769 : i32 to index
      %get3A_1771 = arith.index_cast %add3A_22 : i32 to index
      %get3A_1772 = tpu.vector_load %arg7[%get3A_1770, %get3A_1771] {strides = array<i32>} : memref<64x256xf32, #tpu.memory_space<vmem>>, vector<1x16xf32>,
      %get3A_1773 = vector.shape_cast %get3A_1772 : vector<1x16xf32> to vector<16xf32>
      %gt3A_1774 = arith.cmpf ogt, %get3A_1773, %select_n3A_1726 : vector<16xf32>
      %gt3A_1775 = arith.cmpf ogt, %get3A_1773, %select_n3A_1723 : vector<16xf32>
      %select_n3A_1776 = arith.select %gt3A_1775, %get3A_1773, %select_n3A_1723 : vector<16xi1>, vector<16xf32>
      %select_n3A_1777 = arith.select %gt3A_1774, %select_n3A_1726, %select_n3A_1776 : vector<16xi1>, vector<16xf32>
      %select_n3A_1778 = arith.select %gt3A_1775, %broadcast_in_dim3A_1742, %select_n3A_1725 : vector<16xi1>, vector<16xi32>
      %select_n3A_1779 = arith.select %gt3A_1774, %select_n3A_1727, %select_n3A_1778 : vector<16xi1>, vector<16xi32>
      %select_n3A_1780 = arith.select %gt3A_1774, %get3A_1773, %select_n3A_1726 : vector<16xi1>, vector<16xf32>
      %select_n3A_1781 = arith.select %gt3A_1774, %broadcast_in_dim3A_1742, %select_n3A_1727 : vector<16xi1>, vector<16xi32>
      %get3A_1782 = arith.constant 32 : i32
      %get3A_1783 = arith.index_cast %get3A_1782 : i32 to index
      %get3A_1784 = arith.index_cast %add3A_26 : i32 to index
      %get3A_1785 = tpu.vector_load %arg7[%get3A_1783, %get3A_1784] {strides = array<i32>} : memref<64x256xf32, #tpu.memory_space<vmem>>, vector<1x16xf32>,
      %get3A_1786 = vector.shape_cast %get3A_1785 : vector<1x16xf32> to vector<16xf32>
      %gt3A_1787 = arith.cmpf ogt, %get3A_1786, %select_n3A_1739 : vector<16xf32>
      %gt3A_1788 = arith.cmpf ogt, %get3A_1786, %select_n3A_1736 : vector<16xf32>
      %select_n3A_1789 = arith.select %gt3A_1788, %get3A_1786, %select_n3A_1736 : vector<16xi1>, vector<16xf32>
      %select_n3A_1790 = arith.select %gt3A_1787, %select_n3A_1739, %select_n3A_1789 : vector<16xi1>, vector<16xf32>
      %select_n3A_1791 = arith.select %gt3A_1788, %broadcast_in_dim3A_1742, %select_n3A_1738 : vector<16xi1>, vector<16xi32>
      %select_n3A_1792 = arith.select %gt3A_1787, %select_n3A_1740, %select_n3A_1791 : vector<16xi1>, vector<16xi32>
      %select_n3A_1793 = arith.select %gt3A_1787, %get3A_1786, %select_n3A_1739 : vector<16xi1>, vector<16xf32>
      %select_n3A_1794 = arith.select %gt3A_1787, %broadcast_in_dim3A_1742, %select_n3A_1740 : vector<16xi1>, vector<16xi32>
      %broadcast_in_dim3A_1795 = arith.constant 33 : i32
      %broadcast_in_dim3A_1796 = vector.broadcast %broadcast_in_dim3A_1795 : i32 to vector<16xi32>
      %get3A_1797 = arith.constant 33 : i32
      %get3A_1798 = arith.index_cast %get3A_1797 : i32 to index
      %get3A_1799 = arith.index_cast %add3A_14 : i32 to index
      %get3A_1800 = tpu.vector_load %arg7[%get3A_1798, %get3A_1799] {strides = array<i32>} : memref<64x256xf32, #tpu.memory_space<vmem>>, vector<1x16xf32>,
      %get3A_1801 = vector.shape_cast %get3A_1800 : vector<1x16xf32> to vector<16xf32>
      %gt3A_1802 = arith.cmpf ogt, %get3A_1801, %select_n3A_1754 : vector<16xf32>
      %gt3A_1803 = arith.cmpf ogt, %get3A_1801, %select_n3A_1751 : vector<16xf32>
      %select_n3A_1804 = arith.select %gt3A_1803, %get3A_1801, %select_n3A_1751 : vector<16xi1>, vector<16xf32>
      %select_n3A_1805 = arith.select %gt3A_1802, %select_n3A_1754, %select_n3A_1804 : vector<16xi1>, vector<16xf32>
      %select_n3A_1806 = arith.select %gt3A_1803, %broadcast_in_dim3A_1796, %select_n3A_1753 : vector<16xi1>, vector<16xi32>
      %select_n3A_1807 = arith.select %gt3A_1802, %select_n3A_1755, %select_n3A_1806 : vector<16xi1>, vector<16xi32>
      %select_n3A_1808 = arith.select %gt3A_1802, %get3A_1801, %select_n3A_1754 : vector<16xi1>, vector<16xf32>
      %select_n3A_1809 = arith.select %gt3A_1802, %broadcast_in_dim3A_1796, %select_n3A_1755 : vector<16xi1>, vector<16xi32>
      %get3A_1810 = arith.constant 33 : i32
      %get3A_1811 = arith.index_cast %get3A_1810 : i32 to index
      %get3A_1812 = arith.index_cast %add3A_18 : i32 to index
      %get3A_1813 = tpu.vector_load %arg7[%get3A_1811, %get3A_1812] {strides = array<i32>} : memref<64x256xf32, #tpu.memory_space<vmem>>, vector<1x16xf32>,
      %get3A_1814 = vector.shape_cast %get3A_1813 : vector<1x16xf32> to vector<16xf32>
      %gt3A_1815 = arith.cmpf ogt, %get3A_1814, %select_n3A_1767 : vector<16xf32>
      %gt3A_1816 = arith.cmpf ogt, %get3A_1814, %select_n3A_1764 : vector<16xf32>
      %select_n3A_1817 = arith.select %gt3A_1816, %get3A_1814, %select_n3A_1764 : vector<16xi1>, vector<16xf32>
      %select_n3A_1818 = arith.select %gt3A_1815, %select_n3A_1767, %select_n3A_1817 : vector<16xi1>, vector<16xf32>
      %select_n3A_1819 = arith.select %gt3A_1816, %broadcast_in_dim3A_1796, %select_n3A_1766 : vector<16xi1>, vector<16xi32>
      %select_n3A_1820 = arith.select %gt3A_1815, %select_n3A_1768, %select_n3A_1819 : vector<16xi1>, vector<16xi32>
      %select_n3A_1821 = arith.select %gt3A_1815, %get3A_1814, %select_n3A_1767 : vector<16xi1>, vector<16xf32>
      %select_n3A_1822 = arith.select %gt3A_1815, %broadcast_in_dim3A_1796, %select_n3A_1768 : vector<16xi1>, vector<16xi32>
      %get3A_1823 = arith.constant 33 : i32
      %get3A_1824 = arith.index_cast %get3A_1823 : i32 to index
      %get3A_1825 = arith.index_cast %add3A_22 : i32 to index
      %get3A_1826 = tpu.vector_load %arg7[%get3A_1824, %get3A_1825] {strides = array<i32>} : memref<64x256xf32, #tpu.memory_space<vmem>>, vector<1x16xf32>,
      %get3A_1827 = vector.shape_cast %get3A_1826 : vector<1x16xf32> to vector<16xf32>
      %gt3A_1828 = arith.cmpf ogt, %get3A_1827, %select_n3A_1780 : vector<16xf32>
      %gt3A_1829 = arith.cmpf ogt, %get3A_1827, %select_n3A_1777 : vector<16xf32>
      %select_n3A_1830 = arith.select %gt3A_1829, %get3A_1827, %select_n3A_1777 : vector<16xi1>, vector<16xf32>
      %select_n3A_1831 = arith.select %gt3A_1828, %select_n3A_1780, %select_n3A_1830 : vector<16xi1>, vector<16xf32>
      %select_n3A_1832 = arith.select %gt3A_1829, %broadcast_in_dim3A_1796, %select_n3A_1779 : vector<16xi1>, vector<16xi32>
      %select_n3A_1833 = arith.select %gt3A_1828, %select_n3A_1781, %select_n3A_1832 : vector<16xi1>, vector<16xi32>
      %select_n3A_1834 = arith.select %gt3A_1828, %get3A_1827, %select_n3A_1780 : vector<16xi1>, vector<16xf32>
      %select_n3A_1835 = arith.select %gt3A_1828, %broadcast_in_dim3A_1796, %select_n3A_1781 : vector<16xi1>, vector<16xi32>
      %get3A_1836 = arith.constant 33 : i32
      %get3A_1837 = arith.index_cast %get3A_1836 : i32 to index
      %get3A_1838 = arith.index_cast %add3A_26 : i32 to index
      %get3A_1839 = tpu.vector_load %arg7[%get3A_1837, %get3A_1838] {strides = array<i32>} : memref<64x256xf32, #tpu.memory_space<vmem>>, vector<1x16xf32>,
      %get3A_1840 = vector.shape_cast %get3A_1839 : vector<1x16xf32> to vector<16xf32>
      %gt3A_1841 = arith.cmpf ogt, %get3A_1840, %select_n3A_1793 : vector<16xf32>
      %gt3A_1842 = arith.cmpf ogt, %get3A_1840, %select_n3A_1790 : vector<16xf32>
      %select_n3A_1843 = arith.select %gt3A_1842, %get3A_1840, %select_n3A_1790 : vector<16xi1>, vector<16xf32>
      %select_n3A_1844 = arith.select %gt3A_1841, %select_n3A_1793, %select_n3A_1843 : vector<16xi1>, vector<16xf32>
      %select_n3A_1845 = arith.select %gt3A_1842, %broadcast_in_dim3A_1796, %select_n3A_1792 : vector<16xi1>, vector<16xi32>
      %select_n3A_1846 = arith.select %gt3A_1841, %select_n3A_1794, %select_n3A_1845 : vector<16xi1>, vector<16xi32>
      %select_n3A_1847 = arith.select %gt3A_1841, %get3A_1840, %select_n3A_1793 : vector<16xi1>, vector<16xf32>
      %select_n3A_1848 = arith.select %gt3A_1841, %broadcast_in_dim3A_1796, %select_n3A_1794 : vector<16xi1>, vector<16xi32>
      %broadcast_in_dim3A_1849 = arith.constant 34 : i32
      %broadcast_in_dim3A_1850 = vector.broadcast %broadcast_in_dim3A_1849 : i32 to vector<16xi32>
      %get3A_1851 = arith.constant 34 : i32
      %get3A_1852 = arith.index_cast %get3A_1851 : i32 to index
      %get3A_1853 = arith.index_cast %add3A_14 : i32 to index
      %get3A_1854 = tpu.vector_load %arg7[%get3A_1852, %get3A_1853] {strides = array<i32>} : memref<64x256xf32, #tpu.memory_space<vmem>>, vector<1x16xf32>,
      %get3A_1855 = vector.shape_cast %get3A_1854 : vector<1x16xf32> to vector<16xf32>
      %gt3A_1856 = arith.cmpf ogt, %get3A_1855, %select_n3A_1808 : vector<16xf32>
      %gt3A_1857 = arith.cmpf ogt, %get3A_1855, %select_n3A_1805 : vector<16xf32>
      %select_n3A_1858 = arith.select %gt3A_1857, %get3A_1855, %select_n3A_1805 : vector<16xi1>, vector<16xf32>
      %select_n3A_1859 = arith.select %gt3A_1856, %select_n3A_1808, %select_n3A_1858 : vector<16xi1>, vector<16xf32>
      %select_n3A_1860 = arith.select %gt3A_1857, %broadcast_in_dim3A_1850, %select_n3A_1807 : vector<16xi1>, vector<16xi32>
      %select_n3A_1861 = arith.select %gt3A_1856, %select_n3A_1809, %select_n3A_1860 : vector<16xi1>, vector<16xi32>
      %select_n3A_1862 = arith.select %gt3A_1856, %get3A_1855, %select_n3A_1808 : vector<16xi1>, vector<16xf32>
      %select_n3A_1863 = arith.select %gt3A_1856, %broadcast_in_dim3A_1850, %select_n3A_1809 : vector<16xi1>, vector<16xi32>
      %get3A_1864 = arith.constant 34 : i32
      %get3A_1865 = arith.index_cast %get3A_1864 : i32 to index
      %get3A_1866 = arith.index_cast %add3A_18 : i32 to index
      %get3A_1867 = tpu.vector_load %arg7[%get3A_1865, %get3A_1866] {strides = array<i32>} : memref<64x256xf32, #tpu.memory_space<vmem>>, vector<1x16xf32>,
      %get3A_1868 = vector.shape_cast %get3A_1867 : vector<1x16xf32> to vector<16xf32>
      %gt3A_1869 = arith.cmpf ogt, %get3A_1868, %select_n3A_1821 : vector<16xf32>
      %gt3A_1870 = arith.cmpf ogt, %get3A_1868, %select_n3A_1818 : vector<16xf32>
      %select_n3A_1871 = arith.select %gt3A_1870, %get3A_1868, %select_n3A_1818 : vector<16xi1>, vector<16xf32>
      %select_n3A_1872 = arith.select %gt3A_1869, %select_n3A_1821, %select_n3A_1871 : vector<16xi1>, vector<16xf32>
      %select_n3A_1873 = arith.select %gt3A_1870, %broadcast_in_dim3A_1850, %select_n3A_1820 : vector<16xi1>, vector<16xi32>
      %select_n3A_1874 = arith.select %gt3A_1869, %select_n3A_1822, %select_n3A_1873 : vector<16xi1>, vector<16xi32>
      %select_n3A_1875 = arith.select %gt3A_1869, %get3A_1868, %select_n3A_1821 : vector<16xi1>, vector<16xf32>
      %select_n3A_1876 = arith.select %gt3A_1869, %broadcast_in_dim3A_1850, %select_n3A_1822 : vector<16xi1>, vector<16xi32>
      %get3A_1877 = arith.constant 34 : i32
      %get3A_1878 = arith.index_cast %get3A_1877 : i32 to index
      %get3A_1879 = arith.index_cast %add3A_22 : i32 to index
      %get3A_1880 = tpu.vector_load %arg7[%get3A_1878, %get3A_1879] {strides = array<i32>} : memref<64x256xf32, #tpu.memory_space<vmem>>, vector<1x16xf32>,
      %get3A_1881 = vector.shape_cast %get3A_1880 : vector<1x16xf32> to vector<16xf32>
      %gt3A_1882 = arith.cmpf ogt, %get3A_1881, %select_n3A_1834 : vector<16xf32>
      %gt3A_1883 = arith.cmpf ogt, %get3A_1881, %select_n3A_1831 : vector<16xf32>
      %select_n3A_1884 = arith.select %gt3A_1883, %get3A_1881, %select_n3A_1831 : vector<16xi1>, vector<16xf32>
      %select_n3A_1885 = arith.select %gt3A_1882, %select_n3A_1834, %select_n3A_1884 : vector<16xi1>, vector<16xf32>
      %select_n3A_1886 = arith.select %gt3A_1883, %broadcast_in_dim3A_1850, %select_n3A_1833 : vector<16xi1>, vector<16xi32>
      %select_n3A_1887 = arith.select %gt3A_1882, %select_n3A_1835, %select_n3A_1886 : vector<16xi1>, vector<16xi32>
      %select_n3A_1888 = arith.select %gt3A_1882, %get3A_1881, %select_n3A_1834 : vector<16xi1>, vector<16xf32>
      %select_n3A_1889 = arith.select %gt3A_1882, %broadcast_in_dim3A_1850, %select_n3A_1835 : vector<16xi1>, vector<16xi32>
      %get3A_1890 = arith.constant 34 : i32
      %get3A_1891 = arith.index_cast %get3A_1890 : i32 to index
      %get3A_1892 = arith.index_cast %add3A_26 : i32 to index
      %get3A_1893 = tpu.vector_load %arg7[%get3A_1891, %get3A_1892] {strides = array<i32>} : memref<64x256xf32, #tpu.memory_space<vmem>>, vector<1x16xf32>,
      %get3A_1894 = vector.shape_cast %get3A_1893 : vector<1x16xf32> to vector<16xf32>
      %gt3A_1895 = arith.cmpf ogt, %get3A_1894, %select_n3A_1847 : vector<16xf32>
      %gt3A_1896 = arith.cmpf ogt, %get3A_1894, %select_n3A_1844 : vector<16xf32>
      %select_n3A_1897 = arith.select %gt3A_1896, %get3A_1894, %select_n3A_1844 : vector<16xi1>, vector<16xf32>
      %select_n3A_1898 = arith.select %gt3A_1895, %select_n3A_1847, %select_n3A_1897 : vector<16xi1>, vector<16xf32>
      %select_n3A_1899 = arith.select %gt3A_1896, %broadcast_in_dim3A_1850, %select_n3A_1846 : vector<16xi1>, vector<16xi32>
      %select_n3A_1900 = arith.select %gt3A_1895, %select_n3A_1848, %select_n3A_1899 : vector<16xi1>, vector<16xi32>
      %select_n3A_1901 = arith.select %gt3A_1895, %get3A_1894, %select_n3A_1847 : vector<16xi1>, vector<16xf32>
      %select_n3A_1902 = arith.select %gt3A_1895, %broadcast_in_dim3A_1850, %select_n3A_1848 : vector<16xi1>, vector<16xi32>
      %broadcast_in_dim3A_1903 = arith.constant 35 : i32
      %broadcast_in_dim3A_1904 = vector.broadcast %broadcast_in_dim3A_1903 : i32 to vector<16xi32>
      %get3A_1905 = arith.constant 35 : i32
      %get3A_1906 = arith.index_cast %get3A_1905 : i32 to index
      %get3A_1907 = arith.index_cast %add3A_14 : i32 to index
      %get3A_1908 = tpu.vector_load %arg7[%get3A_1906, %get3A_1907] {strides = array<i32>} : memref<64x256xf32, #tpu.memory_space<vmem>>, vector<1x16xf32>,
      %get3A_1909 = vector.shape_cast %get3A_1908 : vector<1x16xf32> to vector<16xf32>
      %gt3A_1910 = arith.cmpf ogt, %get3A_1909, %select_n3A_1862 : vector<16xf32>
      %gt3A_1911 = arith.cmpf ogt, %get3A_1909, %select_n3A_1859 : vector<16xf32>
      %select_n3A_1912 = arith.select %gt3A_1911, %get3A_1909, %select_n3A_1859 : vector<16xi1>, vector<16xf32>
      %select_n3A_1913 = arith.select %gt3A_1910, %select_n3A_1862, %select_n3A_1912 : vector<16xi1>, vector<16xf32>
      %select_n3A_1914 = arith.select %gt3A_1911, %broadcast_in_dim3A_1904, %select_n3A_1861 : vector<16xi1>, vector<16xi32>
      %select_n3A_1915 = arith.select %gt3A_1910, %select_n3A_1863, %select_n3A_1914 : vector<16xi1>, vector<16xi32>
      %select_n3A_1916 = arith.select %gt3A_1910, %get3A_1909, %select_n3A_1862 : vector<16xi1>, vector<16xf32>
      %select_n3A_1917 = arith.select %gt3A_1910, %broadcast_in_dim3A_1904, %select_n3A_1863 : vector<16xi1>, vector<16xi32>
      %get3A_1918 = arith.constant 35 : i32
      %get3A_1919 = arith.index_cast %get3A_1918 : i32 to index
      %get3A_1920 = arith.index_cast %add3A_18 : i32 to index
      %get3A_1921 = tpu.vector_load %arg7[%get3A_1919, %get3A_1920] {strides = array<i32>} : memref<64x256xf32, #tpu.memory_space<vmem>>, vector<1x16xf32>,
      %get3A_1922 = vector.shape_cast %get3A_1921 : vector<1x16xf32> to vector<16xf32>
      %gt3A_1923 = arith.cmpf ogt, %get3A_1922, %select_n3A_1875 : vector<16xf32>
      %gt3A_1924 = arith.cmpf ogt, %get3A_1922, %select_n3A_1872 : vector<16xf32>
      %select_n3A_1925 = arith.select %gt3A_1924, %get3A_1922, %select_n3A_1872 : vector<16xi1>, vector<16xf32>
      %select_n3A_1926 = arith.select %gt3A_1923, %select_n3A_1875, %select_n3A_1925 : vector<16xi1>, vector<16xf32>
      %select_n3A_1927 = arith.select %gt3A_1924, %broadcast_in_dim3A_1904, %select_n3A_1874 : vector<16xi1>, vector<16xi32>
      %select_n3A_1928 = arith.select %gt3A_1923, %select_n3A_1876, %select_n3A_1927 : vector<16xi1>, vector<16xi32>
      %select_n3A_1929 = arith.select %gt3A_1923, %get3A_1922, %select_n3A_1875 : vector<16xi1>, vector<16xf32>
      %select_n3A_1930 = arith.select %gt3A_1923, %broadcast_in_dim3A_1904, %select_n3A_1876 : vector<16xi1>, vector<16xi32>
      %get3A_1931 = arith.constant 35 : i32
      %get3A_1932 = arith.index_cast %get3A_1931 : i32 to index
      %get3A_1933 = arith.index_cast %add3A_22 : i32 to index
      %get3A_1934 = tpu.vector_load %arg7[%get3A_1932, %get3A_1933] {strides = array<i32>} : memref<64x256xf32, #tpu.memory_space<vmem>>, vector<1x16xf32>,
      %get3A_1935 = vector.shape_cast %get3A_1934 : vector<1x16xf32> to vector<16xf32>
      %gt3A_1936 = arith.cmpf ogt, %get3A_1935, %select_n3A_1888 : vector<16xf32>
      %gt3A_1937 = arith.cmpf ogt, %get3A_1935, %select_n3A_1885 : vector<16xf32>
      %select_n3A_1938 = arith.select %gt3A_1937, %get3A_1935, %select_n3A_1885 : vector<16xi1>, vector<16xf32>
      %select_n3A_1939 = arith.select %gt3A_1936, %select_n3A_1888, %select_n3A_1938 : vector<16xi1>, vector<16xf32>
      %select_n3A_1940 = arith.select %gt3A_1937, %broadcast_in_dim3A_1904, %select_n3A_1887 : vector<16xi1>, vector<16xi32>
      %select_n3A_1941 = arith.select %gt3A_1936, %select_n3A_1889, %select_n3A_1940 : vector<16xi1>, vector<16xi32>
      %select_n3A_1942 = arith.select %gt3A_1936, %get3A_1935, %select_n3A_1888 : vector<16xi1>, vector<16xf32>
      %select_n3A_1943 = arith.select %gt3A_1936, %broadcast_in_dim3A_1904, %select_n3A_1889 : vector<16xi1>, vector<16xi32>
      %get3A_1944 = arith.constant 35 : i32
      %get3A_1945 = arith.index_cast %get3A_1944 : i32 to index
      %get3A_1946 = arith.index_cast %add3A_26 : i32 to index
      %get3A_1947 = tpu.vector_load %arg7[%get3A_1945, %get3A_1946] {strides = array<i32>} : memref<64x256xf32, #tpu.memory_space<vmem>>, vector<1x16xf32>,
      %get3A_1948 = vector.shape_cast %get3A_1947 : vector<1x16xf32> to vector<16xf32>
      %gt3A_1949 = arith.cmpf ogt, %get3A_1948, %select_n3A_1901 : vector<16xf32>
      %gt3A_1950 = arith.cmpf ogt, %get3A_1948, %select_n3A_1898 : vector<16xf32>
      %select_n3A_1951 = arith.select %gt3A_1950, %get3A_1948, %select_n3A_1898 : vector<16xi1>, vector<16xf32>
      %select_n3A_1952 = arith.select %gt3A_1949, %select_n3A_1901, %select_n3A_1951 : vector<16xi1>, vector<16xf32>
      %select_n3A_1953 = arith.select %gt3A_1950, %broadcast_in_dim3A_1904, %select_n3A_1900 : vector<16xi1>, vector<16xi32>
      %select_n3A_1954 = arith.select %gt3A_1949, %select_n3A_1902, %select_n3A_1953 : vector<16xi1>, vector<16xi32>
      %select_n3A_1955 = arith.select %gt3A_1949, %get3A_1948, %select_n3A_1901 : vector<16xi1>, vector<16xf32>
      %select_n3A_1956 = arith.select %gt3A_1949, %broadcast_in_dim3A_1904, %select_n3A_1902 : vector<16xi1>, vector<16xi32>
      %broadcast_in_dim3A_1957 = arith.constant 36 : i32
      %broadcast_in_dim3A_1958 = vector.broadcast %broadcast_in_dim3A_1957 : i32 to vector<16xi32>
      %get3A_1959 = arith.constant 36 : i32
      %get3A_1960 = arith.index_cast %get3A_1959 : i32 to index
      %get3A_1961 = arith.index_cast %add3A_14 : i32 to index
      %get3A_1962 = tpu.vector_load %arg7[%get3A_1960, %get3A_1961] {strides = array<i32>} : memref<64x256xf32, #tpu.memory_space<vmem>>, vector<1x16xf32>,
      %get3A_1963 = vector.shape_cast %get3A_1962 : vector<1x16xf32> to vector<16xf32>
      %gt3A_1964 = arith.cmpf ogt, %get3A_1963, %select_n3A_1916 : vector<16xf32>
      %gt3A_1965 = arith.cmpf ogt, %get3A_1963, %select_n3A_1913 : vector<16xf32>
      %select_n3A_1966 = arith.select %gt3A_1965, %get3A_1963, %select_n3A_1913 : vector<16xi1>, vector<16xf32>
      %select_n3A_1967 = arith.select %gt3A_1964, %select_n3A_1916, %select_n3A_1966 : vector<16xi1>, vector<16xf32>
      %select_n3A_1968 = arith.select %gt3A_1965, %broadcast_in_dim3A_1958, %select_n3A_1915 : vector<16xi1>, vector<16xi32>
      %select_n3A_1969 = arith.select %gt3A_1964, %select_n3A_1917, %select_n3A_1968 : vector<16xi1>, vector<16xi32>
      %select_n3A_1970 = arith.select %gt3A_1964, %get3A_1963, %select_n3A_1916 : vector<16xi1>, vector<16xf32>
      %select_n3A_1971 = arith.select %gt3A_1964, %broadcast_in_dim3A_1958, %select_n3A_1917 : vector<16xi1>, vector<16xi32>
      %get3A_1972 = arith.constant 36 : i32
      %get3A_1973 = arith.index_cast %get3A_1972 : i32 to index
      %get3A_1974 = arith.index_cast %add3A_18 : i32 to index
      %get3A_1975 = tpu.vector_load %arg7[%get3A_1973, %get3A_1974] {strides = array<i32>} : memref<64x256xf32, #tpu.memory_space<vmem>>, vector<1x16xf32>,
      %get3A_1976 = vector.shape_cast %get3A_1975 : vector<1x16xf32> to vector<16xf32>
      %gt3A_1977 = arith.cmpf ogt, %get3A_1976, %select_n3A_1929 : vector<16xf32>
      %gt3A_1978 = arith.cmpf ogt, %get3A_1976, %select_n3A_1926 : vector<16xf32>
      %select_n3A_1979 = arith.select %gt3A_1978, %get3A_1976, %select_n3A_1926 : vector<16xi1>, vector<16xf32>
      %select_n3A_1980 = arith.select %gt3A_1977, %select_n3A_1929, %select_n3A_1979 : vector<16xi1>, vector<16xf32>
      %select_n3A_1981 = arith.select %gt3A_1978, %broadcast_in_dim3A_1958, %select_n3A_1928 : vector<16xi1>, vector<16xi32>
      %select_n3A_1982 = arith.select %gt3A_1977, %select_n3A_1930, %select_n3A_1981 : vector<16xi1>, vector<16xi32>
      %select_n3A_1983 = arith.select %gt3A_1977, %get3A_1976, %select_n3A_1929 : vector<16xi1>, vector<16xf32>
      %select_n3A_1984 = arith.select %gt3A_1977, %broadcast_in_dim3A_1958, %select_n3A_1930 : vector<16xi1>, vector<16xi32>
      %get3A_1985 = arith.constant 36 : i32
      %get3A_1986 = arith.index_cast %get3A_1985 : i32 to index
      %get3A_1987 = arith.index_cast %add3A_22 : i32 to index
      %get3A_1988 = tpu.vector_load %arg7[%get3A_1986, %get3A_1987] {strides = array<i32>} : memref<64x256xf32, #tpu.memory_space<vmem>>, vector<1x16xf32>,
      %get3A_1989 = vector.shape_cast %get3A_1988 : vector<1x16xf32> to vector<16xf32>
      %gt3A_1990 = arith.cmpf ogt, %get3A_1989, %select_n3A_1942 : vector<16xf32>
      %gt3A_1991 = arith.cmpf ogt, %get3A_1989, %select_n3A_1939 : vector<16xf32>
      %select_n3A_1992 = arith.select %gt3A_1991, %get3A_1989, %select_n3A_1939 : vector<16xi1>, vector<16xf32>
      %select_n3A_1993 = arith.select %gt3A_1990, %select_n3A_1942, %select_n3A_1992 : vector<16xi1>, vector<16xf32>
      %select_n3A_1994 = arith.select %gt3A_1991, %broadcast_in_dim3A_1958, %select_n3A_1941 : vector<16xi1>, vector<16xi32>
      %select_n3A_1995 = arith.select %gt3A_1990, %select_n3A_1943, %select_n3A_1994 : vector<16xi1>, vector<16xi32>
      %select_n3A_1996 = arith.select %gt3A_1990, %get3A_1989, %select_n3A_1942 : vector<16xi1>, vector<16xf32>
      %select_n3A_1997 = arith.select %gt3A_1990, %broadcast_in_dim3A_1958, %select_n3A_1943 : vector<16xi1>, vector<16xi32>
      %get3A_1998 = arith.constant 36 : i32
      %get3A_1999 = arith.index_cast %get3A_1998 : i32 to index
      %get3A_2000 = arith.index_cast %add3A_26 : i32 to index
      %get3A_2001 = tpu.vector_load %arg7[%get3A_1999, %get3A_2000] {strides = array<i32>} : memref<64x256xf32, #tpu.memory_space<vmem>>, vector<1x16xf32>,
      %get3A_2002 = vector.shape_cast %get3A_2001 : vector<1x16xf32> to vector<16xf32>
      %gt3A_2003 = arith.cmpf ogt, %get3A_2002, %select_n3A_1955 : vector<16xf32>
      %gt3A_2004 = arith.cmpf ogt, %get3A_2002, %select_n3A_1952 : vector<16xf32>
      %select_n3A_2005 = arith.select %gt3A_2004, %get3A_2002, %select_n3A_1952 : vector<16xi1>, vector<16xf32>
      %select_n3A_2006 = arith.select %gt3A_2003, %select_n3A_1955, %select_n3A_2005 : vector<16xi1>, vector<16xf32>
      %select_n3A_2007 = arith.select %gt3A_2004, %broadcast_in_dim3A_1958, %select_n3A_1954 : vector<16xi1>, vector<16xi32>
      %select_n3A_2008 = arith.select %gt3A_2003, %select_n3A_1956, %select_n3A_2007 : vector<16xi1>, vector<16xi32>
      %select_n3A_2009 = arith.select %gt3A_2003, %get3A_2002, %select_n3A_1955 : vector<16xi1>, vector<16xf32>
      %select_n3A_2010 = arith.select %gt3A_2003, %broadcast_in_dim3A_1958, %select_n3A_1956 : vector<16xi1>, vector<16xi32>
      %broadcast_in_dim3A_2011 = arith.constant 37 : i32
      %broadcast_in_dim3A_2012 = vector.broadcast %broadcast_in_dim3A_2011 : i32 to vector<16xi32>
      %get3A_2013 = arith.constant 37 : i32
      %get3A_2014 = arith.index_cast %get3A_2013 : i32 to index
      %get3A_2015 = arith.index_cast %add3A_14 : i32 to index
      %get3A_2016 = tpu.vector_load %arg7[%get3A_2014, %get3A_2015] {strides = array<i32>} : memref<64x256xf32, #tpu.memory_space<vmem>>, vector<1x16xf32>,
      %get3A_2017 = vector.shape_cast %get3A_2016 : vector<1x16xf32> to vector<16xf32>
      %gt3A_2018 = arith.cmpf ogt, %get3A_2017, %select_n3A_1970 : vector<16xf32>
      %gt3A_2019 = arith.cmpf ogt, %get3A_2017, %select_n3A_1967 : vector<16xf32>
      %select_n3A_2020 = arith.select %gt3A_2019, %get3A_2017, %select_n3A_1967 : vector<16xi1>, vector<16xf32>
      %select_n3A_2021 = arith.select %gt3A_2018, %select_n3A_1970, %select_n3A_2020 : vector<16xi1>, vector<16xf32>
      %select_n3A_2022 = arith.select %gt3A_2019, %broadcast_in_dim3A_2012, %select_n3A_1969 : vector<16xi1>, vector<16xi32>
      %select_n3A_2023 = arith.select %gt3A_2018, %select_n3A_1971, %select_n3A_2022 : vector<16xi1>, vector<16xi32>
      %select_n3A_2024 = arith.select %gt3A_2018, %get3A_2017, %select_n3A_1970 : vector<16xi1>, vector<16xf32>
      %select_n3A_2025 = arith.select %gt3A_2018, %broadcast_in_dim3A_2012, %select_n3A_1971 : vector<16xi1>, vector<16xi32>
      %get3A_2026 = arith.constant 37 : i32
      %get3A_2027 = arith.index_cast %get3A_2026 : i32 to index
      %get3A_2028 = arith.index_cast %add3A_18 : i32 to index
      %get3A_2029 = tpu.vector_load %arg7[%get3A_2027, %get3A_2028] {strides = array<i32>} : memref<64x256xf32, #tpu.memory_space<vmem>>, vector<1x16xf32>,
      %get3A_2030 = vector.shape_cast %get3A_2029 : vector<1x16xf32> to vector<16xf32>
      %gt3A_2031 = arith.cmpf ogt, %get3A_2030, %select_n3A_1983 : vector<16xf32>
      %gt3A_2032 = arith.cmpf ogt, %get3A_2030, %select_n3A_1980 : vector<16xf32>
      %select_n3A_2033 = arith.select %gt3A_2032, %get3A_2030, %select_n3A_1980 : vector<16xi1>, vector<16xf32>
      %select_n3A_2034 = arith.select %gt3A_2031, %select_n3A_1983, %select_n3A_2033 : vector<16xi1>, vector<16xf32>
      %select_n3A_2035 = arith.select %gt3A_2032, %broadcast_in_dim3A_2012, %select_n3A_1982 : vector<16xi1>, vector<16xi32>
      %select_n3A_2036 = arith.select %gt3A_2031, %select_n3A_1984, %select_n3A_2035 : vector<16xi1>, vector<16xi32>
      %select_n3A_2037 = arith.select %gt3A_2031, %get3A_2030, %select_n3A_1983 : vector<16xi1>, vector<16xf32>
      %select_n3A_2038 = arith.select %gt3A_2031, %broadcast_in_dim3A_2012, %select_n3A_1984 : vector<16xi1>, vector<16xi32>
      %get3A_2039 = arith.constant 37 : i32
      %get3A_2040 = arith.index_cast %get3A_2039 : i32 to index
      %get3A_2041 = arith.index_cast %add3A_22 : i32 to index
      %get3A_2042 = tpu.vector_load %arg7[%get3A_2040, %get3A_2041] {strides = array<i32>} : memref<64x256xf32, #tpu.memory_space<vmem>>, vector<1x16xf32>,
      %get3A_2043 = vector.shape_cast %get3A_2042 : vector<1x16xf32> to vector<16xf32>
      %gt3A_2044 = arith.cmpf ogt, %get3A_2043, %select_n3A_1996 : vector<16xf32>
      %gt3A_2045 = arith.cmpf ogt, %get3A_2043, %select_n3A_1993 : vector<16xf32>
      %select_n3A_2046 = arith.select %gt3A_2045, %get3A_2043, %select_n3A_1993 : vector<16xi1>, vector<16xf32>
      %select_n3A_2047 = arith.select %gt3A_2044, %select_n3A_1996, %select_n3A_2046 : vector<16xi1>, vector<16xf32>
      %select_n3A_2048 = arith.select %gt3A_2045, %broadcast_in_dim3A_2012, %select_n3A_1995 : vector<16xi1>, vector<16xi32>
      %select_n3A_2049 = arith.select %gt3A_2044, %select_n3A_1997, %select_n3A_2048 : vector<16xi1>, vector<16xi32>
      %select_n3A_2050 = arith.select %gt3A_2044, %get3A_2043, %select_n3A_1996 : vector<16xi1>, vector<16xf32>
      %select_n3A_2051 = arith.select %gt3A_2044, %broadcast_in_dim3A_2012, %select_n3A_1997 : vector<16xi1>, vector<16xi32>
      %get3A_2052 = arith.constant 37 : i32
      %get3A_2053 = arith.index_cast %get3A_2052 : i32 to index
      %get3A_2054 = arith.index_cast %add3A_26 : i32 to index
      %get3A_2055 = tpu.vector_load %arg7[%get3A_2053, %get3A_2054] {strides = array<i32>} : memref<64x256xf32, #tpu.memory_space<vmem>>, vector<1x16xf32>,
      %get3A_2056 = vector.shape_cast %get3A_2055 : vector<1x16xf32> to vector<16xf32>
      %gt3A_2057 = arith.cmpf ogt, %get3A_2056, %select_n3A_2009 : vector<16xf32>
      %gt3A_2058 = arith.cmpf ogt, %get3A_2056, %select_n3A_2006 : vector<16xf32>
      %select_n3A_2059 = arith.select %gt3A_2058, %get3A_2056, %select_n3A_2006 : vector<16xi1>, vector<16xf32>
      %select_n3A_2060 = arith.select %gt3A_2057, %select_n3A_2009, %select_n3A_2059 : vector<16xi1>, vector<16xf32>
      %select_n3A_2061 = arith.select %gt3A_2058, %broadcast_in_dim3A_2012, %select_n3A_2008 : vector<16xi1>, vector<16xi32>
      %select_n3A_2062 = arith.select %gt3A_2057, %select_n3A_2010, %select_n3A_2061 : vector<16xi1>, vector<16xi32>
      %select_n3A_2063 = arith.select %gt3A_2057, %get3A_2056, %select_n3A_2009 : vector<16xi1>, vector<16xf32>
      %select_n3A_2064 = arith.select %gt3A_2057, %broadcast_in_dim3A_2012, %select_n3A_2010 : vector<16xi1>, vector<16xi32>
      %broadcast_in_dim3A_2065 = arith.constant 38 : i32
      %broadcast_in_dim3A_2066 = vector.broadcast %broadcast_in_dim3A_2065 : i32 to vector<16xi32>
      %get3A_2067 = arith.constant 38 : i32
      %get3A_2068 = arith.index_cast %get3A_2067 : i32 to index
      %get3A_2069 = arith.index_cast %add3A_14 : i32 to index
      %get3A_2070 = tpu.vector_load %arg7[%get3A_2068, %get3A_2069] {strides = array<i32>} : memref<64x256xf32, #tpu.memory_space<vmem>>, vector<1x16xf32>,
      %get3A_2071 = vector.shape_cast %get3A_2070 : vector<1x16xf32> to vector<16xf32>
      %gt3A_2072 = arith.cmpf ogt, %get3A_2071, %select_n3A_2024 : vector<16xf32>
      %gt3A_2073 = arith.cmpf ogt, %get3A_2071, %select_n3A_2021 : vector<16xf32>
      %select_n3A_2074 = arith.select %gt3A_2073, %get3A_2071, %select_n3A_2021 : vector<16xi1>, vector<16xf32>
      %select_n3A_2075 = arith.select %gt3A_2072, %select_n3A_2024, %select_n3A_2074 : vector<16xi1>, vector<16xf32>
      %select_n3A_2076 = arith.select %gt3A_2073, %broadcast_in_dim3A_2066, %select_n3A_2023 : vector<16xi1>, vector<16xi32>
      %select_n3A_2077 = arith.select %gt3A_2072, %select_n3A_2025, %select_n3A_2076 : vector<16xi1>, vector<16xi32>
      %select_n3A_2078 = arith.select %gt3A_2072, %get3A_2071, %select_n3A_2024 : vector<16xi1>, vector<16xf32>
      %select_n3A_2079 = arith.select %gt3A_2072, %broadcast_in_dim3A_2066, %select_n3A_2025 : vector<16xi1>, vector<16xi32>
      %get3A_2080 = arith.constant 38 : i32
      %get3A_2081 = arith.index_cast %get3A_2080 : i32 to index
      %get3A_2082 = arith.index_cast %add3A_18 : i32 to index
      %get3A_2083 = tpu.vector_load %arg7[%get3A_2081, %get3A_2082] {strides = array<i32>} : memref<64x256xf32, #tpu.memory_space<vmem>>, vector<1x16xf32>,
      %get3A_2084 = vector.shape_cast %get3A_2083 : vector<1x16xf32> to vector<16xf32>
      %gt3A_2085 = arith.cmpf ogt, %get3A_2084, %select_n3A_2037 : vector<16xf32>
      %gt3A_2086 = arith.cmpf ogt, %get3A_2084, %select_n3A_2034 : vector<16xf32>
      %select_n3A_2087 = arith.select %gt3A_2086, %get3A_2084, %select_n3A_2034 : vector<16xi1>, vector<16xf32>
      %select_n3A_2088 = arith.select %gt3A_2085, %select_n3A_2037, %select_n3A_2087 : vector<16xi1>, vector<16xf32>
      %select_n3A_2089 = arith.select %gt3A_2086, %broadcast_in_dim3A_2066, %select_n3A_2036 : vector<16xi1>, vector<16xi32>
      %select_n3A_2090 = arith.select %gt3A_2085, %select_n3A_2038, %select_n3A_2089 : vector<16xi1>, vector<16xi32>
      %select_n3A_2091 = arith.select %gt3A_2085, %get3A_2084, %select_n3A_2037 : vector<16xi1>, vector<16xf32>
      %select_n3A_2092 = arith.select %gt3A_2085, %broadcast_in_dim3A_2066, %select_n3A_2038 : vector<16xi1>, vector<16xi32>
      %get3A_2093 = arith.constant 38 : i32
      %get3A_2094 = arith.index_cast %get3A_2093 : i32 to index
      %get3A_2095 = arith.index_cast %add3A_22 : i32 to index
      %get3A_2096 = tpu.vector_load %arg7[%get3A_2094, %get3A_2095] {strides = array<i32>} : memref<64x256xf32, #tpu.memory_space<vmem>>, vector<1x16xf32>,
      %get3A_2097 = vector.shape_cast %get3A_2096 : vector<1x16xf32> to vector<16xf32>
      %gt3A_2098 = arith.cmpf ogt, %get3A_2097, %select_n3A_2050 : vector<16xf32>
      %gt3A_2099 = arith.cmpf ogt, %get3A_2097, %select_n3A_2047 : vector<16xf32>
      %select_n3A_2100 = arith.select %gt3A_2099, %get3A_2097, %select_n3A_2047 : vector<16xi1>, vector<16xf32>
      %select_n3A_2101 = arith.select %gt3A_2098, %select_n3A_2050, %select_n3A_2100 : vector<16xi1>, vector<16xf32>
      %select_n3A_2102 = arith.select %gt3A_2099, %broadcast_in_dim3A_2066, %select_n3A_2049 : vector<16xi1>, vector<16xi32>
      %select_n3A_2103 = arith.select %gt3A_2098, %select_n3A_2051, %select_n3A_2102 : vector<16xi1>, vector<16xi32>
      %select_n3A_2104 = arith.select %gt3A_2098, %get3A_2097, %select_n3A_2050 : vector<16xi1>, vector<16xf32>
      %select_n3A_2105 = arith.select %gt3A_2098, %broadcast_in_dim3A_2066, %select_n3A_2051 : vector<16xi1>, vector<16xi32>
      %get3A_2106 = arith.constant 38 : i32
      %get3A_2107 = arith.index_cast %get3A_2106 : i32 to index
      %get3A_2108 = arith.index_cast %add3A_26 : i32 to index
      %get3A_2109 = tpu.vector_load %arg7[%get3A_2107, %get3A_2108] {strides = array<i32>} : memref<64x256xf32, #tpu.memory_space<vmem>>, vector<1x16xf32>,
      %get3A_2110 = vector.shape_cast %get3A_2109 : vector<1x16xf32> to vector<16xf32>
      %gt3A_2111 = arith.cmpf ogt, %get3A_2110, %select_n3A_2063 : vector<16xf32>
      %gt3A_2112 = arith.cmpf ogt, %get3A_2110, %select_n3A_2060 : vector<16xf32>
      %select_n3A_2113 = arith.select %gt3A_2112, %get3A_2110, %select_n3A_2060 : vector<16xi1>, vector<16xf32>
      %select_n3A_2114 = arith.select %gt3A_2111, %select_n3A_2063, %select_n3A_2113 : vector<16xi1>, vector<16xf32>
      %select_n3A_2115 = arith.select %gt3A_2112, %broadcast_in_dim3A_2066, %select_n3A_2062 : vector<16xi1>, vector<16xi32>
      %select_n3A_2116 = arith.select %gt3A_2111, %select_n3A_2064, %select_n3A_2115 : vector<16xi1>, vector<16xi32>
      %select_n3A_2117 = arith.select %gt3A_2111, %get3A_2110, %select_n3A_2063 : vector<16xi1>, vector<16xf32>
      %select_n3A_2118 = arith.select %gt3A_2111, %broadcast_in_dim3A_2066, %select_n3A_2064 : vector<16xi1>, vector<16xi32>
      %broadcast_in_dim3A_2119 = arith.constant 39 : i32
      %broadcast_in_dim3A_2120 = vector.broadcast %broadcast_in_dim3A_2119 : i32 to vector<16xi32>
      %get3A_2121 = arith.constant 39 : i32
      %get3A_2122 = arith.index_cast %get3A_2121 : i32 to index
      %get3A_2123 = arith.index_cast %add3A_14 : i32 to index
      %get3A_2124 = tpu.vector_load %arg7[%get3A_2122, %get3A_2123] {strides = array<i32>} : memref<64x256xf32, #tpu.memory_space<vmem>>, vector<1x16xf32>,
      %get3A_2125 = vector.shape_cast %get3A_2124 : vector<1x16xf32> to vector<16xf32>
      %gt3A_2126 = arith.cmpf ogt, %get3A_2125, %select_n3A_2078 : vector<16xf32>
      %gt3A_2127 = arith.cmpf ogt, %get3A_2125, %select_n3A_2075 : vector<16xf32>
      %select_n3A_2128 = arith.select %gt3A_2127, %get3A_2125, %select_n3A_2075 : vector<16xi1>, vector<16xf32>
      %select_n3A_2129 = arith.select %gt3A_2126, %select_n3A_2078, %select_n3A_2128 : vector<16xi1>, vector<16xf32>
      %select_n3A_2130 = arith.select %gt3A_2127, %broadcast_in_dim3A_2120, %select_n3A_2077 : vector<16xi1>, vector<16xi32>
      %select_n3A_2131 = arith.select %gt3A_2126, %select_n3A_2079, %select_n3A_2130 : vector<16xi1>, vector<16xi32>
      %select_n3A_2132 = arith.select %gt3A_2126, %get3A_2125, %select_n3A_2078 : vector<16xi1>, vector<16xf32>
      %select_n3A_2133 = arith.select %gt3A_2126, %broadcast_in_dim3A_2120, %select_n3A_2079 : vector<16xi1>, vector<16xi32>
      %get3A_2134 = arith.constant 39 : i32
      %get3A_2135 = arith.index_cast %get3A_2134 : i32 to index
      %get3A_2136 = arith.index_cast %add3A_18 : i32 to index
      %get3A_2137 = tpu.vector_load %arg7[%get3A_2135, %get3A_2136] {strides = array<i32>} : memref<64x256xf32, #tpu.memory_space<vmem>>, vector<1x16xf32>,
      %get3A_2138 = vector.shape_cast %get3A_2137 : vector<1x16xf32> to vector<16xf32>
      %gt3A_2139 = arith.cmpf ogt, %get3A_2138, %select_n3A_2091 : vector<16xf32>
      %gt3A_2140 = arith.cmpf ogt, %get3A_2138, %select_n3A_2088 : vector<16xf32>
      %select_n3A_2141 = arith.select %gt3A_2140, %get3A_2138, %select_n3A_2088 : vector<16xi1>, vector<16xf32>
      %select_n3A_2142 = arith.select %gt3A_2139, %select_n3A_2091, %select_n3A_2141 : vector<16xi1>, vector<16xf32>
      %select_n3A_2143 = arith.select %gt3A_2140, %broadcast_in_dim3A_2120, %select_n3A_2090 : vector<16xi1>, vector<16xi32>
      %select_n3A_2144 = arith.select %gt3A_2139, %select_n3A_2092, %select_n3A_2143 : vector<16xi1>, vector<16xi32>
      %select_n3A_2145 = arith.select %gt3A_2139, %get3A_2138, %select_n3A_2091 : vector<16xi1>, vector<16xf32>
      %select_n3A_2146 = arith.select %gt3A_2139, %broadcast_in_dim3A_2120, %select_n3A_2092 : vector<16xi1>, vector<16xi32>
      %get3A_2147 = arith.constant 39 : i32
      %get3A_2148 = arith.index_cast %get3A_2147 : i32 to index
      %get3A_2149 = arith.index_cast %add3A_22 : i32 to index
      %get3A_2150 = tpu.vector_load %arg7[%get3A_2148, %get3A_2149] {strides = array<i32>} : memref<64x256xf32, #tpu.memory_space<vmem>>, vector<1x16xf32>,
      %get3A_2151 = vector.shape_cast %get3A_2150 : vector<1x16xf32> to vector<16xf32>
      %gt3A_2152 = arith.cmpf ogt, %get3A_2151, %select_n3A_2104 : vector<16xf32>
      %gt3A_2153 = arith.cmpf ogt, %get3A_2151, %select_n3A_2101 : vector<16xf32>
      %select_n3A_2154 = arith.select %gt3A_2153, %get3A_2151, %select_n3A_2101 : vector<16xi1>, vector<16xf32>
      %select_n3A_2155 = arith.select %gt3A_2152, %select_n3A_2104, %select_n3A_2154 : vector<16xi1>, vector<16xf32>
      %select_n3A_2156 = arith.select %gt3A_2153, %broadcast_in_dim3A_2120, %select_n3A_2103 : vector<16xi1>, vector<16xi32>
      %select_n3A_2157 = arith.select %gt3A_2152, %select_n3A_2105, %select_n3A_2156 : vector<16xi1>, vector<16xi32>
      %select_n3A_2158 = arith.select %gt3A_2152, %get3A_2151, %select_n3A_2104 : vector<16xi1>, vector<16xf32>
      %select_n3A_2159 = arith.select %gt3A_2152, %broadcast_in_dim3A_2120, %select_n3A_2105 : vector<16xi1>, vector<16xi32>
      %get3A_2160 = arith.constant 39 : i32
      %get3A_2161 = arith.index_cast %get3A_2160 : i32 to index
      %get3A_2162 = arith.index_cast %add3A_26 : i32 to index
      %get3A_2163 = tpu.vector_load %arg7[%get3A_2161, %get3A_2162] {strides = array<i32>} : memref<64x256xf32, #tpu.memory_space<vmem>>, vector<1x16xf32>,
      %get3A_2164 = vector.shape_cast %get3A_2163 : vector<1x16xf32> to vector<16xf32>
      %gt3A_2165 = arith.cmpf ogt, %get3A_2164, %select_n3A_2117 : vector<16xf32>
      %gt3A_2166 = arith.cmpf ogt, %get3A_2164, %select_n3A_2114 : vector<16xf32>
      %select_n3A_2167 = arith.select %gt3A_2166, %get3A_2164, %select_n3A_2114 : vector<16xi1>, vector<16xf32>
      %select_n3A_2168 = arith.select %gt3A_2165, %select_n3A_2117, %select_n3A_2167 : vector<16xi1>, vector<16xf32>
      %select_n3A_2169 = arith.select %gt3A_2166, %broadcast_in_dim3A_2120, %select_n3A_2116 : vector<16xi1>, vector<16xi32>
      %select_n3A_2170 = arith.select %gt3A_2165, %select_n3A_2118, %select_n3A_2169 : vector<16xi1>, vector<16xi32>
      %select_n3A_2171 = arith.select %gt3A_2165, %get3A_2164, %select_n3A_2117 : vector<16xi1>, vector<16xf32>
      %select_n3A_2172 = arith.select %gt3A_2165, %broadcast_in_dim3A_2120, %select_n3A_2118 : vector<16xi1>, vector<16xi32>
      %broadcast_in_dim3A_2173 = arith.constant 40 : i32
      %broadcast_in_dim3A_2174 = vector.broadcast %broadcast_in_dim3A_2173 : i32 to vector<16xi32>
      %get3A_2175 = arith.constant 40 : i32
      %get3A_2176 = arith.index_cast %get3A_2175 : i32 to index
      %get3A_2177 = arith.index_cast %add3A_14 : i32 to index
      %get3A_2178 = tpu.vector_load %arg7[%get3A_2176, %get3A_2177] {strides = array<i32>} : memref<64x256xf32, #tpu.memory_space<vmem>>, vector<1x16xf32>,
      %get3A_2179 = vector.shape_cast %get3A_2178 : vector<1x16xf32> to vector<16xf32>
      %gt3A_2180 = arith.cmpf ogt, %get3A_2179, %select_n3A_2132 : vector<16xf32>
      %gt3A_2181 = arith.cmpf ogt, %get3A_2179, %select_n3A_2129 : vector<16xf32>
      %select_n3A_2182 = arith.select %gt3A_2181, %get3A_2179, %select_n3A_2129 : vector<16xi1>, vector<16xf32>
      %select_n3A_2183 = arith.select %gt3A_2180, %select_n3A_2132, %select_n3A_2182 : vector<16xi1>, vector<16xf32>
      %select_n3A_2184 = arith.select %gt3A_2181, %broadcast_in_dim3A_2174, %select_n3A_2131 : vector<16xi1>, vector<16xi32>
      %select_n3A_2185 = arith.select %gt3A_2180, %select_n3A_2133, %select_n3A_2184 : vector<16xi1>, vector<16xi32>
      %select_n3A_2186 = arith.select %gt3A_2180, %get3A_2179, %select_n3A_2132 : vector<16xi1>, vector<16xf32>
      %select_n3A_2187 = arith.select %gt3A_2180, %broadcast_in_dim3A_2174, %select_n3A_2133 : vector<16xi1>, vector<16xi32>
      %get3A_2188 = arith.constant 40 : i32
      %get3A_2189 = arith.index_cast %get3A_2188 : i32 to index
      %get3A_2190 = arith.index_cast %add3A_18 : i32 to index
      %get3A_2191 = tpu.vector_load %arg7[%get3A_2189, %get3A_2190] {strides = array<i32>} : memref<64x256xf32, #tpu.memory_space<vmem>>, vector<1x16xf32>,
      %get3A_2192 = vector.shape_cast %get3A_2191 : vector<1x16xf32> to vector<16xf32>
      %gt3A_2193 = arith.cmpf ogt, %get3A_2192, %select_n3A_2145 : vector<16xf32>
      %gt3A_2194 = arith.cmpf ogt, %get3A_2192, %select_n3A_2142 : vector<16xf32>
      %select_n3A_2195 = arith.select %gt3A_2194, %get3A_2192, %select_n3A_2142 : vector<16xi1>, vector<16xf32>
      %select_n3A_2196 = arith.select %gt3A_2193, %select_n3A_2145, %select_n3A_2195 : vector<16xi1>, vector<16xf32>
      %select_n3A_2197 = arith.select %gt3A_2194, %broadcast_in_dim3A_2174, %select_n3A_2144 : vector<16xi1>, vector<16xi32>
      %select_n3A_2198 = arith.select %gt3A_2193, %select_n3A_2146, %select_n3A_2197 : vector<16xi1>, vector<16xi32>
      %select_n3A_2199 = arith.select %gt3A_2193, %get3A_2192, %select_n3A_2145 : vector<16xi1>, vector<16xf32>
      %select_n3A_2200 = arith.select %gt3A_2193, %broadcast_in_dim3A_2174, %select_n3A_2146 : vector<16xi1>, vector<16xi32>
      %get3A_2201 = arith.constant 40 : i32
      %get3A_2202 = arith.index_cast %get3A_2201 : i32 to index
      %get3A_2203 = arith.index_cast %add3A_22 : i32 to index
      %get3A_2204 = tpu.vector_load %arg7[%get3A_2202, %get3A_2203] {strides = array<i32>} : memref<64x256xf32, #tpu.memory_space<vmem>>, vector<1x16xf32>,
      %get3A_2205 = vector.shape_cast %get3A_2204 : vector<1x16xf32> to vector<16xf32>
      %gt3A_2206 = arith.cmpf ogt, %get3A_2205, %select_n3A_2158 : vector<16xf32>
      %gt3A_2207 = arith.cmpf ogt, %get3A_2205, %select_n3A_2155 : vector<16xf32>
      %select_n3A_2208 = arith.select %gt3A_2207, %get3A_2205, %select_n3A_2155 : vector<16xi1>, vector<16xf32>
      %select_n3A_2209 = arith.select %gt3A_2206, %select_n3A_2158, %select_n3A_2208 : vector<16xi1>, vector<16xf32>
      %select_n3A_2210 = arith.select %gt3A_2207, %broadcast_in_dim3A_2174, %select_n3A_2157 : vector<16xi1>, vector<16xi32>
      %select_n3A_2211 = arith.select %gt3A_2206, %select_n3A_2159, %select_n3A_2210 : vector<16xi1>, vector<16xi32>
      %select_n3A_2212 = arith.select %gt3A_2206, %get3A_2205, %select_n3A_2158 : vector<16xi1>, vector<16xf32>
      %select_n3A_2213 = arith.select %gt3A_2206, %broadcast_in_dim3A_2174, %select_n3A_2159 : vector<16xi1>, vector<16xi32>
      %get3A_2214 = arith.constant 40 : i32
      %get3A_2215 = arith.index_cast %get3A_2214 : i32 to index
      %get3A_2216 = arith.index_cast %add3A_26 : i32 to index
      %get3A_2217 = tpu.vector_load %arg7[%get3A_2215, %get3A_2216] {strides = array<i32>} : memref<64x256xf32, #tpu.memory_space<vmem>>, vector<1x16xf32>,
      %get3A_2218 = vector.shape_cast %get3A_2217 : vector<1x16xf32> to vector<16xf32>
      %gt3A_2219 = arith.cmpf ogt, %get3A_2218, %select_n3A_2171 : vector<16xf32>
      %gt3A_2220 = arith.cmpf ogt, %get3A_2218, %select_n3A_2168 : vector<16xf32>
      %select_n3A_2221 = arith.select %gt3A_2220, %get3A_2218, %select_n3A_2168 : vector<16xi1>, vector<16xf32>
      %select_n3A_2222 = arith.select %gt3A_2219, %select_n3A_2171, %select_n3A_2221 : vector<16xi1>, vector<16xf32>
      %select_n3A_2223 = arith.select %gt3A_2220, %broadcast_in_dim3A_2174, %select_n3A_2170 : vector<16xi1>, vector<16xi32>
      %select_n3A_2224 = arith.select %gt3A_2219, %select_n3A_2172, %select_n3A_2223 : vector<16xi1>, vector<16xi32>
      %select_n3A_2225 = arith.select %gt3A_2219, %get3A_2218, %select_n3A_2171 : vector<16xi1>, vector<16xf32>
      %select_n3A_2226 = arith.select %gt3A_2219, %broadcast_in_dim3A_2174, %select_n3A_2172 : vector<16xi1>, vector<16xi32>
      %broadcast_in_dim3A_2227 = arith.constant 41 : i32
      %broadcast_in_dim3A_2228 = vector.broadcast %broadcast_in_dim3A_2227 : i32 to vector<16xi32>
      %get3A_2229 = arith.constant 41 : i32
      %get3A_2230 = arith.index_cast %get3A_2229 : i32 to index
      %get3A_2231 = arith.index_cast %add3A_14 : i32 to index
      %get3A_2232 = tpu.vector_load %arg7[%get3A_2230, %get3A_2231] {strides = array<i32>} : memref<64x256xf32, #tpu.memory_space<vmem>>, vector<1x16xf32>,
      %get3A_2233 = vector.shape_cast %get3A_2232 : vector<1x16xf32> to vector<16xf32>
      %gt3A_2234 = arith.cmpf ogt, %get3A_2233, %select_n3A_2186 : vector<16xf32>
      %gt3A_2235 = arith.cmpf ogt, %get3A_2233, %select_n3A_2183 : vector<16xf32>
      %select_n3A_2236 = arith.select %gt3A_2235, %get3A_2233, %select_n3A_2183 : vector<16xi1>, vector<16xf32>
      %select_n3A_2237 = arith.select %gt3A_2234, %select_n3A_2186, %select_n3A_2236 : vector<16xi1>, vector<16xf32>
      %select_n3A_2238 = arith.select %gt3A_2235, %broadcast_in_dim3A_2228, %select_n3A_2185 : vector<16xi1>, vector<16xi32>
      %select_n3A_2239 = arith.select %gt3A_2234, %select_n3A_2187, %select_n3A_2238 : vector<16xi1>, vector<16xi32>
      %select_n3A_2240 = arith.select %gt3A_2234, %get3A_2233, %select_n3A_2186 : vector<16xi1>, vector<16xf32>
      %select_n3A_2241 = arith.select %gt3A_2234, %broadcast_in_dim3A_2228, %select_n3A_2187 : vector<16xi1>, vector<16xi32>
      %get3A_2242 = arith.constant 41 : i32
      %get3A_2243 = arith.index_cast %get3A_2242 : i32 to index
      %get3A_2244 = arith.index_cast %add3A_18 : i32 to index
      %get3A_2245 = tpu.vector_load %arg7[%get3A_2243, %get3A_2244] {strides = array<i32>} : memref<64x256xf32, #tpu.memory_space<vmem>>, vector<1x16xf32>,
      %get3A_2246 = vector.shape_cast %get3A_2245 : vector<1x16xf32> to vector<16xf32>
      %gt3A_2247 = arith.cmpf ogt, %get3A_2246, %select_n3A_2199 : vector<16xf32>
      %gt3A_2248 = arith.cmpf ogt, %get3A_2246, %select_n3A_2196 : vector<16xf32>
      %select_n3A_2249 = arith.select %gt3A_2248, %get3A_2246, %select_n3A_2196 : vector<16xi1>, vector<16xf32>
      %select_n3A_2250 = arith.select %gt3A_2247, %select_n3A_2199, %select_n3A_2249 : vector<16xi1>, vector<16xf32>
      %select_n3A_2251 = arith.select %gt3A_2248, %broadcast_in_dim3A_2228, %select_n3A_2198 : vector<16xi1>, vector<16xi32>
      %select_n3A_2252 = arith.select %gt3A_2247, %select_n3A_2200, %select_n3A_2251 : vector<16xi1>, vector<16xi32>
      %select_n3A_2253 = arith.select %gt3A_2247, %get3A_2246, %select_n3A_2199 : vector<16xi1>, vector<16xf32>
      %select_n3A_2254 = arith.select %gt3A_2247, %broadcast_in_dim3A_2228, %select_n3A_2200 : vector<16xi1>, vector<16xi32>
      %get3A_2255 = arith.constant 41 : i32
      %get3A_2256 = arith.index_cast %get3A_2255 : i32 to index
      %get3A_2257 = arith.index_cast %add3A_22 : i32 to index
      %get3A_2258 = tpu.vector_load %arg7[%get3A_2256, %get3A_2257] {strides = array<i32>} : memref<64x256xf32, #tpu.memory_space<vmem>>, vector<1x16xf32>,
      %get3A_2259 = vector.shape_cast %get3A_2258 : vector<1x16xf32> to vector<16xf32>
      %gt3A_2260 = arith.cmpf ogt, %get3A_2259, %select_n3A_2212 : vector<16xf32>
      %gt3A_2261 = arith.cmpf ogt, %get3A_2259, %select_n3A_2209 : vector<16xf32>
      %select_n3A_2262 = arith.select %gt3A_2261, %get3A_2259, %select_n3A_2209 : vector<16xi1>, vector<16xf32>
      %select_n3A_2263 = arith.select %gt3A_2260, %select_n3A_2212, %select_n3A_2262 : vector<16xi1>, vector<16xf32>
      %select_n3A_2264 = arith.select %gt3A_2261, %broadcast_in_dim3A_2228, %select_n3A_2211 : vector<16xi1>, vector<16xi32>
      %select_n3A_2265 = arith.select %gt3A_2260, %select_n3A_2213, %select_n3A_2264 : vector<16xi1>, vector<16xi32>
      %select_n3A_2266 = arith.select %gt3A_2260, %get3A_2259, %select_n3A_2212 : vector<16xi1>, vector<16xf32>
      %select_n3A_2267 = arith.select %gt3A_2260, %broadcast_in_dim3A_2228, %select_n3A_2213 : vector<16xi1>, vector<16xi32>
      %get3A_2268 = arith.constant 41 : i32
      %get3A_2269 = arith.index_cast %get3A_2268 : i32 to index
      %get3A_2270 = arith.index_cast %add3A_26 : i32 to index
      %get3A_2271 = tpu.vector_load %arg7[%get3A_2269, %get3A_2270] {strides = array<i32>} : memref<64x256xf32, #tpu.memory_space<vmem>>, vector<1x16xf32>,
      %get3A_2272 = vector.shape_cast %get3A_2271 : vector<1x16xf32> to vector<16xf32>
      %gt3A_2273 = arith.cmpf ogt, %get3A_2272, %select_n3A_2225 : vector<16xf32>
      %gt3A_2274 = arith.cmpf ogt, %get3A_2272, %select_n3A_2222 : vector<16xf32>
      %select_n3A_2275 = arith.select %gt3A_2274, %get3A_2272, %select_n3A_2222 : vector<16xi1>, vector<16xf32>
      %select_n3A_2276 = arith.select %gt3A_2273, %select_n3A_2225, %select_n3A_2275 : vector<16xi1>, vector<16xf32>
      %select_n3A_2277 = arith.select %gt3A_2274, %broadcast_in_dim3A_2228, %select_n3A_2224 : vector<16xi1>, vector<16xi32>
      %select_n3A_2278 = arith.select %gt3A_2273, %select_n3A_2226, %select_n3A_2277 : vector<16xi1>, vector<16xi32>
      %select_n3A_2279 = arith.select %gt3A_2273, %get3A_2272, %select_n3A_2225 : vector<16xi1>, vector<16xf32>
      %select_n3A_2280 = arith.select %gt3A_2273, %broadcast_in_dim3A_2228, %select_n3A_2226 : vector<16xi1>, vector<16xi32>
      %broadcast_in_dim3A_2281 = arith.constant 42 : i32
      %broadcast_in_dim3A_2282 = vector.broadcast %broadcast_in_dim3A_2281 : i32 to vector<16xi32>
      %get3A_2283 = arith.constant 42 : i32
      %get3A_2284 = arith.index_cast %get3A_2283 : i32 to index
      %get3A_2285 = arith.index_cast %add3A_14 : i32 to index
      %get3A_2286 = tpu.vector_load %arg7[%get3A_2284, %get3A_2285] {strides = array<i32>} : memref<64x256xf32, #tpu.memory_space<vmem>>, vector<1x16xf32>,
      %get3A_2287 = vector.shape_cast %get3A_2286 : vector<1x16xf32> to vector<16xf32>
      %gt3A_2288 = arith.cmpf ogt, %get3A_2287, %select_n3A_2240 : vector<16xf32>
      %gt3A_2289 = arith.cmpf ogt, %get3A_2287, %select_n3A_2237 : vector<16xf32>
      %select_n3A_2290 = arith.select %gt3A_2289, %get3A_2287, %select_n3A_2237 : vector<16xi1>, vector<16xf32>
      %select_n3A_2291 = arith.select %gt3A_2288, %select_n3A_2240, %select_n3A_2290 : vector<16xi1>, vector<16xf32>
      %select_n3A_2292 = arith.select %gt3A_2289, %broadcast_in_dim3A_2282, %select_n3A_2239 : vector<16xi1>, vector<16xi32>
      %select_n3A_2293 = arith.select %gt3A_2288, %select_n3A_2241, %select_n3A_2292 : vector<16xi1>, vector<16xi32>
      %select_n3A_2294 = arith.select %gt3A_2288, %get3A_2287, %select_n3A_2240 : vector<16xi1>, vector<16xf32>
      %select_n3A_2295 = arith.select %gt3A_2288, %broadcast_in_dim3A_2282, %select_n3A_2241 : vector<16xi1>, vector<16xi32>
      %get3A_2296 = arith.constant 42 : i32
      %get3A_2297 = arith.index_cast %get3A_2296 : i32 to index
      %get3A_2298 = arith.index_cast %add3A_18 : i32 to index
      %get3A_2299 = tpu.vector_load %arg7[%get3A_2297, %get3A_2298] {strides = array<i32>} : memref<64x256xf32, #tpu.memory_space<vmem>>, vector<1x16xf32>,
      %get3A_2300 = vector.shape_cast %get3A_2299 : vector<1x16xf32> to vector<16xf32>
      %gt3A_2301 = arith.cmpf ogt, %get3A_2300, %select_n3A_2253 : vector<16xf32>
      %gt3A_2302 = arith.cmpf ogt, %get3A_2300, %select_n3A_2250 : vector<16xf32>
      %select_n3A_2303 = arith.select %gt3A_2302, %get3A_2300, %select_n3A_2250 : vector<16xi1>, vector<16xf32>
      %select_n3A_2304 = arith.select %gt3A_2301, %select_n3A_2253, %select_n3A_2303 : vector<16xi1>, vector<16xf32>
      %select_n3A_2305 = arith.select %gt3A_2302, %broadcast_in_dim3A_2282, %select_n3A_2252 : vector<16xi1>, vector<16xi32>
      %select_n3A_2306 = arith.select %gt3A_2301, %select_n3A_2254, %select_n3A_2305 : vector<16xi1>, vector<16xi32>
      %select_n3A_2307 = arith.select %gt3A_2301, %get3A_2300, %select_n3A_2253 : vector<16xi1>, vector<16xf32>
      %select_n3A_2308 = arith.select %gt3A_2301, %broadcast_in_dim3A_2282, %select_n3A_2254 : vector<16xi1>, vector<16xi32>
      %get3A_2309 = arith.constant 42 : i32
      %get3A_2310 = arith.index_cast %get3A_2309 : i32 to index
      %get3A_2311 = arith.index_cast %add3A_22 : i32 to index
      %get3A_2312 = tpu.vector_load %arg7[%get3A_2310, %get3A_2311] {strides = array<i32>} : memref<64x256xf32, #tpu.memory_space<vmem>>, vector<1x16xf32>,
      %get3A_2313 = vector.shape_cast %get3A_2312 : vector<1x16xf32> to vector<16xf32>
      %gt3A_2314 = arith.cmpf ogt, %get3A_2313, %select_n3A_2266 : vector<16xf32>
      %gt3A_2315 = arith.cmpf ogt, %get3A_2313, %select_n3A_2263 : vector<16xf32>
      %select_n3A_2316 = arith.select %gt3A_2315, %get3A_2313, %select_n3A_2263 : vector<16xi1>, vector<16xf32>
      %select_n3A_2317 = arith.select %gt3A_2314, %select_n3A_2266, %select_n3A_2316 : vector<16xi1>, vector<16xf32>
      %select_n3A_2318 = arith.select %gt3A_2315, %broadcast_in_dim3A_2282, %select_n3A_2265 : vector<16xi1>, vector<16xi32>
      %select_n3A_2319 = arith.select %gt3A_2314, %select_n3A_2267, %select_n3A_2318 : vector<16xi1>, vector<16xi32>
      %select_n3A_2320 = arith.select %gt3A_2314, %get3A_2313, %select_n3A_2266 : vector<16xi1>, vector<16xf32>
      %select_n3A_2321 = arith.select %gt3A_2314, %broadcast_in_dim3A_2282, %select_n3A_2267 : vector<16xi1>, vector<16xi32>
      %get3A_2322 = arith.constant 42 : i32
      %get3A_2323 = arith.index_cast %get3A_2322 : i32 to index
      %get3A_2324 = arith.index_cast %add3A_26 : i32 to index
      %get3A_2325 = tpu.vector_load %arg7[%get3A_2323, %get3A_2324] {strides = array<i32>} : memref<64x256xf32, #tpu.memory_space<vmem>>, vector<1x16xf32>,
      %get3A_2326 = vector.shape_cast %get3A_2325 : vector<1x16xf32> to vector<16xf32>
      %gt3A_2327 = arith.cmpf ogt, %get3A_2326, %select_n3A_2279 : vector<16xf32>
      %gt3A_2328 = arith.cmpf ogt, %get3A_2326, %select_n3A_2276 : vector<16xf32>
      %select_n3A_2329 = arith.select %gt3A_2328, %get3A_2326, %select_n3A_2276 : vector<16xi1>, vector<16xf32>
      %select_n3A_2330 = arith.select %gt3A_2327, %select_n3A_2279, %select_n3A_2329 : vector<16xi1>, vector<16xf32>
      %select_n3A_2331 = arith.select %gt3A_2328, %broadcast_in_dim3A_2282, %select_n3A_2278 : vector<16xi1>, vector<16xi32>
      %select_n3A_2332 = arith.select %gt3A_2327, %select_n3A_2280, %select_n3A_2331 : vector<16xi1>, vector<16xi32>
      %select_n3A_2333 = arith.select %gt3A_2327, %get3A_2326, %select_n3A_2279 : vector<16xi1>, vector<16xf32>
      %select_n3A_2334 = arith.select %gt3A_2327, %broadcast_in_dim3A_2282, %select_n3A_2280 : vector<16xi1>, vector<16xi32>
      %broadcast_in_dim3A_2335 = arith.constant 43 : i32
      %broadcast_in_dim3A_2336 = vector.broadcast %broadcast_in_dim3A_2335 : i32 to vector<16xi32>
      %get3A_2337 = arith.constant 43 : i32
      %get3A_2338 = arith.index_cast %get3A_2337 : i32 to index
      %get3A_2339 = arith.index_cast %add3A_14 : i32 to index
      %get3A_2340 = tpu.vector_load %arg7[%get3A_2338, %get3A_2339] {strides = array<i32>} : memref<64x256xf32, #tpu.memory_space<vmem>>, vector<1x16xf32>,
      %get3A_2341 = vector.shape_cast %get3A_2340 : vector<1x16xf32> to vector<16xf32>
      %gt3A_2342 = arith.cmpf ogt, %get3A_2341, %select_n3A_2294 : vector<16xf32>
      %gt3A_2343 = arith.cmpf ogt, %get3A_2341, %select_n3A_2291 : vector<16xf32>
      %select_n3A_2344 = arith.select %gt3A_2343, %get3A_2341, %select_n3A_2291 : vector<16xi1>, vector<16xf32>
      %select_n3A_2345 = arith.select %gt3A_2342, %select_n3A_2294, %select_n3A_2344 : vector<16xi1>, vector<16xf32>
      %select_n3A_2346 = arith.select %gt3A_2343, %broadcast_in_dim3A_2336, %select_n3A_2293 : vector<16xi1>, vector<16xi32>
      %select_n3A_2347 = arith.select %gt3A_2342, %select_n3A_2295, %select_n3A_2346 : vector<16xi1>, vector<16xi32>
      %select_n3A_2348 = arith.select %gt3A_2342, %get3A_2341, %select_n3A_2294 : vector<16xi1>, vector<16xf32>
      %select_n3A_2349 = arith.select %gt3A_2342, %broadcast_in_dim3A_2336, %select_n3A_2295 : vector<16xi1>, vector<16xi32>
      %get3A_2350 = arith.constant 43 : i32
      %get3A_2351 = arith.index_cast %get3A_2350 : i32 to index
      %get3A_2352 = arith.index_cast %add3A_18 : i32 to index
      %get3A_2353 = tpu.vector_load %arg7[%get3A_2351, %get3A_2352] {strides = array<i32>} : memref<64x256xf32, #tpu.memory_space<vmem>>, vector<1x16xf32>,
      %get3A_2354 = vector.shape_cast %get3A_2353 : vector<1x16xf32> to vector<16xf32>
      %gt3A_2355 = arith.cmpf ogt, %get3A_2354, %select_n3A_2307 : vector<16xf32>
      %gt3A_2356 = arith.cmpf ogt, %get3A_2354, %select_n3A_2304 : vector<16xf32>
      %select_n3A_2357 = arith.select %gt3A_2356, %get3A_2354, %select_n3A_2304 : vector<16xi1>, vector<16xf32>
      %select_n3A_2358 = arith.select %gt3A_2355, %select_n3A_2307, %select_n3A_2357 : vector<16xi1>, vector<16xf32>
      %select_n3A_2359 = arith.select %gt3A_2356, %broadcast_in_dim3A_2336, %select_n3A_2306 : vector<16xi1>, vector<16xi32>
      %select_n3A_2360 = arith.select %gt3A_2355, %select_n3A_2308, %select_n3A_2359 : vector<16xi1>, vector<16xi32>
      %select_n3A_2361 = arith.select %gt3A_2355, %get3A_2354, %select_n3A_2307 : vector<16xi1>, vector<16xf32>
      %select_n3A_2362 = arith.select %gt3A_2355, %broadcast_in_dim3A_2336, %select_n3A_2308 : vector<16xi1>, vector<16xi32>
      %get3A_2363 = arith.constant 43 : i32
      %get3A_2364 = arith.index_cast %get3A_2363 : i32 to index
      %get3A_2365 = arith.index_cast %add3A_22 : i32 to index
      %get3A_2366 = tpu.vector_load %arg7[%get3A_2364, %get3A_2365] {strides = array<i32>} : memref<64x256xf32, #tpu.memory_space<vmem>>, vector<1x16xf32>,
      %get3A_2367 = vector.shape_cast %get3A_2366 : vector<1x16xf32> to vector<16xf32>
      %gt3A_2368 = arith.cmpf ogt, %get3A_2367, %select_n3A_2320 : vector<16xf32>
      %gt3A_2369 = arith.cmpf ogt, %get3A_2367, %select_n3A_2317 : vector<16xf32>
      %select_n3A_2370 = arith.select %gt3A_2369, %get3A_2367, %select_n3A_2317 : vector<16xi1>, vector<16xf32>
      %select_n3A_2371 = arith.select %gt3A_2368, %select_n3A_2320, %select_n3A_2370 : vector<16xi1>, vector<16xf32>
      %select_n3A_2372 = arith.select %gt3A_2369, %broadcast_in_dim3A_2336, %select_n3A_2319 : vector<16xi1>, vector<16xi32>
      %select_n3A_2373 = arith.select %gt3A_2368, %select_n3A_2321, %select_n3A_2372 : vector<16xi1>, vector<16xi32>
      %select_n3A_2374 = arith.select %gt3A_2368, %get3A_2367, %select_n3A_2320 : vector<16xi1>, vector<16xf32>
      %select_n3A_2375 = arith.select %gt3A_2368, %broadcast_in_dim3A_2336, %select_n3A_2321 : vector<16xi1>, vector<16xi32>
      %get3A_2376 = arith.constant 43 : i32
      %get3A_2377 = arith.index_cast %get3A_2376 : i32 to index
      %get3A_2378 = arith.index_cast %add3A_26 : i32 to index
      %get3A_2379 = tpu.vector_load %arg7[%get3A_2377, %get3A_2378] {strides = array<i32>} : memref<64x256xf32, #tpu.memory_space<vmem>>, vector<1x16xf32>,
      %get3A_2380 = vector.shape_cast %get3A_2379 : vector<1x16xf32> to vector<16xf32>
      %gt3A_2381 = arith.cmpf ogt, %get3A_2380, %select_n3A_2333 : vector<16xf32>
      %gt3A_2382 = arith.cmpf ogt, %get3A_2380, %select_n3A_2330 : vector<16xf32>
      %select_n3A_2383 = arith.select %gt3A_2382, %get3A_2380, %select_n3A_2330 : vector<16xi1>, vector<16xf32>
      %select_n3A_2384 = arith.select %gt3A_2381, %select_n3A_2333, %select_n3A_2383 : vector<16xi1>, vector<16xf32>
      %select_n3A_2385 = arith.select %gt3A_2382, %broadcast_in_dim3A_2336, %select_n3A_2332 : vector<16xi1>, vector<16xi32>
      %select_n3A_2386 = arith.select %gt3A_2381, %select_n3A_2334, %select_n3A_2385 : vector<16xi1>, vector<16xi32>
      %select_n3A_2387 = arith.select %gt3A_2381, %get3A_2380, %select_n3A_2333 : vector<16xi1>, vector<16xf32>
      %select_n3A_2388 = arith.select %gt3A_2381, %broadcast_in_dim3A_2336, %select_n3A_2334 : vector<16xi1>, vector<16xi32>
      %broadcast_in_dim3A_2389 = arith.constant 44 : i32
      %broadcast_in_dim3A_2390 = vector.broadcast %broadcast_in_dim3A_2389 : i32 to vector<16xi32>
      %get3A_2391 = arith.constant 44 : i32
      %get3A_2392 = arith.index_cast %get3A_2391 : i32 to index
      %get3A_2393 = arith.index_cast %add3A_14 : i32 to index
      %get3A_2394 = tpu.vector_load %arg7[%get3A_2392, %get3A_2393] {strides = array<i32>} : memref<64x256xf32, #tpu.memory_space<vmem>>, vector<1x16xf32>,
      %get3A_2395 = vector.shape_cast %get3A_2394 : vector<1x16xf32> to vector<16xf32>
      %gt3A_2396 = arith.cmpf ogt, %get3A_2395, %select_n3A_2348 : vector<16xf32>
      %gt3A_2397 = arith.cmpf ogt, %get3A_2395, %select_n3A_2345 : vector<16xf32>
      %select_n3A_2398 = arith.select %gt3A_2397, %get3A_2395, %select_n3A_2345 : vector<16xi1>, vector<16xf32>
      %select_n3A_2399 = arith.select %gt3A_2396, %select_n3A_2348, %select_n3A_2398 : vector<16xi1>, vector<16xf32>
      %select_n3A_2400 = arith.select %gt3A_2397, %broadcast_in_dim3A_2390, %select_n3A_2347 : vector<16xi1>, vector<16xi32>
      %select_n3A_2401 = arith.select %gt3A_2396, %select_n3A_2349, %select_n3A_2400 : vector<16xi1>, vector<16xi32>
      %select_n3A_2402 = arith.select %gt3A_2396, %get3A_2395, %select_n3A_2348 : vector<16xi1>, vector<16xf32>
      %select_n3A_2403 = arith.select %gt3A_2396, %broadcast_in_dim3A_2390, %select_n3A_2349 : vector<16xi1>, vector<16xi32>
      %get3A_2404 = arith.constant 44 : i32
      %get3A_2405 = arith.index_cast %get3A_2404 : i32 to index
      %get3A_2406 = arith.index_cast %add3A_18 : i32 to index
      %get3A_2407 = tpu.vector_load %arg7[%get3A_2405, %get3A_2406] {strides = array<i32>} : memref<64x256xf32, #tpu.memory_space<vmem>>, vector<1x16xf32>,
      %get3A_2408 = vector.shape_cast %get3A_2407 : vector<1x16xf32> to vector<16xf32>
      %gt3A_2409 = arith.cmpf ogt, %get3A_2408, %select_n3A_2361 : vector<16xf32>
      %gt3A_2410 = arith.cmpf ogt, %get3A_2408, %select_n3A_2358 : vector<16xf32>
      %select_n3A_2411 = arith.select %gt3A_2410, %get3A_2408, %select_n3A_2358 : vector<16xi1>, vector<16xf32>
      %select_n3A_2412 = arith.select %gt3A_2409, %select_n3A_2361, %select_n3A_2411 : vector<16xi1>, vector<16xf32>
      %select_n3A_2413 = arith.select %gt3A_2410, %broadcast_in_dim3A_2390, %select_n3A_2360 : vector<16xi1>, vector<16xi32>
      %select_n3A_2414 = arith.select %gt3A_2409, %select_n3A_2362, %select_n3A_2413 : vector<16xi1>, vector<16xi32>
      %select_n3A_2415 = arith.select %gt3A_2409, %get3A_2408, %select_n3A_2361 : vector<16xi1>, vector<16xf32>
      %select_n3A_2416 = arith.select %gt3A_2409, %broadcast_in_dim3A_2390, %select_n3A_2362 : vector<16xi1>, vector<16xi32>
      %get3A_2417 = arith.constant 44 : i32
      %get3A_2418 = arith.index_cast %get3A_2417 : i32 to index
      %get3A_2419 = arith.index_cast %add3A_22 : i32 to index
      %get3A_2420 = tpu.vector_load %arg7[%get3A_2418, %get3A_2419] {strides = array<i32>} : memref<64x256xf32, #tpu.memory_space<vmem>>, vector<1x16xf32>,
      %get3A_2421 = vector.shape_cast %get3A_2420 : vector<1x16xf32> to vector<16xf32>
      %gt3A_2422 = arith.cmpf ogt, %get3A_2421, %select_n3A_2374 : vector<16xf32>
      %gt3A_2423 = arith.cmpf ogt, %get3A_2421, %select_n3A_2371 : vector<16xf32>
      %select_n3A_2424 = arith.select %gt3A_2423, %get3A_2421, %select_n3A_2371 : vector<16xi1>, vector<16xf32>
      %select_n3A_2425 = arith.select %gt3A_2422, %select_n3A_2374, %select_n3A_2424 : vector<16xi1>, vector<16xf32>
      %select_n3A_2426 = arith.select %gt3A_2423, %broadcast_in_dim3A_2390, %select_n3A_2373 : vector<16xi1>, vector<16xi32>
      %select_n3A_2427 = arith.select %gt3A_2422, %select_n3A_2375, %select_n3A_2426 : vector<16xi1>, vector<16xi32>
      %select_n3A_2428 = arith.select %gt3A_2422, %get3A_2421, %select_n3A_2374 : vector<16xi1>, vector<16xf32>
      %select_n3A_2429 = arith.select %gt3A_2422, %broadcast_in_dim3A_2390, %select_n3A_2375 : vector<16xi1>, vector<16xi32>
      %get3A_2430 = arith.constant 44 : i32
      %get3A_2431 = arith.index_cast %get3A_2430 : i32 to index
      %get3A_2432 = arith.index_cast %add3A_26 : i32 to index
      %get3A_2433 = tpu.vector_load %arg7[%get3A_2431, %get3A_2432] {strides = array<i32>} : memref<64x256xf32, #tpu.memory_space<vmem>>, vector<1x16xf32>,
      %get3A_2434 = vector.shape_cast %get3A_2433 : vector<1x16xf32> to vector<16xf32>
      %gt3A_2435 = arith.cmpf ogt, %get3A_2434, %select_n3A_2387 : vector<16xf32>
      %gt3A_2436 = arith.cmpf ogt, %get3A_2434, %select_n3A_2384 : vector<16xf32>
      %select_n3A_2437 = arith.select %gt3A_2436, %get3A_2434, %select_n3A_2384 : vector<16xi1>, vector<16xf32>
      %select_n3A_2438 = arith.select %gt3A_2435, %select_n3A_2387, %select_n3A_2437 : vector<16xi1>, vector<16xf32>
      %select_n3A_2439 = arith.select %gt3A_2436, %broadcast_in_dim3A_2390, %select_n3A_2386 : vector<16xi1>, vector<16xi32>
      %select_n3A_2440 = arith.select %gt3A_2435, %select_n3A_2388, %select_n3A_2439 : vector<16xi1>, vector<16xi32>
      %select_n3A_2441 = arith.select %gt3A_2435, %get3A_2434, %select_n3A_2387 : vector<16xi1>, vector<16xf32>
      %select_n3A_2442 = arith.select %gt3A_2435, %broadcast_in_dim3A_2390, %select_n3A_2388 : vector<16xi1>, vector<16xi32>
      %broadcast_in_dim3A_2443 = arith.constant 45 : i32
      %broadcast_in_dim3A_2444 = vector.broadcast %broadcast_in_dim3A_2443 : i32 to vector<16xi32>
      %get3A_2445 = arith.constant 45 : i32
      %get3A_2446 = arith.index_cast %get3A_2445 : i32 to index
      %get3A_2447 = arith.index_cast %add3A_14 : i32 to index
      %get3A_2448 = tpu.vector_load %arg7[%get3A_2446, %get3A_2447] {strides = array<i32>} : memref<64x256xf32, #tpu.memory_space<vmem>>, vector<1x16xf32>,
      %get3A_2449 = vector.shape_cast %get3A_2448 : vector<1x16xf32> to vector<16xf32>
      %gt3A_2450 = arith.cmpf ogt, %get3A_2449, %select_n3A_2402 : vector<16xf32>
      %gt3A_2451 = arith.cmpf ogt, %get3A_2449, %select_n3A_2399 : vector<16xf32>
      %select_n3A_2452 = arith.select %gt3A_2451, %get3A_2449, %select_n3A_2399 : vector<16xi1>, vector<16xf32>
      %select_n3A_2453 = arith.select %gt3A_2450, %select_n3A_2402, %select_n3A_2452 : vector<16xi1>, vector<16xf32>
      %select_n3A_2454 = arith.select %gt3A_2451, %broadcast_in_dim3A_2444, %select_n3A_2401 : vector<16xi1>, vector<16xi32>
      %select_n3A_2455 = arith.select %gt3A_2450, %select_n3A_2403, %select_n3A_2454 : vector<16xi1>, vector<16xi32>
      %select_n3A_2456 = arith.select %gt3A_2450, %get3A_2449, %select_n3A_2402 : vector<16xi1>, vector<16xf32>
      %select_n3A_2457 = arith.select %gt3A_2450, %broadcast_in_dim3A_2444, %select_n3A_2403 : vector<16xi1>, vector<16xi32>
      %get3A_2458 = arith.constant 45 : i32
      %get3A_2459 = arith.index_cast %get3A_2458 : i32 to index
      %get3A_2460 = arith.index_cast %add3A_18 : i32 to index
      %get3A_2461 = tpu.vector_load %arg7[%get3A_2459, %get3A_2460] {strides = array<i32>} : memref<64x256xf32, #tpu.memory_space<vmem>>, vector<1x16xf32>,
      %get3A_2462 = vector.shape_cast %get3A_2461 : vector<1x16xf32> to vector<16xf32>
      %gt3A_2463 = arith.cmpf ogt, %get3A_2462, %select_n3A_2415 : vector<16xf32>
      %gt3A_2464 = arith.cmpf ogt, %get3A_2462, %select_n3A_2412 : vector<16xf32>
      %select_n3A_2465 = arith.select %gt3A_2464, %get3A_2462, %select_n3A_2412 : vector<16xi1>, vector<16xf32>
      %select_n3A_2466 = arith.select %gt3A_2463, %select_n3A_2415, %select_n3A_2465 : vector<16xi1>, vector<16xf32>
      %select_n3A_2467 = arith.select %gt3A_2464, %broadcast_in_dim3A_2444, %select_n3A_2414 : vector<16xi1>, vector<16xi32>
      %select_n3A_2468 = arith.select %gt3A_2463, %select_n3A_2416, %select_n3A_2467 : vector<16xi1>, vector<16xi32>
      %select_n3A_2469 = arith.select %gt3A_2463, %get3A_2462, %select_n3A_2415 : vector<16xi1>, vector<16xf32>
      %select_n3A_2470 = arith.select %gt3A_2463, %broadcast_in_dim3A_2444, %select_n3A_2416 : vector<16xi1>, vector<16xi32>
      %get3A_2471 = arith.constant 45 : i32
      %get3A_2472 = arith.index_cast %get3A_2471 : i32 to index
      %get3A_2473 = arith.index_cast %add3A_22 : i32 to index
      %get3A_2474 = tpu.vector_load %arg7[%get3A_2472, %get3A_2473] {strides = array<i32>} : memref<64x256xf32, #tpu.memory_space<vmem>>, vector<1x16xf32>,
      %get3A_2475 = vector.shape_cast %get3A_2474 : vector<1x16xf32> to vector<16xf32>
      %gt3A_2476 = arith.cmpf ogt, %get3A_2475, %select_n3A_2428 : vector<16xf32>
      %gt3A_2477 = arith.cmpf ogt, %get3A_2475, %select_n3A_2425 : vector<16xf32>
      %select_n3A_2478 = arith.select %gt3A_2477, %get3A_2475, %select_n3A_2425 : vector<16xi1>, vector<16xf32>
      %select_n3A_2479 = arith.select %gt3A_2476, %select_n3A_2428, %select_n3A_2478 : vector<16xi1>, vector<16xf32>
      %select_n3A_2480 = arith.select %gt3A_2477, %broadcast_in_dim3A_2444, %select_n3A_2427 : vector<16xi1>, vector<16xi32>
      %select_n3A_2481 = arith.select %gt3A_2476, %select_n3A_2429, %select_n3A_2480 : vector<16xi1>, vector<16xi32>
      %select_n3A_2482 = arith.select %gt3A_2476, %get3A_2475, %select_n3A_2428 : vector<16xi1>, vector<16xf32>
      %select_n3A_2483 = arith.select %gt3A_2476, %broadcast_in_dim3A_2444, %select_n3A_2429 : vector<16xi1>, vector<16xi32>
      %get3A_2484 = arith.constant 45 : i32
      %get3A_2485 = arith.index_cast %get3A_2484 : i32 to index
      %get3A_2486 = arith.index_cast %add3A_26 : i32 to index
      %get3A_2487 = tpu.vector_load %arg7[%get3A_2485, %get3A_2486] {strides = array<i32>} : memref<64x256xf32, #tpu.memory_space<vmem>>, vector<1x16xf32>,
      %get3A_2488 = vector.shape_cast %get3A_2487 : vector<1x16xf32> to vector<16xf32>
      %gt3A_2489 = arith.cmpf ogt, %get3A_2488, %select_n3A_2441 : vector<16xf32>
      %gt3A_2490 = arith.cmpf ogt, %get3A_2488, %select_n3A_2438 : vector<16xf32>
      %select_n3A_2491 = arith.select %gt3A_2490, %get3A_2488, %select_n3A_2438 : vector<16xi1>, vector<16xf32>
      %select_n3A_2492 = arith.select %gt3A_2489, %select_n3A_2441, %select_n3A_2491 : vector<16xi1>, vector<16xf32>
      %select_n3A_2493 = arith.select %gt3A_2490, %broadcast_in_dim3A_2444, %select_n3A_2440 : vector<16xi1>, vector<16xi32>
      %select_n3A_2494 = arith.select %gt3A_2489, %select_n3A_2442, %select_n3A_2493 : vector<16xi1>, vector<16xi32>
      %select_n3A_2495 = arith.select %gt3A_2489, %get3A_2488, %select_n3A_2441 : vector<16xi1>, vector<16xf32>
      %select_n3A_2496 = arith.select %gt3A_2489, %broadcast_in_dim3A_2444, %select_n3A_2442 : vector<16xi1>, vector<16xi32>
      %broadcast_in_dim3A_2497 = arith.constant 46 : i32
      %broadcast_in_dim3A_2498 = vector.broadcast %broadcast_in_dim3A_2497 : i32 to vector<16xi32>
      %get3A_2499 = arith.constant 46 : i32
      %get3A_2500 = arith.index_cast %get3A_2499 : i32 to index
      %get3A_2501 = arith.index_cast %add3A_14 : i32 to index
      %get3A_2502 = tpu.vector_load %arg7[%get3A_2500, %get3A_2501] {strides = array<i32>} : memref<64x256xf32, #tpu.memory_space<vmem>>, vector<1x16xf32>,
      %get3A_2503 = vector.shape_cast %get3A_2502 : vector<1x16xf32> to vector<16xf32>
      %gt3A_2504 = arith.cmpf ogt, %get3A_2503, %select_n3A_2456 : vector<16xf32>
      %gt3A_2505 = arith.cmpf ogt, %get3A_2503, %select_n3A_2453 : vector<16xf32>
      %select_n3A_2506 = arith.select %gt3A_2505, %get3A_2503, %select_n3A_2453 : vector<16xi1>, vector<16xf32>
      %select_n3A_2507 = arith.select %gt3A_2504, %select_n3A_2456, %select_n3A_2506 : vector<16xi1>, vector<16xf32>
      %select_n3A_2508 = arith.select %gt3A_2505, %broadcast_in_dim3A_2498, %select_n3A_2455 : vector<16xi1>, vector<16xi32>
      %select_n3A_2509 = arith.select %gt3A_2504, %select_n3A_2457, %select_n3A_2508 : vector<16xi1>, vector<16xi32>
      %select_n3A_2510 = arith.select %gt3A_2504, %get3A_2503, %select_n3A_2456 : vector<16xi1>, vector<16xf32>
      %select_n3A_2511 = arith.select %gt3A_2504, %broadcast_in_dim3A_2498, %select_n3A_2457 : vector<16xi1>, vector<16xi32>
      %get3A_2512 = arith.constant 46 : i32
      %get3A_2513 = arith.index_cast %get3A_2512 : i32 to index
      %get3A_2514 = arith.index_cast %add3A_18 : i32 to index
      %get3A_2515 = tpu.vector_load %arg7[%get3A_2513, %get3A_2514] {strides = array<i32>} : memref<64x256xf32, #tpu.memory_space<vmem>>, vector<1x16xf32>,
      %get3A_2516 = vector.shape_cast %get3A_2515 : vector<1x16xf32> to vector<16xf32>
      %gt3A_2517 = arith.cmpf ogt, %get3A_2516, %select_n3A_2469 : vector<16xf32>
      %gt3A_2518 = arith.cmpf ogt, %get3A_2516, %select_n3A_2466 : vector<16xf32>
      %select_n3A_2519 = arith.select %gt3A_2518, %get3A_2516, %select_n3A_2466 : vector<16xi1>, vector<16xf32>
      %select_n3A_2520 = arith.select %gt3A_2517, %select_n3A_2469, %select_n3A_2519 : vector<16xi1>, vector<16xf32>
      %select_n3A_2521 = arith.select %gt3A_2518, %broadcast_in_dim3A_2498, %select_n3A_2468 : vector<16xi1>, vector<16xi32>
      %select_n3A_2522 = arith.select %gt3A_2517, %select_n3A_2470, %select_n3A_2521 : vector<16xi1>, vector<16xi32>
      %select_n3A_2523 = arith.select %gt3A_2517, %get3A_2516, %select_n3A_2469 : vector<16xi1>, vector<16xf32>
      %select_n3A_2524 = arith.select %gt3A_2517, %broadcast_in_dim3A_2498, %select_n3A_2470 : vector<16xi1>, vector<16xi32>
      %get3A_2525 = arith.constant 46 : i32
      %get3A_2526 = arith.index_cast %get3A_2525 : i32 to index
      %get3A_2527 = arith.index_cast %add3A_22 : i32 to index
      %get3A_2528 = tpu.vector_load %arg7[%get3A_2526, %get3A_2527] {strides = array<i32>} : memref<64x256xf32, #tpu.memory_space<vmem>>, vector<1x16xf32>,
      %get3A_2529 = vector.shape_cast %get3A_2528 : vector<1x16xf32> to vector<16xf32>
      %gt3A_2530 = arith.cmpf ogt, %get3A_2529, %select_n3A_2482 : vector<16xf32>
      %gt3A_2531 = arith.cmpf ogt, %get3A_2529, %select_n3A_2479 : vector<16xf32>
      %select_n3A_2532 = arith.select %gt3A_2531, %get3A_2529, %select_n3A_2479 : vector<16xi1>, vector<16xf32>
      %select_n3A_2533 = arith.select %gt3A_2530, %select_n3A_2482, %select_n3A_2532 : vector<16xi1>, vector<16xf32>
      %select_n3A_2534 = arith.select %gt3A_2531, %broadcast_in_dim3A_2498, %select_n3A_2481 : vector<16xi1>, vector<16xi32>
      %select_n3A_2535 = arith.select %gt3A_2530, %select_n3A_2483, %select_n3A_2534 : vector<16xi1>, vector<16xi32>
      %select_n3A_2536 = arith.select %gt3A_2530, %get3A_2529, %select_n3A_2482 : vector<16xi1>, vector<16xf32>
      %select_n3A_2537 = arith.select %gt3A_2530, %broadcast_in_dim3A_2498, %select_n3A_2483 : vector<16xi1>, vector<16xi32>
      %get3A_2538 = arith.constant 46 : i32
      %get3A_2539 = arith.index_cast %get3A_2538 : i32 to index
      %get3A_2540 = arith.index_cast %add3A_26 : i32 to index
      %get3A_2541 = tpu.vector_load %arg7[%get3A_2539, %get3A_2540] {strides = array<i32>} : memref<64x256xf32, #tpu.memory_space<vmem>>, vector<1x16xf32>,
      %get3A_2542 = vector.shape_cast %get3A_2541 : vector<1x16xf32> to vector<16xf32>
      %gt3A_2543 = arith.cmpf ogt, %get3A_2542, %select_n3A_2495 : vector<16xf32>
      %gt3A_2544 = arith.cmpf ogt, %get3A_2542, %select_n3A_2492 : vector<16xf32>
      %select_n3A_2545 = arith.select %gt3A_2544, %get3A_2542, %select_n3A_2492 : vector<16xi1>, vector<16xf32>
      %select_n3A_2546 = arith.select %gt3A_2543, %select_n3A_2495, %select_n3A_2545 : vector<16xi1>, vector<16xf32>
      %select_n3A_2547 = arith.select %gt3A_2544, %broadcast_in_dim3A_2498, %select_n3A_2494 : vector<16xi1>, vector<16xi32>
      %select_n3A_2548 = arith.select %gt3A_2543, %select_n3A_2496, %select_n3A_2547 : vector<16xi1>, vector<16xi32>
      %select_n3A_2549 = arith.select %gt3A_2543, %get3A_2542, %select_n3A_2495 : vector<16xi1>, vector<16xf32>
      %select_n3A_2550 = arith.select %gt3A_2543, %broadcast_in_dim3A_2498, %select_n3A_2496 : vector<16xi1>, vector<16xi32>
      %broadcast_in_dim3A_2551 = arith.constant 47 : i32
      %broadcast_in_dim3A_2552 = vector.broadcast %broadcast_in_dim3A_2551 : i32 to vector<16xi32>
      %get3A_2553 = arith.constant 47 : i32
      %get3A_2554 = arith.index_cast %get3A_2553 : i32 to index
      %get3A_2555 = arith.index_cast %add3A_14 : i32 to index
      %get3A_2556 = tpu.vector_load %arg7[%get3A_2554, %get3A_2555] {strides = array<i32>} : memref<64x256xf32, #tpu.memory_space<vmem>>, vector<1x16xf32>,
      %get3A_2557 = vector.shape_cast %get3A_2556 : vector<1x16xf32> to vector<16xf32>
      %gt3A_2558 = arith.cmpf ogt, %get3A_2557, %select_n3A_2510 : vector<16xf32>
      %gt3A_2559 = arith.cmpf ogt, %get3A_2557, %select_n3A_2507 : vector<16xf32>
      %select_n3A_2560 = arith.select %gt3A_2559, %get3A_2557, %select_n3A_2507 : vector<16xi1>, vector<16xf32>
      %select_n3A_2561 = arith.select %gt3A_2558, %select_n3A_2510, %select_n3A_2560 : vector<16xi1>, vector<16xf32>
      %select_n3A_2562 = arith.select %gt3A_2559, %broadcast_in_dim3A_2552, %select_n3A_2509 : vector<16xi1>, vector<16xi32>
      %select_n3A_2563 = arith.select %gt3A_2558, %select_n3A_2511, %select_n3A_2562 : vector<16xi1>, vector<16xi32>
      %select_n3A_2564 = arith.select %gt3A_2558, %get3A_2557, %select_n3A_2510 : vector<16xi1>, vector<16xf32>
      %select_n3A_2565 = arith.select %gt3A_2558, %broadcast_in_dim3A_2552, %select_n3A_2511 : vector<16xi1>, vector<16xi32>
      %get3A_2566 = arith.constant 47 : i32
      %get3A_2567 = arith.index_cast %get3A_2566 : i32 to index
      %get3A_2568 = arith.index_cast %add3A_18 : i32 to index
      %get3A_2569 = tpu.vector_load %arg7[%get3A_2567, %get3A_2568] {strides = array<i32>} : memref<64x256xf32, #tpu.memory_space<vmem>>, vector<1x16xf32>,
      %get3A_2570 = vector.shape_cast %get3A_2569 : vector<1x16xf32> to vector<16xf32>
      %gt3A_2571 = arith.cmpf ogt, %get3A_2570, %select_n3A_2523 : vector<16xf32>
      %gt3A_2572 = arith.cmpf ogt, %get3A_2570, %select_n3A_2520 : vector<16xf32>
      %select_n3A_2573 = arith.select %gt3A_2572, %get3A_2570, %select_n3A_2520 : vector<16xi1>, vector<16xf32>
      %select_n3A_2574 = arith.select %gt3A_2571, %select_n3A_2523, %select_n3A_2573 : vector<16xi1>, vector<16xf32>
      %select_n3A_2575 = arith.select %gt3A_2572, %broadcast_in_dim3A_2552, %select_n3A_2522 : vector<16xi1>, vector<16xi32>
      %select_n3A_2576 = arith.select %gt3A_2571, %select_n3A_2524, %select_n3A_2575 : vector<16xi1>, vector<16xi32>
      %select_n3A_2577 = arith.select %gt3A_2571, %get3A_2570, %select_n3A_2523 : vector<16xi1>, vector<16xf32>
      %select_n3A_2578 = arith.select %gt3A_2571, %broadcast_in_dim3A_2552, %select_n3A_2524 : vector<16xi1>, vector<16xi32>
      %get3A_2579 = arith.constant 47 : i32
      %get3A_2580 = arith.index_cast %get3A_2579 : i32 to index
      %get3A_2581 = arith.index_cast %add3A_22 : i32 to index
      %get3A_2582 = tpu.vector_load %arg7[%get3A_2580, %get3A_2581] {strides = array<i32>} : memref<64x256xf32, #tpu.memory_space<vmem>>, vector<1x16xf32>,
      %get3A_2583 = vector.shape_cast %get3A_2582 : vector<1x16xf32> to vector<16xf32>
      %gt3A_2584 = arith.cmpf ogt, %get3A_2583, %select_n3A_2536 : vector<16xf32>
      %gt3A_2585 = arith.cmpf ogt, %get3A_2583, %select_n3A_2533 : vector<16xf32>
      %select_n3A_2586 = arith.select %gt3A_2585, %get3A_2583, %select_n3A_2533 : vector<16xi1>, vector<16xf32>
      %select_n3A_2587 = arith.select %gt3A_2584, %select_n3A_2536, %select_n3A_2586 : vector<16xi1>, vector<16xf32>
      %select_n3A_2588 = arith.select %gt3A_2585, %broadcast_in_dim3A_2552, %select_n3A_2535 : vector<16xi1>, vector<16xi32>
      %select_n3A_2589 = arith.select %gt3A_2584, %select_n3A_2537, %select_n3A_2588 : vector<16xi1>, vector<16xi32>
      %select_n3A_2590 = arith.select %gt3A_2584, %get3A_2583, %select_n3A_2536 : vector<16xi1>, vector<16xf32>
      %select_n3A_2591 = arith.select %gt3A_2584, %broadcast_in_dim3A_2552, %select_n3A_2537 : vector<16xi1>, vector<16xi32>
      %get3A_2592 = arith.constant 47 : i32
      %get3A_2593 = arith.index_cast %get3A_2592 : i32 to index
      %get3A_2594 = arith.index_cast %add3A_26 : i32 to index
      %get3A_2595 = tpu.vector_load %arg7[%get3A_2593, %get3A_2594] {strides = array<i32>} : memref<64x256xf32, #tpu.memory_space<vmem>>, vector<1x16xf32>,
      %get3A_2596 = vector.shape_cast %get3A_2595 : vector<1x16xf32> to vector<16xf32>
      %gt3A_2597 = arith.cmpf ogt, %get3A_2596, %select_n3A_2549 : vector<16xf32>
      %gt3A_2598 = arith.cmpf ogt, %get3A_2596, %select_n3A_2546 : vector<16xf32>
      %select_n3A_2599 = arith.select %gt3A_2598, %get3A_2596, %select_n3A_2546 : vector<16xi1>, vector<16xf32>
      %select_n3A_2600 = arith.select %gt3A_2597, %select_n3A_2549, %select_n3A_2599 : vector<16xi1>, vector<16xf32>
      %select_n3A_2601 = arith.select %gt3A_2598, %broadcast_in_dim3A_2552, %select_n3A_2548 : vector<16xi1>, vector<16xi32>
      %select_n3A_2602 = arith.select %gt3A_2597, %select_n3A_2550, %select_n3A_2601 : vector<16xi1>, vector<16xi32>
      %select_n3A_2603 = arith.select %gt3A_2597, %get3A_2596, %select_n3A_2549 : vector<16xi1>, vector<16xf32>
      %select_n3A_2604 = arith.select %gt3A_2597, %broadcast_in_dim3A_2552, %select_n3A_2550 : vector<16xi1>, vector<16xi32>
      %broadcast_in_dim3A_2605 = arith.constant 48 : i32
      %broadcast_in_dim3A_2606 = vector.broadcast %broadcast_in_dim3A_2605 : i32 to vector<16xi32>
      %get3A_2607 = arith.constant 48 : i32
      %get3A_2608 = arith.index_cast %get3A_2607 : i32 to index
      %get3A_2609 = arith.index_cast %add3A_14 : i32 to index
      %get3A_2610 = tpu.vector_load %arg7[%get3A_2608, %get3A_2609] {strides = array<i32>} : memref<64x256xf32, #tpu.memory_space<vmem>>, vector<1x16xf32>,
      %get3A_2611 = vector.shape_cast %get3A_2610 : vector<1x16xf32> to vector<16xf32>
      %gt3A_2612 = arith.cmpf ogt, %get3A_2611, %select_n3A_2564 : vector<16xf32>
      %gt3A_2613 = arith.cmpf ogt, %get3A_2611, %select_n3A_2561 : vector<16xf32>
      %select_n3A_2614 = arith.select %gt3A_2613, %get3A_2611, %select_n3A_2561 : vector<16xi1>, vector<16xf32>
      %select_n3A_2615 = arith.select %gt3A_2612, %select_n3A_2564, %select_n3A_2614 : vector<16xi1>, vector<16xf32>
      %select_n3A_2616 = arith.select %gt3A_2613, %broadcast_in_dim3A_2606, %select_n3A_2563 : vector<16xi1>, vector<16xi32>
      %select_n3A_2617 = arith.select %gt3A_2612, %select_n3A_2565, %select_n3A_2616 : vector<16xi1>, vector<16xi32>
      %select_n3A_2618 = arith.select %gt3A_2612, %get3A_2611, %select_n3A_2564 : vector<16xi1>, vector<16xf32>
      %select_n3A_2619 = arith.select %gt3A_2612, %broadcast_in_dim3A_2606, %select_n3A_2565 : vector<16xi1>, vector<16xi32>
      %get3A_2620 = arith.constant 48 : i32
      %get3A_2621 = arith.index_cast %get3A_2620 : i32 to index
      %get3A_2622 = arith.index_cast %add3A_18 : i32 to index
      %get3A_2623 = tpu.vector_load %arg7[%get3A_2621, %get3A_2622] {strides = array<i32>} : memref<64x256xf32, #tpu.memory_space<vmem>>, vector<1x16xf32>,
      %get3A_2624 = vector.shape_cast %get3A_2623 : vector<1x16xf32> to vector<16xf32>
      %gt3A_2625 = arith.cmpf ogt, %get3A_2624, %select_n3A_2577 : vector<16xf32>
      %gt3A_2626 = arith.cmpf ogt, %get3A_2624, %select_n3A_2574 : vector<16xf32>
      %select_n3A_2627 = arith.select %gt3A_2626, %get3A_2624, %select_n3A_2574 : vector<16xi1>, vector<16xf32>
      %select_n3A_2628 = arith.select %gt3A_2625, %select_n3A_2577, %select_n3A_2627 : vector<16xi1>, vector<16xf32>
      %select_n3A_2629 = arith.select %gt3A_2626, %broadcast_in_dim3A_2606, %select_n3A_2576 : vector<16xi1>, vector<16xi32>
      %select_n3A_2630 = arith.select %gt3A_2625, %select_n3A_2578, %select_n3A_2629 : vector<16xi1>, vector<16xi32>
      %select_n3A_2631 = arith.select %gt3A_2625, %get3A_2624, %select_n3A_2577 : vector<16xi1>, vector<16xf32>
      %select_n3A_2632 = arith.select %gt3A_2625, %broadcast_in_dim3A_2606, %select_n3A_2578 : vector<16xi1>, vector<16xi32>
      %get3A_2633 = arith.constant 48 : i32
      %get3A_2634 = arith.index_cast %get3A_2633 : i32 to index
      %get3A_2635 = arith.index_cast %add3A_22 : i32 to index
      %get3A_2636 = tpu.vector_load %arg7[%get3A_2634, %get3A_2635] {strides = array<i32>} : memref<64x256xf32, #tpu.memory_space<vmem>>, vector<1x16xf32>,
      %get3A_2637 = vector.shape_cast %get3A_2636 : vector<1x16xf32> to vector<16xf32>
      %gt3A_2638 = arith.cmpf ogt, %get3A_2637, %select_n3A_2590 : vector<16xf32>
      %gt3A_2639 = arith.cmpf ogt, %get3A_2637, %select_n3A_2587 : vector<16xf32>
      %select_n3A_2640 = arith.select %gt3A_2639, %get3A_2637, %select_n3A_2587 : vector<16xi1>, vector<16xf32>
      %select_n3A_2641 = arith.select %gt3A_2638, %select_n3A_2590, %select_n3A_2640 : vector<16xi1>, vector<16xf32>
      %select_n3A_2642 = arith.select %gt3A_2639, %broadcast_in_dim3A_2606, %select_n3A_2589 : vector<16xi1>, vector<16xi32>
      %select_n3A_2643 = arith.select %gt3A_2638, %select_n3A_2591, %select_n3A_2642 : vector<16xi1>, vector<16xi32>
      %select_n3A_2644 = arith.select %gt3A_2638, %get3A_2637, %select_n3A_2590 : vector<16xi1>, vector<16xf32>
      %select_n3A_2645 = arith.select %gt3A_2638, %broadcast_in_dim3A_2606, %select_n3A_2591 : vector<16xi1>, vector<16xi32>
      %get3A_2646 = arith.constant 48 : i32
      %get3A_2647 = arith.index_cast %get3A_2646 : i32 to index
      %get3A_2648 = arith.index_cast %add3A_26 : i32 to index
      %get3A_2649 = tpu.vector_load %arg7[%get3A_2647, %get3A_2648] {strides = array<i32>} : memref<64x256xf32, #tpu.memory_space<vmem>>, vector<1x16xf32>,
      %get3A_2650 = vector.shape_cast %get3A_2649 : vector<1x16xf32> to vector<16xf32>
      %gt3A_2651 = arith.cmpf ogt, %get3A_2650, %select_n3A_2603 : vector<16xf32>
      %gt3A_2652 = arith.cmpf ogt, %get3A_2650, %select_n3A_2600 : vector<16xf32>
      %select_n3A_2653 = arith.select %gt3A_2652, %get3A_2650, %select_n3A_2600 : vector<16xi1>, vector<16xf32>
      %select_n3A_2654 = arith.select %gt3A_2651, %select_n3A_2603, %select_n3A_2653 : vector<16xi1>, vector<16xf32>
      %select_n3A_2655 = arith.select %gt3A_2652, %broadcast_in_dim3A_2606, %select_n3A_2602 : vector<16xi1>, vector<16xi32>
      %select_n3A_2656 = arith.select %gt3A_2651, %select_n3A_2604, %select_n3A_2655 : vector<16xi1>, vector<16xi32>
      %select_n3A_2657 = arith.select %gt3A_2651, %get3A_2650, %select_n3A_2603 : vector<16xi1>, vector<16xf32>
      %select_n3A_2658 = arith.select %gt3A_2651, %broadcast_in_dim3A_2606, %select_n3A_2604 : vector<16xi1>, vector<16xi32>
      %broadcast_in_dim3A_2659 = arith.constant 49 : i32
      %broadcast_in_dim3A_2660 = vector.broadcast %broadcast_in_dim3A_2659 : i32 to vector<16xi32>
      %get3A_2661 = arith.constant 49 : i32
      %get3A_2662 = arith.index_cast %get3A_2661 : i32 to index
      %get3A_2663 = arith.index_cast %add3A_14 : i32 to index
      %get3A_2664 = tpu.vector_load %arg7[%get3A_2662, %get3A_2663] {strides = array<i32>} : memref<64x256xf32, #tpu.memory_space<vmem>>, vector<1x16xf32>,
      %get3A_2665 = vector.shape_cast %get3A_2664 : vector<1x16xf32> to vector<16xf32>
      %gt3A_2666 = arith.cmpf ogt, %get3A_2665, %select_n3A_2618 : vector<16xf32>
      %gt3A_2667 = arith.cmpf ogt, %get3A_2665, %select_n3A_2615 : vector<16xf32>
      %select_n3A_2668 = arith.select %gt3A_2667, %get3A_2665, %select_n3A_2615 : vector<16xi1>, vector<16xf32>
      %select_n3A_2669 = arith.select %gt3A_2666, %select_n3A_2618, %select_n3A_2668 : vector<16xi1>, vector<16xf32>
      %select_n3A_2670 = arith.select %gt3A_2667, %broadcast_in_dim3A_2660, %select_n3A_2617 : vector<16xi1>, vector<16xi32>
      %select_n3A_2671 = arith.select %gt3A_2666, %select_n3A_2619, %select_n3A_2670 : vector<16xi1>, vector<16xi32>
      %select_n3A_2672 = arith.select %gt3A_2666, %get3A_2665, %select_n3A_2618 : vector<16xi1>, vector<16xf32>
      %select_n3A_2673 = arith.select %gt3A_2666, %broadcast_in_dim3A_2660, %select_n3A_2619 : vector<16xi1>, vector<16xi32>
      %get3A_2674 = arith.constant 49 : i32
      %get3A_2675 = arith.index_cast %get3A_2674 : i32 to index
      %get3A_2676 = arith.index_cast %add3A_18 : i32 to index
      %get3A_2677 = tpu.vector_load %arg7[%get3A_2675, %get3A_2676] {strides = array<i32>} : memref<64x256xf32, #tpu.memory_space<vmem>>, vector<1x16xf32>,
      %get3A_2678 = vector.shape_cast %get3A_2677 : vector<1x16xf32> to vector<16xf32>
      %gt3A_2679 = arith.cmpf ogt, %get3A_2678, %select_n3A_2631 : vector<16xf32>
      %gt3A_2680 = arith.cmpf ogt, %get3A_2678, %select_n3A_2628 : vector<16xf32>
      %select_n3A_2681 = arith.select %gt3A_2680, %get3A_2678, %select_n3A_2628 : vector<16xi1>, vector<16xf32>
      %select_n3A_2682 = arith.select %gt3A_2679, %select_n3A_2631, %select_n3A_2681 : vector<16xi1>, vector<16xf32>
      %select_n3A_2683 = arith.select %gt3A_2680, %broadcast_in_dim3A_2660, %select_n3A_2630 : vector<16xi1>, vector<16xi32>
      %select_n3A_2684 = arith.select %gt3A_2679, %select_n3A_2632, %select_n3A_2683 : vector<16xi1>, vector<16xi32>
      %select_n3A_2685 = arith.select %gt3A_2679, %get3A_2678, %select_n3A_2631 : vector<16xi1>, vector<16xf32>
      %select_n3A_2686 = arith.select %gt3A_2679, %broadcast_in_dim3A_2660, %select_n3A_2632 : vector<16xi1>, vector<16xi32>
      %get3A_2687 = arith.constant 49 : i32
      %get3A_2688 = arith.index_cast %get3A_2687 : i32 to index
      %get3A_2689 = arith.index_cast %add3A_22 : i32 to index
      %get3A_2690 = tpu.vector_load %arg7[%get3A_2688, %get3A_2689] {strides = array<i32>} : memref<64x256xf32, #tpu.memory_space<vmem>>, vector<1x16xf32>,
      %get3A_2691 = vector.shape_cast %get3A_2690 : vector<1x16xf32> to vector<16xf32>
      %gt3A_2692 = arith.cmpf ogt, %get3A_2691, %select_n3A_2644 : vector<16xf32>
      %gt3A_2693 = arith.cmpf ogt, %get3A_2691, %select_n3A_2641 : vector<16xf32>
      %select_n3A_2694 = arith.select %gt3A_2693, %get3A_2691, %select_n3A_2641 : vector<16xi1>, vector<16xf32>
      %select_n3A_2695 = arith.select %gt3A_2692, %select_n3A_2644, %select_n3A_2694 : vector<16xi1>, vector<16xf32>
      %select_n3A_2696 = arith.select %gt3A_2693, %broadcast_in_dim3A_2660, %select_n3A_2643 : vector<16xi1>, vector<16xi32>
      %select_n3A_2697 = arith.select %gt3A_2692, %select_n3A_2645, %select_n3A_2696 : vector<16xi1>, vector<16xi32>
      %select_n3A_2698 = arith.select %gt3A_2692, %get3A_2691, %select_n3A_2644 : vector<16xi1>, vector<16xf32>
      %select_n3A_2699 = arith.select %gt3A_2692, %broadcast_in_dim3A_2660, %select_n3A_2645 : vector<16xi1>, vector<16xi32>
      %get3A_2700 = arith.constant 49 : i32
      %get3A_2701 = arith.index_cast %get3A_2700 : i32 to index
      %get3A_2702 = arith.index_cast %add3A_26 : i32 to index
      %get3A_2703 = tpu.vector_load %arg7[%get3A_2701, %get3A_2702] {strides = array<i32>} : memref<64x256xf32, #tpu.memory_space<vmem>>, vector<1x16xf32>,
      %get3A_2704 = vector.shape_cast %get3A_2703 : vector<1x16xf32> to vector<16xf32>
      %gt3A_2705 = arith.cmpf ogt, %get3A_2704, %select_n3A_2657 : vector<16xf32>
      %gt3A_2706 = arith.cmpf ogt, %get3A_2704, %select_n3A_2654 : vector<16xf32>
      %select_n3A_2707 = arith.select %gt3A_2706, %get3A_2704, %select_n3A_2654 : vector<16xi1>, vector<16xf32>
      %select_n3A_2708 = arith.select %gt3A_2705, %select_n3A_2657, %select_n3A_2707 : vector<16xi1>, vector<16xf32>
      %select_n3A_2709 = arith.select %gt3A_2706, %broadcast_in_dim3A_2660, %select_n3A_2656 : vector<16xi1>, vector<16xi32>
      %select_n3A_2710 = arith.select %gt3A_2705, %select_n3A_2658, %select_n3A_2709 : vector<16xi1>, vector<16xi32>
      %select_n3A_2711 = arith.select %gt3A_2705, %get3A_2704, %select_n3A_2657 : vector<16xi1>, vector<16xf32>
      %select_n3A_2712 = arith.select %gt3A_2705, %broadcast_in_dim3A_2660, %select_n3A_2658 : vector<16xi1>, vector<16xi32>
      %broadcast_in_dim3A_2713 = arith.constant 50 : i32
      %broadcast_in_dim3A_2714 = vector.broadcast %broadcast_in_dim3A_2713 : i32 to vector<16xi32>
      %get3A_2715 = arith.constant 50 : i32
      %get3A_2716 = arith.index_cast %get3A_2715 : i32 to index
      %get3A_2717 = arith.index_cast %add3A_14 : i32 to index
      %get3A_2718 = tpu.vector_load %arg7[%get3A_2716, %get3A_2717] {strides = array<i32>} : memref<64x256xf32, #tpu.memory_space<vmem>>, vector<1x16xf32>,
      %get3A_2719 = vector.shape_cast %get3A_2718 : vector<1x16xf32> to vector<16xf32>
      %gt3A_2720 = arith.cmpf ogt, %get3A_2719, %select_n3A_2672 : vector<16xf32>
      %gt3A_2721 = arith.cmpf ogt, %get3A_2719, %select_n3A_2669 : vector<16xf32>
      %select_n3A_2722 = arith.select %gt3A_2721, %get3A_2719, %select_n3A_2669 : vector<16xi1>, vector<16xf32>
      %select_n3A_2723 = arith.select %gt3A_2720, %select_n3A_2672, %select_n3A_2722 : vector<16xi1>, vector<16xf32>
      %select_n3A_2724 = arith.select %gt3A_2721, %broadcast_in_dim3A_2714, %select_n3A_2671 : vector<16xi1>, vector<16xi32>
      %select_n3A_2725 = arith.select %gt3A_2720, %select_n3A_2673, %select_n3A_2724 : vector<16xi1>, vector<16xi32>
      %select_n3A_2726 = arith.select %gt3A_2720, %get3A_2719, %select_n3A_2672 : vector<16xi1>, vector<16xf32>
      %select_n3A_2727 = arith.select %gt3A_2720, %broadcast_in_dim3A_2714, %select_n3A_2673 : vector<16xi1>, vector<16xi32>
      %get3A_2728 = arith.constant 50 : i32
      %get3A_2729 = arith.index_cast %get3A_2728 : i32 to index
      %get3A_2730 = arith.index_cast %add3A_18 : i32 to index
      %get3A_2731 = tpu.vector_load %arg7[%get3A_2729, %get3A_2730] {strides = array<i32>} : memref<64x256xf32, #tpu.memory_space<vmem>>, vector<1x16xf32>,
      %get3A_2732 = vector.shape_cast %get3A_2731 : vector<1x16xf32> to vector<16xf32>
      %gt3A_2733 = arith.cmpf ogt, %get3A_2732, %select_n3A_2685 : vector<16xf32>
      %gt3A_2734 = arith.cmpf ogt, %get3A_2732, %select_n3A_2682 : vector<16xf32>
      %select_n3A_2735 = arith.select %gt3A_2734, %get3A_2732, %select_n3A_2682 : vector<16xi1>, vector<16xf32>
      %select_n3A_2736 = arith.select %gt3A_2733, %select_n3A_2685, %select_n3A_2735 : vector<16xi1>, vector<16xf32>
      %select_n3A_2737 = arith.select %gt3A_2734, %broadcast_in_dim3A_2714, %select_n3A_2684 : vector<16xi1>, vector<16xi32>
      %select_n3A_2738 = arith.select %gt3A_2733, %select_n3A_2686, %select_n3A_2737 : vector<16xi1>, vector<16xi32>
      %select_n3A_2739 = arith.select %gt3A_2733, %get3A_2732, %select_n3A_2685 : vector<16xi1>, vector<16xf32>
      %select_n3A_2740 = arith.select %gt3A_2733, %broadcast_in_dim3A_2714, %select_n3A_2686 : vector<16xi1>, vector<16xi32>
      %get3A_2741 = arith.constant 50 : i32
      %get3A_2742 = arith.index_cast %get3A_2741 : i32 to index
      %get3A_2743 = arith.index_cast %add3A_22 : i32 to index
      %get3A_2744 = tpu.vector_load %arg7[%get3A_2742, %get3A_2743] {strides = array<i32>} : memref<64x256xf32, #tpu.memory_space<vmem>>, vector<1x16xf32>,
      %get3A_2745 = vector.shape_cast %get3A_2744 : vector<1x16xf32> to vector<16xf32>
      %gt3A_2746 = arith.cmpf ogt, %get3A_2745, %select_n3A_2698 : vector<16xf32>
      %gt3A_2747 = arith.cmpf ogt, %get3A_2745, %select_n3A_2695 : vector<16xf32>
      %select_n3A_2748 = arith.select %gt3A_2747, %get3A_2745, %select_n3A_2695 : vector<16xi1>, vector<16xf32>
      %select_n3A_2749 = arith.select %gt3A_2746, %select_n3A_2698, %select_n3A_2748 : vector<16xi1>, vector<16xf32>
      %select_n3A_2750 = arith.select %gt3A_2747, %broadcast_in_dim3A_2714, %select_n3A_2697 : vector<16xi1>, vector<16xi32>
      %select_n3A_2751 = arith.select %gt3A_2746, %select_n3A_2699, %select_n3A_2750 : vector<16xi1>, vector<16xi32>
      %select_n3A_2752 = arith.select %gt3A_2746, %get3A_2745, %select_n3A_2698 : vector<16xi1>, vector<16xf32>
      %select_n3A_2753 = arith.select %gt3A_2746, %broadcast_in_dim3A_2714, %select_n3A_2699 : vector<16xi1>, vector<16xi32>
      %get3A_2754 = arith.constant 50 : i32
      %get3A_2755 = arith.index_cast %get3A_2754 : i32 to index
      %get3A_2756 = arith.index_cast %add3A_26 : i32 to index
      %get3A_2757 = tpu.vector_load %arg7[%get3A_2755, %get3A_2756] {strides = array<i32>} : memref<64x256xf32, #tpu.memory_space<vmem>>, vector<1x16xf32>,
      %get3A_2758 = vector.shape_cast %get3A_2757 : vector<1x16xf32> to vector<16xf32>
      %gt3A_2759 = arith.cmpf ogt, %get3A_2758, %select_n3A_2711 : vector<16xf32>
      %gt3A_2760 = arith.cmpf ogt, %get3A_2758, %select_n3A_2708 : vector<16xf32>
      %select_n3A_2761 = arith.select %gt3A_2760, %get3A_2758, %select_n3A_2708 : vector<16xi1>, vector<16xf32>
      %select_n3A_2762 = arith.select %gt3A_2759, %select_n3A_2711, %select_n3A_2761 : vector<16xi1>, vector<16xf32>
      %select_n3A_2763 = arith.select %gt3A_2760, %broadcast_in_dim3A_2714, %select_n3A_2710 : vector<16xi1>, vector<16xi32>
      %select_n3A_2764 = arith.select %gt3A_2759, %select_n3A_2712, %select_n3A_2763 : vector<16xi1>, vector<16xi32>
      %select_n3A_2765 = arith.select %gt3A_2759, %get3A_2758, %select_n3A_2711 : vector<16xi1>, vector<16xf32>
      %select_n3A_2766 = arith.select %gt3A_2759, %broadcast_in_dim3A_2714, %select_n3A_2712 : vector<16xi1>, vector<16xi32>
      %broadcast_in_dim3A_2767 = arith.constant 51 : i32
      %broadcast_in_dim3A_2768 = vector.broadcast %broadcast_in_dim3A_2767 : i32 to vector<16xi32>
      %get3A_2769 = arith.constant 51 : i32
      %get3A_2770 = arith.index_cast %get3A_2769 : i32 to index
      %get3A_2771 = arith.index_cast %add3A_14 : i32 to index
      %get3A_2772 = tpu.vector_load %arg7[%get3A_2770, %get3A_2771] {strides = array<i32>} : memref<64x256xf32, #tpu.memory_space<vmem>>, vector<1x16xf32>,
      %get3A_2773 = vector.shape_cast %get3A_2772 : vector<1x16xf32> to vector<16xf32>
      %gt3A_2774 = arith.cmpf ogt, %get3A_2773, %select_n3A_2726 : vector<16xf32>
      %gt3A_2775 = arith.cmpf ogt, %get3A_2773, %select_n3A_2723 : vector<16xf32>
      %select_n3A_2776 = arith.select %gt3A_2775, %get3A_2773, %select_n3A_2723 : vector<16xi1>, vector<16xf32>
      %select_n3A_2777 = arith.select %gt3A_2774, %select_n3A_2726, %select_n3A_2776 : vector<16xi1>, vector<16xf32>
      %select_n3A_2778 = arith.select %gt3A_2775, %broadcast_in_dim3A_2768, %select_n3A_2725 : vector<16xi1>, vector<16xi32>
      %select_n3A_2779 = arith.select %gt3A_2774, %select_n3A_2727, %select_n3A_2778 : vector<16xi1>, vector<16xi32>
      %select_n3A_2780 = arith.select %gt3A_2774, %get3A_2773, %select_n3A_2726 : vector<16xi1>, vector<16xf32>
      %select_n3A_2781 = arith.select %gt3A_2774, %broadcast_in_dim3A_2768, %select_n3A_2727 : vector<16xi1>, vector<16xi32>
      %get3A_2782 = arith.constant 51 : i32
      %get3A_2783 = arith.index_cast %get3A_2782 : i32 to index
      %get3A_2784 = arith.index_cast %add3A_18 : i32 to index
      %get3A_2785 = tpu.vector_load %arg7[%get3A_2783, %get3A_2784] {strides = array<i32>} : memref<64x256xf32, #tpu.memory_space<vmem>>, vector<1x16xf32>,
      %get3A_2786 = vector.shape_cast %get3A_2785 : vector<1x16xf32> to vector<16xf32>
      %gt3A_2787 = arith.cmpf ogt, %get3A_2786, %select_n3A_2739 : vector<16xf32>
      %gt3A_2788 = arith.cmpf ogt, %get3A_2786, %select_n3A_2736 : vector<16xf32>
      %select_n3A_2789 = arith.select %gt3A_2788, %get3A_2786, %select_n3A_2736 : vector<16xi1>, vector<16xf32>
      %select_n3A_2790 = arith.select %gt3A_2787, %select_n3A_2739, %select_n3A_2789 : vector<16xi1>, vector<16xf32>
      %select_n3A_2791 = arith.select %gt3A_2788, %broadcast_in_dim3A_2768, %select_n3A_2738 : vector<16xi1>, vector<16xi32>
      %select_n3A_2792 = arith.select %gt3A_2787, %select_n3A_2740, %select_n3A_2791 : vector<16xi1>, vector<16xi32>
      %select_n3A_2793 = arith.select %gt3A_2787, %get3A_2786, %select_n3A_2739 : vector<16xi1>, vector<16xf32>
      %select_n3A_2794 = arith.select %gt3A_2787, %broadcast_in_dim3A_2768, %select_n3A_2740 : vector<16xi1>, vector<16xi32>
      %get3A_2795 = arith.constant 51 : i32
      %get3A_2796 = arith.index_cast %get3A_2795 : i32 to index
      %get3A_2797 = arith.index_cast %add3A_22 : i32 to index
      %get3A_2798 = tpu.vector_load %arg7[%get3A_2796, %get3A_2797] {strides = array<i32>} : memref<64x256xf32, #tpu.memory_space<vmem>>, vector<1x16xf32>,
      %get3A_2799 = vector.shape_cast %get3A_2798 : vector<1x16xf32> to vector<16xf32>
      %gt3A_2800 = arith.cmpf ogt, %get3A_2799, %select_n3A_2752 : vector<16xf32>
      %gt3A_2801 = arith.cmpf ogt, %get3A_2799, %select_n3A_2749 : vector<16xf32>
      %select_n3A_2802 = arith.select %gt3A_2801, %get3A_2799, %select_n3A_2749 : vector<16xi1>, vector<16xf32>
      %select_n3A_2803 = arith.select %gt3A_2800, %select_n3A_2752, %select_n3A_2802 : vector<16xi1>, vector<16xf32>
      %select_n3A_2804 = arith.select %gt3A_2801, %broadcast_in_dim3A_2768, %select_n3A_2751 : vector<16xi1>, vector<16xi32>
      %select_n3A_2805 = arith.select %gt3A_2800, %select_n3A_2753, %select_n3A_2804 : vector<16xi1>, vector<16xi32>
      %select_n3A_2806 = arith.select %gt3A_2800, %get3A_2799, %select_n3A_2752 : vector<16xi1>, vector<16xf32>
      %select_n3A_2807 = arith.select %gt3A_2800, %broadcast_in_dim3A_2768, %select_n3A_2753 : vector<16xi1>, vector<16xi32>
      %get3A_2808 = arith.constant 51 : i32
      %get3A_2809 = arith.index_cast %get3A_2808 : i32 to index
      %get3A_2810 = arith.index_cast %add3A_26 : i32 to index
      %get3A_2811 = tpu.vector_load %arg7[%get3A_2809, %get3A_2810] {strides = array<i32>} : memref<64x256xf32, #tpu.memory_space<vmem>>, vector<1x16xf32>,
      %get3A_2812 = vector.shape_cast %get3A_2811 : vector<1x16xf32> to vector<16xf32>
      %gt3A_2813 = arith.cmpf ogt, %get3A_2812, %select_n3A_2765 : vector<16xf32>
      %gt3A_2814 = arith.cmpf ogt, %get3A_2812, %select_n3A_2762 : vector<16xf32>
      %select_n3A_2815 = arith.select %gt3A_2814, %get3A_2812, %select_n3A_2762 : vector<16xi1>, vector<16xf32>
      %select_n3A_2816 = arith.select %gt3A_2813, %select_n3A_2765, %select_n3A_2815 : vector<16xi1>, vector<16xf32>
      %select_n3A_2817 = arith.select %gt3A_2814, %broadcast_in_dim3A_2768, %select_n3A_2764 : vector<16xi1>, vector<16xi32>
      %select_n3A_2818 = arith.select %gt3A_2813, %select_n3A_2766, %select_n3A_2817 : vector<16xi1>, vector<16xi32>
      %select_n3A_2819 = arith.select %gt3A_2813, %get3A_2812, %select_n3A_2765 : vector<16xi1>, vector<16xf32>
      %select_n3A_2820 = arith.select %gt3A_2813, %broadcast_in_dim3A_2768, %select_n3A_2766 : vector<16xi1>, vector<16xi32>
      %broadcast_in_dim3A_2821 = arith.constant 52 : i32
      %broadcast_in_dim3A_2822 = vector.broadcast %broadcast_in_dim3A_2821 : i32 to vector<16xi32>
      %get3A_2823 = arith.constant 52 : i32
      %get3A_2824 = arith.index_cast %get3A_2823 : i32 to index
      %get3A_2825 = arith.index_cast %add3A_14 : i32 to index
      %get3A_2826 = tpu.vector_load %arg7[%get3A_2824, %get3A_2825] {strides = array<i32>} : memref<64x256xf32, #tpu.memory_space<vmem>>, vector<1x16xf32>,
      %get3A_2827 = vector.shape_cast %get3A_2826 : vector<1x16xf32> to vector<16xf32>
      %gt3A_2828 = arith.cmpf ogt, %get3A_2827, %select_n3A_2780 : vector<16xf32>
      %gt3A_2829 = arith.cmpf ogt, %get3A_2827, %select_n3A_2777 : vector<16xf32>
      %select_n3A_2830 = arith.select %gt3A_2829, %get3A_2827, %select_n3A_2777 : vector<16xi1>, vector<16xf32>
      %select_n3A_2831 = arith.select %gt3A_2828, %select_n3A_2780, %select_n3A_2830 : vector<16xi1>, vector<16xf32>
      %select_n3A_2832 = arith.select %gt3A_2829, %broadcast_in_dim3A_2822, %select_n3A_2779 : vector<16xi1>, vector<16xi32>
      %select_n3A_2833 = arith.select %gt3A_2828, %select_n3A_2781, %select_n3A_2832 : vector<16xi1>, vector<16xi32>
      %select_n3A_2834 = arith.select %gt3A_2828, %get3A_2827, %select_n3A_2780 : vector<16xi1>, vector<16xf32>
      %select_n3A_2835 = arith.select %gt3A_2828, %broadcast_in_dim3A_2822, %select_n3A_2781 : vector<16xi1>, vector<16xi32>
      %get3A_2836 = arith.constant 52 : i32
      %get3A_2837 = arith.index_cast %get3A_2836 : i32 to index
      %get3A_2838 = arith.index_cast %add3A_18 : i32 to index
      %get3A_2839 = tpu.vector_load %arg7[%get3A_2837, %get3A_2838] {strides = array<i32>} : memref<64x256xf32, #tpu.memory_space<vmem>>, vector<1x16xf32>,
      %get3A_2840 = vector.shape_cast %get3A_2839 : vector<1x16xf32> to vector<16xf32>
      %gt3A_2841 = arith.cmpf ogt, %get3A_2840, %select_n3A_2793 : vector<16xf32>
      %gt3A_2842 = arith.cmpf ogt, %get3A_2840, %select_n3A_2790 : vector<16xf32>
      %select_n3A_2843 = arith.select %gt3A_2842, %get3A_2840, %select_n3A_2790 : vector<16xi1>, vector<16xf32>
      %select_n3A_2844 = arith.select %gt3A_2841, %select_n3A_2793, %select_n3A_2843 : vector<16xi1>, vector<16xf32>
      %select_n3A_2845 = arith.select %gt3A_2842, %broadcast_in_dim3A_2822, %select_n3A_2792 : vector<16xi1>, vector<16xi32>
      %select_n3A_2846 = arith.select %gt3A_2841, %select_n3A_2794, %select_n3A_2845 : vector<16xi1>, vector<16xi32>
      %select_n3A_2847 = arith.select %gt3A_2841, %get3A_2840, %select_n3A_2793 : vector<16xi1>, vector<16xf32>
      %select_n3A_2848 = arith.select %gt3A_2841, %broadcast_in_dim3A_2822, %select_n3A_2794 : vector<16xi1>, vector<16xi32>
      %get3A_2849 = arith.constant 52 : i32
      %get3A_2850 = arith.index_cast %get3A_2849 : i32 to index
      %get3A_2851 = arith.index_cast %add3A_22 : i32 to index
      %get3A_2852 = tpu.vector_load %arg7[%get3A_2850, %get3A_2851] {strides = array<i32>} : memref<64x256xf32, #tpu.memory_space<vmem>>, vector<1x16xf32>,
      %get3A_2853 = vector.shape_cast %get3A_2852 : vector<1x16xf32> to vector<16xf32>
      %gt3A_2854 = arith.cmpf ogt, %get3A_2853, %select_n3A_2806 : vector<16xf32>
      %gt3A_2855 = arith.cmpf ogt, %get3A_2853, %select_n3A_2803 : vector<16xf32>
      %select_n3A_2856 = arith.select %gt3A_2855, %get3A_2853, %select_n3A_2803 : vector<16xi1>, vector<16xf32>
      %select_n3A_2857 = arith.select %gt3A_2854, %select_n3A_2806, %select_n3A_2856 : vector<16xi1>, vector<16xf32>
      %select_n3A_2858 = arith.select %gt3A_2855, %broadcast_in_dim3A_2822, %select_n3A_2805 : vector<16xi1>, vector<16xi32>
      %select_n3A_2859 = arith.select %gt3A_2854, %select_n3A_2807, %select_n3A_2858 : vector<16xi1>, vector<16xi32>
      %select_n3A_2860 = arith.select %gt3A_2854, %get3A_2853, %select_n3A_2806 : vector<16xi1>, vector<16xf32>
      %select_n3A_2861 = arith.select %gt3A_2854, %broadcast_in_dim3A_2822, %select_n3A_2807 : vector<16xi1>, vector<16xi32>
      %get3A_2862 = arith.constant 52 : i32
      %get3A_2863 = arith.index_cast %get3A_2862 : i32 to index
      %get3A_2864 = arith.index_cast %add3A_26 : i32 to index
      %get3A_2865 = tpu.vector_load %arg7[%get3A_2863, %get3A_2864] {strides = array<i32>} : memref<64x256xf32, #tpu.memory_space<vmem>>, vector<1x16xf32>,
      %get3A_2866 = vector.shape_cast %get3A_2865 : vector<1x16xf32> to vector<16xf32>
      %gt3A_2867 = arith.cmpf ogt, %get3A_2866, %select_n3A_2819 : vector<16xf32>
      %gt3A_2868 = arith.cmpf ogt, %get3A_2866, %select_n3A_2816 : vector<16xf32>
      %select_n3A_2869 = arith.select %gt3A_2868, %get3A_2866, %select_n3A_2816 : vector<16xi1>, vector<16xf32>
      %select_n3A_2870 = arith.select %gt3A_2867, %select_n3A_2819, %select_n3A_2869 : vector<16xi1>, vector<16xf32>
      %select_n3A_2871 = arith.select %gt3A_2868, %broadcast_in_dim3A_2822, %select_n3A_2818 : vector<16xi1>, vector<16xi32>
      %select_n3A_2872 = arith.select %gt3A_2867, %select_n3A_2820, %select_n3A_2871 : vector<16xi1>, vector<16xi32>
      %select_n3A_2873 = arith.select %gt3A_2867, %get3A_2866, %select_n3A_2819 : vector<16xi1>, vector<16xf32>
      %select_n3A_2874 = arith.select %gt3A_2867, %broadcast_in_dim3A_2822, %select_n3A_2820 : vector<16xi1>, vector<16xi32>
      %broadcast_in_dim3A_2875 = arith.constant 53 : i32
      %broadcast_in_dim3A_2876 = vector.broadcast %broadcast_in_dim3A_2875 : i32 to vector<16xi32>
      %get3A_2877 = arith.constant 53 : i32
      %get3A_2878 = arith.index_cast %get3A_2877 : i32 to index
      %get3A_2879 = arith.index_cast %add3A_14 : i32 to index
      %get3A_2880 = tpu.vector_load %arg7[%get3A_2878, %get3A_2879] {strides = array<i32>} : memref<64x256xf32, #tpu.memory_space<vmem>>, vector<1x16xf32>,
      %get3A_2881 = vector.shape_cast %get3A_2880 : vector<1x16xf32> to vector<16xf32>
      %gt3A_2882 = arith.cmpf ogt, %get3A_2881, %select_n3A_2834 : vector<16xf32>
      %gt3A_2883 = arith.cmpf ogt, %get3A_2881, %select_n3A_2831 : vector<16xf32>
      %select_n3A_2884 = arith.select %gt3A_2883, %get3A_2881, %select_n3A_2831 : vector<16xi1>, vector<16xf32>
      %select_n3A_2885 = arith.select %gt3A_2882, %select_n3A_2834, %select_n3A_2884 : vector<16xi1>, vector<16xf32>
      %select_n3A_2886 = arith.select %gt3A_2883, %broadcast_in_dim3A_2876, %select_n3A_2833 : vector<16xi1>, vector<16xi32>
      %select_n3A_2887 = arith.select %gt3A_2882, %select_n3A_2835, %select_n3A_2886 : vector<16xi1>, vector<16xi32>
      %select_n3A_2888 = arith.select %gt3A_2882, %get3A_2881, %select_n3A_2834 : vector<16xi1>, vector<16xf32>
      %select_n3A_2889 = arith.select %gt3A_2882, %broadcast_in_dim3A_2876, %select_n3A_2835 : vector<16xi1>, vector<16xi32>
      %get3A_2890 = arith.constant 53 : i32
      %get3A_2891 = arith.index_cast %get3A_2890 : i32 to index
      %get3A_2892 = arith.index_cast %add3A_18 : i32 to index
      %get3A_2893 = tpu.vector_load %arg7[%get3A_2891, %get3A_2892] {strides = array<i32>} : memref<64x256xf32, #tpu.memory_space<vmem>>, vector<1x16xf32>,
      %get3A_2894 = vector.shape_cast %get3A_2893 : vector<1x16xf32> to vector<16xf32>
      %gt3A_2895 = arith.cmpf ogt, %get3A_2894, %select_n3A_2847 : vector<16xf32>
      %gt3A_2896 = arith.cmpf ogt, %get3A_2894, %select_n3A_2844 : vector<16xf32>
      %select_n3A_2897 = arith.select %gt3A_2896, %get3A_2894, %select_n3A_2844 : vector<16xi1>, vector<16xf32>
      %select_n3A_2898 = arith.select %gt3A_2895, %select_n3A_2847, %select_n3A_2897 : vector<16xi1>, vector<16xf32>
      %select_n3A_2899 = arith.select %gt3A_2896, %broadcast_in_dim3A_2876, %select_n3A_2846 : vector<16xi1>, vector<16xi32>
      %select_n3A_2900 = arith.select %gt3A_2895, %select_n3A_2848, %select_n3A_2899 : vector<16xi1>, vector<16xi32>
      %select_n3A_2901 = arith.select %gt3A_2895, %get3A_2894, %select_n3A_2847 : vector<16xi1>, vector<16xf32>
      %select_n3A_2902 = arith.select %gt3A_2895, %broadcast_in_dim3A_2876, %select_n3A_2848 : vector<16xi1>, vector<16xi32>
      %get3A_2903 = arith.constant 53 : i32
      %get3A_2904 = arith.index_cast %get3A_2903 : i32 to index
      %get3A_2905 = arith.index_cast %add3A_22 : i32 to index
      %get3A_2906 = tpu.vector_load %arg7[%get3A_2904, %get3A_2905] {strides = array<i32>} : memref<64x256xf32, #tpu.memory_space<vmem>>, vector<1x16xf32>,
      %get3A_2907 = vector.shape_cast %get3A_2906 : vector<1x16xf32> to vector<16xf32>
      %gt3A_2908 = arith.cmpf ogt, %get3A_2907, %select_n3A_2860 : vector<16xf32>
      %gt3A_2909 = arith.cmpf ogt, %get3A_2907, %select_n3A_2857 : vector<16xf32>
      %select_n3A_2910 = arith.select %gt3A_2909, %get3A_2907, %select_n3A_2857 : vector<16xi1>, vector<16xf32>
      %select_n3A_2911 = arith.select %gt3A_2908, %select_n3A_2860, %select_n3A_2910 : vector<16xi1>, vector<16xf32>
      %select_n3A_2912 = arith.select %gt3A_2909, %broadcast_in_dim3A_2876, %select_n3A_2859 : vector<16xi1>, vector<16xi32>
      %select_n3A_2913 = arith.select %gt3A_2908, %select_n3A_2861, %select_n3A_2912 : vector<16xi1>, vector<16xi32>
      %select_n3A_2914 = arith.select %gt3A_2908, %get3A_2907, %select_n3A_2860 : vector<16xi1>, vector<16xf32>
      %select_n3A_2915 = arith.select %gt3A_2908, %broadcast_in_dim3A_2876, %select_n3A_2861 : vector<16xi1>, vector<16xi32>
      %get3A_2916 = arith.constant 53 : i32
      %get3A_2917 = arith.index_cast %get3A_2916 : i32 to index
      %get3A_2918 = arith.index_cast %add3A_26 : i32 to index
      %get3A_2919 = tpu.vector_load %arg7[%get3A_2917, %get3A_2918] {strides = array<i32>} : memref<64x256xf32, #tpu.memory_space<vmem>>, vector<1x16xf32>,
      %get3A_2920 = vector.shape_cast %get3A_2919 : vector<1x16xf32> to vector<16xf32>
      %gt3A_2921 = arith.cmpf ogt, %get3A_2920, %select_n3A_2873 : vector<16xf32>
      %gt3A_2922 = arith.cmpf ogt, %get3A_2920, %select_n3A_2870 : vector<16xf32>
      %select_n3A_2923 = arith.select %gt3A_2922, %get3A_2920, %select_n3A_2870 : vector<16xi1>, vector<16xf32>
      %select_n3A_2924 = arith.select %gt3A_2921, %select_n3A_2873, %select_n3A_2923 : vector<16xi1>, vector<16xf32>
      %select_n3A_2925 = arith.select %gt3A_2922, %broadcast_in_dim3A_2876, %select_n3A_2872 : vector<16xi1>, vector<16xi32>
      %select_n3A_2926 = arith.select %gt3A_2921, %select_n3A_2874, %select_n3A_2925 : vector<16xi1>, vector<16xi32>
      %select_n3A_2927 = arith.select %gt3A_2921, %get3A_2920, %select_n3A_2873 : vector<16xi1>, vector<16xf32>
      %select_n3A_2928 = arith.select %gt3A_2921, %broadcast_in_dim3A_2876, %select_n3A_2874 : vector<16xi1>, vector<16xi32>
      %broadcast_in_dim3A_2929 = arith.constant 54 : i32
      %broadcast_in_dim3A_2930 = vector.broadcast %broadcast_in_dim3A_2929 : i32 to vector<16xi32>
      %get3A_2931 = arith.constant 54 : i32
      %get3A_2932 = arith.index_cast %get3A_2931 : i32 to index
      %get3A_2933 = arith.index_cast %add3A_14 : i32 to index
      %get3A_2934 = tpu.vector_load %arg7[%get3A_2932, %get3A_2933] {strides = array<i32>} : memref<64x256xf32, #tpu.memory_space<vmem>>, vector<1x16xf32>,
      %get3A_2935 = vector.shape_cast %get3A_2934 : vector<1x16xf32> to vector<16xf32>
      %gt3A_2936 = arith.cmpf ogt, %get3A_2935, %select_n3A_2888 : vector<16xf32>
      %gt3A_2937 = arith.cmpf ogt, %get3A_2935, %select_n3A_2885 : vector<16xf32>
      %select_n3A_2938 = arith.select %gt3A_2937, %get3A_2935, %select_n3A_2885 : vector<16xi1>, vector<16xf32>
      %select_n3A_2939 = arith.select %gt3A_2936, %select_n3A_2888, %select_n3A_2938 : vector<16xi1>, vector<16xf32>
      %select_n3A_2940 = arith.select %gt3A_2937, %broadcast_in_dim3A_2930, %select_n3A_2887 : vector<16xi1>, vector<16xi32>
      %select_n3A_2941 = arith.select %gt3A_2936, %select_n3A_2889, %select_n3A_2940 : vector<16xi1>, vector<16xi32>
      %select_n3A_2942 = arith.select %gt3A_2936, %get3A_2935, %select_n3A_2888 : vector<16xi1>, vector<16xf32>
      %select_n3A_2943 = arith.select %gt3A_2936, %broadcast_in_dim3A_2930, %select_n3A_2889 : vector<16xi1>, vector<16xi32>
      %get3A_2944 = arith.constant 54 : i32
      %get3A_2945 = arith.index_cast %get3A_2944 : i32 to index
      %get3A_2946 = arith.index_cast %add3A_18 : i32 to index
      %get3A_2947 = tpu.vector_load %arg7[%get3A_2945, %get3A_2946] {strides = array<i32>} : memref<64x256xf32, #tpu.memory_space<vmem>>, vector<1x16xf32>,
      %get3A_2948 = vector.shape_cast %get3A_2947 : vector<1x16xf32> to vector<16xf32>
      %gt3A_2949 = arith.cmpf ogt, %get3A_2948, %select_n3A_2901 : vector<16xf32>
      %gt3A_2950 = arith.cmpf ogt, %get3A_2948, %select_n3A_2898 : vector<16xf32>
      %select_n3A_2951 = arith.select %gt3A_2950, %get3A_2948, %select_n3A_2898 : vector<16xi1>, vector<16xf32>
      %select_n3A_2952 = arith.select %gt3A_2949, %select_n3A_2901, %select_n3A_2951 : vector<16xi1>, vector<16xf32>
      %select_n3A_2953 = arith.select %gt3A_2950, %broadcast_in_dim3A_2930, %select_n3A_2900 : vector<16xi1>, vector<16xi32>
      %select_n3A_2954 = arith.select %gt3A_2949, %select_n3A_2902, %select_n3A_2953 : vector<16xi1>, vector<16xi32>
      %select_n3A_2955 = arith.select %gt3A_2949, %get3A_2948, %select_n3A_2901 : vector<16xi1>, vector<16xf32>
      %select_n3A_2956 = arith.select %gt3A_2949, %broadcast_in_dim3A_2930, %select_n3A_2902 : vector<16xi1>, vector<16xi32>
      %get3A_2957 = arith.constant 54 : i32
      %get3A_2958 = arith.index_cast %get3A_2957 : i32 to index
      %get3A_2959 = arith.index_cast %add3A_22 : i32 to index
      %get3A_2960 = tpu.vector_load %arg7[%get3A_2958, %get3A_2959] {strides = array<i32>} : memref<64x256xf32, #tpu.memory_space<vmem>>, vector<1x16xf32>,
      %get3A_2961 = vector.shape_cast %get3A_2960 : vector<1x16xf32> to vector<16xf32>
      %gt3A_2962 = arith.cmpf ogt, %get3A_2961, %select_n3A_2914 : vector<16xf32>
      %gt3A_2963 = arith.cmpf ogt, %get3A_2961, %select_n3A_2911 : vector<16xf32>
      %select_n3A_2964 = arith.select %gt3A_2963, %get3A_2961, %select_n3A_2911 : vector<16xi1>, vector<16xf32>
      %select_n3A_2965 = arith.select %gt3A_2962, %select_n3A_2914, %select_n3A_2964 : vector<16xi1>, vector<16xf32>
      %select_n3A_2966 = arith.select %gt3A_2963, %broadcast_in_dim3A_2930, %select_n3A_2913 : vector<16xi1>, vector<16xi32>
      %select_n3A_2967 = arith.select %gt3A_2962, %select_n3A_2915, %select_n3A_2966 : vector<16xi1>, vector<16xi32>
      %select_n3A_2968 = arith.select %gt3A_2962, %get3A_2961, %select_n3A_2914 : vector<16xi1>, vector<16xf32>
      %select_n3A_2969 = arith.select %gt3A_2962, %broadcast_in_dim3A_2930, %select_n3A_2915 : vector<16xi1>, vector<16xi32>
      %get3A_2970 = arith.constant 54 : i32
      %get3A_2971 = arith.index_cast %get3A_2970 : i32 to index
      %get3A_2972 = arith.index_cast %add3A_26 : i32 to index
      %get3A_2973 = tpu.vector_load %arg7[%get3A_2971, %get3A_2972] {strides = array<i32>} : memref<64x256xf32, #tpu.memory_space<vmem>>, vector<1x16xf32>,
      %get3A_2974 = vector.shape_cast %get3A_2973 : vector<1x16xf32> to vector<16xf32>
      %gt3A_2975 = arith.cmpf ogt, %get3A_2974, %select_n3A_2927 : vector<16xf32>
      %gt3A_2976 = arith.cmpf ogt, %get3A_2974, %select_n3A_2924 : vector<16xf32>
      %select_n3A_2977 = arith.select %gt3A_2976, %get3A_2974, %select_n3A_2924 : vector<16xi1>, vector<16xf32>
      %select_n3A_2978 = arith.select %gt3A_2975, %select_n3A_2927, %select_n3A_2977 : vector<16xi1>, vector<16xf32>
      %select_n3A_2979 = arith.select %gt3A_2976, %broadcast_in_dim3A_2930, %select_n3A_2926 : vector<16xi1>, vector<16xi32>
      %select_n3A_2980 = arith.select %gt3A_2975, %select_n3A_2928, %select_n3A_2979 : vector<16xi1>, vector<16xi32>
      %select_n3A_2981 = arith.select %gt3A_2975, %get3A_2974, %select_n3A_2927 : vector<16xi1>, vector<16xf32>
      %select_n3A_2982 = arith.select %gt3A_2975, %broadcast_in_dim3A_2930, %select_n3A_2928 : vector<16xi1>, vector<16xi32>
      %broadcast_in_dim3A_2983 = arith.constant 55 : i32
      %broadcast_in_dim3A_2984 = vector.broadcast %broadcast_in_dim3A_2983 : i32 to vector<16xi32>
      %get3A_2985 = arith.constant 55 : i32
      %get3A_2986 = arith.index_cast %get3A_2985 : i32 to index
      %get3A_2987 = arith.index_cast %add3A_14 : i32 to index
      %get3A_2988 = tpu.vector_load %arg7[%get3A_2986, %get3A_2987] {strides = array<i32>} : memref<64x256xf32, #tpu.memory_space<vmem>>, vector<1x16xf32>,
      %get3A_2989 = vector.shape_cast %get3A_2988 : vector<1x16xf32> to vector<16xf32>
      %gt3A_2990 = arith.cmpf ogt, %get3A_2989, %select_n3A_2942 : vector<16xf32>
      %gt3A_2991 = arith.cmpf ogt, %get3A_2989, %select_n3A_2939 : vector<16xf32>
      %select_n3A_2992 = arith.select %gt3A_2991, %get3A_2989, %select_n3A_2939 : vector<16xi1>, vector<16xf32>
      %select_n3A_2993 = arith.select %gt3A_2990, %select_n3A_2942, %select_n3A_2992 : vector<16xi1>, vector<16xf32>
      %select_n3A_2994 = arith.select %gt3A_2991, %broadcast_in_dim3A_2984, %select_n3A_2941 : vector<16xi1>, vector<16xi32>
      %select_n3A_2995 = arith.select %gt3A_2990, %select_n3A_2943, %select_n3A_2994 : vector<16xi1>, vector<16xi32>
      %select_n3A_2996 = arith.select %gt3A_2990, %get3A_2989, %select_n3A_2942 : vector<16xi1>, vector<16xf32>
      %select_n3A_2997 = arith.select %gt3A_2990, %broadcast_in_dim3A_2984, %select_n3A_2943 : vector<16xi1>, vector<16xi32>
      %get3A_2998 = arith.constant 55 : i32
      %get3A_2999 = arith.index_cast %get3A_2998 : i32 to index
      %get3A_3000 = arith.index_cast %add3A_18 : i32 to index
      %get3A_3001 = tpu.vector_load %arg7[%get3A_2999, %get3A_3000] {strides = array<i32>} : memref<64x256xf32, #tpu.memory_space<vmem>>, vector<1x16xf32>,
      %get3A_3002 = vector.shape_cast %get3A_3001 : vector<1x16xf32> to vector<16xf32>
      %gt3A_3003 = arith.cmpf ogt, %get3A_3002, %select_n3A_2955 : vector<16xf32>
      %gt3A_3004 = arith.cmpf ogt, %get3A_3002, %select_n3A_2952 : vector<16xf32>
      %select_n3A_3005 = arith.select %gt3A_3004, %get3A_3002, %select_n3A_2952 : vector<16xi1>, vector<16xf32>
      %select_n3A_3006 = arith.select %gt3A_3003, %select_n3A_2955, %select_n3A_3005 : vector<16xi1>, vector<16xf32>
      %select_n3A_3007 = arith.select %gt3A_3004, %broadcast_in_dim3A_2984, %select_n3A_2954 : vector<16xi1>, vector<16xi32>
      %select_n3A_3008 = arith.select %gt3A_3003, %select_n3A_2956, %select_n3A_3007 : vector<16xi1>, vector<16xi32>
      %select_n3A_3009 = arith.select %gt3A_3003, %get3A_3002, %select_n3A_2955 : vector<16xi1>, vector<16xf32>
      %select_n3A_3010 = arith.select %gt3A_3003, %broadcast_in_dim3A_2984, %select_n3A_2956 : vector<16xi1>, vector<16xi32>
      %get3A_3011 = arith.constant 55 : i32
      %get3A_3012 = arith.index_cast %get3A_3011 : i32 to index
      %get3A_3013 = arith.index_cast %add3A_22 : i32 to index
      %get3A_3014 = tpu.vector_load %arg7[%get3A_3012, %get3A_3013] {strides = array<i32>} : memref<64x256xf32, #tpu.memory_space<vmem>>, vector<1x16xf32>,
      %get3A_3015 = vector.shape_cast %get3A_3014 : vector<1x16xf32> to vector<16xf32>
      %gt3A_3016 = arith.cmpf ogt, %get3A_3015, %select_n3A_2968 : vector<16xf32>
      %gt3A_3017 = arith.cmpf ogt, %get3A_3015, %select_n3A_2965 : vector<16xf32>
      %select_n3A_3018 = arith.select %gt3A_3017, %get3A_3015, %select_n3A_2965 : vector<16xi1>, vector<16xf32>
      %select_n3A_3019 = arith.select %gt3A_3016, %select_n3A_2968, %select_n3A_3018 : vector<16xi1>, vector<16xf32>
      %select_n3A_3020 = arith.select %gt3A_3017, %broadcast_in_dim3A_2984, %select_n3A_2967 : vector<16xi1>, vector<16xi32>
      %select_n3A_3021 = arith.select %gt3A_3016, %select_n3A_2969, %select_n3A_3020 : vector<16xi1>, vector<16xi32>
      %select_n3A_3022 = arith.select %gt3A_3016, %get3A_3015, %select_n3A_2968 : vector<16xi1>, vector<16xf32>
      %select_n3A_3023 = arith.select %gt3A_3016, %broadcast_in_dim3A_2984, %select_n3A_2969 : vector<16xi1>, vector<16xi32>
      %get3A_3024 = arith.constant 55 : i32
      %get3A_3025 = arith.index_cast %get3A_3024 : i32 to index
      %get3A_3026 = arith.index_cast %add3A_26 : i32 to index
      %get3A_3027 = tpu.vector_load %arg7[%get3A_3025, %get3A_3026] {strides = array<i32>} : memref<64x256xf32, #tpu.memory_space<vmem>>, vector<1x16xf32>,
      %get3A_3028 = vector.shape_cast %get3A_3027 : vector<1x16xf32> to vector<16xf32>
      %gt3A_3029 = arith.cmpf ogt, %get3A_3028, %select_n3A_2981 : vector<16xf32>
      %gt3A_3030 = arith.cmpf ogt, %get3A_3028, %select_n3A_2978 : vector<16xf32>
      %select_n3A_3031 = arith.select %gt3A_3030, %get3A_3028, %select_n3A_2978 : vector<16xi1>, vector<16xf32>
      %select_n3A_3032 = arith.select %gt3A_3029, %select_n3A_2981, %select_n3A_3031 : vector<16xi1>, vector<16xf32>
      %select_n3A_3033 = arith.select %gt3A_3030, %broadcast_in_dim3A_2984, %select_n3A_2980 : vector<16xi1>, vector<16xi32>
      %select_n3A_3034 = arith.select %gt3A_3029, %select_n3A_2982, %select_n3A_3033 : vector<16xi1>, vector<16xi32>
      %select_n3A_3035 = arith.select %gt3A_3029, %get3A_3028, %select_n3A_2981 : vector<16xi1>, vector<16xf32>
      %select_n3A_3036 = arith.select %gt3A_3029, %broadcast_in_dim3A_2984, %select_n3A_2982 : vector<16xi1>, vector<16xi32>
      %broadcast_in_dim3A_3037 = arith.constant 56 : i32
      %broadcast_in_dim3A_3038 = vector.broadcast %broadcast_in_dim3A_3037 : i32 to vector<16xi32>
      %get3A_3039 = arith.constant 56 : i32
      %get3A_3040 = arith.index_cast %get3A_3039 : i32 to index
      %get3A_3041 = arith.index_cast %add3A_14 : i32 to index
      %get3A_3042 = tpu.vector_load %arg7[%get3A_3040, %get3A_3041] {strides = array<i32>} : memref<64x256xf32, #tpu.memory_space<vmem>>, vector<1x16xf32>,
      %get3A_3043 = vector.shape_cast %get3A_3042 : vector<1x16xf32> to vector<16xf32>
      %gt3A_3044 = arith.cmpf ogt, %get3A_3043, %select_n3A_2996 : vector<16xf32>
      %gt3A_3045 = arith.cmpf ogt, %get3A_3043, %select_n3A_2993 : vector<16xf32>
      %select_n3A_3046 = arith.select %gt3A_3045, %get3A_3043, %select_n3A_2993 : vector<16xi1>, vector<16xf32>
      %select_n3A_3047 = arith.select %gt3A_3044, %select_n3A_2996, %select_n3A_3046 : vector<16xi1>, vector<16xf32>
      %select_n3A_3048 = arith.select %gt3A_3045, %broadcast_in_dim3A_3038, %select_n3A_2995 : vector<16xi1>, vector<16xi32>
      %select_n3A_3049 = arith.select %gt3A_3044, %select_n3A_2997, %select_n3A_3048 : vector<16xi1>, vector<16xi32>
      %select_n3A_3050 = arith.select %gt3A_3044, %get3A_3043, %select_n3A_2996 : vector<16xi1>, vector<16xf32>
      %select_n3A_3051 = arith.select %gt3A_3044, %broadcast_in_dim3A_3038, %select_n3A_2997 : vector<16xi1>, vector<16xi32>
      %get3A_3052 = arith.constant 56 : i32
      %get3A_3053 = arith.index_cast %get3A_3052 : i32 to index
      %get3A_3054 = arith.index_cast %add3A_18 : i32 to index
      %get3A_3055 = tpu.vector_load %arg7[%get3A_3053, %get3A_3054] {strides = array<i32>} : memref<64x256xf32, #tpu.memory_space<vmem>>, vector<1x16xf32>,
      %get3A_3056 = vector.shape_cast %get3A_3055 : vector<1x16xf32> to vector<16xf32>
      %gt3A_3057 = arith.cmpf ogt, %get3A_3056, %select_n3A_3009 : vector<16xf32>
      %gt3A_3058 = arith.cmpf ogt, %get3A_3056, %select_n3A_3006 : vector<16xf32>
      %select_n3A_3059 = arith.select %gt3A_3058, %get3A_3056, %select_n3A_3006 : vector<16xi1>, vector<16xf32>
      %select_n3A_3060 = arith.select %gt3A_3057, %select_n3A_3009, %select_n3A_3059 : vector<16xi1>, vector<16xf32>
      %select_n3A_3061 = arith.select %gt3A_3058, %broadcast_in_dim3A_3038, %select_n3A_3008 : vector<16xi1>, vector<16xi32>
      %select_n3A_3062 = arith.select %gt3A_3057, %select_n3A_3010, %select_n3A_3061 : vector<16xi1>, vector<16xi32>
      %select_n3A_3063 = arith.select %gt3A_3057, %get3A_3056, %select_n3A_3009 : vector<16xi1>, vector<16xf32>
      %select_n3A_3064 = arith.select %gt3A_3057, %broadcast_in_dim3A_3038, %select_n3A_3010 : vector<16xi1>, vector<16xi32>
      %get3A_3065 = arith.constant 56 : i32
      %get3A_3066 = arith.index_cast %get3A_3065 : i32 to index
      %get3A_3067 = arith.index_cast %add3A_22 : i32 to index
      %get3A_3068 = tpu.vector_load %arg7[%get3A_3066, %get3A_3067] {strides = array<i32>} : memref<64x256xf32, #tpu.memory_space<vmem>>, vector<1x16xf32>,
      %get3A_3069 = vector.shape_cast %get3A_3068 : vector<1x16xf32> to vector<16xf32>
      %gt3A_3070 = arith.cmpf ogt, %get3A_3069, %select_n3A_3022 : vector<16xf32>
      %gt3A_3071 = arith.cmpf ogt, %get3A_3069, %select_n3A_3019 : vector<16xf32>
      %select_n3A_3072 = arith.select %gt3A_3071, %get3A_3069, %select_n3A_3019 : vector<16xi1>, vector<16xf32>
      %select_n3A_3073 = arith.select %gt3A_3070, %select_n3A_3022, %select_n3A_3072 : vector<16xi1>, vector<16xf32>
      %select_n3A_3074 = arith.select %gt3A_3071, %broadcast_in_dim3A_3038, %select_n3A_3021 : vector<16xi1>, vector<16xi32>
      %select_n3A_3075 = arith.select %gt3A_3070, %select_n3A_3023, %select_n3A_3074 : vector<16xi1>, vector<16xi32>
      %select_n3A_3076 = arith.select %gt3A_3070, %get3A_3069, %select_n3A_3022 : vector<16xi1>, vector<16xf32>
      %select_n3A_3077 = arith.select %gt3A_3070, %broadcast_in_dim3A_3038, %select_n3A_3023 : vector<16xi1>, vector<16xi32>
      %get3A_3078 = arith.constant 56 : i32
      %get3A_3079 = arith.index_cast %get3A_3078 : i32 to index
      %get3A_3080 = arith.index_cast %add3A_26 : i32 to index
      %get3A_3081 = tpu.vector_load %arg7[%get3A_3079, %get3A_3080] {strides = array<i32>} : memref<64x256xf32, #tpu.memory_space<vmem>>, vector<1x16xf32>,
      %get3A_3082 = vector.shape_cast %get3A_3081 : vector<1x16xf32> to vector<16xf32>
      %gt3A_3083 = arith.cmpf ogt, %get3A_3082, %select_n3A_3035 : vector<16xf32>
      %gt3A_3084 = arith.cmpf ogt, %get3A_3082, %select_n3A_3032 : vector<16xf32>
      %select_n3A_3085 = arith.select %gt3A_3084, %get3A_3082, %select_n3A_3032 : vector<16xi1>, vector<16xf32>
      %select_n3A_3086 = arith.select %gt3A_3083, %select_n3A_3035, %select_n3A_3085 : vector<16xi1>, vector<16xf32>
      %select_n3A_3087 = arith.select %gt3A_3084, %broadcast_in_dim3A_3038, %select_n3A_3034 : vector<16xi1>, vector<16xi32>
      %select_n3A_3088 = arith.select %gt3A_3083, %select_n3A_3036, %select_n3A_3087 : vector<16xi1>, vector<16xi32>
      %select_n3A_3089 = arith.select %gt3A_3083, %get3A_3082, %select_n3A_3035 : vector<16xi1>, vector<16xf32>
      %select_n3A_3090 = arith.select %gt3A_3083, %broadcast_in_dim3A_3038, %select_n3A_3036 : vector<16xi1>, vector<16xi32>
      %broadcast_in_dim3A_3091 = arith.constant 57 : i32
      %broadcast_in_dim3A_3092 = vector.broadcast %broadcast_in_dim3A_3091 : i32 to vector<16xi32>
      %get3A_3093 = arith.constant 57 : i32
      %get3A_3094 = arith.index_cast %get3A_3093 : i32 to index
      %get3A_3095 = arith.index_cast %add3A_14 : i32 to index
      %get3A_3096 = tpu.vector_load %arg7[%get3A_3094, %get3A_3095] {strides = array<i32>} : memref<64x256xf32, #tpu.memory_space<vmem>>, vector<1x16xf32>,
      %get3A_3097 = vector.shape_cast %get3A_3096 : vector<1x16xf32> to vector<16xf32>
      %gt3A_3098 = arith.cmpf ogt, %get3A_3097, %select_n3A_3050 : vector<16xf32>
      %gt3A_3099 = arith.cmpf ogt, %get3A_3097, %select_n3A_3047 : vector<16xf32>
      %select_n3A_3100 = arith.select %gt3A_3099, %get3A_3097, %select_n3A_3047 : vector<16xi1>, vector<16xf32>
      %select_n3A_3101 = arith.select %gt3A_3098, %select_n3A_3050, %select_n3A_3100 : vector<16xi1>, vector<16xf32>
      %select_n3A_3102 = arith.select %gt3A_3099, %broadcast_in_dim3A_3092, %select_n3A_3049 : vector<16xi1>, vector<16xi32>
      %select_n3A_3103 = arith.select %gt3A_3098, %select_n3A_3051, %select_n3A_3102 : vector<16xi1>, vector<16xi32>
      %select_n3A_3104 = arith.select %gt3A_3098, %get3A_3097, %select_n3A_3050 : vector<16xi1>, vector<16xf32>
      %select_n3A_3105 = arith.select %gt3A_3098, %broadcast_in_dim3A_3092, %select_n3A_3051 : vector<16xi1>, vector<16xi32>
      %get3A_3106 = arith.constant 57 : i32
      %get3A_3107 = arith.index_cast %get3A_3106 : i32 to index
      %get3A_3108 = arith.index_cast %add3A_18 : i32 to index
      %get3A_3109 = tpu.vector_load %arg7[%get3A_3107, %get3A_3108] {strides = array<i32>} : memref<64x256xf32, #tpu.memory_space<vmem>>, vector<1x16xf32>,
      %get3A_3110 = vector.shape_cast %get3A_3109 : vector<1x16xf32> to vector<16xf32>
      %gt3A_3111 = arith.cmpf ogt, %get3A_3110, %select_n3A_3063 : vector<16xf32>
      %gt3A_3112 = arith.cmpf ogt, %get3A_3110, %select_n3A_3060 : vector<16xf32>
      %select_n3A_3113 = arith.select %gt3A_3112, %get3A_3110, %select_n3A_3060 : vector<16xi1>, vector<16xf32>
      %select_n3A_3114 = arith.select %gt3A_3111, %select_n3A_3063, %select_n3A_3113 : vector<16xi1>, vector<16xf32>
      %select_n3A_3115 = arith.select %gt3A_3112, %broadcast_in_dim3A_3092, %select_n3A_3062 : vector<16xi1>, vector<16xi32>
      %select_n3A_3116 = arith.select %gt3A_3111, %select_n3A_3064, %select_n3A_3115 : vector<16xi1>, vector<16xi32>
      %select_n3A_3117 = arith.select %gt3A_3111, %get3A_3110, %select_n3A_3063 : vector<16xi1>, vector<16xf32>
      %select_n3A_3118 = arith.select %gt3A_3111, %broadcast_in_dim3A_3092, %select_n3A_3064 : vector<16xi1>, vector<16xi32>
      %get3A_3119 = arith.constant 57 : i32
      %get3A_3120 = arith.index_cast %get3A_3119 : i32 to index
      %get3A_3121 = arith.index_cast %add3A_22 : i32 to index
      %get3A_3122 = tpu.vector_load %arg7[%get3A_3120, %get3A_3121] {strides = array<i32>} : memref<64x256xf32, #tpu.memory_space<vmem>>, vector<1x16xf32>,
      %get3A_3123 = vector.shape_cast %get3A_3122 : vector<1x16xf32> to vector<16xf32>
      %gt3A_3124 = arith.cmpf ogt, %get3A_3123, %select_n3A_3076 : vector<16xf32>
      %gt3A_3125 = arith.cmpf ogt, %get3A_3123, %select_n3A_3073 : vector<16xf32>
      %select_n3A_3126 = arith.select %gt3A_3125, %get3A_3123, %select_n3A_3073 : vector<16xi1>, vector<16xf32>
      %select_n3A_3127 = arith.select %gt3A_3124, %select_n3A_3076, %select_n3A_3126 : vector<16xi1>, vector<16xf32>
      %select_n3A_3128 = arith.select %gt3A_3125, %broadcast_in_dim3A_3092, %select_n3A_3075 : vector<16xi1>, vector<16xi32>
      %select_n3A_3129 = arith.select %gt3A_3124, %select_n3A_3077, %select_n3A_3128 : vector<16xi1>, vector<16xi32>
      %select_n3A_3130 = arith.select %gt3A_3124, %get3A_3123, %select_n3A_3076 : vector<16xi1>, vector<16xf32>
      %select_n3A_3131 = arith.select %gt3A_3124, %broadcast_in_dim3A_3092, %select_n3A_3077 : vector<16xi1>, vector<16xi32>
      %get3A_3132 = arith.constant 57 : i32
      %get3A_3133 = arith.index_cast %get3A_3132 : i32 to index
      %get3A_3134 = arith.index_cast %add3A_26 : i32 to index
      %get3A_3135 = tpu.vector_load %arg7[%get3A_3133, %get3A_3134] {strides = array<i32>} : memref<64x256xf32, #tpu.memory_space<vmem>>, vector<1x16xf32>,
      %get3A_3136 = vector.shape_cast %get3A_3135 : vector<1x16xf32> to vector<16xf32>
      %gt3A_3137 = arith.cmpf ogt, %get3A_3136, %select_n3A_3089 : vector<16xf32>
      %gt3A_3138 = arith.cmpf ogt, %get3A_3136, %select_n3A_3086 : vector<16xf32>
      %select_n3A_3139 = arith.select %gt3A_3138, %get3A_3136, %select_n3A_3086 : vector<16xi1>, vector<16xf32>
      %select_n3A_3140 = arith.select %gt3A_3137, %select_n3A_3089, %select_n3A_3139 : vector<16xi1>, vector<16xf32>
      %select_n3A_3141 = arith.select %gt3A_3138, %broadcast_in_dim3A_3092, %select_n3A_3088 : vector<16xi1>, vector<16xi32>
      %select_n3A_3142 = arith.select %gt3A_3137, %select_n3A_3090, %select_n3A_3141 : vector<16xi1>, vector<16xi32>
      %select_n3A_3143 = arith.select %gt3A_3137, %get3A_3136, %select_n3A_3089 : vector<16xi1>, vector<16xf32>
      %select_n3A_3144 = arith.select %gt3A_3137, %broadcast_in_dim3A_3092, %select_n3A_3090 : vector<16xi1>, vector<16xi32>
      %broadcast_in_dim3A_3145 = arith.constant 58 : i32
      %broadcast_in_dim3A_3146 = vector.broadcast %broadcast_in_dim3A_3145 : i32 to vector<16xi32>
      %get3A_3147 = arith.constant 58 : i32
      %get3A_3148 = arith.index_cast %get3A_3147 : i32 to index
      %get3A_3149 = arith.index_cast %add3A_14 : i32 to index
      %get3A_3150 = tpu.vector_load %arg7[%get3A_3148, %get3A_3149] {strides = array<i32>} : memref<64x256xf32, #tpu.memory_space<vmem>>, vector<1x16xf32>,
      %get3A_3151 = vector.shape_cast %get3A_3150 : vector<1x16xf32> to vector<16xf32>
      %gt3A_3152 = arith.cmpf ogt, %get3A_3151, %select_n3A_3104 : vector<16xf32>
      %gt3A_3153 = arith.cmpf ogt, %get3A_3151, %select_n3A_3101 : vector<16xf32>
      %select_n3A_3154 = arith.select %gt3A_3153, %get3A_3151, %select_n3A_3101 : vector<16xi1>, vector<16xf32>
      %select_n3A_3155 = arith.select %gt3A_3152, %select_n3A_3104, %select_n3A_3154 : vector<16xi1>, vector<16xf32>
      %select_n3A_3156 = arith.select %gt3A_3153, %broadcast_in_dim3A_3146, %select_n3A_3103 : vector<16xi1>, vector<16xi32>
      %select_n3A_3157 = arith.select %gt3A_3152, %select_n3A_3105, %select_n3A_3156 : vector<16xi1>, vector<16xi32>
      %select_n3A_3158 = arith.select %gt3A_3152, %get3A_3151, %select_n3A_3104 : vector<16xi1>, vector<16xf32>
      %select_n3A_3159 = arith.select %gt3A_3152, %broadcast_in_dim3A_3146, %select_n3A_3105 : vector<16xi1>, vector<16xi32>
      %get3A_3160 = arith.constant 58 : i32
      %get3A_3161 = arith.index_cast %get3A_3160 : i32 to index
      %get3A_3162 = arith.index_cast %add3A_18 : i32 to index
      %get3A_3163 = tpu.vector_load %arg7[%get3A_3161, %get3A_3162] {strides = array<i32>} : memref<64x256xf32, #tpu.memory_space<vmem>>, vector<1x16xf32>,
      %get3A_3164 = vector.shape_cast %get3A_3163 : vector<1x16xf32> to vector<16xf32>
      %gt3A_3165 = arith.cmpf ogt, %get3A_3164, %select_n3A_3117 : vector<16xf32>
      %gt3A_3166 = arith.cmpf ogt, %get3A_3164, %select_n3A_3114 : vector<16xf32>
      %select_n3A_3167 = arith.select %gt3A_3166, %get3A_3164, %select_n3A_3114 : vector<16xi1>, vector<16xf32>
      %select_n3A_3168 = arith.select %gt3A_3165, %select_n3A_3117, %select_n3A_3167 : vector<16xi1>, vector<16xf32>
      %select_n3A_3169 = arith.select %gt3A_3166, %broadcast_in_dim3A_3146, %select_n3A_3116 : vector<16xi1>, vector<16xi32>
      %select_n3A_3170 = arith.select %gt3A_3165, %select_n3A_3118, %select_n3A_3169 : vector<16xi1>, vector<16xi32>
      %select_n3A_3171 = arith.select %gt3A_3165, %get3A_3164, %select_n3A_3117 : vector<16xi1>, vector<16xf32>
      %select_n3A_3172 = arith.select %gt3A_3165, %broadcast_in_dim3A_3146, %select_n3A_3118 : vector<16xi1>, vector<16xi32>
      %get3A_3173 = arith.constant 58 : i32
      %get3A_3174 = arith.index_cast %get3A_3173 : i32 to index
      %get3A_3175 = arith.index_cast %add3A_22 : i32 to index
      %get3A_3176 = tpu.vector_load %arg7[%get3A_3174, %get3A_3175] {strides = array<i32>} : memref<64x256xf32, #tpu.memory_space<vmem>>, vector<1x16xf32>,
      %get3A_3177 = vector.shape_cast %get3A_3176 : vector<1x16xf32> to vector<16xf32>
      %gt3A_3178 = arith.cmpf ogt, %get3A_3177, %select_n3A_3130 : vector<16xf32>
      %gt3A_3179 = arith.cmpf ogt, %get3A_3177, %select_n3A_3127 : vector<16xf32>
      %select_n3A_3180 = arith.select %gt3A_3179, %get3A_3177, %select_n3A_3127 : vector<16xi1>, vector<16xf32>
      %select_n3A_3181 = arith.select %gt3A_3178, %select_n3A_3130, %select_n3A_3180 : vector<16xi1>, vector<16xf32>
      %select_n3A_3182 = arith.select %gt3A_3179, %broadcast_in_dim3A_3146, %select_n3A_3129 : vector<16xi1>, vector<16xi32>
      %select_n3A_3183 = arith.select %gt3A_3178, %select_n3A_3131, %select_n3A_3182 : vector<16xi1>, vector<16xi32>
      %select_n3A_3184 = arith.select %gt3A_3178, %get3A_3177, %select_n3A_3130 : vector<16xi1>, vector<16xf32>
      %select_n3A_3185 = arith.select %gt3A_3178, %broadcast_in_dim3A_3146, %select_n3A_3131 : vector<16xi1>, vector<16xi32>
      %get3A_3186 = arith.constant 58 : i32
      %get3A_3187 = arith.index_cast %get3A_3186 : i32 to index
      %get3A_3188 = arith.index_cast %add3A_26 : i32 to index
      %get3A_3189 = tpu.vector_load %arg7[%get3A_3187, %get3A_3188] {strides = array<i32>} : memref<64x256xf32, #tpu.memory_space<vmem>>, vector<1x16xf32>,
      %get3A_3190 = vector.shape_cast %get3A_3189 : vector<1x16xf32> to vector<16xf32>
      %gt3A_3191 = arith.cmpf ogt, %get3A_3190, %select_n3A_3143 : vector<16xf32>
      %gt3A_3192 = arith.cmpf ogt, %get3A_3190, %select_n3A_3140 : vector<16xf32>
      %select_n3A_3193 = arith.select %gt3A_3192, %get3A_3190, %select_n3A_3140 : vector<16xi1>, vector<16xf32>
      %select_n3A_3194 = arith.select %gt3A_3191, %select_n3A_3143, %select_n3A_3193 : vector<16xi1>, vector<16xf32>
      %select_n3A_3195 = arith.select %gt3A_3192, %broadcast_in_dim3A_3146, %select_n3A_3142 : vector<16xi1>, vector<16xi32>
      %select_n3A_3196 = arith.select %gt3A_3191, %select_n3A_3144, %select_n3A_3195 : vector<16xi1>, vector<16xi32>
      %select_n3A_3197 = arith.select %gt3A_3191, %get3A_3190, %select_n3A_3143 : vector<16xi1>, vector<16xf32>
      %select_n3A_3198 = arith.select %gt3A_3191, %broadcast_in_dim3A_3146, %select_n3A_3144 : vector<16xi1>, vector<16xi32>
      %broadcast_in_dim3A_3199 = arith.constant 59 : i32
      %broadcast_in_dim3A_3200 = vector.broadcast %broadcast_in_dim3A_3199 : i32 to vector<16xi32>
      %get3A_3201 = arith.constant 59 : i32
      %get3A_3202 = arith.index_cast %get3A_3201 : i32 to index
      %get3A_3203 = arith.index_cast %add3A_14 : i32 to index
      %get3A_3204 = tpu.vector_load %arg7[%get3A_3202, %get3A_3203] {strides = array<i32>} : memref<64x256xf32, #tpu.memory_space<vmem>>, vector<1x16xf32>,
      %get3A_3205 = vector.shape_cast %get3A_3204 : vector<1x16xf32> to vector<16xf32>
      %gt3A_3206 = arith.cmpf ogt, %get3A_3205, %select_n3A_3158 : vector<16xf32>
      %gt3A_3207 = arith.cmpf ogt, %get3A_3205, %select_n3A_3155 : vector<16xf32>
      %select_n3A_3208 = arith.select %gt3A_3207, %get3A_3205, %select_n3A_3155 : vector<16xi1>, vector<16xf32>
      %select_n3A_3209 = arith.select %gt3A_3206, %select_n3A_3158, %select_n3A_3208 : vector<16xi1>, vector<16xf32>
      %select_n3A_3210 = arith.select %gt3A_3207, %broadcast_in_dim3A_3200, %select_n3A_3157 : vector<16xi1>, vector<16xi32>
      %select_n3A_3211 = arith.select %gt3A_3206, %select_n3A_3159, %select_n3A_3210 : vector<16xi1>, vector<16xi32>
      %select_n3A_3212 = arith.select %gt3A_3206, %get3A_3205, %select_n3A_3158 : vector<16xi1>, vector<16xf32>
      %select_n3A_3213 = arith.select %gt3A_3206, %broadcast_in_dim3A_3200, %select_n3A_3159 : vector<16xi1>, vector<16xi32>
      %get3A_3214 = arith.constant 59 : i32
      %get3A_3215 = arith.index_cast %get3A_3214 : i32 to index
      %get3A_3216 = arith.index_cast %add3A_18 : i32 to index
      %get3A_3217 = tpu.vector_load %arg7[%get3A_3215, %get3A_3216] {strides = array<i32>} : memref<64x256xf32, #tpu.memory_space<vmem>>, vector<1x16xf32>,
      %get3A_3218 = vector.shape_cast %get3A_3217 : vector<1x16xf32> to vector<16xf32>
      %gt3A_3219 = arith.cmpf ogt, %get3A_3218, %select_n3A_3171 : vector<16xf32>
      %gt3A_3220 = arith.cmpf ogt, %get3A_3218, %select_n3A_3168 : vector<16xf32>
      %select_n3A_3221 = arith.select %gt3A_3220, %get3A_3218, %select_n3A_3168 : vector<16xi1>, vector<16xf32>
      %select_n3A_3222 = arith.select %gt3A_3219, %select_n3A_3171, %select_n3A_3221 : vector<16xi1>, vector<16xf32>
      %select_n3A_3223 = arith.select %gt3A_3220, %broadcast_in_dim3A_3200, %select_n3A_3170 : vector<16xi1>, vector<16xi32>
      %select_n3A_3224 = arith.select %gt3A_3219, %select_n3A_3172, %select_n3A_3223 : vector<16xi1>, vector<16xi32>
      %select_n3A_3225 = arith.select %gt3A_3219, %get3A_3218, %select_n3A_3171 : vector<16xi1>, vector<16xf32>
      %select_n3A_3226 = arith.select %gt3A_3219, %broadcast_in_dim3A_3200, %select_n3A_3172 : vector<16xi1>, vector<16xi32>
      %get3A_3227 = arith.constant 59 : i32
      %get3A_3228 = arith.index_cast %get3A_3227 : i32 to index
      %get3A_3229 = arith.index_cast %add3A_22 : i32 to index
      %get3A_3230 = tpu.vector_load %arg7[%get3A_3228, %get3A_3229] {strides = array<i32>} : memref<64x256xf32, #tpu.memory_space<vmem>>, vector<1x16xf32>,
      %get3A_3231 = vector.shape_cast %get3A_3230 : vector<1x16xf32> to vector<16xf32>
      %gt3A_3232 = arith.cmpf ogt, %get3A_3231, %select_n3A_3184 : vector<16xf32>
      %gt3A_3233 = arith.cmpf ogt, %get3A_3231, %select_n3A_3181 : vector<16xf32>
      %select_n3A_3234 = arith.select %gt3A_3233, %get3A_3231, %select_n3A_3181 : vector<16xi1>, vector<16xf32>
      %select_n3A_3235 = arith.select %gt3A_3232, %select_n3A_3184, %select_n3A_3234 : vector<16xi1>, vector<16xf32>
      %select_n3A_3236 = arith.select %gt3A_3233, %broadcast_in_dim3A_3200, %select_n3A_3183 : vector<16xi1>, vector<16xi32>
      %select_n3A_3237 = arith.select %gt3A_3232, %select_n3A_3185, %select_n3A_3236 : vector<16xi1>, vector<16xi32>
      %select_n3A_3238 = arith.select %gt3A_3232, %get3A_3231, %select_n3A_3184 : vector<16xi1>, vector<16xf32>
      %select_n3A_3239 = arith.select %gt3A_3232, %broadcast_in_dim3A_3200, %select_n3A_3185 : vector<16xi1>, vector<16xi32>
      %get3A_3240 = arith.constant 59 : i32
      %get3A_3241 = arith.index_cast %get3A_3240 : i32 to index
      %get3A_3242 = arith.index_cast %add3A_26 : i32 to index
      %get3A_3243 = tpu.vector_load %arg7[%get3A_3241, %get3A_3242] {strides = array<i32>} : memref<64x256xf32, #tpu.memory_space<vmem>>, vector<1x16xf32>,
      %get3A_3244 = vector.shape_cast %get3A_3243 : vector<1x16xf32> to vector<16xf32>
      %gt3A_3245 = arith.cmpf ogt, %get3A_3244, %select_n3A_3197 : vector<16xf32>
      %gt3A_3246 = arith.cmpf ogt, %get3A_3244, %select_n3A_3194 : vector<16xf32>
      %select_n3A_3247 = arith.select %gt3A_3246, %get3A_3244, %select_n3A_3194 : vector<16xi1>, vector<16xf32>
      %select_n3A_3248 = arith.select %gt3A_3245, %select_n3A_3197, %select_n3A_3247 : vector<16xi1>, vector<16xf32>
      %select_n3A_3249 = arith.select %gt3A_3246, %broadcast_in_dim3A_3200, %select_n3A_3196 : vector<16xi1>, vector<16xi32>
      %select_n3A_3250 = arith.select %gt3A_3245, %select_n3A_3198, %select_n3A_3249 : vector<16xi1>, vector<16xi32>
      %select_n3A_3251 = arith.select %gt3A_3245, %get3A_3244, %select_n3A_3197 : vector<16xi1>, vector<16xf32>
      %select_n3A_3252 = arith.select %gt3A_3245, %broadcast_in_dim3A_3200, %select_n3A_3198 : vector<16xi1>, vector<16xi32>
      %broadcast_in_dim3A_3253 = arith.constant 60 : i32
      %broadcast_in_dim3A_3254 = vector.broadcast %broadcast_in_dim3A_3253 : i32 to vector<16xi32>
      %get3A_3255 = arith.constant 60 : i32
      %get3A_3256 = arith.index_cast %get3A_3255 : i32 to index
      %get3A_3257 = arith.index_cast %add3A_14 : i32 to index
      %get3A_3258 = tpu.vector_load %arg7[%get3A_3256, %get3A_3257] {strides = array<i32>} : memref<64x256xf32, #tpu.memory_space<vmem>>, vector<1x16xf32>,
      %get3A_3259 = vector.shape_cast %get3A_3258 : vector<1x16xf32> to vector<16xf32>
      %gt3A_3260 = arith.cmpf ogt, %get3A_3259, %select_n3A_3212 : vector<16xf32>
      %gt3A_3261 = arith.cmpf ogt, %get3A_3259, %select_n3A_3209 : vector<16xf32>
      %select_n3A_3262 = arith.select %gt3A_3261, %get3A_3259, %select_n3A_3209 : vector<16xi1>, vector<16xf32>
      %select_n3A_3263 = arith.select %gt3A_3260, %select_n3A_3212, %select_n3A_3262 : vector<16xi1>, vector<16xf32>
      %select_n3A_3264 = arith.select %gt3A_3261, %broadcast_in_dim3A_3254, %select_n3A_3211 : vector<16xi1>, vector<16xi32>
      %select_n3A_3265 = arith.select %gt3A_3260, %select_n3A_3213, %select_n3A_3264 : vector<16xi1>, vector<16xi32>
      %select_n3A_3266 = arith.select %gt3A_3260, %get3A_3259, %select_n3A_3212 : vector<16xi1>, vector<16xf32>
      %select_n3A_3267 = arith.select %gt3A_3260, %broadcast_in_dim3A_3254, %select_n3A_3213 : vector<16xi1>, vector<16xi32>
      %get3A_3268 = arith.constant 60 : i32
      %get3A_3269 = arith.index_cast %get3A_3268 : i32 to index
      %get3A_3270 = arith.index_cast %add3A_18 : i32 to index
      %get3A_3271 = tpu.vector_load %arg7[%get3A_3269, %get3A_3270] {strides = array<i32>} : memref<64x256xf32, #tpu.memory_space<vmem>>, vector<1x16xf32>,
      %get3A_3272 = vector.shape_cast %get3A_3271 : vector<1x16xf32> to vector<16xf32>
      %gt3A_3273 = arith.cmpf ogt, %get3A_3272, %select_n3A_3225 : vector<16xf32>
      %gt3A_3274 = arith.cmpf ogt, %get3A_3272, %select_n3A_3222 : vector<16xf32>
      %select_n3A_3275 = arith.select %gt3A_3274, %get3A_3272, %select_n3A_3222 : vector<16xi1>, vector<16xf32>
      %select_n3A_3276 = arith.select %gt3A_3273, %select_n3A_3225, %select_n3A_3275 : vector<16xi1>, vector<16xf32>
      %select_n3A_3277 = arith.select %gt3A_3274, %broadcast_in_dim3A_3254, %select_n3A_3224 : vector<16xi1>, vector<16xi32>
      %select_n3A_3278 = arith.select %gt3A_3273, %select_n3A_3226, %select_n3A_3277 : vector<16xi1>, vector<16xi32>
      %select_n3A_3279 = arith.select %gt3A_3273, %get3A_3272, %select_n3A_3225 : vector<16xi1>, vector<16xf32>
      %select_n3A_3280 = arith.select %gt3A_3273, %broadcast_in_dim3A_3254, %select_n3A_3226 : vector<16xi1>, vector<16xi32>
      %get3A_3281 = arith.constant 60 : i32
      %get3A_3282 = arith.index_cast %get3A_3281 : i32 to index
      %get3A_3283 = arith.index_cast %add3A_22 : i32 to index
      %get3A_3284 = tpu.vector_load %arg7[%get3A_3282, %get3A_3283] {strides = array<i32>} : memref<64x256xf32, #tpu.memory_space<vmem>>, vector<1x16xf32>,
      %get3A_3285 = vector.shape_cast %get3A_3284 : vector<1x16xf32> to vector<16xf32>
      %gt3A_3286 = arith.cmpf ogt, %get3A_3285, %select_n3A_3238 : vector<16xf32>
      %gt3A_3287 = arith.cmpf ogt, %get3A_3285, %select_n3A_3235 : vector<16xf32>
      %select_n3A_3288 = arith.select %gt3A_3287, %get3A_3285, %select_n3A_3235 : vector<16xi1>, vector<16xf32>
      %select_n3A_3289 = arith.select %gt3A_3286, %select_n3A_3238, %select_n3A_3288 : vector<16xi1>, vector<16xf32>
      %select_n3A_3290 = arith.select %gt3A_3287, %broadcast_in_dim3A_3254, %select_n3A_3237 : vector<16xi1>, vector<16xi32>
      %select_n3A_3291 = arith.select %gt3A_3286, %select_n3A_3239, %select_n3A_3290 : vector<16xi1>, vector<16xi32>
      %select_n3A_3292 = arith.select %gt3A_3286, %get3A_3285, %select_n3A_3238 : vector<16xi1>, vector<16xf32>
      %select_n3A_3293 = arith.select %gt3A_3286, %broadcast_in_dim3A_3254, %select_n3A_3239 : vector<16xi1>, vector<16xi32>
      %get3A_3294 = arith.constant 60 : i32
      %get3A_3295 = arith.index_cast %get3A_3294 : i32 to index
      %get3A_3296 = arith.index_cast %add3A_26 : i32 to index
      %get3A_3297 = tpu.vector_load %arg7[%get3A_3295, %get3A_3296] {strides = array<i32>} : memref<64x256xf32, #tpu.memory_space<vmem>>, vector<1x16xf32>,
      %get3A_3298 = vector.shape_cast %get3A_3297 : vector<1x16xf32> to vector<16xf32>
      %gt3A_3299 = arith.cmpf ogt, %get3A_3298, %select_n3A_3251 : vector<16xf32>
      %gt3A_3300 = arith.cmpf ogt, %get3A_3298, %select_n3A_3248 : vector<16xf32>
      %select_n3A_3301 = arith.select %gt3A_3300, %get3A_3298, %select_n3A_3248 : vector<16xi1>, vector<16xf32>
      %select_n3A_3302 = arith.select %gt3A_3299, %select_n3A_3251, %select_n3A_3301 : vector<16xi1>, vector<16xf32>
      %select_n3A_3303 = arith.select %gt3A_3300, %broadcast_in_dim3A_3254, %select_n3A_3250 : vector<16xi1>, vector<16xi32>
      %select_n3A_3304 = arith.select %gt3A_3299, %select_n3A_3252, %select_n3A_3303 : vector<16xi1>, vector<16xi32>
      %select_n3A_3305 = arith.select %gt3A_3299, %get3A_3298, %select_n3A_3251 : vector<16xi1>, vector<16xf32>
      %select_n3A_3306 = arith.select %gt3A_3299, %broadcast_in_dim3A_3254, %select_n3A_3252 : vector<16xi1>, vector<16xi32>
      %broadcast_in_dim3A_3307 = arith.constant 61 : i32
      %broadcast_in_dim3A_3308 = vector.broadcast %broadcast_in_dim3A_3307 : i32 to vector<16xi32>
      %get3A_3309 = arith.constant 61 : i32
      %get3A_3310 = arith.index_cast %get3A_3309 : i32 to index
      %get3A_3311 = arith.index_cast %add3A_14 : i32 to index
      %get3A_3312 = tpu.vector_load %arg7[%get3A_3310, %get3A_3311] {strides = array<i32>} : memref<64x256xf32, #tpu.memory_space<vmem>>, vector<1x16xf32>,
      %get3A_3313 = vector.shape_cast %get3A_3312 : vector<1x16xf32> to vector<16xf32>
      %gt3A_3314 = arith.cmpf ogt, %get3A_3313, %select_n3A_3266 : vector<16xf32>
      %gt3A_3315 = arith.cmpf ogt, %get3A_3313, %select_n3A_3263 : vector<16xf32>
      %select_n3A_3316 = arith.select %gt3A_3315, %get3A_3313, %select_n3A_3263 : vector<16xi1>, vector<16xf32>
      %select_n3A_3317 = arith.select %gt3A_3314, %select_n3A_3266, %select_n3A_3316 : vector<16xi1>, vector<16xf32>
      %select_n3A_3318 = arith.select %gt3A_3315, %broadcast_in_dim3A_3308, %select_n3A_3265 : vector<16xi1>, vector<16xi32>
      %select_n3A_3319 = arith.select %gt3A_3314, %select_n3A_3267, %select_n3A_3318 : vector<16xi1>, vector<16xi32>
      %select_n3A_3320 = arith.select %gt3A_3314, %get3A_3313, %select_n3A_3266 : vector<16xi1>, vector<16xf32>
      %select_n3A_3321 = arith.select %gt3A_3314, %broadcast_in_dim3A_3308, %select_n3A_3267 : vector<16xi1>, vector<16xi32>
      %get3A_3322 = arith.constant 61 : i32
      %get3A_3323 = arith.index_cast %get3A_3322 : i32 to index
      %get3A_3324 = arith.index_cast %add3A_18 : i32 to index
      %get3A_3325 = tpu.vector_load %arg7[%get3A_3323, %get3A_3324] {strides = array<i32>} : memref<64x256xf32, #tpu.memory_space<vmem>>, vector<1x16xf32>,
      %get3A_3326 = vector.shape_cast %get3A_3325 : vector<1x16xf32> to vector<16xf32>
      %gt3A_3327 = arith.cmpf ogt, %get3A_3326, %select_n3A_3279 : vector<16xf32>
      %gt3A_3328 = arith.cmpf ogt, %get3A_3326, %select_n3A_3276 : vector<16xf32>
      %select_n3A_3329 = arith.select %gt3A_3328, %get3A_3326, %select_n3A_3276 : vector<16xi1>, vector<16xf32>
      %select_n3A_3330 = arith.select %gt3A_3327, %select_n3A_3279, %select_n3A_3329 : vector<16xi1>, vector<16xf32>
      %select_n3A_3331 = arith.select %gt3A_3328, %broadcast_in_dim3A_3308, %select_n3A_3278 : vector<16xi1>, vector<16xi32>
      %select_n3A_3332 = arith.select %gt3A_3327, %select_n3A_3280, %select_n3A_3331 : vector<16xi1>, vector<16xi32>
      %select_n3A_3333 = arith.select %gt3A_3327, %get3A_3326, %select_n3A_3279 : vector<16xi1>, vector<16xf32>
      %select_n3A_3334 = arith.select %gt3A_3327, %broadcast_in_dim3A_3308, %select_n3A_3280 : vector<16xi1>, vector<16xi32>
      %get3A_3335 = arith.constant 61 : i32
      %get3A_3336 = arith.index_cast %get3A_3335 : i32 to index
      %get3A_3337 = arith.index_cast %add3A_22 : i32 to index
      %get3A_3338 = tpu.vector_load %arg7[%get3A_3336, %get3A_3337] {strides = array<i32>} : memref<64x256xf32, #tpu.memory_space<vmem>>, vector<1x16xf32>,
      %get3A_3339 = vector.shape_cast %get3A_3338 : vector<1x16xf32> to vector<16xf32>
      %gt3A_3340 = arith.cmpf ogt, %get3A_3339, %select_n3A_3292 : vector<16xf32>
      %gt3A_3341 = arith.cmpf ogt, %get3A_3339, %select_n3A_3289 : vector<16xf32>
      %select_n3A_3342 = arith.select %gt3A_3341, %get3A_3339, %select_n3A_3289 : vector<16xi1>, vector<16xf32>
      %select_n3A_3343 = arith.select %gt3A_3340, %select_n3A_3292, %select_n3A_3342 : vector<16xi1>, vector<16xf32>
      %select_n3A_3344 = arith.select %gt3A_3341, %broadcast_in_dim3A_3308, %select_n3A_3291 : vector<16xi1>, vector<16xi32>
      %select_n3A_3345 = arith.select %gt3A_3340, %select_n3A_3293, %select_n3A_3344 : vector<16xi1>, vector<16xi32>
      %select_n3A_3346 = arith.select %gt3A_3340, %get3A_3339, %select_n3A_3292 : vector<16xi1>, vector<16xf32>
      %select_n3A_3347 = arith.select %gt3A_3340, %broadcast_in_dim3A_3308, %select_n3A_3293 : vector<16xi1>, vector<16xi32>
      %get3A_3348 = arith.constant 61 : i32
      %get3A_3349 = arith.index_cast %get3A_3348 : i32 to index
      %get3A_3350 = arith.index_cast %add3A_26 : i32 to index
      %get3A_3351 = tpu.vector_load %arg7[%get3A_3349, %get3A_3350] {strides = array<i32>} : memref<64x256xf32, #tpu.memory_space<vmem>>, vector<1x16xf32>,
      %get3A_3352 = vector.shape_cast %get3A_3351 : vector<1x16xf32> to vector<16xf32>
      %gt3A_3353 = arith.cmpf ogt, %get3A_3352, %select_n3A_3305 : vector<16xf32>
      %gt3A_3354 = arith.cmpf ogt, %get3A_3352, %select_n3A_3302 : vector<16xf32>
      %select_n3A_3355 = arith.select %gt3A_3354, %get3A_3352, %select_n3A_3302 : vector<16xi1>, vector<16xf32>
      %select_n3A_3356 = arith.select %gt3A_3353, %select_n3A_3305, %select_n3A_3355 : vector<16xi1>, vector<16xf32>
      %select_n3A_3357 = arith.select %gt3A_3354, %broadcast_in_dim3A_3308, %select_n3A_3304 : vector<16xi1>, vector<16xi32>
      %select_n3A_3358 = arith.select %gt3A_3353, %select_n3A_3306, %select_n3A_3357 : vector<16xi1>, vector<16xi32>
      %select_n3A_3359 = arith.select %gt3A_3353, %get3A_3352, %select_n3A_3305 : vector<16xi1>, vector<16xf32>
      %select_n3A_3360 = arith.select %gt3A_3353, %broadcast_in_dim3A_3308, %select_n3A_3306 : vector<16xi1>, vector<16xi32>
      %broadcast_in_dim3A_3361 = arith.constant 62 : i32
      %broadcast_in_dim3A_3362 = vector.broadcast %broadcast_in_dim3A_3361 : i32 to vector<16xi32>
      %get3A_3363 = arith.constant 62 : i32
      %get3A_3364 = arith.index_cast %get3A_3363 : i32 to index
      %get3A_3365 = arith.index_cast %add3A_14 : i32 to index
      %get3A_3366 = tpu.vector_load %arg7[%get3A_3364, %get3A_3365] {strides = array<i32>} : memref<64x256xf32, #tpu.memory_space<vmem>>, vector<1x16xf32>,
      %get3A_3367 = vector.shape_cast %get3A_3366 : vector<1x16xf32> to vector<16xf32>
      %gt3A_3368 = arith.cmpf ogt, %get3A_3367, %select_n3A_3320 : vector<16xf32>
      %gt3A_3369 = arith.cmpf ogt, %get3A_3367, %select_n3A_3317 : vector<16xf32>
      %select_n3A_3370 = arith.select %gt3A_3369, %get3A_3367, %select_n3A_3317 : vector<16xi1>, vector<16xf32>
      %select_n3A_3371 = arith.select %gt3A_3368, %select_n3A_3320, %select_n3A_3370 : vector<16xi1>, vector<16xf32>
      %select_n3A_3372 = arith.select %gt3A_3369, %broadcast_in_dim3A_3362, %select_n3A_3319 : vector<16xi1>, vector<16xi32>
      %select_n3A_3373 = arith.select %gt3A_3368, %select_n3A_3321, %select_n3A_3372 : vector<16xi1>, vector<16xi32>
      %select_n3A_3374 = arith.select %gt3A_3368, %get3A_3367, %select_n3A_3320 : vector<16xi1>, vector<16xf32>
      %select_n3A_3375 = arith.select %gt3A_3368, %broadcast_in_dim3A_3362, %select_n3A_3321 : vector<16xi1>, vector<16xi32>
      %get3A_3376 = arith.constant 62 : i32
      %get3A_3377 = arith.index_cast %get3A_3376 : i32 to index
      %get3A_3378 = arith.index_cast %add3A_18 : i32 to index
      %get3A_3379 = tpu.vector_load %arg7[%get3A_3377, %get3A_3378] {strides = array<i32>} : memref<64x256xf32, #tpu.memory_space<vmem>>, vector<1x16xf32>,
      %get3A_3380 = vector.shape_cast %get3A_3379 : vector<1x16xf32> to vector<16xf32>
      %gt3A_3381 = arith.cmpf ogt, %get3A_3380, %select_n3A_3333 : vector<16xf32>
      %gt3A_3382 = arith.cmpf ogt, %get3A_3380, %select_n3A_3330 : vector<16xf32>
      %select_n3A_3383 = arith.select %gt3A_3382, %get3A_3380, %select_n3A_3330 : vector<16xi1>, vector<16xf32>
      %select_n3A_3384 = arith.select %gt3A_3381, %select_n3A_3333, %select_n3A_3383 : vector<16xi1>, vector<16xf32>
      %select_n3A_3385 = arith.select %gt3A_3382, %broadcast_in_dim3A_3362, %select_n3A_3332 : vector<16xi1>, vector<16xi32>
      %select_n3A_3386 = arith.select %gt3A_3381, %select_n3A_3334, %select_n3A_3385 : vector<16xi1>, vector<16xi32>
      %select_n3A_3387 = arith.select %gt3A_3381, %get3A_3380, %select_n3A_3333 : vector<16xi1>, vector<16xf32>
      %select_n3A_3388 = arith.select %gt3A_3381, %broadcast_in_dim3A_3362, %select_n3A_3334 : vector<16xi1>, vector<16xi32>
      %get3A_3389 = arith.constant 62 : i32
      %get3A_3390 = arith.index_cast %get3A_3389 : i32 to index
      %get3A_3391 = arith.index_cast %add3A_22 : i32 to index
      %get3A_3392 = tpu.vector_load %arg7[%get3A_3390, %get3A_3391] {strides = array<i32>} : memref<64x256xf32, #tpu.memory_space<vmem>>, vector<1x16xf32>,
      %get3A_3393 = vector.shape_cast %get3A_3392 : vector<1x16xf32> to vector<16xf32>
      %gt3A_3394 = arith.cmpf ogt, %get3A_3393, %select_n3A_3346 : vector<16xf32>
      %gt3A_3395 = arith.cmpf ogt, %get3A_3393, %select_n3A_3343 : vector<16xf32>
      %select_n3A_3396 = arith.select %gt3A_3395, %get3A_3393, %select_n3A_3343 : vector<16xi1>, vector<16xf32>
      %select_n3A_3397 = arith.select %gt3A_3394, %select_n3A_3346, %select_n3A_3396 : vector<16xi1>, vector<16xf32>
      %select_n3A_3398 = arith.select %gt3A_3395, %broadcast_in_dim3A_3362, %select_n3A_3345 : vector<16xi1>, vector<16xi32>
      %select_n3A_3399 = arith.select %gt3A_3394, %select_n3A_3347, %select_n3A_3398 : vector<16xi1>, vector<16xi32>
      %select_n3A_3400 = arith.select %gt3A_3394, %get3A_3393, %select_n3A_3346 : vector<16xi1>, vector<16xf32>
      %select_n3A_3401 = arith.select %gt3A_3394, %broadcast_in_dim3A_3362, %select_n3A_3347 : vector<16xi1>, vector<16xi32>
      %get3A_3402 = arith.constant 62 : i32
      %get3A_3403 = arith.index_cast %get3A_3402 : i32 to index
      %get3A_3404 = arith.index_cast %add3A_26 : i32 to index
      %get3A_3405 = tpu.vector_load %arg7[%get3A_3403, %get3A_3404] {strides = array<i32>} : memref<64x256xf32, #tpu.memory_space<vmem>>, vector<1x16xf32>,
      %get3A_3406 = vector.shape_cast %get3A_3405 : vector<1x16xf32> to vector<16xf32>
      %gt3A_3407 = arith.cmpf ogt, %get3A_3406, %select_n3A_3359 : vector<16xf32>
      %gt3A_3408 = arith.cmpf ogt, %get3A_3406, %select_n3A_3356 : vector<16xf32>
      %select_n3A_3409 = arith.select %gt3A_3408, %get3A_3406, %select_n3A_3356 : vector<16xi1>, vector<16xf32>
      %select_n3A_3410 = arith.select %gt3A_3407, %select_n3A_3359, %select_n3A_3409 : vector<16xi1>, vector<16xf32>
      %select_n3A_3411 = arith.select %gt3A_3408, %broadcast_in_dim3A_3362, %select_n3A_3358 : vector<16xi1>, vector<16xi32>
      %select_n3A_3412 = arith.select %gt3A_3407, %select_n3A_3360, %select_n3A_3411 : vector<16xi1>, vector<16xi32>
      %select_n3A_3413 = arith.select %gt3A_3407, %get3A_3406, %select_n3A_3359 : vector<16xi1>, vector<16xf32>
      %select_n3A_3414 = arith.select %gt3A_3407, %broadcast_in_dim3A_3362, %select_n3A_3360 : vector<16xi1>, vector<16xi32>
      %broadcast_in_dim3A_3415 = arith.constant 63 : i32
      %broadcast_in_dim3A_3416 = vector.broadcast %broadcast_in_dim3A_3415 : i32 to vector<16xi32>
      %get3A_3417 = arith.constant 63 : i32
      %get3A_3418 = arith.index_cast %get3A_3417 : i32 to index
      %get3A_3419 = arith.index_cast %add3A_14 : i32 to index
      %get3A_3420 = tpu.vector_load %arg7[%get3A_3418, %get3A_3419] {strides = array<i32>} : memref<64x256xf32, #tpu.memory_space<vmem>>, vector<1x16xf32>,
      %get3A_3421 = vector.shape_cast %get3A_3420 : vector<1x16xf32> to vector<16xf32>
      %gt3A_3422 = arith.cmpf ogt, %get3A_3421, %select_n3A_3374 : vector<16xf32>
      %gt3A_3423 = arith.cmpf ogt, %get3A_3421, %select_n3A_3371 : vector<16xf32>
      %select_n3A_3424 = arith.select %gt3A_3423, %get3A_3421, %select_n3A_3371 : vector<16xi1>, vector<16xf32>
      %select_n3A_3425 = arith.select %gt3A_3422, %select_n3A_3374, %select_n3A_3424 : vector<16xi1>, vector<16xf32>
      %select_n3A_3426 = arith.select %gt3A_3423, %broadcast_in_dim3A_3416, %select_n3A_3373 : vector<16xi1>, vector<16xi32>
      %select_n3A_3427 = arith.select %gt3A_3422, %select_n3A_3375, %select_n3A_3426 : vector<16xi1>, vector<16xi32>
      %select_n3A_3428 = arith.select %gt3A_3422, %get3A_3421, %select_n3A_3374 : vector<16xi1>, vector<16xf32>
      %select_n3A_3429 = arith.select %gt3A_3422, %broadcast_in_dim3A_3416, %select_n3A_3375 : vector<16xi1>, vector<16xi32>
      %get3A_3430 = arith.constant 63 : i32
      %get3A_3431 = arith.index_cast %get3A_3430 : i32 to index
      %get3A_3432 = arith.index_cast %add3A_18 : i32 to index
      %get3A_3433 = tpu.vector_load %arg7[%get3A_3431, %get3A_3432] {strides = array<i32>} : memref<64x256xf32, #tpu.memory_space<vmem>>, vector<1x16xf32>,
      %get3A_3434 = vector.shape_cast %get3A_3433 : vector<1x16xf32> to vector<16xf32>
      %gt3A_3435 = arith.cmpf ogt, %get3A_3434, %select_n3A_3387 : vector<16xf32>
      %gt3A_3436 = arith.cmpf ogt, %get3A_3434, %select_n3A_3384 : vector<16xf32>
      %select_n3A_3437 = arith.select %gt3A_3436, %get3A_3434, %select_n3A_3384 : vector<16xi1>, vector<16xf32>
      %select_n3A_3438 = arith.select %gt3A_3435, %select_n3A_3387, %select_n3A_3437 : vector<16xi1>, vector<16xf32>
      %select_n3A_3439 = arith.select %gt3A_3436, %broadcast_in_dim3A_3416, %select_n3A_3386 : vector<16xi1>, vector<16xi32>
      %select_n3A_3440 = arith.select %gt3A_3435, %select_n3A_3388, %select_n3A_3439 : vector<16xi1>, vector<16xi32>
      %select_n3A_3441 = arith.select %gt3A_3435, %get3A_3434, %select_n3A_3387 : vector<16xi1>, vector<16xf32>
      %select_n3A_3442 = arith.select %gt3A_3435, %broadcast_in_dim3A_3416, %select_n3A_3388 : vector<16xi1>, vector<16xi32>
      %get3A_3443 = arith.constant 63 : i32
      %get3A_3444 = arith.index_cast %get3A_3443 : i32 to index
      %get3A_3445 = arith.index_cast %add3A_22 : i32 to index
      %get3A_3446 = tpu.vector_load %arg7[%get3A_3444, %get3A_3445] {strides = array<i32>} : memref<64x256xf32, #tpu.memory_space<vmem>>, vector<1x16xf32>,
      %get3A_3447 = vector.shape_cast %get3A_3446 : vector<1x16xf32> to vector<16xf32>
      %gt3A_3448 = arith.cmpf ogt, %get3A_3447, %select_n3A_3400 : vector<16xf32>
      %gt3A_3449 = arith.cmpf ogt, %get3A_3447, %select_n3A_3397 : vector<16xf32>
      %select_n3A_3450 = arith.select %gt3A_3449, %get3A_3447, %select_n3A_3397 : vector<16xi1>, vector<16xf32>
      %select_n3A_3451 = arith.select %gt3A_3448, %select_n3A_3400, %select_n3A_3450 : vector<16xi1>, vector<16xf32>
      %select_n3A_3452 = arith.select %gt3A_3449, %broadcast_in_dim3A_3416, %select_n3A_3399 : vector<16xi1>, vector<16xi32>
      %select_n3A_3453 = arith.select %gt3A_3448, %select_n3A_3401, %select_n3A_3452 : vector<16xi1>, vector<16xi32>
      %select_n3A_3454 = arith.select %gt3A_3448, %get3A_3447, %select_n3A_3400 : vector<16xi1>, vector<16xf32>
      %select_n3A_3455 = arith.select %gt3A_3448, %broadcast_in_dim3A_3416, %select_n3A_3401 : vector<16xi1>, vector<16xi32>
      %get3A_3456 = arith.constant 63 : i32
      %get3A_3457 = arith.index_cast %get3A_3456 : i32 to index
      %get3A_3458 = arith.index_cast %add3A_26 : i32 to index
      %get3A_3459 = tpu.vector_load %arg7[%get3A_3457, %get3A_3458] {strides = array<i32>} : memref<64x256xf32, #tpu.memory_space<vmem>>, vector<1x16xf32>,
      %get3A_3460 = vector.shape_cast %get3A_3459 : vector<1x16xf32> to vector<16xf32>
      %gt3A_3461 = arith.cmpf ogt, %get3A_3460, %select_n3A_3413 : vector<16xf32>
      %gt3A_3462 = arith.cmpf ogt, %get3A_3460, %select_n3A_3410 : vector<16xf32>
      %select_n3A_3463 = arith.select %gt3A_3462, %get3A_3460, %select_n3A_3410 : vector<16xi1>, vector<16xf32>
      %select_n3A_3464 = arith.select %gt3A_3461, %select_n3A_3413, %select_n3A_3463 : vector<16xi1>, vector<16xf32>
      %select_n3A_3465 = arith.select %gt3A_3462, %broadcast_in_dim3A_3416, %select_n3A_3412 : vector<16xi1>, vector<16xi32>
      %select_n3A_3466 = arith.select %gt3A_3461, %select_n3A_3414, %select_n3A_3465 : vector<16xi1>, vector<16xi32>
      %select_n3A_3467 = arith.select %gt3A_3461, %get3A_3460, %select_n3A_3413 : vector<16xi1>, vector<16xf32>
      %select_n3A_3468 = arith.select %gt3A_3461, %broadcast_in_dim3A_3416, %select_n3A_3414 : vector<16xi1>, vector<16xi32>
      %sub3A = arith.subf %select_n3A_3425, %select_n3A_3428 : vector<16xf32>
      %exp3A = math.exp %sub3A : vector<16xf32>
      %add3A_3469 = arith.constant 1.000000e+00 : f32
      %add3A_3470 = vector.broadcast %add3A_3469 : f32 to vector<16xf32>
      %add3A_3471 = arith.addf %add3A_3470, %exp3A : vector<16xf32>
      %div3A = arith.constant 1.000000e+00 : f32
      %div3A_3472 = vector.broadcast %div3A : f32 to vector<16xf32>
      %div3A_3473 = arith.divf %div3A_3472, %add3A_3471 : vector<16xf32>
      %swap3A = arith.index_cast %add3A_14 : i32 to index
      %swap3A_3474 = tpu.vector_load %arg8[%swap3A] {strides = array<i32>} : memref<256xf32, #tpu.memory_space<vmem>>, vector<16xf32>,
      %swap3A_3475 = vector.shape_cast %swap3A_3474 : vector<16xf32> to vector<16xf32>
      %swap3A_3476 = vector.shape_cast %div3A_3473 : vector<16xf32> to vector<16xf32>
      tpu.vector_store %arg8[%swap3A], %swap3A_3476 {strides = array<i32>} : memref<256xf32, #tpu.memory_space<vmem>>, vector<16xf32>,
      %sub3A_3477 = arith.constant 1.000000e+00 : f32
      %sub3A_3478 = vector.broadcast %sub3A_3477 : f32 to vector<16xf32>
      %sub3A_3479 = arith.subf %sub3A_3478, %div3A_3473 : vector<16xf32>
      %swap3A_3480 = arith.index_cast %add3A_14 : i32 to index
      %swap3A_3481 = tpu.vector_load %arg9[%swap3A_3480] {strides = array<i32>} : memref<256xf32, #tpu.memory_space<vmem>>, vector<16xf32>,
      %swap3A_3482 = vector.shape_cast %swap3A_3481 : vector<16xf32> to vector<16xf32>
      %swap3A_3483 = vector.shape_cast %sub3A_3479 : vector<16xf32> to vector<16xf32>
      tpu.vector_store %arg9[%swap3A_3480], %swap3A_3483 {strides = array<i32>} : memref<256xf32, #tpu.memory_space<vmem>>, vector<16xf32>,
      %swap3A_3484 = arith.index_cast %add3A_14 : i32 to index
      %swap3A_3485 = tpu.vector_load %arg10[%swap3A_3484] {strides = array<i32>} : memref<256xi32, #tpu.memory_space<vmem>>, vector<16xi32>,
      %swap3A_3486 = vector.shape_cast %swap3A_3485 : vector<16xi32> to vector<16xi32>
      %swap3A_3487 = vector.shape_cast %select_n3A_3429 : vector<16xi32> to vector<16xi32>
      tpu.vector_store %arg10[%swap3A_3484], %swap3A_3487 {strides = array<i32>} : memref<256xi32, #tpu.memory_space<vmem>>, vector<16xi32>,
      %swap3A_3488 = arith.index_cast %add3A_14 : i32 to index
      %swap3A_3489 = tpu.vector_load %arg11[%swap3A_3488] {strides = array<i32>} : memref<256xi32, #tpu.memory_space<vmem>>, vector<16xi32>,
      %swap3A_3490 = vector.shape_cast %swap3A_3489 : vector<16xi32> to vector<16xi32>
      %swap3A_3491 = vector.shape_cast %select_n3A_3427 : vector<16xi32> to vector<16xi32>
      tpu.vector_store %arg11[%swap3A_3488], %swap3A_3491 {strides = array<i32>} : memref<256xi32, #tpu.memory_space<vmem>>, vector<16xi32>,
      %sub3A_3492 = arith.subf %select_n3A_3438, %select_n3A_3441 : vector<16xf32>
      %exp3A_3493 = math.exp %sub3A_3492 : vector<16xf32>
      %add3A_3494 = arith.constant 1.000000e+00 : f32
      %add3A_3495 = vector.broadcast %add3A_3494 : f32 to vector<16xf32>
      %add3A_3496 = arith.addf %add3A_3495, %exp3A_3493 : vector<16xf32>
      %div3A_3497 = arith.constant 1.000000e+00 : f32
      %div3A_3498 = vector.broadcast %div3A_3497 : f32 to vector<16xf32>
      %div3A_3499 = arith.divf %div3A_3498, %add3A_3496 : vector<16xf32>
      %swap3A_3500 = arith.index_cast %add3A_18 : i32 to index
      %swap3A_3501 = tpu.vector_load %arg8[%swap3A_3500] {strides = array<i32>} : memref<256xf32, #tpu.memory_space<vmem>>, vector<16xf32>,
      %swap3A_3502 = vector.shape_cast %swap3A_3501 : vector<16xf32> to vector<16xf32>
      %swap3A_3503 = vector.shape_cast %div3A_3499 : vector<16xf32> to vector<16xf32>
      tpu.vector_store %arg8[%swap3A_3500], %swap3A_3503 {strides = array<i32>} : memref<256xf32, #tpu.memory_space<vmem>>, vector<16xf32>,
      %sub3A_3504 = arith.constant 1.000000e+00 : f32
      %sub3A_3505 = vector.broadcast %sub3A_3504 : f32 to vector<16xf32>
      %sub3A_3506 = arith.subf %sub3A_3505, %div3A_3499 : vector<16xf32>
      %swap3A_3507 = arith.index_cast %add3A_18 : i32 to index
      %swap3A_3508 = tpu.vector_load %arg9[%swap3A_3507] {strides = array<i32>} : memref<256xf32, #tpu.memory_space<vmem>>, vector<16xf32>,
      %swap3A_3509 = vector.shape_cast %swap3A_3508 : vector<16xf32> to vector<16xf32>
      %swap3A_3510 = vector.shape_cast %sub3A_3506 : vector<16xf32> to vector<16xf32>
      tpu.vector_store %arg9[%swap3A_3507], %swap3A_3510 {strides = array<i32>} : memref<256xf32, #tpu.memory_space<vmem>>, vector<16xf32>,
      %swap3A_3511 = arith.index_cast %add3A_18 : i32 to index
      %swap3A_3512 = tpu.vector_load %arg10[%swap3A_3511] {strides = array<i32>} : memref<256xi32, #tpu.memory_space<vmem>>, vector<16xi32>,
      %swap3A_3513 = vector.shape_cast %swap3A_3512 : vector<16xi32> to vector<16xi32>
      %swap3A_3514 = vector.shape_cast %select_n3A_3442 : vector<16xi32> to vector<16xi32>
      tpu.vector_store %arg10[%swap3A_3511], %swap3A_3514 {strides = array<i32>} : memref<256xi32, #tpu.memory_space<vmem>>, vector<16xi32>,
      %swap3A_3515 = arith.index_cast %add3A_18 : i32 to index
      %swap3A_3516 = tpu.vector_load %arg11[%swap3A_3515] {strides = array<i32>} : memref<256xi32, #tpu.memory_space<vmem>>, vector<16xi32>,
      %swap3A_3517 = vector.shape_cast %swap3A_3516 : vector<16xi32> to vector<16xi32>
      %swap3A_3518 = vector.shape_cast %select_n3A_3440 : vector<16xi32> to vector<16xi32>
      tpu.vector_store %arg11[%swap3A_3515], %swap3A_3518 {strides = array<i32>} : memref<256xi32, #tpu.memory_space<vmem>>, vector<16xi32>,
      %sub3A_3519 = arith.subf %select_n3A_3451, %select_n3A_3454 : vector<16xf32>
      %exp3A_3520 = math.exp %sub3A_3519 : vector<16xf32>
      %add3A_3521 = arith.constant 1.000000e+00 : f32
      %add3A_3522 = vector.broadcast %add3A_3521 : f32 to vector<16xf32>
      %add3A_3523 = arith.addf %add3A_3522, %exp3A_3520 : vector<16xf32>
      %div3A_3524 = arith.constant 1.000000e+00 : f32
      %div3A_3525 = vector.broadcast %div3A_3524 : f32 to vector<16xf32>
      %div3A_3526 = arith.divf %div3A_3525, %add3A_3523 : vector<16xf32>
      %swap3A_3527 = arith.index_cast %add3A_22 : i32 to index
      %swap3A_3528 = tpu.vector_load %arg8[%swap3A_3527] {strides = array<i32>} : memref<256xf32, #tpu.memory_space<vmem>>, vector<16xf32>,
      %swap3A_3529 = vector.shape_cast %swap3A_3528 : vector<16xf32> to vector<16xf32>
      %swap3A_3530 = vector.shape_cast %div3A_3526 : vector<16xf32> to vector<16xf32>
      tpu.vector_store %arg8[%swap3A_3527], %swap3A_3530 {strides = array<i32>} : memref<256xf32, #tpu.memory_space<vmem>>, vector<16xf32>,
      %sub3A_3531 = arith.constant 1.000000e+00 : f32
      %sub3A_3532 = vector.broadcast %sub3A_3531 : f32 to vector<16xf32>
      %sub3A_3533 = arith.subf %sub3A_3532, %div3A_3526 : vector<16xf32>
      %swap3A_3534 = arith.index_cast %add3A_22 : i32 to index
      %swap3A_3535 = tpu.vector_load %arg9[%swap3A_3534] {strides = array<i32>} : memref<256xf32, #tpu.memory_space<vmem>>, vector<16xf32>,
      %swap3A_3536 = vector.shape_cast %swap3A_3535 : vector<16xf32> to vector<16xf32>
      %swap3A_3537 = vector.shape_cast %sub3A_3533 : vector<16xf32> to vector<16xf32>
      tpu.vector_store %arg9[%swap3A_3534], %swap3A_3537 {strides = array<i32>} : memref<256xf32, #tpu.memory_space<vmem>>, vector<16xf32>,
      %swap3A_3538 = arith.index_cast %add3A_22 : i32 to index
      %swap3A_3539 = tpu.vector_load %arg10[%swap3A_3538] {strides = array<i32>} : memref<256xi32, #tpu.memory_space<vmem>>, vector<16xi32>,
      %swap3A_3540 = vector.shape_cast %swap3A_3539 : vector<16xi32> to vector<16xi32>
      %swap3A_3541 = vector.shape_cast %select_n3A_3455 : vector<16xi32> to vector<16xi32>
      tpu.vector_store %arg10[%swap3A_3538], %swap3A_3541 {strides = array<i32>} : memref<256xi32, #tpu.memory_space<vmem>>, vector<16xi32>,
      %swap3A_3542 = arith.index_cast %add3A_22 : i32 to index
      %swap3A_3543 = tpu.vector_load %arg11[%swap3A_3542] {strides = array<i32>} : memref<256xi32, #tpu.memory_space<vmem>>, vector<16xi32>,
      %swap3A_3544 = vector.shape_cast %swap3A_3543 : vector<16xi32> to vector<16xi32>
      %swap3A_3545 = vector.shape_cast %select_n3A_3453 : vector<16xi32> to vector<16xi32>
      tpu.vector_store %arg11[%swap3A_3542], %swap3A_3545 {strides = array<i32>} : memref<256xi32, #tpu.memory_space<vmem>>, vector<16xi32>,
      %sub3A_3546 = arith.subf %select_n3A_3464, %select_n3A_3467 : vector<16xf32>
      %exp3A_3547 = math.exp %sub3A_3546 : vector<16xf32>
      %add3A_3548 = arith.constant 1.000000e+00 : f32
      %add3A_3549 = vector.broadcast %add3A_3548 : f32 to vector<16xf32>
      %add3A_3550 = arith.addf %add3A_3549, %exp3A_3547 : vector<16xf32>
      %div3A_3551 = arith.constant 1.000000e+00 : f32
      %div3A_3552 = vector.broadcast %div3A_3551 : f32 to vector<16xf32>
      %div3A_3553 = arith.divf %div3A_3552, %add3A_3550 : vector<16xf32>
      %swap3A_3554 = arith.index_cast %add3A_26 : i32 to index
      %swap3A_3555 = tpu.vector_load %arg8[%swap3A_3554] {strides = array<i32>} : memref<256xf32, #tpu.memory_space<vmem>>, vector<16xf32>,
      %swap3A_3556 = vector.shape_cast %swap3A_3555 : vector<16xf32> to vector<16xf32>
      %swap3A_3557 = vector.shape_cast %div3A_3553 : vector<16xf32> to vector<16xf32>
      tpu.vector_store %arg8[%swap3A_3554], %swap3A_3557 {strides = array<i32>} : memref<256xf32, #tpu.memory_space<vmem>>, vector<16xf32>,
      %sub3A_3558 = arith.constant 1.000000e+00 : f32
      %sub3A_3559 = vector.broadcast %sub3A_3558 : f32 to vector<16xf32>
      %sub3A_3560 = arith.subf %sub3A_3559, %div3A_3553 : vector<16xf32>
      %swap3A_3561 = arith.index_cast %add3A_26 : i32 to index
      %swap3A_3562 = tpu.vector_load %arg9[%swap3A_3561] {strides = array<i32>} : memref<256xf32, #tpu.memory_space<vmem>>, vector<16xf32>,
      %swap3A_3563 = vector.shape_cast %swap3A_3562 : vector<16xf32> to vector<16xf32>
      %swap3A_3564 = vector.shape_cast %sub3A_3560 : vector<16xf32> to vector<16xf32>
      tpu.vector_store %arg9[%swap3A_3561], %swap3A_3564 {strides = array<i32>} : memref<256xf32, #tpu.memory_space<vmem>>, vector<16xf32>,
      %swap3A_3565 = arith.index_cast %add3A_26 : i32 to index
      %swap3A_3566 = tpu.vector_load %arg10[%swap3A_3565] {strides = array<i32>} : memref<256xi32, #tpu.memory_space<vmem>>, vector<16xi32>,
      %swap3A_3567 = vector.shape_cast %swap3A_3566 : vector<16xi32> to vector<16xi32>
      %swap3A_3568 = vector.shape_cast %select_n3A_3468 : vector<16xi32> to vector<16xi32>
      tpu.vector_store %arg10[%swap3A_3565], %swap3A_3568 {strides = array<i32>} : memref<256xi32, #tpu.memory_space<vmem>>, vector<16xi32>,
      %swap3A_3569 = arith.index_cast %add3A_26 : i32 to index
      %swap3A_3570 = tpu.vector_load %arg11[%swap3A_3569] {strides = array<i32>} : memref<256xi32, #tpu.memory_space<vmem>>, vector<16xi32>,
      %swap3A_3571 = vector.shape_cast %swap3A_3570 : vector<16xi32> to vector<16xi32>
      %swap3A_3572 = vector.shape_cast %select_n3A_3466 : vector<16xi32> to vector<16xi32>
      tpu.vector_store %arg11[%swap3A_3569], %swap3A_3572 {strides = array<i32>} : memref<256xi32, #tpu.memory_space<vmem>>, vector<16xi32>,
      %scan3A_3573 = arith.constant 0 : i32
      scf.yield %scan3A_3573 : i32
    }
    %scan3A_8 = arith.constant 4 : i32
    "tpu.region"() ({
      %run_scoped3A = tpu.sem_alloc : memref<!tpu.dma_semaphore, #tpu.memory_space<semaphore_mem>>
      %dma_start3A = tpu.memref_slice %arg3[%mul3A_2] : memref<8192xf32, #tpu.memory_space<hbm>> -> memref<256xf32, #tpu.memory_space<hbm>>
      %dma_start3A_9 = tpu.memref_slice %arg3[%mul3A_2] : memref<8192xf32, #tpu.memory_space<hbm>> -> memref<256xf32, #tpu.memory_space<hbm>>
      tpu.enqueue_dma source(%arg8 : memref<256xf32, #tpu.memory_space<vmem>>) target(%dma_start3A_9 : memref<256xf32, #tpu.memory_space<hbm>>) target_semaphore(%run_scoped3A : memref<!tpu.dma_semaphore, #tpu.memory_space<semaphore_mem>>)
      %dma_wait3A = tpu.memref_slice %arg3[%mul3A_2] : memref<8192xf32, #tpu.memory_space<hbm>> -> memref<256xf32, #tpu.memory_space<hbm>>
      %dma_wait3A_10 = tpu.memref_slice %arg3[%mul3A_2] : memref<8192xf32, #tpu.memory_space<hbm>> -> memref<256xf32, #tpu.memory_space<hbm>>
      tpu.wait_dma2 semaphore(%run_scoped3A : memref<!tpu.dma_semaphore, #tpu.memory_space<semaphore_mem>>) src(%arg8 : memref<256xf32, #tpu.memory_space<vmem>>) dst(%dma_wait3A_10 : memref<256xf32, #tpu.memory_space<hbm>>)
      tpu.yield
    }) : () -> ()
    "tpu.region"() ({
      %run_scoped3A = tpu.sem_alloc : memref<!tpu.dma_semaphore, #tpu.memory_space<semaphore_mem>>
      %dma_start3A = tpu.memref_slice %arg4[%mul3A_2] : memref<8192xf32, #tpu.memory_space<hbm>> -> memref<256xf32, #tpu.memory_space<hbm>>
      %dma_start3A_9 = tpu.memref_slice %arg4[%mul3A_2] : memref<8192xf32, #tpu.memory_space<hbm>> -> memref<256xf32, #tpu.memory_space<hbm>>
      tpu.enqueue_dma source(%arg9 : memref<256xf32, #tpu.memory_space<vmem>>) target(%dma_start3A_9 : memref<256xf32, #tpu.memory_space<hbm>>) target_semaphore(%run_scoped3A : memref<!tpu.dma_semaphore, #tpu.memory_space<semaphore_mem>>)
      %dma_wait3A = tpu.memref_slice %arg4[%mul3A_2] : memref<8192xf32, #tpu.memory_space<hbm>> -> memref<256xf32, #tpu.memory_space<hbm>>
      %dma_wait3A_10 = tpu.memref_slice %arg4[%mul3A_2] : memref<8192xf32, #tpu.memory_space<hbm>> -> memref<256xf32, #tpu.memory_space<hbm>>
      tpu.wait_dma2 semaphore(%run_scoped3A : memref<!tpu.dma_semaphore, #tpu.memory_space<semaphore_mem>>) src(%arg9 : memref<256xf32, #tpu.memory_space<vmem>>) dst(%dma_wait3A_10 : memref<256xf32, #tpu.memory_space<hbm>>)
      tpu.yield
    }) : () -> ()
    "tpu.region"() ({
      %run_scoped3A = tpu.sem_alloc : memref<!tpu.dma_semaphore, #tpu.memory_space<semaphore_mem>>
      %dma_start3A = tpu.memref_slice %arg5[%mul3A_2] : memref<8192xi32, #tpu.memory_space<hbm>> -> memref<256xi32, #tpu.memory_space<hbm>>
      %dma_start3A_9 = tpu.memref_slice %arg5[%mul3A_2] : memref<8192xi32, #tpu.memory_space<hbm>> -> memref<256xi32, #tpu.memory_space<hbm>>
      tpu.enqueue_dma source(%arg10 : memref<256xi32, #tpu.memory_space<vmem>>) target(%dma_start3A_9 : memref<256xi32, #tpu.memory_space<hbm>>) target_semaphore(%run_scoped3A : memref<!tpu.dma_semaphore, #tpu.memory_space<semaphore_mem>>)
      %dma_wait3A = tpu.memref_slice %arg5[%mul3A_2] : memref<8192xi32, #tpu.memory_space<hbm>> -> memref<256xi32, #tpu.memory_space<hbm>>
      %dma_wait3A_10 = tpu.memref_slice %arg5[%mul3A_2] : memref<8192xi32, #tpu.memory_space<hbm>> -> memref<256xi32, #tpu.memory_space<hbm>>
      tpu.wait_dma2 semaphore(%run_scoped3A : memref<!tpu.dma_semaphore, #tpu.memory_space<semaphore_mem>>) src(%arg10 : memref<256xi32, #tpu.memory_space<vmem>>) dst(%dma_wait3A_10 : memref<256xi32, #tpu.memory_space<hbm>>)
      tpu.yield
    }) : () -> ()
    "tpu.region"() ({
      %run_scoped3A = tpu.sem_alloc : memref<!tpu.dma_semaphore, #tpu.memory_space<semaphore_mem>>
      %dma_start3A = tpu.memref_slice %arg6[%mul3A_2] : memref<8192xi32, #tpu.memory_space<hbm>> -> memref<256xi32, #tpu.memory_space<hbm>>
      %dma_start3A_9 = tpu.memref_slice %arg6[%mul3A_2] : memref<8192xi32, #tpu.memory_space<hbm>> -> memref<256xi32, #tpu.memory_space<hbm>>
      tpu.enqueue_dma source(%arg11 : memref<256xi32, #tpu.memory_space<vmem>>) target(%dma_start3A_9 : memref<256xi32, #tpu.memory_space<hbm>>) target_semaphore(%run_scoped3A : memref<!tpu.dma_semaphore, #tpu.memory_space<semaphore_mem>>)
      %dma_wait3A = tpu.memref_slice %arg6[%mul3A_2] : memref<8192xi32, #tpu.memory_space<hbm>> -> memref<256xi32, #tpu.memory_space<hbm>>
      %dma_wait3A_10 = tpu.memref_slice %arg6[%mul3A_2] : memref<8192xi32, #tpu.memory_space<hbm>> -> memref<256xi32, #tpu.memory_space<hbm>>
      tpu.wait_dma2 semaphore(%run_scoped3A : memref<!tpu.dma_semaphore, #tpu.memory_space<semaphore_mem>>) src(%arg11 : memref<256xi32, #tpu.memory_space<vmem>>) dst(%dma_wait3A_10 : memref<256xi32, #tpu.memory_space<hbm>>)
      tpu.yield
    }) : () -> ()
    return
  }
}

module attributes {stable_mosaic.version = 14 : i64} {
  func.func @_logits_body(%arg0: i32, %arg1: memref<4096x768xf32, #tpu.memory_space<vmem>>, %arg2: memref<64x768xf32, #tpu.memory_space<vmem>>, %arg3: memref<64x1xf32, #tpu.memory_space<vmem>>, %arg4: memref<16x64x256xf32, #tpu.memory_space<vmem>>) attributes {dimension_semantics = [#tpu.dimension_semantics<arbitrary>], iteration_bounds = array<i64: 2>, scalar_prefetch = 0 : i64, scratch_operands = 0 : i64, tpu.core_type = #tpu.core_type<tc>, window_params = [{transform_indices = @transform_0, window_bounds = array<i64: 4096, 768>}, {pipeline_mode = #tpu.pipeline_mode<synchronous>, transform_indices = @transform_1, window_bounds = array<i64: 64, 768>}, {pipeline_mode = #tpu.pipeline_mode<synchronous>, transform_indices = @transform_2, window_bounds = array<i64: 64, 1>}, {transform_indices = @transform_3, window_bounds = array<i64: 16, 64, 256>}]} {
    %get3A = arith.constant 0 : index
    %get3A_0 = arith.constant 0 : index
    %get3A_1 = vector.load %arg2[%get3A, %get3A_0] : memref<64x768xf32, #tpu.memory_space<vmem>>, vector<64x768xf32>
    %get3A_2 = arith.constant 0 : index
    %get3A_3 = arith.constant 0 : index
    %get3A_4 = vector.load %arg3[%get3A_2, %get3A_3] : memref<64x1xf32, #tpu.memory_space<vmem>>, vector<64x1xf32>
    %get3A_5 = arith.constant 0 : index
    %get3A_6 = arith.constant 0 : index
    %get3A_7 = vector.load %arg1[%get3A_5, %get3A_6] : memref<4096x768xf32, #tpu.memory_space<vmem>>, vector<256x768xf32>
    %dot_general3A = arith.constant dense<0.000000e+00> : vector<64x256xf32>
    %dot_general3A_8 = tpu.matmul %get3A_1, %get3A_7, %dot_general3A {dimension_numbers = #tpu.dot_dimension_numbers<[1], [1], [0], [0], [0, 0, 1, 0], [], []>, transpose_lhs_hint = false} : vector<64x768xf32>, vector<256x768xf32>, vector<64x256xf32> -> vector<64x256xf32>
    %add3A = vector.broadcast %get3A_4 : vector<64x1xf32> to vector<64x256xf32>
    %add3A_9 = arith.addf %dot_general3A_8, %add3A : vector<64x256xf32>
    %swap3A = arith.constant 0 : index
    %swap3A_10 = arith.constant 0 : index
    %swap3A_11 = arith.constant 0 : index
    %swap3A_12 = vector.load %arg4[%swap3A, %swap3A_10, %swap3A_11] : memref<16x64x256xf32, #tpu.memory_space<vmem>>, vector<1x64x256xf32>
    %swap3A_13 = vector.shape_cast %swap3A_12 : vector<1x64x256xf32> to vector<64x256xf32>
    %swap3A_14 = vector.shape_cast %add3A_9 : vector<64x256xf32> to vector<1x64x256xf32>
    tpu.vector_store %arg4[%swap3A, %swap3A_10, %swap3A_11], %swap3A_14 {strides = array<i32>} : memref<16x64x256xf32, #tpu.memory_space<vmem>>, vector<1x64x256xf32>,
    %get3A_15 = arith.constant 256 : index
    %get3A_16 = arith.constant 0 : index
    %get3A_17 = vector.load %arg1[%get3A_15, %get3A_16] : memref<4096x768xf32, #tpu.memory_space<vmem>>, vector<256x768xf32>
    %dot_general3A_18 = arith.constant dense<0.000000e+00> : vector<64x256xf32>
    %dot_general3A_19 = tpu.matmul %get3A_1, %get3A_17, %dot_general3A_18 {dimension_numbers = #tpu.dot_dimension_numbers<[1], [1], [0], [0], [0, 0, 1, 0], [], []>, transpose_lhs_hint = false} : vector<64x768xf32>, vector<256x768xf32>, vector<64x256xf32> -> vector<64x256xf32>
    %add3A_20 = vector.broadcast %get3A_4 : vector<64x1xf32> to vector<64x256xf32>
    %add3A_21 = arith.addf %dot_general3A_19, %add3A_20 : vector<64x256xf32>
    %swap3A_22 = arith.constant 1 : index
    %swap3A_23 = arith.constant 0 : index
    %swap3A_24 = arith.constant 0 : index
    %swap3A_25 = vector.load %arg4[%swap3A_22, %swap3A_23, %swap3A_24] : memref<16x64x256xf32, #tpu.memory_space<vmem>>, vector<1x64x256xf32>
    %swap3A_26 = vector.shape_cast %swap3A_25 : vector<1x64x256xf32> to vector<64x256xf32>
    %swap3A_27 = vector.shape_cast %add3A_21 : vector<64x256xf32> to vector<1x64x256xf32>
    tpu.vector_store %arg4[%swap3A_22, %swap3A_23, %swap3A_24], %swap3A_27 {strides = array<i32>} : memref<16x64x256xf32, #tpu.memory_space<vmem>>, vector<1x64x256xf32>,
    %get3A_28 = arith.constant 512 : index
    %get3A_29 = arith.constant 0 : index
    %get3A_30 = vector.load %arg1[%get3A_28, %get3A_29] : memref<4096x768xf32, #tpu.memory_space<vmem>>, vector<256x768xf32>
    %dot_general3A_31 = arith.constant dense<0.000000e+00> : vector<64x256xf32>
    %dot_general3A_32 = tpu.matmul %get3A_1, %get3A_30, %dot_general3A_31 {dimension_numbers = #tpu.dot_dimension_numbers<[1], [1], [0], [0], [0, 0, 1, 0], [], []>, transpose_lhs_hint = false} : vector<64x768xf32>, vector<256x768xf32>, vector<64x256xf32> -> vector<64x256xf32>
    %add3A_33 = vector.broadcast %get3A_4 : vector<64x1xf32> to vector<64x256xf32>
    %add3A_34 = arith.addf %dot_general3A_32, %add3A_33 : vector<64x256xf32>
    %swap3A_35 = arith.constant 2 : index
    %swap3A_36 = arith.constant 0 : index
    %swap3A_37 = arith.constant 0 : index
    %swap3A_38 = vector.load %arg4[%swap3A_35, %swap3A_36, %swap3A_37] : memref<16x64x256xf32, #tpu.memory_space<vmem>>, vector<1x64x256xf32>
    %swap3A_39 = vector.shape_cast %swap3A_38 : vector<1x64x256xf32> to vector<64x256xf32>
    %swap3A_40 = vector.shape_cast %add3A_34 : vector<64x256xf32> to vector<1x64x256xf32>
    tpu.vector_store %arg4[%swap3A_35, %swap3A_36, %swap3A_37], %swap3A_40 {strides = array<i32>} : memref<16x64x256xf32, #tpu.memory_space<vmem>>, vector<1x64x256xf32>,
    %get3A_41 = arith.constant 768 : index
    %get3A_42 = arith.constant 0 : index
    %get3A_43 = vector.load %arg1[%get3A_41, %get3A_42] : memref<4096x768xf32, #tpu.memory_space<vmem>>, vector<256x768xf32>
    %dot_general3A_44 = arith.constant dense<0.000000e+00> : vector<64x256xf32>
    %dot_general3A_45 = tpu.matmul %get3A_1, %get3A_43, %dot_general3A_44 {dimension_numbers = #tpu.dot_dimension_numbers<[1], [1], [0], [0], [0, 0, 1, 0], [], []>, transpose_lhs_hint = false} : vector<64x768xf32>, vector<256x768xf32>, vector<64x256xf32> -> vector<64x256xf32>
    %add3A_46 = vector.broadcast %get3A_4 : vector<64x1xf32> to vector<64x256xf32>
    %add3A_47 = arith.addf %dot_general3A_45, %add3A_46 : vector<64x256xf32>
    %swap3A_48 = arith.constant 3 : index
    %swap3A_49 = arith.constant 0 : index
    %swap3A_50 = arith.constant 0 : index
    %swap3A_51 = vector.load %arg4[%swap3A_48, %swap3A_49, %swap3A_50] : memref<16x64x256xf32, #tpu.memory_space<vmem>>, vector<1x64x256xf32>
    %swap3A_52 = vector.shape_cast %swap3A_51 : vector<1x64x256xf32> to vector<64x256xf32>
    %swap3A_53 = vector.shape_cast %add3A_47 : vector<64x256xf32> to vector<1x64x256xf32>
    tpu.vector_store %arg4[%swap3A_48, %swap3A_49, %swap3A_50], %swap3A_53 {strides = array<i32>} : memref<16x64x256xf32, #tpu.memory_space<vmem>>, vector<1x64x256xf32>,
    %get3A_54 = arith.constant 1024 : index
    %get3A_55 = arith.constant 0 : index
    %get3A_56 = vector.load %arg1[%get3A_54, %get3A_55] : memref<4096x768xf32, #tpu.memory_space<vmem>>, vector<256x768xf32>
    %dot_general3A_57 = arith.constant dense<0.000000e+00> : vector<64x256xf32>
    %dot_general3A_58 = tpu.matmul %get3A_1, %get3A_56, %dot_general3A_57 {dimension_numbers = #tpu.dot_dimension_numbers<[1], [1], [0], [0], [0, 0, 1, 0], [], []>, transpose_lhs_hint = false} : vector<64x768xf32>, vector<256x768xf32>, vector<64x256xf32> -> vector<64x256xf32>
    %add3A_59 = vector.broadcast %get3A_4 : vector<64x1xf32> to vector<64x256xf32>
    %add3A_60 = arith.addf %dot_general3A_58, %add3A_59 : vector<64x256xf32>
    %swap3A_61 = arith.constant 4 : index
    %swap3A_62 = arith.constant 0 : index
    %swap3A_63 = arith.constant 0 : index
    %swap3A_64 = vector.load %arg4[%swap3A_61, %swap3A_62, %swap3A_63] : memref<16x64x256xf32, #tpu.memory_space<vmem>>, vector<1x64x256xf32>
    %swap3A_65 = vector.shape_cast %swap3A_64 : vector<1x64x256xf32> to vector<64x256xf32>
    %swap3A_66 = vector.shape_cast %add3A_60 : vector<64x256xf32> to vector<1x64x256xf32>
    tpu.vector_store %arg4[%swap3A_61, %swap3A_62, %swap3A_63], %swap3A_66 {strides = array<i32>} : memref<16x64x256xf32, #tpu.memory_space<vmem>>, vector<1x64x256xf32>,
    %get3A_67 = arith.constant 1280 : index
    %get3A_68 = arith.constant 0 : index
    %get3A_69 = vector.load %arg1[%get3A_67, %get3A_68] : memref<4096x768xf32, #tpu.memory_space<vmem>>, vector<256x768xf32>
    %dot_general3A_70 = arith.constant dense<0.000000e+00> : vector<64x256xf32>
    %dot_general3A_71 = tpu.matmul %get3A_1, %get3A_69, %dot_general3A_70 {dimension_numbers = #tpu.dot_dimension_numbers<[1], [1], [0], [0], [0, 0, 1, 0], [], []>, transpose_lhs_hint = false} : vector<64x768xf32>, vector<256x768xf32>, vector<64x256xf32> -> vector<64x256xf32>
    %add3A_72 = vector.broadcast %get3A_4 : vector<64x1xf32> to vector<64x256xf32>
    %add3A_73 = arith.addf %dot_general3A_71, %add3A_72 : vector<64x256xf32>
    %swap3A_74 = arith.constant 5 : index
    %swap3A_75 = arith.constant 0 : index
    %swap3A_76 = arith.constant 0 : index
    %swap3A_77 = vector.load %arg4[%swap3A_74, %swap3A_75, %swap3A_76] : memref<16x64x256xf32, #tpu.memory_space<vmem>>, vector<1x64x256xf32>
    %swap3A_78 = vector.shape_cast %swap3A_77 : vector<1x64x256xf32> to vector<64x256xf32>
    %swap3A_79 = vector.shape_cast %add3A_73 : vector<64x256xf32> to vector<1x64x256xf32>
    tpu.vector_store %arg4[%swap3A_74, %swap3A_75, %swap3A_76], %swap3A_79 {strides = array<i32>} : memref<16x64x256xf32, #tpu.memory_space<vmem>>, vector<1x64x256xf32>,
    %get3A_80 = arith.constant 1536 : index
    %get3A_81 = arith.constant 0 : index
    %get3A_82 = vector.load %arg1[%get3A_80, %get3A_81] : memref<4096x768xf32, #tpu.memory_space<vmem>>, vector<256x768xf32>
    %dot_general3A_83 = arith.constant dense<0.000000e+00> : vector<64x256xf32>
    %dot_general3A_84 = tpu.matmul %get3A_1, %get3A_82, %dot_general3A_83 {dimension_numbers = #tpu.dot_dimension_numbers<[1], [1], [0], [0], [0, 0, 1, 0], [], []>, transpose_lhs_hint = false} : vector<64x768xf32>, vector<256x768xf32>, vector<64x256xf32> -> vector<64x256xf32>
    %add3A_85 = vector.broadcast %get3A_4 : vector<64x1xf32> to vector<64x256xf32>
    %add3A_86 = arith.addf %dot_general3A_84, %add3A_85 : vector<64x256xf32>
    %swap3A_87 = arith.constant 6 : index
    %swap3A_88 = arith.constant 0 : index
    %swap3A_89 = arith.constant 0 : index
    %swap3A_90 = vector.load %arg4[%swap3A_87, %swap3A_88, %swap3A_89] : memref<16x64x256xf32, #tpu.memory_space<vmem>>, vector<1x64x256xf32>
    %swap3A_91 = vector.shape_cast %swap3A_90 : vector<1x64x256xf32> to vector<64x256xf32>
    %swap3A_92 = vector.shape_cast %add3A_86 : vector<64x256xf32> to vector<1x64x256xf32>
    tpu.vector_store %arg4[%swap3A_87, %swap3A_88, %swap3A_89], %swap3A_92 {strides = array<i32>} : memref<16x64x256xf32, #tpu.memory_space<vmem>>, vector<1x64x256xf32>,
    %get3A_93 = arith.constant 1792 : index
    %get3A_94 = arith.constant 0 : index
    %get3A_95 = vector.load %arg1[%get3A_93, %get3A_94] : memref<4096x768xf32, #tpu.memory_space<vmem>>, vector<256x768xf32>
    %dot_general3A_96 = arith.constant dense<0.000000e+00> : vector<64x256xf32>
    %dot_general3A_97 = tpu.matmul %get3A_1, %get3A_95, %dot_general3A_96 {dimension_numbers = #tpu.dot_dimension_numbers<[1], [1], [0], [0], [0, 0, 1, 0], [], []>, transpose_lhs_hint = false} : vector<64x768xf32>, vector<256x768xf32>, vector<64x256xf32> -> vector<64x256xf32>
    %add3A_98 = vector.broadcast %get3A_4 : vector<64x1xf32> to vector<64x256xf32>
    %add3A_99 = arith.addf %dot_general3A_97, %add3A_98 : vector<64x256xf32>
    %swap3A_100 = arith.constant 7 : index
    %swap3A_101 = arith.constant 0 : index
    %swap3A_102 = arith.constant 0 : index
    %swap3A_103 = vector.load %arg4[%swap3A_100, %swap3A_101, %swap3A_102] : memref<16x64x256xf32, #tpu.memory_space<vmem>>, vector<1x64x256xf32>
    %swap3A_104 = vector.shape_cast %swap3A_103 : vector<1x64x256xf32> to vector<64x256xf32>
    %swap3A_105 = vector.shape_cast %add3A_99 : vector<64x256xf32> to vector<1x64x256xf32>
    tpu.vector_store %arg4[%swap3A_100, %swap3A_101, %swap3A_102], %swap3A_105 {strides = array<i32>} : memref<16x64x256xf32, #tpu.memory_space<vmem>>, vector<1x64x256xf32>,
    %get3A_106 = arith.constant 2048 : index
    %get3A_107 = arith.constant 0 : index
    %get3A_108 = vector.load %arg1[%get3A_106, %get3A_107] : memref<4096x768xf32, #tpu.memory_space<vmem>>, vector<256x768xf32>
    %dot_general3A_109 = arith.constant dense<0.000000e+00> : vector<64x256xf32>
    %dot_general3A_110 = tpu.matmul %get3A_1, %get3A_108, %dot_general3A_109 {dimension_numbers = #tpu.dot_dimension_numbers<[1], [1], [0], [0], [0, 0, 1, 0], [], []>, transpose_lhs_hint = false} : vector<64x768xf32>, vector<256x768xf32>, vector<64x256xf32> -> vector<64x256xf32>
    %add3A_111 = vector.broadcast %get3A_4 : vector<64x1xf32> to vector<64x256xf32>
    %add3A_112 = arith.addf %dot_general3A_110, %add3A_111 : vector<64x256xf32>
    %swap3A_113 = arith.constant 8 : index
    %swap3A_114 = arith.constant 0 : index
    %swap3A_115 = arith.constant 0 : index
    %swap3A_116 = vector.load %arg4[%swap3A_113, %swap3A_114, %swap3A_115] : memref<16x64x256xf32, #tpu.memory_space<vmem>>, vector<1x64x256xf32>
    %swap3A_117 = vector.shape_cast %swap3A_116 : vector<1x64x256xf32> to vector<64x256xf32>
    %swap3A_118 = vector.shape_cast %add3A_112 : vector<64x256xf32> to vector<1x64x256xf32>
    tpu.vector_store %arg4[%swap3A_113, %swap3A_114, %swap3A_115], %swap3A_118 {strides = array<i32>} : memref<16x64x256xf32, #tpu.memory_space<vmem>>, vector<1x64x256xf32>,
    %get3A_119 = arith.constant 2304 : index
    %get3A_120 = arith.constant 0 : index
    %get3A_121 = vector.load %arg1[%get3A_119, %get3A_120] : memref<4096x768xf32, #tpu.memory_space<vmem>>, vector<256x768xf32>
    %dot_general3A_122 = arith.constant dense<0.000000e+00> : vector<64x256xf32>
    %dot_general3A_123 = tpu.matmul %get3A_1, %get3A_121, %dot_general3A_122 {dimension_numbers = #tpu.dot_dimension_numbers<[1], [1], [0], [0], [0, 0, 1, 0], [], []>, transpose_lhs_hint = false} : vector<64x768xf32>, vector<256x768xf32>, vector<64x256xf32> -> vector<64x256xf32>
    %add3A_124 = vector.broadcast %get3A_4 : vector<64x1xf32> to vector<64x256xf32>
    %add3A_125 = arith.addf %dot_general3A_123, %add3A_124 : vector<64x256xf32>
    %swap3A_126 = arith.constant 9 : index
    %swap3A_127 = arith.constant 0 : index
    %swap3A_128 = arith.constant 0 : index
    %swap3A_129 = vector.load %arg4[%swap3A_126, %swap3A_127, %swap3A_128] : memref<16x64x256xf32, #tpu.memory_space<vmem>>, vector<1x64x256xf32>
    %swap3A_130 = vector.shape_cast %swap3A_129 : vector<1x64x256xf32> to vector<64x256xf32>
    %swap3A_131 = vector.shape_cast %add3A_125 : vector<64x256xf32> to vector<1x64x256xf32>
    tpu.vector_store %arg4[%swap3A_126, %swap3A_127, %swap3A_128], %swap3A_131 {strides = array<i32>} : memref<16x64x256xf32, #tpu.memory_space<vmem>>, vector<1x64x256xf32>,
    %get3A_132 = arith.constant 2560 : index
    %get3A_133 = arith.constant 0 : index
    %get3A_134 = vector.load %arg1[%get3A_132, %get3A_133] : memref<4096x768xf32, #tpu.memory_space<vmem>>, vector<256x768xf32>
    %dot_general3A_135 = arith.constant dense<0.000000e+00> : vector<64x256xf32>
    %dot_general3A_136 = tpu.matmul %get3A_1, %get3A_134, %dot_general3A_135 {dimension_numbers = #tpu.dot_dimension_numbers<[1], [1], [0], [0], [0, 0, 1, 0], [], []>, transpose_lhs_hint = false} : vector<64x768xf32>, vector<256x768xf32>, vector<64x256xf32> -> vector<64x256xf32>
    %add3A_137 = vector.broadcast %get3A_4 : vector<64x1xf32> to vector<64x256xf32>
    %add3A_138 = arith.addf %dot_general3A_136, %add3A_137 : vector<64x256xf32>
    %swap3A_139 = arith.constant 10 : index
    %swap3A_140 = arith.constant 0 : index
    %swap3A_141 = arith.constant 0 : index
    %swap3A_142 = vector.load %arg4[%swap3A_139, %swap3A_140, %swap3A_141] : memref<16x64x256xf32, #tpu.memory_space<vmem>>, vector<1x64x256xf32>
    %swap3A_143 = vector.shape_cast %swap3A_142 : vector<1x64x256xf32> to vector<64x256xf32>
    %swap3A_144 = vector.shape_cast %add3A_138 : vector<64x256xf32> to vector<1x64x256xf32>
    tpu.vector_store %arg4[%swap3A_139, %swap3A_140, %swap3A_141], %swap3A_144 {strides = array<i32>} : memref<16x64x256xf32, #tpu.memory_space<vmem>>, vector<1x64x256xf32>,
    %get3A_145 = arith.constant 2816 : index
    %get3A_146 = arith.constant 0 : index
    %get3A_147 = vector.load %arg1[%get3A_145, %get3A_146] : memref<4096x768xf32, #tpu.memory_space<vmem>>, vector<256x768xf32>
    %dot_general3A_148 = arith.constant dense<0.000000e+00> : vector<64x256xf32>
    %dot_general3A_149 = tpu.matmul %get3A_1, %get3A_147, %dot_general3A_148 {dimension_numbers = #tpu.dot_dimension_numbers<[1], [1], [0], [0], [0, 0, 1, 0], [], []>, transpose_lhs_hint = false} : vector<64x768xf32>, vector<256x768xf32>, vector<64x256xf32> -> vector<64x256xf32>
    %add3A_150 = vector.broadcast %get3A_4 : vector<64x1xf32> to vector<64x256xf32>
    %add3A_151 = arith.addf %dot_general3A_149, %add3A_150 : vector<64x256xf32>
    %swap3A_152 = arith.constant 11 : index
    %swap3A_153 = arith.constant 0 : index
    %swap3A_154 = arith.constant 0 : index
    %swap3A_155 = vector.load %arg4[%swap3A_152, %swap3A_153, %swap3A_154] : memref<16x64x256xf32, #tpu.memory_space<vmem>>, vector<1x64x256xf32>
    %swap3A_156 = vector.shape_cast %swap3A_155 : vector<1x64x256xf32> to vector<64x256xf32>
    %swap3A_157 = vector.shape_cast %add3A_151 : vector<64x256xf32> to vector<1x64x256xf32>
    tpu.vector_store %arg4[%swap3A_152, %swap3A_153, %swap3A_154], %swap3A_157 {strides = array<i32>} : memref<16x64x256xf32, #tpu.memory_space<vmem>>, vector<1x64x256xf32>,
    %get3A_158 = arith.constant 3072 : index
    %get3A_159 = arith.constant 0 : index
    %get3A_160 = vector.load %arg1[%get3A_158, %get3A_159] : memref<4096x768xf32, #tpu.memory_space<vmem>>, vector<256x768xf32>
    %dot_general3A_161 = arith.constant dense<0.000000e+00> : vector<64x256xf32>
    %dot_general3A_162 = tpu.matmul %get3A_1, %get3A_160, %dot_general3A_161 {dimension_numbers = #tpu.dot_dimension_numbers<[1], [1], [0], [0], [0, 0, 1, 0], [], []>, transpose_lhs_hint = false} : vector<64x768xf32>, vector<256x768xf32>, vector<64x256xf32> -> vector<64x256xf32>
    %add3A_163 = vector.broadcast %get3A_4 : vector<64x1xf32> to vector<64x256xf32>
    %add3A_164 = arith.addf %dot_general3A_162, %add3A_163 : vector<64x256xf32>
    %swap3A_165 = arith.constant 12 : index
    %swap3A_166 = arith.constant 0 : index
    %swap3A_167 = arith.constant 0 : index
    %swap3A_168 = vector.load %arg4[%swap3A_165, %swap3A_166, %swap3A_167] : memref<16x64x256xf32, #tpu.memory_space<vmem>>, vector<1x64x256xf32>
    %swap3A_169 = vector.shape_cast %swap3A_168 : vector<1x64x256xf32> to vector<64x256xf32>
    %swap3A_170 = vector.shape_cast %add3A_164 : vector<64x256xf32> to vector<1x64x256xf32>
    tpu.vector_store %arg4[%swap3A_165, %swap3A_166, %swap3A_167], %swap3A_170 {strides = array<i32>} : memref<16x64x256xf32, #tpu.memory_space<vmem>>, vector<1x64x256xf32>,
    %get3A_171 = arith.constant 3328 : index
    %get3A_172 = arith.constant 0 : index
    %get3A_173 = vector.load %arg1[%get3A_171, %get3A_172] : memref<4096x768xf32, #tpu.memory_space<vmem>>, vector<256x768xf32>
    %dot_general3A_174 = arith.constant dense<0.000000e+00> : vector<64x256xf32>
    %dot_general3A_175 = tpu.matmul %get3A_1, %get3A_173, %dot_general3A_174 {dimension_numbers = #tpu.dot_dimension_numbers<[1], [1], [0], [0], [0, 0, 1, 0], [], []>, transpose_lhs_hint = false} : vector<64x768xf32>, vector<256x768xf32>, vector<64x256xf32> -> vector<64x256xf32>
    %add3A_176 = vector.broadcast %get3A_4 : vector<64x1xf32> to vector<64x256xf32>
    %add3A_177 = arith.addf %dot_general3A_175, %add3A_176 : vector<64x256xf32>
    %swap3A_178 = arith.constant 13 : index
    %swap3A_179 = arith.constant 0 : index
    %swap3A_180 = arith.constant 0 : index
    %swap3A_181 = vector.load %arg4[%swap3A_178, %swap3A_179, %swap3A_180] : memref<16x64x256xf32, #tpu.memory_space<vmem>>, vector<1x64x256xf32>
    %swap3A_182 = vector.shape_cast %swap3A_181 : vector<1x64x256xf32> to vector<64x256xf32>
    %swap3A_183 = vector.shape_cast %add3A_177 : vector<64x256xf32> to vector<1x64x256xf32>
    tpu.vector_store %arg4[%swap3A_178, %swap3A_179, %swap3A_180], %swap3A_183 {strides = array<i32>} : memref<16x64x256xf32, #tpu.memory_space<vmem>>, vector<1x64x256xf32>,
    %get3A_184 = arith.constant 3584 : index
    %get3A_185 = arith.constant 0 : index
    %get3A_186 = vector.load %arg1[%get3A_184, %get3A_185] : memref<4096x768xf32, #tpu.memory_space<vmem>>, vector<256x768xf32>
    %dot_general3A_187 = arith.constant dense<0.000000e+00> : vector<64x256xf32>
    %dot_general3A_188 = tpu.matmul %get3A_1, %get3A_186, %dot_general3A_187 {dimension_numbers = #tpu.dot_dimension_numbers<[1], [1], [0], [0], [0, 0, 1, 0], [], []>, transpose_lhs_hint = false} : vector<64x768xf32>, vector<256x768xf32>, vector<64x256xf32> -> vector<64x256xf32>
    %add3A_189 = vector.broadcast %get3A_4 : vector<64x1xf32> to vector<64x256xf32>
    %add3A_190 = arith.addf %dot_general3A_188, %add3A_189 : vector<64x256xf32>
    %swap3A_191 = arith.constant 14 : index
    %swap3A_192 = arith.constant 0 : index
    %swap3A_193 = arith.constant 0 : index
    %swap3A_194 = vector.load %arg4[%swap3A_191, %swap3A_192, %swap3A_193] : memref<16x64x256xf32, #tpu.memory_space<vmem>>, vector<1x64x256xf32>
    %swap3A_195 = vector.shape_cast %swap3A_194 : vector<1x64x256xf32> to vector<64x256xf32>
    %swap3A_196 = vector.shape_cast %add3A_190 : vector<64x256xf32> to vector<1x64x256xf32>
    tpu.vector_store %arg4[%swap3A_191, %swap3A_192, %swap3A_193], %swap3A_196 {strides = array<i32>} : memref<16x64x256xf32, #tpu.memory_space<vmem>>, vector<1x64x256xf32>,
    %get3A_197 = arith.constant 3840 : index
    %get3A_198 = arith.constant 0 : index
    %get3A_199 = vector.load %arg1[%get3A_197, %get3A_198] : memref<4096x768xf32, #tpu.memory_space<vmem>>, vector<256x768xf32>
    %dot_general3A_200 = arith.constant dense<0.000000e+00> : vector<64x256xf32>
    %dot_general3A_201 = tpu.matmul %get3A_1, %get3A_199, %dot_general3A_200 {dimension_numbers = #tpu.dot_dimension_numbers<[1], [1], [0], [0], [0, 0, 1, 0], [], []>, transpose_lhs_hint = false} : vector<64x768xf32>, vector<256x768xf32>, vector<64x256xf32> -> vector<64x256xf32>
    %add3A_202 = vector.broadcast %get3A_4 : vector<64x1xf32> to vector<64x256xf32>
    %add3A_203 = arith.addf %dot_general3A_201, %add3A_202 : vector<64x256xf32>
    %swap3A_204 = arith.constant 15 : index
    %swap3A_205 = arith.constant 0 : index
    %swap3A_206 = arith.constant 0 : index
    %swap3A_207 = vector.load %arg4[%swap3A_204, %swap3A_205, %swap3A_206] : memref<16x64x256xf32, #tpu.memory_space<vmem>>, vector<1x64x256xf32>
    %swap3A_208 = vector.shape_cast %swap3A_207 : vector<1x64x256xf32> to vector<64x256xf32>
    %swap3A_209 = vector.shape_cast %add3A_203 : vector<64x256xf32> to vector<1x64x256xf32>
    tpu.vector_store %arg4[%swap3A_204, %swap3A_205, %swap3A_206], %swap3A_209 {strides = array<i32>} : memref<16x64x256xf32, #tpu.memory_space<vmem>>, vector<1x64x256xf32>,
    return
  }
  func.func @transform_0(%arg0: i32) -> (i32, i32) {
    %add3A = arith.constant 6 : i32
    %add3A_0 = arith.addi %arg0, %add3A : i32
    %c0_i32 = arith.constant 0 : i32
    %c0_i32_1 = arith.constant 0 : i32
    return %add3A_0, %c0_i32 : i32, i32
  }
  func.func @transform_1(%arg0: i32) -> (i32, i32) {
    %c0_i32 = arith.constant 0 : i32
    %c0_i32_0 = arith.constant 0 : i32
    %c0_i32_1 = arith.constant 0 : i32
    return %c0_i32, %c0_i32_0 : i32, i32
  }
  func.func @transform_2(%arg0: i32) -> (i32, i32) {
    %c0_i32 = arith.constant 0 : i32
    %c0_i32_0 = arith.constant 0 : i32
    %c0_i32_1 = arith.constant 0 : i32
    return %c0_i32, %c0_i32_0 : i32, i32
  }
  func.func @transform_3(%arg0: i32) -> (i32, i32, i32) {
    %c0_i32 = arith.constant 0 : i32
    %c0_i32_0 = arith.constant 0 : i32
    %c0_i32_1 = arith.constant 0 : i32
    return %arg0, %c0_i32, %c0_i32_0 : i32, i32, i32
  }
}

module attributes {stable_mosaic.version = 14 : i64} {
  func.func @_fused_body(%arg0: i32, %arg1: memref<4096x768xf32, #tpu.memory_space<vmem>>, %arg2: memref<64x768xf32, #tpu.memory_space<vmem>>, %arg3: memref<64x1xf32, #tpu.memory_space<vmem>>, %arg4: memref<2x4096xf32, #tpu.memory_space<vmem>>, %arg5: memref<2x4096xi32, #tpu.memory_space<vmem>>) attributes {dimension_semantics = [#tpu.dimension_semantics<arbitrary>], iteration_bounds = array<i64: 6>, scalar_prefetch = 0 : i64, scratch_operands = 0 : i64, tpu.core_type = #tpu.core_type<tc>, window_params = [{transform_indices = @transform_0, window_bounds = array<i64: 4096, 768>}, {pipeline_mode = #tpu.pipeline_mode<synchronous>, transform_indices = @transform_1, window_bounds = array<i64: 64, 768>}, {pipeline_mode = #tpu.pipeline_mode<synchronous>, transform_indices = @transform_2, window_bounds = array<i64: 64, 1>}, {transform_indices = @transform_3, window_bounds = array<i64: 2, 4096>}, {transform_indices = @transform_4, window_bounds = array<i64: 2, 4096>}]} {
    %get3A = arith.constant 0 : index
    %get3A_0 = arith.constant 0 : index
    %get3A_1 = vector.load %arg1[%get3A, %get3A_0] : memref<4096x768xf32, #tpu.memory_space<vmem>>, vector<4096x768xf32>
    %get3A_2 = arith.constant 0 : index
    %get3A_3 = arith.constant 0 : index
    %get3A_4 = vector.load %arg2[%get3A_2, %get3A_3] : memref<64x768xf32, #tpu.memory_space<vmem>>, vector<64x768xf32>
    %dot_general3A = arith.constant dense<0.000000e+00> : vector<64x4096xf32>
    %dot_general3A_5 = tpu.matmul %get3A_4, %get3A_1, %dot_general3A {dimension_numbers = #tpu.dot_dimension_numbers<[1], [1], [0], [0], [0, 0, 1, 0], [], []>, transpose_lhs_hint = false} : vector<64x768xf32>, vector<4096x768xf32>, vector<64x4096xf32> -> vector<64x4096xf32>
    %get3A_6 = arith.constant 0 : index
    %get3A_7 = arith.constant 0 : index
    %get3A_8 = vector.load %arg3[%get3A_6, %get3A_7] : memref<64x1xf32, #tpu.memory_space<vmem>>, vector<64x1xf32>
    %add3A = vector.broadcast %get3A_8 : vector<64x1xf32> to vector<64x4096xf32>
    %add3A_9 = arith.addf %dot_general3A_5, %add3A : vector<64x4096xf32>
    %iota3A = tpu.iota {dimensions = array<i32: 0>} : vector<64x4096xi32>
    %reduce_max3A = arith.constant dense<0xFF800000> : vector<4096xf32>
    %reduce_max3A_10 = vector.multi_reduction <maximumf>, %add3A_9, %reduce_max3A [0] : vector<64x4096xf32> to vector<4096xf32>
    %broadcast_in_dim3A = vector.shape_cast %reduce_max3A_10 : vector<4096xf32> to vector<1x4096xf32>
    %eq3A = vector.broadcast %broadcast_in_dim3A : vector<1x4096xf32> to vector<64x4096xf32>
    %eq3A_11 = arith.cmpf oeq, %add3A_9, %eq3A : vector<64x4096xf32>
    %jit3A = arith.constant 64 : i32
    %broadcast_in_dim3A_12 = vector.broadcast %jit3A : i32 to vector<64x4096xi32>
    %select_n3A = arith.select %eq3A_11, %iota3A, %broadcast_in_dim3A_12 : vector<64x4096xi1>, vector<64x4096xi32>
    %reduce_min3A = arith.constant dense<2147483647> : vector<4096xi32>
    %reduce_min3A_13 = vector.multi_reduction <minsi>, %select_n3A, %reduce_min3A [0] : vector<64x4096xi32> to vector<4096xi32>
    %broadcast_in_dim3A_14 = vector.shape_cast %reduce_min3A_13 : vector<4096xi32> to vector<1x4096xi32>
    %eq3A_15 = vector.broadcast %broadcast_in_dim3A_14 : vector<1x4096xi32> to vector<64x4096xi32>
    %eq3A_16 = arith.cmpi eq, %iota3A, %eq3A_15 : vector<64x4096xi32>
    %jit3A_17 = arith.constant 0xFF800000 : f32
    %broadcast_in_dim3A_18 = vector.broadcast %jit3A_17 : f32 to vector<64x4096xf32>
    %select_n3A_19 = arith.select %eq3A_16, %broadcast_in_dim3A_18, %add3A_9 : vector<64x4096xi1>, vector<64x4096xf32>
    %reduce_max3A_20 = arith.constant dense<0xFF800000> : vector<4096xf32>
    %reduce_max3A_21 = vector.multi_reduction <maximumf>, %select_n3A_19, %reduce_max3A_20 [0] : vector<64x4096xf32> to vector<4096xf32>
    %broadcast_in_dim3A_22 = vector.shape_cast %reduce_max3A_21 : vector<4096xf32> to vector<1x4096xf32>
    %eq3A_23 = vector.broadcast %broadcast_in_dim3A_22 : vector<1x4096xf32> to vector<64x4096xf32>
    %eq3A_24 = arith.cmpf oeq, %select_n3A_19, %eq3A_23 : vector<64x4096xf32>
    %jit3A_25 = arith.constant 64 : i32
    %broadcast_in_dim3A_26 = vector.broadcast %jit3A_25 : i32 to vector<64x4096xi32>
    %select_n3A_27 = arith.select %eq3A_24, %iota3A, %broadcast_in_dim3A_26 : vector<64x4096xi1>, vector<64x4096xi32>
    %reduce_min3A_28 = arith.constant dense<2147483647> : vector<4096xi32>
    %reduce_min3A_29 = vector.multi_reduction <minsi>, %select_n3A_27, %reduce_min3A_28 [0] : vector<64x4096xi32> to vector<4096xi32>
    %broadcast_in_dim3A_30 = vector.shape_cast %reduce_min3A_29 : vector<4096xi32> to vector<1x4096xi32>
    %sub3A = arith.subf %broadcast_in_dim3A_22, %broadcast_in_dim3A : vector<1x4096xf32>
    %exp3A = math.exp %sub3A : vector<1x4096xf32>
    %add3A_31 = arith.constant 1.000000e+00 : f32
    %add3A_32 = vector.broadcast %add3A_31 : f32 to vector<1x4096xf32>
    %add3A_33 = arith.addf %add3A_32, %exp3A : vector<1x4096xf32>
    %div3A = arith.constant 1.000000e+00 : f32
    %div3A_34 = vector.broadcast %div3A : f32 to vector<1x4096xf32>
    %div3A_35 = arith.divf %div3A_34, %add3A_33 : vector<1x4096xf32>
    %sub3A_36 = arith.constant 1.000000e+00 : f32
    %sub3A_37 = vector.broadcast %sub3A_36 : f32 to vector<1x4096xf32>
    %sub3A_38 = arith.subf %sub3A_37, %div3A_35 : vector<1x4096xf32>
    %concatenate3A = tpu.concatenate %div3A_35, %sub3A_38 in 0 : vector<1x4096xf32>, vector<1x4096xf32> -> vector<2x4096xf32>
    %swap3A = arith.constant 0 : index
    %swap3A_39 = arith.constant 0 : index
    %swap3A_40 = vector.load %arg4[%swap3A, %swap3A_39] : memref<2x4096xf32, #tpu.memory_space<vmem>>, vector<2x4096xf32>
    tpu.vector_store %arg4[%swap3A, %swap3A_39], %concatenate3A {strides = array<i32>} : memref<2x4096xf32, #tpu.memory_space<vmem>>, vector<2x4096xf32>,
    %concatenate3A_41 = tpu.concatenate %broadcast_in_dim3A_14, %broadcast_in_dim3A_30 in 0 : vector<1x4096xi32>, vector<1x4096xi32> -> vector<2x4096xi32>
    %swap3A_42 = arith.constant 0 : index
    %swap3A_43 = arith.constant 0 : index
    %swap3A_44 = vector.load %arg5[%swap3A_42, %swap3A_43] : memref<2x4096xi32, #tpu.memory_space<vmem>>, vector<2x4096xi32>
    tpu.vector_store %arg5[%swap3A_42, %swap3A_43], %concatenate3A_41 {strides = array<i32>} : memref<2x4096xi32, #tpu.memory_space<vmem>>, vector<2x4096xi32>,
    return
  }
  func.func @transform_0(%arg0: i32) -> (i32, i32) {
    %add3A = arith.constant 0 : i32
    %add3A_0 = arith.addi %arg0, %add3A : i32
    %c0_i32 = arith.constant 0 : i32
    %c0_i32_1 = arith.constant 0 : i32
    return %add3A_0, %c0_i32 : i32, i32
  }
  func.func @transform_1(%arg0: i32) -> (i32, i32) {
    %c0_i32 = arith.constant 0 : i32
    %c0_i32_0 = arith.constant 0 : i32
    %c0_i32_1 = arith.constant 0 : i32
    return %c0_i32, %c0_i32_0 : i32, i32
  }
  func.func @transform_2(%arg0: i32) -> (i32, i32) {
    %c0_i32 = arith.constant 0 : i32
    %c0_i32_0 = arith.constant 0 : i32
    %c0_i32_1 = arith.constant 0 : i32
    return %c0_i32, %c0_i32_0 : i32, i32
  }
  func.func @transform_3(%arg0: i32) -> (i32, i32) {
    %c0_i32 = arith.constant 0 : i32
    %c0_i32_0 = arith.constant 0 : i32
    return %c0_i32, %arg0 : i32, i32
  }
  func.func @transform_4(%arg0: i32) -> (i32, i32) {
    %c0_i32 = arith.constant 0 : i32
    %c0_i32_0 = arith.constant 0 : i32
    return %c0_i32, %arg0 : i32, i32
  }
}

</mosaic_0001>

<sc_bundles>
// kernel: kernel.5.cloned.1.call-start
scs
__scs_entry_jumppad:
0x0: {  	(pc) =	sbr.rel $0x88, $3  }
0x1: {  	(tag) =	ssettag $0x0;
	lr =	simm.s32 $0x1  }
0x2: {  	[smem:$0x3F9E] =	sst lr;
	_ =	strace $0xD0000000  }
0x3: {  	_ = 	snop  }
0x4: {  	_ = 	snop  }
0x5: {  	_ = 	snop  }
0x6: {  	_ = 	snop  }
0x7: {  	_ = 	snop  }
__scs_overlays_trampoline_lowered:
0x8: {  	[smem:$0x3FAD] =	sst s0  }
0x9: {  	[smem:$0x3FAE] =	sst s1  }
0xa: {  	[smem:$0x3FAF] =	sst s2  }
0xb: {  	[smem:$0x3FB0] =	sst s3  }
0xc: {  	[smem:$0x3FB1] =	sst s4  }
0xd: {  	[smem:$0x3FB2] =	sst s5  }
0xe: {  	[smem:$0x3FB3] =	sst s6  }
0xf: {  	[smem:$0x3FB4] =	sst s7  }
0x10: {  	[smem:$0x3FB5] =	sst s8  }
0x11: {  	[smem:$0x3FB6] =	sst s9;
	s0 =	simm.s32 @!p0 $0x0  }
0x12: {  	s1 =	sld [smem:$0x3F9C];
	s0 =	simm.s32 @p0 $0x1  }
0x13: {  	[smem:$0x3FB7] =	sst s0;
	s0 =	simm.s32 @!p1 $0x0  }
0x14: {  	s2 =	sld [smem:$0x3F9B];
	s0 =	simm.s32 @p1 $0x1  }
0x15: {  	[smem:$0x3FB8] =	sst s0;
	s0 =	simm.s32 @!p2 $0x0  }
0x16: {  	s3 =	sld [smem:$0x3FDB];
	s0 =	simm.s32 @p2 $0x1  }
0x17: {  	s4 =	simm.s32 $0x1BF5;
	[smem:$0x3FBA] =	sst s0  }
0x18: {  	s0 =	sld [smem:$0x3F9D];
	_ =	swait.ge [sflag:s4], $0x0  }
0x19: {  	s7 =	sld [smem:$0x3F9E]  }
0x1a: {  	s8 =	sadd.s32 $0xFFFFE003, lr  }
0x1b: {  	s9 =	sadd.s32 $0xFFFFFEF7, lr;
	s5 =	simm.s32 $0xFFFFFFFF;
	p2 =	slt.u32 s8, $0xFFFFF086  }
0x1c: {  	p1 =	slt.u32 s9, $0xF7A;
	s5 =	simm.s32 @!p2 $0x0  }
0x1d: {  	s5 =	simm.s32 @p1 $0x1;
	p0 =	seq.s32 s7, s2  }
0x1e: {  	s7 =	smul.u32 @!p0 $0xF7A, s2;
	p2 =	seq.s32 @!p0 s5, $0x0  }
0x1f: {  	s9 =	smul.u32 $0xF7A, s1;
	s8 =	simm.s32 @!p0 $0x1BF5;
	p2 =	por !p2, p0  }
0x20: {  	[sflag:s8] =	ssyncset.s32 @!p0 $0xFFFFF086;
	s6 =	sadd.s32 @!p0 s3, s7;
	s7 =	simm.s32 @!p0 $0x108  }
0x21: {  	s3 =	sadd.s32 s3, s9;
	s6 =	sadd.s32 @!p0 $0x88, s6;
	s7 =	simm.s32 @p2 $0x1082  }
0x22: {  	[simem:s7], [sflag:s8] =	dma.local @!p0 [hbm:s6], $0xF7A  }
0x23: {  	s9 =	sor.u32 $0xD0000000, s2;
	s6 =	simm.s32 $0x108;
	_ =	swait.ge @!p0 [sflag:s8], $0x0  }
0x24: {  	s3 =	sadd.s32 $0x88, s3;
	s6 =	simm.s32 @!p1 $0x1082;
	[sflag:s4] =	ssyncset.s32 $0xFFFFF086  }
0x25: {  	[simem:s6], [sflag:s4] =	dma.local [hbm:s3], $0xF7A  }
0x26: {  	[smem:$0x3F9E] =	sst s1;
	(tag) =	ssettag s2;
	_ =	strace s9  }
0x27: {  	s1 =	sld [smem:$0x3FAE]  }
0x28: {  	s2 =	sld [smem:$0x3FAF]  }
0x29: {  	s4 =	sld [smem:$0x3FB1]  }
0x2a: {  	p0 =	seq.s32 s5, $0x0;
	s5 =	sld [smem:$0x3FB2]  }
0x2b: {  	s6 =	sld [smem:$0x3FB3]  }
0x2c: {  	s7 =	sld [smem:$0x3FB4]  }
0x2d: {  	s3 =	simm.s32 $0x108;
	s8 =	sld [smem:$0x3FB5]  }
0x2e: {  	s3 =	simm.s32 @!p0 $0x1082;
	s9 =	sld [smem:$0x3FB6]  }
0x2f: {  	lr =	sadd.s32 s0, s3;
	s0 =	sld [smem:$0x3FAD]  }
0x30: {  	s3 =	sld [smem:$0x3FB0]  }
0x31: {  	[smem:$0x3FB9] =	sst s10  }
0x32: {  	s10 =	sld [smem:$0x3FB7];
	_ =	sdelay $0x3  }
0x33: {  	p0 =	seq.s32 s10, $0x1;
	s10 =	sld [smem:$0x3FB9];
	_ =	sdelay $0x3  }
0x34: {  	[smem:$0x3FB9] =	sst s10  }
0x35: {  	s10 =	sld [smem:$0x3FB8];
	_ =	sdelay $0x3  }
0x36: {  	p1 =	seq.s32 s10, $0x1;
	s10 =	sld [smem:$0x3FB9];
	_ =	sdelay $0x3  }
0x37: {  	[smem:$0x3FB9] =	sst s10  }
0x38: {  	s10 =	sld [smem:$0x3FBA]  }
0x39: {  	_ = 	snop;
	(pc) =	sbr.ind lr, $3  }
0x3a: {  	_ = 	snop  }
0x3b: {  	_ = 	snop  }
0x3c: {  	p2 =	seq.s32 s10, $0x1;
	s10 =	sld [smem:$0x3FB9]  }
0x3d: {  	_ =	shalt  }
0x3e: {  	_ =	shalt  }
0x3f: {  	_ =	shalt  }
0x40: {  	_ =	shalt  }
0x41: {  	_ =	shalt  }
0x42: {  	_ =	shalt  }
0x43: {  	_ =	shalt  }
0x44: {  	_ =	shalt  }
0x45: {  	_ =	shalt  }
0x46: {  	_ =	shalt  }
0x47: {  	_ =	shalt  }
0x48: {  	_ =	shalt  }
0x49: {  	_ =	shalt  }
0x4a: {  	_ =	shalt  }
0x4b: {  	_ =	shalt  }
0x4c: {  	_ =	shalt  }
0x4d: {  	_ =	shalt  }
0x4e: {  	_ =	shalt  }
0x4f: {  	_ =	shalt  }
0x50: {  	_ =	shalt  }
0x51: {  	_ =	shalt  }
0x52: {  	_ =	shalt  }
0x53: {  	_ =	shalt  }
0x54: {  	_ =	shalt  }
0x55: {  	_ =	shalt  }
0x56: {  	_ =	shalt  }
0x57: {  	_ =	shalt  }
0x58: {  	_ =	shalt  }
0x59: {  	_ =	shalt  }
0x5a: {  	_ =	shalt  }
0x5b: {  	_ =	shalt  }
0x5c: {  	_ =	shalt  }
0x5d: {  	_ =	shalt  }
0x5e: {  	_ =	shalt  }
0x5f: {  	_ =	shalt  }
0x60: {  	_ =	shalt  }
0x61: {  	_ =	shalt  }
0x62: {  	_ =	shalt  }
0x63: {  	_ =	shalt  }
0x64: {  	_ =	shalt  }
0x65: {  	_ =	shalt  }
0x66: {  	_ =	shalt  }
0x67: {  	_ =	shalt  }
0x68: {  	_ =	shalt  }
0x69: {  	_ =	shalt  }
0x6a: {  	_ =	shalt  }
0x6b: {  	_ =	shalt  }
0x6c: {  	_ =	shalt  }
0x6d: {  	_ =	shalt  }
0x6e: {  	_ =	shalt  }
0x6f: {  	_ =	shalt  }
0x70: {  	_ =	shalt  }
0x71: {  	_ =	shalt  }
0x72: {  	_ =	shalt  }
0x73: {  	_ =	shalt  }
0x74: {  	_ =	shalt  }
0x75: {  	_ =	shalt  }
0x76: {  	_ =	shalt  }
0x77: {  	_ =	shalt  }
0x78: {  	_ =	shalt  }
0x79: {  	_ =	shalt  }
0x7a: {  	_ =	shalt  }
0x7b: {  	_ =	shalt  }
0x7c: {  	_ =	shalt  }
0x7d: {  	_ =	shalt  }
0x7e: {  	_ =	shalt  }
0x7f: {  	_ =	shalt  }
0x80: {  	_ =	shalt  }
0x81: {  	_ =	shalt  }
0x82: {  	_ =	shalt  }
0x83: {  	_ =	shalt  }
0x84: {  	_ =	shalt  }
0x85: {  	_ =	shalt  }
0x86: {  	_ =	shalt  }
0x87: {  	_ =	shalt  }
.Lfunc_end0:
.L_simem_size_0:
called_computation_lowered:
.L_overlay_start_0:
0x88: {  	s2 =	sld [smem:$0x3FD9]  }
0x89: {  	s3 =	sld [smem:$0x3FFE];
	_ =	sdelay $0x1  }
0x8a: {  	s1 =	srdreg.scid  }
0x8b: {  	s0 =	sand.u32 $0x1, s1  }
0x8c: {  	s14 =	sshll.u32 s0, $0xA;
	s2 =	sadd.s32 s3, s2  }
0x8d: {  	s2 =	sadd.s32 s2, s14  }
0x8e: {  	[smem:$0x3FC5] =	sst s2  }
0x8f: {  	_ = 	snop  }
0x90: {  	s2 =	sld [smem:$0x3FD0];
	_ =	sdelay $0x2  }
0x91: {  	s15 =	simm.s32 $0xA;
	s4 =	simm.s32 $0x10  }
0x92: {  	[smem:s4], [sflag:s15] =	dma.local [hbm:s2], $0x1  }
0x93: {  	_ =	swait.eq [sflag:s15], $0x1  }
0x94: {  	[sflag:s15] =	ssyncset.done $0x0  }
0x95: {  	[sflag:s15] =	ssyncadd.s32 $0xFFFFFFFF  }
0x96: {  	s16 =	sld [smem:$0x10];
	(tm) =	ssettm $0x1  }
0x97: {  	s17 =	sld [smem:$0x3FFB];
	_ =	sdelay $0x3  }
0x98: {  	_ =	strace s17  }
0x99: {  	s3 =	sld [smem:$0x3FFC];
	_ =	sdelay $0x3  }
0x9a: {  	_ =	strace s3  }
0x9b: {  	s3 =	sld [smem:$0x3FFD];
	_ =	sdelay $0x3  }
0x9c: {  	_ =	strace s3  }
0x9d: {  	_ =	strace $0x8FFFFFFF  }
0x9e: {  	s18 =	sld [smem:$0x3FDB];
	_ =	sdelay $0x1  }
0x9f: {  	s19 =	simm.s32 $_scs_section_size  }
0xa0: {  	s5 =	simm.s32 $_size__tile_overlayer_lowered;
	s6 =	simm.s32 $_tile_overlayer_lowered  }
0xa1: {  	s22 =	simm.s32 $0x1BFF;
	s21 =	sshll.u32 s6, $0x1;
	s3 =	sadd.s32 s19, s18  }
0xa2: {  	s7 =	simm.s32 $0x0;
	s20 =	sshll.u32 s5, $0x1;
	s5 =	sadd.s32 s21, s3  }
0xa3: {  	[timem:s7], [sflag:s22] =	dma.local [hbm:s5], s20  }
0xa4: {  	_ =	swait.ge [sflag:s22], s20  }
0xa5: {  	s4 =	ssub.s32 $0x0, s20;
	[sflag:s22] =	ssyncset.done $0x0  }
0xa6: {  	[sflag:s22] =	ssyncadd.s32 s4;
	_ =	sdelay $0x1  }
0xa7: {  	s23 =	simm.s32 $0x1B8B  }
0xa8: {  	_ =	swait.ge [sflag:s23], $0x1  }
0xa9: {  	[sflag:s23] =	ssyncset.done $0x0  }
0xaa: {  	s25 =	simm.s32 $0x1B8E;
	s24 =	sld [smem:$0x3FFE];
	[sflag:s23] =	ssyncadd.s32 $0xFFFFFFFF  }
0xab: {  	s26 =	simm.s32 $execute0_lowered;
	[smem:$0x3FD2] =	sst s25  }
0xac: {  	s5 =	sshll.u32 s26, $0x1;
	_ =	strace $0x80000046;
	[dreg:$0x1] =	wrdreg $0xFFFFFFFF  }
0xad: {  	s28 =	simm.s32 $_size_execute0_lowered;
	s3 =	sadd.s32 s3, s5;
	[dreg:$0x0] =	wrdreg $0x0  }
0xae: {  	s5 =	sshll.u32 s28, $0x1;
	[dreg:$0x2] =	wrdreg s3  }
0xaf: {  	[dreg:$0x3] =	wrdreg s5  }
0xb0: {  	[dreg:$0x4] =	wrdreg $0xC0  }
0xb1: {  	_ =	task [dreg:s7], $0x5FFFF  }
0xb2: {  	[dreg:$0x1] =	wrdreg $0xFFFFFFFF  }
0xb3: {  	[dreg:$0x0] =	wrdreg $0x60  }
0xb4: {  	[dreg:$0x2] =	wrdreg s24  }
0xb5: {  	[dreg:$0x3] =	wrdreg s16  }
0xb6: {  	[dreg:$0x4] =	wrdreg $0x9  }
0xb7: {  	_ =	task.clear_ibuf [dreg:s7], $0x5FFFF;
	_ =	strace $0x90000046  }
0xb8: {  	s29 =	simm.s32 $0x9;
	_ =	strace $0x80000048  }
0xb9: {  	_ =	swait.ge [sflag:s29], $0x1  }
0xba: {  	[sflag:s29] =	ssyncadd.s32 $0xFFFFFFFF  }
0xbb: {  	_ =	strace $0x90000048  }
0xbc: {  	_ =	sfence  }
0xbd: {  	s30 =	sld [smem:$0x0];
	_ =	sdelay $0x2  }
0xbe: {  	s31 =	sshll.u32 s1, $0xD;
	s1 =	sshrl.u32 s1, $0x2  }
0xbf: {  	s3 =	sand.u32 $0x4000, s31;
	s1 =	sadd.s32 s1, s30  }
0xc0: {  	s0 =	sor.u32 s3, s0;
	s1 =	sshll.u32 s1, $0x11  }
0xc1: {  	s0 =	sor.u32 s1, s0  }
0xc2: {  	s0 =	sadd.s32 $0x8F2B, s0  }
0xc3: {  	[sflag:s0] =	ssyncadd.remote.s32 $0x1  }
0xc4: {  	_ =	sfence.sel $0xFFFF  }
0xc5: {  	[dreg:$0x0] =	wrdreg $0xFFFFFFFF;
	(pc) =	sbr.abs _section_cstart, $3  }
0xc6: {  	[dreg:$0x1] =	wrdreg $0xFFFFFFFF  }
0xc7: {  	_ =	task.clear_ibuf [dreg:s7], $0x2FFFF;
	_ =	strace $0x9FFFFFFF  }
0xc8: {  	(tm) =	ssettm $0x7FFFFFFF  }
0xc9: {  	_ =	shalt  }
tec
execute0_lowered:
.L_overlay_start_1:
0x0: {  	(tag) =	ssettag $0x1  }
0x1: {  	s0 =	rddreg [dreg:$0x0]  }
0x2: {  	s6 =	rddreg [dreg:$0x1]  }
0x3: {  	s2 =	simm.s32 $0x0;
	s3 =	srdreg.scid;
	s1 =	stileid.u32  }
0x4: {  	s9 =	simm.s32 $0x1;
	s10 =	simm.s32 $0x4000;
	s11 =	simm.s32 $0x4100  }
0x5: {  	s12 =	simm.s32 $0x4200;
	s13 =	simm.s32 $0x4300;
	s14 =	simm.s32 $0x0  }
0x6: {  	[smem:$0x7FF] =	sst s2;
	s3 =	sand.u32 $0x1, s3;
	s4 =	sshll.u32 s1, $0x1  }
0x7: {  	_ =	strace $0x80000047;
	s4 =	sor.u32 s3, s4;
	s3 =	ssub.s32 $0x2, s3  }
0x8: {  	s5 =	sshll.u32 s4, $0xB;
	s7 =	sshll.u32 s4, $0x5;
	s31 =	sshrl.u32 s3, $0x1  }
0x9: {  	s5 =	sadd.s32 s5, s0;
	s0 =	sadd.s32 s7, s0;
	s8 =	ssub.s32 s3, s31  }
0xa: {  	s6 =	sadd.s32 s6, s7;
	s3 =	sadd.s32 $0xE00, s5;
	s4 =	sadd.s32 $0x11200, s0  }
0xb: {  	v0 =	vimm.s32 $0x0;
	s5 =	sadd.s32 $0x11600, s0;
	s7 =	sadd.s32 $0x10E00, s0;
	s8 =	smax.u32 s8, $0x1  }
.LBB2_1:
0xc: {  	[tilespmem:s2], [sflag:$0x1] =	stream.linear.gather [hbm4b:s3+s2], $0x4000, $0x38;
	[tilespmem:$0x4400] =	vst v63  }
0xd: {  	s15 =	simm.s32 $0x4300;
	s16 =	simm.s32 $0x4200;
	_ =	swait.ge [sflag:s9], $0x4000  }
0xe: {  	s17 =	simm.s32 $0x4100;
	s18 =	simm.s32 $0x4000;
	[sflag:s9] =	ssyncset.done $0x0  }
0xf: {  	s19 =	simm.s32 $0x0;
	s20 =	simm.s32 $0x0;
	[sflag:s9] =	ssyncadd.s32 $0xFFFFC000  }
.LBB2_2:
0x10: {  	s24 =	sand.u32 $0x40, s20;
	s25 =	sand.u32 $0x400, s19  }
0x11: {  	s30 =	sor.u32 s24, s25  }
0x12: {  	s23 =	sor.u32 $0x10, s24;
	v1 =	vld [tilespmem:s30+$0x80]  }
0x13: {  	v2 =	vld [tilespmem:s30+$0x0];
	s28 =	sor.u32 s23, s25  }
0x14: {  	s22 =	sor.u32 $0x20, s24;
	v3 =	vld [tilespmem:s28+$0x80]  }
0x15: {  	s26 =	sor.u32 s22, s25;
	v4 =	vld [tilespmem:s28+$0x0]  }
0x16: {  	s21 =	sor.u32 $0x30, s24;
	v6 =	vld [tilespmem:s26+$0x80]  }
0x17: {  	s29 =	sor.u32 s21, s25;
	v7 =	vld [tilespmem:s26+$0x0]  }
0x18: {  	v10 =	vld [tilespmem:s29+$0x80]  }
0x19: {  	v11 =	vld [tilespmem:s29+$0x0]  }
0x1a: {  	vm0 =	vlt.f32 v1, $-Inf;
	vm1 =	vgt.f32 v1, $-Inf;
	vm2 =	vgt.f32 v1, v2  }
0x1b: {  	vm0 =	vmor vm1, vm0;
	vm8 =	vmneg vm2  }
0x1c: {  	vm9 =	vlt.f32 v3, $-Inf;
	vm3 =	vgt.f32 v3, $-Inf;
	vm10 =	vgt.f32 v3, v4  }
0x1d: {  	vm12 =	vlt.f32 v6, $-Inf;
	vm4 =	vgt.f32 v6, $-Inf;
	vm5 =	vgt.f32 v6, v7  }
0x1e: {  	vm15 =	vlt.f32 v10, $-Inf;
	vm6 =	vgt.f32 v10, $-Inf;
	vm7 =	vgt.f32 v10, v11  }
0x1f: {  	v14 =	vld [tilespmem:s30+$0x100];
	v5 =	vnsel vm0, $0xFF800000, v1;
	vm0 =	vmand vm8, vm0;
	v1 =	vsel vm8, v2, v1  }
0x20: {  	vm11 =	vmneg vm10;
	vm13 =	vmneg vm5;
	v55 =	vsel vm10, $0x1, v0  }
0x21: {  	v17 =	vsel vm5, $0x1, v0;
	v19 =	vsel vm7, $0x1, v0;
	v5 =	vsel vm8, v5, v2  }
0x22: {  	v8 =	vsel vm0, $0x1, v0;
	vm0 =	vmor vm3, vm9;
	v2 =	vsel vm2, $0x1, v0  }
0x23: {  	vm3 =	vmor vm4, vm12;
	vm2 =	vmor vm6, vm15;
	vm8 =	vmneg vm7  }
0x24: {  	v16 =	vld [tilespmem:s28+$0x100];
	vm10 =	vgt.f32 v14, v1;
	v9 =	vnsel vm0, $0xFF800000, v3;
	vm0 =	vmand vm11, vm0  }
0x25: {  	v57 =	vld [tilespmem:s26+$0x100];
	v13 =	vnsel vm3, $0xFF800000, v6;
	v3 =	vsel vm11, v4, v3;
	vm14 =	vmand vm13, vm3  }
0x26: {  	v58 =	vld [tilespmem:s29+$0x100];
	v6 =	vsel vm13, v7, v6;
	v56 =	vnsel vm2, $0xFF800000, v10;
	vm2 =	vmand vm8, vm2  }
0x27: {  	v10 =	vsel vm8, v11, v10;
	vm9 =	vgt.f32 v14, v5;
	v9 =	vsel vm11, v9, v4  }
0x28: {  	v12 =	vsel vm0, $0x1, v0;
	v13 =	vsel vm13, v13, v7;
	v15 =	vsel vm14, $0x1, v0  }
0x29: {  	v7 =	vsel vm8, v56, v11;
	v18 =	vsel vm2, $0x1, v0;
	v5 =	vsel vm9, v14, v5  }
0x2a: {  	v8 =	vsel vm9, $0x2, v8;
	vm12 =	vgt.f32 v16, v3;
	vm14 =	vgt.f32 v57, v6  }
0x2b: {  	v59 =	vld [tilespmem:s30+$0x180];
	vm4 =	vgt.f32 v58, v10;
	v5 =	vsel vm10, v1, v5;
	v8 =	vsel vm10, v2, v8  }
0x2c: {  	v1 =	vsel vm10, v14, v1;
	v2 =	vsel vm10, $0x2, v2;
	vm11 =	vgt.f32 v16, v9  }
0x2d: {  	vm13 =	vgt.f32 v57, v13;
	v4 =	vsel vm12, $0x2, v55;
	vm15 =	vgt.f32 v58, v7  }
0x2e: {  	v61 =	vsel vm4, $0x2, v19;
	v9 =	vsel vm11, v16, v9;
	v12 =	vsel vm11, $0x2, v12  }
0x2f: {  	v13 =	vsel vm13, v57, v13;
	v15 =	vsel vm13, $0x2, v15;
	v7 =	vsel vm15, v58, v7  }
0x30: {  	v60 =	vld [tilespmem:s28+$0x180];
	v18 =	vsel vm15, $0x2, v18;
	vm5 =	vgt.f32 v59, v5;
	vm6 =	vgt.f32 v59, v1  }
0x31: {  	v62 =	vld [tilespmem:s26+$0x180];
	v9 =	vsel vm12, v3, v9;
	v12 =	vsel vm12, v55, v12;
	v3 =	vsel vm12, v16, v3  }
0x32: {  	v63 =	vld [tilespmem:s29+$0x180];
	v13 =	vsel vm14, v6, v13;
	v15 =	vsel vm14, v17, v15;
	v6 =	vsel vm14, v57, v6  }
0x33: {  	v17 =	vsel vm14, $0x2, v17;
	v7 =	vsel vm4, v10, v7;
	v18 =	vsel vm4, v19, v18  }
0x34: {  	v10 =	vsel vm4, v58, v10;
	v5 =	vsel vm5, v59, v5;
	v8 =	vsel vm5, $0x3, v8  }
0x35: {  	v21 =	vld [tilespmem:s30+$0x200];
	v5 =	vsel vm6, v1, v5;
	v8 =	vsel vm6, v2, v8;
	vm7 =	vgt.f32 v60, v9  }
0x36: {  	v1 =	vsel vm6, v59, v1;
	vm8 =	vgt.f32 v60, v3;
	v2 =	vsel vm6, $0x3, v2  }
0x37: {  	vm9 =	vgt.f32 v62, v13;
	vm10 =	vgt.f32 v62, v6;
	vm11 =	vgt.f32 v63, v7  }
0x38: {  	vm12 =	vgt.f32 v63, v10;
	v9 =	vsel vm7, v60, v9;
	v12 =	vsel vm7, $0x3, v12  }
0x39: {  	v13 =	vsel vm9, v62, v13;
	v15 =	vsel vm9, $0x3, v15;
	v7 =	vsel vm11, v63, v7  }
0x3a: {  	v18 =	vsel vm11, $0x3, v18;
	vm13 =	vgt.f32 v21, v5;
	vm14 =	vgt.f32 v21, v1  }
0x3b: {  	v22 =	vld [tilespmem:s28+$0x200];
	v14 =	vsel vm12, $0x3, v61;
	v9 =	vsel vm8, v3, v9;
	v12 =	vsel vm8, v4, v12  }
0x3c: {  	v23 =	vld [tilespmem:s26+$0x200];
	v3 =	vsel vm8, v60, v3;
	v4 =	vsel vm8, $0x3, v4;
	v13 =	vsel vm10, v6, v13  }
0x3d: {  	v24 =	vld [tilespmem:s29+$0x200];
	v15 =	vsel vm10, v17, v15;
	v6 =	vsel vm10, v62, v6;
	v17 =	vsel vm10, $0x3, v17  }
0x3e: {  	v7 =	vsel vm12, v10, v7;
	v18 =	vsel vm12, v61, v18;
	v5 =	vsel vm13, v21, v5  }
0x3f: {  	v10 =	vsel vm12, v63, v10;
	v8 =	vsel vm13, $0x4, v8;
	v5 =	vsel vm14, v1, v5  }
0x40: {  	v25 =	vld [tilespmem:s30+$0x280];
	v8 =	vsel vm14, v2, v8;
	v1 =	vsel vm14, v21, v1;
	vm15 =	vgt.f32 v22, v9  }
0x41: {  	vm4 =	vgt.f32 v22, v3;
	v2 =	vsel vm14, $0x4, v2;
	vm5 =	vgt.f32 v23, v13  }
0x42: {  	vm6 =	vgt.f32 v23, v6;
	vm7 =	vgt.f32 v24, v7;
	vm8 =	vgt.f32 v24, v10  }
0x43: {  	v9 =	vsel vm15, v22, v9;
	v12 =	vsel vm15, $0x4, v12;
	v13 =	vsel vm5, v23, v13  }
0x44: {  	v15 =	vsel vm5, $0x4, v15;
	v7 =	vsel vm7, v24, v7;
	v18 =	vsel vm7, $0x4, v18  }
0x45: {  	vm9 =	vgt.f32 v25, v5;
	vm10 =	vgt.f32 v25, v1;
	v9 =	vsel vm4, v3, v9  }
0x46: {  	v26 =	vld [tilespmem:s28+$0x280];
	v12 =	vsel vm4, v4, v12;
	v3 =	vsel vm4, v22, v3;
	v4 =	vsel vm4, $0x4, v4  }
0x47: {  	v27 =	vld [tilespmem:s26+$0x280];
	v13 =	vsel vm6, v6, v13;
	v15 =	vsel vm6, v17, v15;
	v6 =	vsel vm6, v23, v6  }
0x48: {  	v28 =	vld [tilespmem:s29+$0x280];
	v17 =	vsel vm6, $0x4, v17;
	v7 =	vsel vm8, v10, v7;
	v18 =	vsel vm8, v14, v18  }
0x49: {  	v10 =	vsel vm8, v24, v10;
	v5 =	vsel vm9, v25, v5;
	v8 =	vsel vm9, $0x5, v8  }
0x4a: {  	v29 =	vld [tilespmem:s30+$0x300];
	v14 =	vsel vm8, $0x4, v14;
	v5 =	vsel vm10, v1, v5;
	v8 =	vsel vm10, v2, v8  }
0x4b: {  	v1 =	vsel vm10, v25, v1;
	v2 =	vsel vm10, $0x5, v2;
	vm11 =	vgt.f32 v26, v9  }
0x4c: {  	vm12 =	vgt.f32 v26, v3;
	vm13 =	vgt.f32 v27, v13;
	vm14 =	vgt.f32 v27, v6  }
0x4d: {  	vm15 =	vgt.f32 v28, v7;
	vm4 =	vgt.f32 v28, v10;
	v9 =	vsel vm11, v26, v9  }
0x4e: {  	v12 =	vsel vm11, $0x5, v12;
	v13 =	vsel vm13, v27, v13;
	v15 =	vsel vm13, $0x5, v15  }
0x4f: {  	v7 =	vsel vm15, v28, v7;
	v18 =	vsel vm15, $0x5, v18;
	vm5 =	vgt.f32 v29, v5  }
0x50: {  	v30 =	vld [tilespmem:s28+$0x300];
	vm6 =	vgt.f32 v29, v1;
	v9 =	vsel vm12, v3, v9;
	v12 =	vsel vm12, v4, v12  }
0x51: {  	v31 =	vld [tilespmem:s26+$0x300];
	v3 =	vsel vm12, v26, v3;
	v4 =	vsel vm12, $0x5, v4;
	v13 =	vsel vm14, v6, v13  }
0x52: {  	v32 =	vld [tilespmem:s29+$0x300];
	v15 =	vsel vm14, v17, v15;
	v6 =	vsel vm14, v27, v6;
	v17 =	vsel vm14, $0x5, v17  }
0x53: {  	v7 =	vsel vm4, v10, v7;
	v18 =	vsel vm4, v14, v18;
	v10 =	vsel vm4, v28, v10  }
0x54: {  	v14 =	vsel vm4, $0x5, v14;
	v5 =	vsel vm5, v29, v5;
	v8 =	vsel vm5, $0x6, v8  }
0x55: {  	v33 =	vld [tilespmem:s30+$0x380];
	v5 =	vsel vm6, v1, v5;
	v8 =	vsel vm6, v2, v8;
	vm7 =	vgt.f32 v30, v9  }
0x56: {  	v1 =	vsel vm6, v29, v1;
	vm8 =	vgt.f32 v30, v3;
	v2 =	vsel vm6, $0x6, v2  }
0x57: {  	vm9 =	vgt.f32 v31, v13;
	vm10 =	vgt.f32 v31, v6;
	vm11 =	vgt.f32 v32, v7  }
0x58: {  	vm12 =	vgt.f32 v32, v10;
	v9 =	vsel vm7, v30, v9;
	v12 =	vsel vm7, $0x6, v12  }
0x59: {  	v13 =	vsel vm9, v31, v13;
	v15 =	vsel vm9, $0x6, v15;
	v7 =	vsel vm11, v32, v7  }
0x5a: {  	v18 =	vsel vm11, $0x6, v18;
	vm13 =	vgt.f32 v33, v5;
	vm14 =	vgt.f32 v33, v1  }
0x5b: {  	v34 =	vld [tilespmem:s28+$0x380];
	v9 =	vsel vm8, v3, v9;
	v12 =	vsel vm8, v4, v12;
	v3 =	vsel vm8, v30, v3  }
0x5c: {  	v35 =	vld [tilespmem:s26+$0x380];
	v4 =	vsel vm8, $0x6, v4;
	v13 =	vsel vm10, v6, v13;
	v15 =	vsel vm10, v17, v15  }
0x5d: {  	v36 =	vld [tilespmem:s29+$0x380];
	v6 =	vsel vm10, v31, v6;
	v17 =	vsel vm10, $0x6, v17;
	v7 =	vsel vm12, v10, v7  }
0x5e: {  	s0 =	sor.u32 $0x800, s25;
	v18 =	vsel vm12, v14, v18;
	v10 =	vsel vm12, v32, v10;
	v5 =	vsel vm13, v33, v5  }
0x5f: {  	s31 =	sor.u32 s24, s0;
	v14 =	vsel vm12, $0x6, v14;
	v8 =	vsel vm13, $0x7, v8;
	v5 =	vsel vm14, v1, v5  }
0x60: {  	v37 =	vld [tilespmem:s31+$0x0];
	v8 =	vsel vm14, v2, v8;
	v1 =	vsel vm14, v33, v1;
	vm15 =	vgt.f32 v34, v9  }
0x61: {  	vm4 =	vgt.f32 v34, v3;
	v2 =	vsel vm14, $0x7, v2;
	vm5 =	vgt.f32 v35, v13  }
0x62: {  	vm6 =	vgt.f32 v35, v6;
	vm7 =	vgt.f32 v36, v7;
	vm8 =	vgt.f32 v36, v10  }
0x63: {  	v9 =	vsel vm15, v34, v9;
	v12 =	vsel vm15, $0x7, v12;
	v13 =	vsel vm5, v35, v13  }
0x64: {  	v15 =	vsel vm5, $0x7, v15;
	v7 =	vsel vm7, v36, v7;
	v18 =	vsel vm7, $0x7, v18  }
0x65: {  	s1 =	sor.u32 s23, s0;
	vm9 =	vgt.f32 v37, v5;
	vm10 =	vgt.f32 v37, v1;
	v9 =	vsel vm4, v3, v9  }
0x66: {  	v38 =	vld [tilespmem:s1+$0x0];
	s28 =	sor.u32 s22, s0;
	v12 =	vsel vm4, v4, v12;
	v3 =	vsel vm4, v34, v3;
	v4 =	vsel vm4, $0x7, v4  }
0x67: {  	s0 =	sor.u32 s21, s0;
	v39 =	vld [tilespmem:s28+$0x0];
	v13 =	vsel vm6, v6, v13;
	v15 =	vsel vm6, v17, v15;
	v6 =	vsel vm6, v35, v6  }
0x68: {  	s29 =	sor.u32 $0x880, s25;
	v40 =	vld [tilespmem:s0+$0x0];
	v17 =	vsel vm6, $0x7, v17;
	v7 =	vsel vm8, v10, v7;
	v18 =	vsel vm8, v14, v18  }
0x69: {  	s30 =	sor.u32 s24, s29;
	v10 =	vsel vm8, v36, v10;
	v5 =	vsel vm9, v37, v5;
	v8 =	vsel vm9, $0x8, v8  }
0x6a: {  	v41 =	vld [tilespmem:s30+$0x0];
	v14 =	vsel vm8, $0x7, v14;
	v5 =	vsel vm10, v1, v5;
	v8 =	vsel vm10, v2, v8  }
0x6b: {  	v1 =	vsel vm10, v37, v1;
	v2 =	vsel vm10, $0x8, v2;
	vm11 =	vgt.f32 v38, v9  }
0x6c: {  	vm12 =	vgt.f32 v38, v3;
	vm13 =	vgt.f32 v39, v13;
	vm14 =	vgt.f32 v39, v6  }
0x6d: {  	vm15 =	vgt.f32 v40, v7;
	vm4 =	vgt.f32 v40, v10;
	v9 =	vsel vm11, v38, v9  }
0x6e: {  	v12 =	vsel vm11, $0x8, v12;
	v13 =	vsel vm13, v39, v13;
	v15 =	vsel vm13, $0x8, v15  }
0x6f: {  	s31 =	sor.u32 s23, s29;
	v7 =	vsel vm15, v40, v7;
	v18 =	vsel vm15, $0x8, v18;
	vm5 =	vgt.f32 v41, v5  }
0x70: {  	s1 =	sor.u32 s22, s29;
	v42 =	vld [tilespmem:s31+$0x0];
	vm6 =	vgt.f32 v41, v1;
	v9 =	vsel vm12, v3, v9;
	v12 =	vsel vm12, v4, v12  }
0x71: {  	s0 =	sor.u32 s21, s29;
	v43 =	vld [tilespmem:s1+$0x0];
	v3 =	vsel vm12, v38, v3;
	v4 =	vsel vm12, $0x8, v4;
	v13 =	vsel vm14, v6, v13  }
0x72: {  	v44 =	vld [tilespmem:s0+$0x0];
	v15 =	vsel vm14, v17, v15;
	v6 =	vsel vm14, v39, v6;
	v17 =	vsel vm14, $0x8, v17  }
0x73: {  	s28 =	sor.u32 $0x900, s25;
	v7 =	vsel vm4, v10, v7;
	v18 =	vsel vm4, v14, v18;
	v10 =	vsel vm4, v40, v10  }
0x74: {  	s29 =	sor.u32 s24, s28;
	v14 =	vsel vm4, $0x8, v14;
	v5 =	vsel vm5, v41, v5;
	v8 =	vsel vm5, $0x9, v8  }
0x75: {  	v45 =	vld [tilespmem:s29+$0x0];
	v5 =	vsel vm6, v1, v5;
	v8 =	vsel vm6, v2, v8;
	vm7 =	vgt.f32 v42, v9  }
0x76: {  	v1 =	vsel vm6, v41, v1;
	vm8 =	vgt.f32 v42, v3;
	v2 =	vsel vm6, $0x9, v2  }
0x77: {  	vm9 =	vgt.f32 v43, v13;
	vm10 =	vgt.f32 v43, v6;
	vm11 =	vgt.f32 v44, v7  }
0x78: {  	vm12 =	vgt.f32 v44, v10;
	v9 =	vsel vm7, v42, v9;
	v12 =	vsel vm7, $0x9, v12  }
0x79: {  	v13 =	vsel vm9, v43, v13;
	v15 =	vsel vm9, $0x9, v15;
	v7 =	vsel vm11, v44, v7  }
0x7a: {  	s30 =	sor.u32 s23, s28;
	v18 =	vsel vm11, $0x9, v18;
	vm13 =	vgt.f32 v45, v5;
	vm14 =	vgt.f32 v45, v1  }
0x7b: {  	s31 =	sor.u32 s22, s28;
	v46 =	vld [tilespmem:s30+$0x0];
	v9 =	vsel vm8, v3, v9;
	v12 =	vsel vm8, v4, v12;
	v3 =	vsel vm8, v42, v3  }
0x7c: {  	s0 =	sor.u32 s21, s28;
	v47 =	vld [tilespmem:s31+$0x0];
	v4 =	vsel vm8, $0x9, v4;
	v13 =	vsel vm10, v6, v13;
	v15 =	vsel vm10, v17, v15  }
0x7d: {  	v48 =	vld [tilespmem:s0+$0x0];
	v6 =	vsel vm10, v43, v6;
	v17 =	vsel vm10, $0x9, v17;
	v7 =	vsel vm12, v10, v7  }
0x7e: {  	s1 =	sor.u32 $0x980, s25;
	v18 =	vsel vm12, v14, v18;
	v10 =	vsel vm12, v44, v10;
	v5 =	vsel vm13, v45, v5  }
0x7f: {  	s28 =	sor.u32 s24, s1;
	v14 =	vsel vm12, $0x9, v14;
	v8 =	vsel vm13, $0xA, v8;
	v5 =	vsel vm14, v1, v5  }
0x80: {  	v49 =	vld [tilespmem:s28+$0x0];
	v8 =	vsel vm14, v2, v8;
	v1 =	vsel vm14, v45, v1;
	vm15 =	vgt.f32 v46, v9  }
0x81: {  	vm4 =	vgt.f32 v46, v3;
	v2 =	vsel vm14, $0xA, v2;
	vm5 =	vgt.f32 v47, v13  }
0x82: {  	vm6 =	vgt.f32 v47, v6;
	vm7 =	vgt.f32 v48, v7;
	vm8 =	vgt.f32 v48, v10  }
0x83: {  	v9 =	vsel vm15, v46, v9;
	v12 =	vsel vm15, $0xA, v12;
	v13 =	vsel vm5, v47, v13  }
0x84: {  	v15 =	vsel vm5, $0xA, v15;
	v7 =	vsel vm7, v48, v7;
	v18 =	vsel vm7, $0xA, v18  }
0x85: {  	s29 =	sor.u32 s23, s1;
	vm9 =	vgt.f32 v49, v5;
	vm10 =	vgt.f32 v49, v1;
	v9 =	vsel vm4, v3, v9  }
0x86: {  	s30 =	sor.u32 s22, s1;
	v50 =	vld [tilespmem:s29+$0x0];
	v12 =	vsel vm4, v4, v12;
	v3 =	vsel vm4, v46, v3;
	v4 =	vsel vm4, $0xA, v4  }
0x87: {  	s0 =	sor.u32 s21, s1;
	v51 =	vld [tilespmem:s30+$0x0];
	v13 =	vsel vm6, v6, v13;
	v15 =	vsel vm6, v17, v15;
	v6 =	vsel vm6, v47, v6  }
0x88: {  	s31 =	sor.u32 $0xA00, s25;
	v52 =	vld [tilespmem:s0+$0x0];
	v17 =	vsel vm6, $0xA, v17;
	v7 =	vsel vm8, v10, v7;
	v18 =	vsel vm8, v14, v18  }
0x89: {  	s1 =	sor.u32 s24, s31;
	v10 =	vsel vm8, v48, v10;
	v5 =	vsel vm9, v49, v5;
	v8 =	vsel vm9, $0xB, v8  }
0x8a: {  	v53 =	vld [tilespmem:s1+$0x0];
	v14 =	vsel vm8, $0xA, v14;
	v5 =	vsel vm10, v1, v5;
	v8 =	vsel vm10, v2, v8  }
0x8b: {  	v1 =	vsel vm10, v49, v1;
	v2 =	vsel vm10, $0xB, v2;
	vm11 =	vgt.f32 v50, v9  }
0x8c: {  	vm12 =	vgt.f32 v50, v3;
	vm13 =	vgt.f32 v51, v13;
	vm14 =	vgt.f32 v51, v6  }
0x8d: {  	vm15 =	vgt.f32 v52, v7;
	vm4 =	vgt.f32 v52, v10;
	v9 =	vsel vm11, v50, v9  }
0x8e: {  	v12 =	vsel vm11, $0xB, v12;
	v13 =	vsel vm13, v51, v13;
	v15 =	vsel vm13, $0xB, v15  }
0x8f: {  	s28 =	sor.u32 s23, s31;
	v7 =	vsel vm15, v52, v7;
	v18 =	vsel vm15, $0xB, v18;
	vm5 =	vgt.f32 v53, v5  }
0x90: {  	s0 =	sor.u32 s21, s31;
	v54 =	vld [tilespmem:s28+$0x0];
	vm6 =	vgt.f32 v53, v1;
	v9 =	vsel vm12, v3, v9;
	v12 =	vsel vm12, v4, v12  }
0x91: {  	s29 =	sor.u32 s22, s31;
	v56 =	vld [tilespmem:s0+$0x0];
	v3 =	vsel vm12, v50, v3;
	v4 =	vsel vm12, $0xB, v4;
	v13 =	vsel vm14, v6, v13  }
0x92: {  	v55 =	vld [tilespmem:s29+$0x0];
	v15 =	vsel vm14, v17, v15;
	v6 =	vsel vm14, v51, v6;
	v17 =	vsel vm14, $0xB, v17  }
0x93: {  	s30 =	sor.u32 $0xA80, s25;
	v7 =	vsel vm4, v10, v7;
	v18 =	vsel vm4, v14, v18;
	v10 =	vsel vm4, v52, v10  }
0x94: {  	s31 =	sor.u32 s24, s30;
	v14 =	vsel vm4, $0xB, v14;
	v5 =	vsel vm5, v53, v5;
	v8 =	vsel vm5, $0xC, v8  }
0x95: {  	v57 =	vld [tilespmem:s31+$0x0];
	v5 =	vsel vm6, v1, v5;
	v8 =	vsel vm6, v2, v8;
	vm7 =	vgt.f32 v54, v9  }
0x96: {  	v1 =	vsel vm6, v53, v1;
	vm8 =	vgt.f32 v54, v3;
	v2 =	vsel vm6, $0xC, v2  }
0x97: {  	vm9 =	vgt.f32 v55, v13;
	vm10 =	vgt.f32 v55, v6;
	vm11 =	vgt.f32 v56, v7  }
0x98: {  	vm12 =	vgt.f32 v56, v10;
	v9 =	vsel vm7, v54, v9;
	v12 =	vsel vm7, $0xC, v12  }
0x99: {  	v13 =	vsel vm9, v55, v13;
	v15 =	vsel vm9, $0xC, v15;
	v7 =	vsel vm11, v56, v7  }
0x9a: {  	s1 =	sor.u32 s23, s30;
	v18 =	vsel vm11, $0xC, v18;
	vm13 =	vgt.f32 v57, v5;
	vm14 =	vgt.f32 v57, v1  }
0x9b: {  	s28 =	sor.u32 s22, s30;
	v58 =	vld [tilespmem:s1+$0x0];
	v9 =	vsel vm8, v3, v9;
	v12 =	vsel vm8, v4, v12;
	v3 =	vsel vm8, v54, v3  }
0x9c: {  	s0 =	sor.u32 s21, s30;
	v59 =	vld [tilespmem:s28+$0x0];
	v4 =	vsel vm8, $0xC, v4;
	v13 =	vsel vm10, v6, v13;
	v15 =	vsel vm10, v17, v15  }
0x9d: {  	v60 =	vld [tilespmem:s0+$0x0];
	v6 =	vsel vm10, v55, v6;
	v17 =	vsel vm10, $0xC, v17;
	v7 =	vsel vm12, v10, v7  }
0x9e: {  	s29 =	sor.u32 $0xB00, s25;
	v18 =	vsel vm12, v14, v18;
	v10 =	vsel vm12, v56, v10;
	v5 =	vsel vm13, v57, v5  }
0x9f: {  	s30 =	sor.u32 s24, s29;
	v14 =	vsel vm12, $0xC, v14;
	v8 =	vsel vm13, $0xD, v8;
	v5 =	vsel vm14, v1, v5  }
0xa0: {  	v61 =	vld [tilespmem:s30+$0x0];
	v8 =	vsel vm14, v2, v8;
	v1 =	vsel vm14, v57, v1;
	vm15 =	vgt.f32 v58, v9  }
0xa1: {  	vm4 =	vgt.f32 v58, v3;
	v2 =	vsel vm14, $0xD, v2;
	vm5 =	vgt.f32 v59, v13  }
0xa2: {  	vm6 =	vgt.f32 v59, v6;
	vm7 =	vgt.f32 v60, v7;
	vm8 =	vgt.f32 v60, v10  }
0xa3: {  	v9 =	vsel vm15, v58, v9;
	v12 =	vsel vm15, $0xD, v12;
	v13 =	vsel vm5, v59, v13  }
0xa4: {  	v15 =	vsel vm5, $0xD, v15;
	v7 =	vsel vm7, v60, v7;
	v18 =	vsel vm7, $0xD, v18  }
0xa5: {  	s31 =	sor.u32 s23, s29;
	vm9 =	vgt.f32 v61, v5;
	vm10 =	vgt.f32 v61, v1;
	v9 =	vsel vm4, v3, v9  }
0xa6: {  	s1 =	sor.u32 s22, s29;
	v62 =	vld [tilespmem:s31+$0x0];
	v12 =	vsel vm4, v4, v12;
	v3 =	vsel vm4, v58, v3;
	v4 =	vsel vm4, $0xD, v4  }
0xa7: {  	v63 =	vld [tilespmem:s1+$0x0];
	s0 =	sor.u32 s21, s29;
	v13 =	vsel vm6, v6, v13;
	v15 =	vsel vm6, v17, v15;
	v6 =	vsel vm6, v59, v6  }
0xa8: {  	s28 =	sor.u32 $0xB80, s25;
	v21 =	vld [tilespmem:s0+$0x0];
	v17 =	vsel vm6, $0xD, v17;
	v7 =	vsel vm8, v10, v7;
	v18 =	vsel vm8, v14, v18  }
0xa9: {  	s29 =	sor.u32 s24, s28;
	v10 =	vsel vm8, v60, v10;
	v5 =	vsel vm9, v61, v5;
	v8 =	vsel vm9, $0xE, v8  }
0xaa: {  	v22 =	vld [tilespmem:s29+$0x0];
	v14 =	vsel vm8, $0xD, v14;
	v5 =	vsel vm10, v1, v5;
	v8 =	vsel vm10, v2, v8  }
0xab: {  	v1 =	vsel vm10, v61, v1;
	v2 =	vsel vm10, $0xE, v2;
	vm11 =	vgt.f32 v62, v9  }
0xac: {  	vm12 =	vgt.f32 v62, v3;
	vm13 =	vgt.f32 v63, v13;
	vm14 =	vgt.f32 v63, v6  }
0xad: {  	vm15 =	vgt.f32 v21, v7;
	vm4 =	vgt.f32 v21, v10;
	v9 =	vsel vm11, v62, v9  }
0xae: {  	v12 =	vsel vm11, $0xE, v12;
	v13 =	vsel vm13, v63, v13;
	v15 =	vsel vm13, $0xE, v15  }
0xaf: {  	s30 =	sor.u32 s23, s28;
	v7 =	vsel vm15, v21, v7;
	v18 =	vsel vm15, $0xE, v18;
	vm5 =	vgt.f32 v22, v5  }
0xb0: {  	s31 =	sor.u32 s22, s28;
	v23 =	vld [tilespmem:s30+$0x0];
	vm6 =	vgt.f32 v22, v1;
	v9 =	vsel vm12, v3, v9;
	v12 =	vsel vm12, v4, v12  }
0xb1: {  	s0 =	sor.u32 s21, s28;
	v24 =	vld [tilespmem:s31+$0x0];
	v3 =	vsel vm12, v62, v3;
	v4 =	vsel vm12, $0xE, v4;
	v13 =	vsel vm14, v6, v13  }
0xb2: {  	v25 =	vld [tilespmem:s0+$0x0];
	v15 =	vsel vm14, v17, v15;
	v6 =	vsel vm14, v63, v6;
	v17 =	vsel vm14, $0xE, v17  }
0xb3: {  	s1 =	sor.u32 $0x1000, s25;
	v7 =	vsel vm4, v10, v7;
	v18 =	vsel vm4, v14, v18;
	v10 =	vsel vm4, v21, v10  }
0xb4: {  	s28 =	sor.u32 s24, s1;
	v14 =	vsel vm4, $0xE, v14;
	v5 =	vsel vm5, v22, v5;
	v8 =	vsel vm5, $0xF, v8  }
0xb5: {  	v26 =	vld [tilespmem:s28+$0x0];
	v5 =	vsel vm6, v1, v5;
	v8 =	vsel vm6, v2, v8;
	vm7 =	vgt.f32 v23, v9  }
0xb6: {  	v1 =	vsel vm6, v22, v1;
	vm8 =	vgt.f32 v23, v3;
	v2 =	vsel vm6, $0xF, v2  }
0xb7: {  	vm9 =	vgt.f32 v24, v13;
	vm10 =	vgt.f32 v24, v6;
	vm11 =	vgt.f32 v25, v7  }
0xb8: {  	vm12 =	vgt.f32 v25, v10;
	v9 =	vsel vm7, v23, v9;
	v12 =	vsel vm7, $0xF, v12  }
0xb9: {  	v13 =	vsel vm9, v24, v13;
	v15 =	vsel vm9, $0xF, v15;
	v7 =	vsel vm11, v25, v7  }
0xba: {  	s29 =	sor.u32 s23, s1;
	v18 =	vsel vm11, $0xF, v18;
	vm13 =	vgt.f32 v26, v5;
	vm14 =	vgt.f32 v26, v1  }
0xbb: {  	s30 =	sor.u32 s22, s1;
	v27 =	vld [tilespmem:s29+$0x0];
	v9 =	vsel vm8, v3, v9;
	v12 =	vsel vm8, v4, v12;
	v3 =	vsel vm8, v23, v3  }
0xbc: {  	s0 =	sor.u32 s21, s1;
	v28 =	vld [tilespmem:s30+$0x0];
	v4 =	vsel vm8, $0xF, v4;
	v13 =	vsel vm10, v6, v13;
	v15 =	vsel vm10, v17, v15  }
0xbd: {  	v29 =	vld [tilespmem:s0+$0x0];
	v6 =	vsel vm10, v24, v6;
	v17 =	vsel vm10, $0xF, v17;
	v7 =	vsel vm12, v10, v7  }
0xbe: {  	s31 =	sor.u32 $0x1080, s25;
	v18 =	vsel vm12, v14, v18;
	v10 =	vsel vm12, v25, v10;
	v5 =	vsel vm13, v26, v5  }
0xbf: {  	s1 =	sor.u32 s24, s31;
	v14 =	vsel vm12, $0xF, v14;
	v8 =	vsel vm13, $0x10, v8;
	v5 =	vsel vm14, v1, v5  }
0xc0: {  	v30 =	vld [tilespmem:s1+$0x0];
	v8 =	vsel vm14, v2, v8;
	v1 =	vsel vm14, v26, v1;
	vm15 =	vgt.f32 v27, v9  }
0xc1: {  	vm4 =	vgt.f32 v27, v3;
	v2 =	vsel vm14, $0x10, v2;
	vm5 =	vgt.f32 v28, v13  }
0xc2: {  	vm6 =	vgt.f32 v28, v6;
	vm7 =	vgt.f32 v29, v7;
	vm8 =	vgt.f32 v29, v10  }
0xc3: {  	v9 =	vsel vm15, v27, v9;
	v12 =	vsel vm15, $0x10, v12;
	v13 =	vsel vm5, v28, v13  }
0xc4: {  	v15 =	vsel vm5, $0x10, v15;
	v7 =	vsel vm7, v29, v7;
	v18 =	vsel vm7, $0x10, v18  }
0xc5: {  	s28 =	sor.u32 s23, s31;
	vm9 =	vgt.f32 v30, v5;
	vm10 =	vgt.f32 v30, v1;
	v9 =	vsel vm4, v3, v9  }
0xc6: {  	s29 =	sor.u32 s22, s31;
	v31 =	vld [tilespmem:s28+$0x0];
	v12 =	vsel vm4, v4, v12;
	v3 =	vsel vm4, v27, v3;
	v4 =	vsel vm4, $0x10, v4  }
0xc7: {  	s0 =	sor.u32 s21, s31;
	v32 =	vld [tilespmem:s29+$0x0];
	v13 =	vsel vm6, v6, v13;
	v15 =	vsel vm6, v17, v15;
	v6 =	vsel vm6, v28, v6  }
0xc8: {  	s30 =	sor.u32 $0x1100, s25;
	v33 =	vld [tilespmem:s0+$0x0];
	v17 =	vsel vm6, $0x10, v17;
	v7 =	vsel vm8, v10, v7;
	v18 =	vsel vm8, v14, v18  }
0xc9: {  	s31 =	sor.u32 s24, s30;
	v10 =	vsel vm8, v29, v10;
	v5 =	vsel vm9, v30, v5;
	v8 =	vsel vm9, $0x11, v8  }
0xca: {  	v34 =	vld [tilespmem:s31+$0x0];
	v14 =	vsel vm8, $0x10, v14;
	v5 =	vsel vm10, v1, v5;
	v8 =	vsel vm10, v2, v8  }
0xcb: {  	v1 =	vsel vm10, v30, v1;
	v2 =	vsel vm10, $0x11, v2;
	vm11 =	vgt.f32 v31, v9  }
0xcc: {  	vm12 =	vgt.f32 v31, v3;
	vm13 =	vgt.f32 v32, v13;
	vm14 =	vgt.f32 v32, v6  }
0xcd: {  	vm15 =	vgt.f32 v33, v7;
	vm4 =	vgt.f32 v33, v10;
	v9 =	vsel vm11, v31, v9  }
0xce: {  	v12 =	vsel vm11, $0x11, v12;
	v13 =	vsel vm13, v32, v13;
	v15 =	vsel vm13, $0x11, v15  }
0xcf: {  	s1 =	sor.u32 s23, s30;
	v7 =	vsel vm15, v33, v7;
	v18 =	vsel vm15, $0x11, v18;
	vm5 =	vgt.f32 v34, v5  }
0xd0: {  	s28 =	sor.u32 s22, s30;
	v35 =	vld [tilespmem:s1+$0x0];
	vm6 =	vgt.f32 v34, v1;
	v9 =	vsel vm12, v3, v9;
	v12 =	vsel vm12, v4, v12  }
0xd1: {  	s0 =	sor.u32 s21, s30;
	v36 =	vld [tilespmem:s28+$0x0];
	v3 =	vsel vm12, v31, v3;
	v4 =	vsel vm12, $0x11, v4;
	v13 =	vsel vm14, v6, v13  }
0xd2: {  	v37 =	vld [tilespmem:s0+$0x0];
	v15 =	vsel vm14, v17, v15;
	v6 =	vsel vm14, v32, v6;
	v17 =	vsel vm14, $0x11, v17  }
0xd3: {  	s29 =	sor.u32 $0x1180, s25;
	v7 =	vsel vm4, v10, v7;
	v18 =	vsel vm4, v14, v18;
	v10 =	vsel vm4, v33, v10  }
0xd4: {  	s30 =	sor.u32 s24, s29;
	v14 =	vsel vm4, $0x11, v14;
	v5 =	vsel vm5, v34, v5;
	v8 =	vsel vm5, $0x12, v8  }
0xd5: {  	v38 =	vld [tilespmem:s30+$0x0];
	v5 =	vsel vm6, v1, v5;
	v8 =	vsel vm6, v2, v8;
	vm7 =	vgt.f32 v35, v9  }
0xd6: {  	v1 =	vsel vm6, v34, v1;
	vm8 =	vgt.f32 v35, v3;
	v2 =	vsel vm6, $0x12, v2  }
0xd7: {  	vm9 =	vgt.f32 v36, v13;
	vm10 =	vgt.f32 v36, v6;
	vm11 =	vgt.f32 v37, v7  }
0xd8: {  	vm12 =	vgt.f32 v37, v10;
	v9 =	vsel vm7, v35, v9;
	v12 =	vsel vm7, $0x12, v12  }
0xd9: {  	v13 =	vsel vm9, v36, v13;
	v15 =	vsel vm9, $0x12, v15;
	v7 =	vsel vm11, v37, v7  }
0xda: {  	s31 =	sor.u32 s23, s29;
	v18 =	vsel vm11, $0x12, v18;
	vm13 =	vgt.f32 v38, v5;
	vm14 =	vgt.f32 v38, v1  }
0xdb: {  	s1 =	sor.u32 s22, s29;
	v39 =	vld [tilespmem:s31+$0x0];
	v9 =	vsel vm8, v3, v9;
	v12 =	vsel vm8, v4, v12;
	v3 =	vsel vm8, v35, v3  }
0xdc: {  	s0 =	sor.u32 s21, s29;
	v40 =	vld [tilespmem:s1+$0x0];
	v4 =	vsel vm8, $0x12, v4;
	v13 =	vsel vm10, v6, v13;
	v15 =	vsel vm10, v17, v15  }
0xdd: {  	v41 =	vld [tilespmem:s0+$0x0];
	v6 =	vsel vm10, v36, v6;
	v17 =	vsel vm10, $0x12, v17;
	v7 =	vsel vm12, v10, v7  }
0xde: {  	s28 =	sor.u32 $0x1200, s25;
	v18 =	vsel vm12, v14, v18;
	v10 =	vsel vm12, v37, v10;
	v5 =	vsel vm13, v38, v5  }
0xdf: {  	s29 =	sor.u32 s24, s28;
	v14 =	vsel vm12, $0x12, v14;
	v8 =	vsel vm13, $0x13, v8;
	v5 =	vsel vm14, v1, v5  }
0xe0: {  	v42 =	vld [tilespmem:s29+$0x0];
	v8 =	vsel vm14, v2, v8;
	v1 =	vsel vm14, v38, v1;
	vm15 =	vgt.f32 v39, v9  }
0xe1: {  	vm4 =	vgt.f32 v39, v3;
	v2 =	vsel vm14, $0x13, v2;
	vm5 =	vgt.f32 v40, v13  }
0xe2: {  	vm6 =	vgt.f32 v40, v6;
	vm7 =	vgt.f32 v41, v7;
	vm8 =	vgt.f32 v41, v10  }
0xe3: {  	v9 =	vsel vm15, v39, v9;
	v12 =	vsel vm15, $0x13, v12;
	v13 =	vsel vm5, v40, v13  }
0xe4: {  	v15 =	vsel vm5, $0x13, v15;
	v7 =	vsel vm7, v41, v7;
	v18 =	vsel vm7, $0x13, v18  }
0xe5: {  	s30 =	sor.u32 s23, s28;
	vm9 =	vgt.f32 v42, v5;
	vm10 =	vgt.f32 v42, v1;
	v9 =	vsel vm4, v3, v9  }
0xe6: {  	s31 =	sor.u32 s22, s28;
	v43 =	vld [tilespmem:s30+$0x0];
	v12 =	vsel vm4, v4, v12;
	v3 =	vsel vm4, v39, v3;
	v4 =	vsel vm4, $0x13, v4  }
0xe7: {  	s0 =	sor.u32 s21, s28;
	v44 =	vld [tilespmem:s31+$0x0];
	v13 =	vsel vm6, v6, v13;
	v15 =	vsel vm6, v17, v15;
	v6 =	vsel vm6, v40, v6  }
0xe8: {  	s1 =	sor.u32 $0x1280, s25;
	v45 =	vld [tilespmem:s0+$0x0];
	v17 =	vsel vm6, $0x13, v17;
	v7 =	vsel vm8, v10, v7;
	v18 =	vsel vm8, v14, v18  }
0xe9: {  	s28 =	sor.u32 s24, s1;
	v10 =	vsel vm8, v41, v10;
	v5 =	vsel vm9, v42, v5;
	v8 =	vsel vm9, $0x14, v8  }
0xea: {  	v46 =	vld [tilespmem:s28+$0x0];
	v14 =	vsel vm8, $0x13, v14;
	v5 =	vsel vm10, v1, v5;
	v8 =	vsel vm10, v2, v8  }
0xeb: {  	v1 =	vsel vm10, v42, v1;
	v2 =	vsel vm10, $0x14, v2;
	vm11 =	vgt.f32 v43, v9  }
0xec: {  	vm12 =	vgt.f32 v43, v3;
	vm13 =	vgt.f32 v44, v13;
	vm14 =	vgt.f32 v44, v6  }
0xed: {  	vm15 =	vgt.f32 v45, v7;
	vm4 =	vgt.f32 v45, v10;
	v9 =	vsel vm11, v43, v9  }
0xee: {  	v12 =	vsel vm11, $0x14, v12;
	v13 =	vsel vm13, v44, v13;
	v15 =	vsel vm13, $0x14, v15  }
0xef: {  	s29 =	sor.u32 s23, s1;
	v7 =	vsel vm15, v45, v7;
	v18 =	vsel vm15, $0x14, v18;
	vm5 =	vgt.f32 v46, v5  }
0xf0: {  	s30 =	sor.u32 s22, s1;
	v47 =	vld [tilespmem:s29+$0x0];
	vm6 =	vgt.f32 v46, v1;
	v9 =	vsel vm12, v3, v9;
	v12 =	vsel vm12, v4, v12  }
0xf1: {  	s0 =	sor.u32 s21, s1;
	v48 =	vld [tilespmem:s30+$0x0];
	v3 =	vsel vm12, v43, v3;
	v4 =	vsel vm12, $0x14, v4;
	v13 =	vsel vm14, v6, v13  }
0xf2: {  	v49 =	vld [tilespmem:s0+$0x0];
	v15 =	vsel vm14, v17, v15;
	v6 =	vsel vm14, v44, v6;
	v17 =	vsel vm14, $0x14, v17  }
0xf3: {  	s31 =	sor.u32 $0x1300, s25;
	v7 =	vsel vm4, v10, v7;
	v18 =	vsel vm4, v14, v18;
	v10 =	vsel vm4, v45, v10  }
0xf4: {  	s1 =	sor.u32 s24, s31;
	v14 =	vsel vm4, $0x14, v14;
	v5 =	vsel vm5, v46, v5;
	v8 =	vsel vm5, $0x15, v8  }
0xf5: {  	v50 =	vld [tilespmem:s1+$0x0];
	v5 =	vsel vm6, v1, v5;
	v8 =	vsel vm6, v2, v8;
	vm7 =	vgt.f32 v47, v9  }
0xf6: {  	v1 =	vsel vm6, v46, v1;
	vm8 =	vgt.f32 v47, v3;
	v2 =	vsel vm6, $0x15, v2  }
0xf7: {  	vm9 =	vgt.f32 v48, v13;
	vm10 =	vgt.f32 v48, v6;
	vm11 =	vgt.f32 v49, v7  }
0xf8: {  	vm12 =	vgt.f32 v49, v10;
	v9 =	vsel vm7, v47, v9;
	v12 =	vsel vm7, $0x15, v12  }
0xf9: {  	v13 =	vsel vm9, v48, v13;
	v15 =	vsel vm9, $0x15, v15;
	v7 =	vsel vm11, v49, v7  }
0xfa: {  	s28 =	sor.u32 s23, s31;
	v18 =	vsel vm11, $0x15, v18;
	vm13 =	vgt.f32 v50, v5;
	vm14 =	vgt.f32 v50, v1  }
0xfb: {  	s29 =	sor.u32 s22, s31;
	v51 =	vld [tilespmem:s28+$0x0];
	v9 =	vsel vm8, v3, v9;
	v12 =	vsel vm8, v4, v12;
	v3 =	vsel vm8, v47, v3  }
0xfc: {  	s0 =	sor.u32 s21, s31;
	v52 =	vld [tilespmem:s29+$0x0];
	v4 =	vsel vm8, $0x15, v4;
	v13 =	vsel vm10, v6, v13;
	v15 =	vsel vm10, v17, v15  }
0xfd: {  	v53 =	vld [tilespmem:s0+$0x0];
	v6 =	vsel vm10, v48, v6;
	v17 =	vsel vm10, $0x15, v17;
	v7 =	vsel vm12, v10, v7  }
0xfe: {  	s30 =	sor.u32 $0x1380, s25;
	v18 =	vsel vm12, v14, v18;
	v10 =	vsel vm12, v49, v10;
	v5 =	vsel vm13, v50, v5  }
0xff: {  	s31 =	sor.u32 s24, s30;
	v14 =	vsel vm12, $0x15, v14;
	v8 =	vsel vm13, $0x16, v8;
	v5 =	vsel vm14, v1, v5  }
0x100: {  	v54 =	vld [tilespmem:s31+$0x0];
	v8 =	vsel vm14, v2, v8;
	v1 =	vsel vm14, v50, v1;
	vm15 =	vgt.f32 v51, v9  }
0x101: {  	vm4 =	vgt.f32 v51, v3;
	v2 =	vsel vm14, $0x16, v2;
	vm5 =	vgt.f32 v52, v13  }
0x102: {  	vm6 =	vgt.f32 v52, v6;
	vm7 =	vgt.f32 v53, v7;
	vm8 =	vgt.f32 v53, v10  }
0x103: {  	v9 =	vsel vm15, v51, v9;
	v12 =	vsel vm15, $0x16, v12;
	v13 =	vsel vm5, v52, v13  }
0x104: {  	v15 =	vsel vm5, $0x16, v15;
	v7 =	vsel vm7, v53, v7;
	v18 =	vsel vm7, $0x16, v18  }
0x105: {  	s1 =	sor.u32 s23, s30;
	vm9 =	vgt.f32 v54, v5;
	vm10 =	vgt.f32 v54, v1;
	v9 =	vsel vm4, v3, v9  }
0x106: {  	s28 =	sor.u32 s22, s30;
	v55 =	vld [tilespmem:s1+$0x0];
	v12 =	vsel vm4, v4, v12;
	v3 =	vsel vm4, v51, v3;
	v4 =	vsel vm4, $0x16, v4  }
0x107: {  	s0 =	sor.u32 s21, s30;
	v56 =	vld [tilespmem:s28+$0x0];
	v13 =	vsel vm6, v6, v13;
	v15 =	vsel vm6, v17, v15;
	v6 =	vsel vm6, v52, v6  }
0x108: {  	s29 =	sor.u32 $0x1800, s25;
	v57 =	vld [tilespmem:s0+$0x0];
	v17 =	vsel vm6, $0x16, v17;
	v7 =	vsel vm8, v10, v7;
	v18 =	vsel vm8, v14, v18  }
0x109: {  	s30 =	sor.u32 s24, s29;
	v10 =	vsel vm8, v53, v10;
	v5 =	vsel vm9, v54, v5;
	v8 =	vsel vm9, $0x17, v8  }
0x10a: {  	v58 =	vld [tilespmem:s30+$0x0];
	v14 =	vsel vm8, $0x16, v14;
	v5 =	vsel vm10, v1, v5;
	v8 =	vsel vm10, v2, v8  }
0x10b: {  	v1 =	vsel vm10, v54, v1;
	v2 =	vsel vm10, $0x17, v2;
	vm11 =	vgt.f32 v55, v9  }
0x10c: {  	vm12 =	vgt.f32 v55, v3;
	vm13 =	vgt.f32 v56, v13;
	vm14 =	vgt.f32 v56, v6  }
0x10d: {  	vm15 =	vgt.f32 v57, v7;
	vm4 =	vgt.f32 v57, v10;
	v9 =	vsel vm11, v55, v9  }
0x10e: {  	v12 =	vsel vm11, $0x17, v12;
	v13 =	vsel vm13, v56, v13;
	v15 =	vsel vm13, $0x17, v15  }
0x10f: {  	s31 =	sor.u32 s23, s29;
	v7 =	vsel vm15, v57, v7;
	v18 =	vsel vm15, $0x17, v18;
	vm5 =	vgt.f32 v58, v5  }
0x110: {  	s1 =	sor.u32 s22, s29;
	v59 =	vld [tilespmem:s31+$0x0];
	vm6 =	vgt.f32 v58, v1;
	v9 =	vsel vm12, v3, v9;
	v12 =	vsel vm12, v4, v12  }
0x111: {  	s0 =	sor.u32 s21, s29;
	v60 =	vld [tilespmem:s1+$0x0];
	v3 =	vsel vm12, v55, v3;
	v4 =	vsel vm12, $0x17, v4;
	v13 =	vsel vm14, v6, v13  }
0x112: {  	v61 =	vld [tilespmem:s0+$0x0];
	v15 =	vsel vm14, v17, v15;
	v6 =	vsel vm14, v56, v6;
	v17 =	vsel vm14, $0x17, v17  }
0x113: {  	s28 =	sor.u32 $0x1880, s25;
	v7 =	vsel vm4, v10, v7;
	v18 =	vsel vm4, v14, v18;
	v10 =	vsel vm4, v57, v10  }
0x114: {  	s29 =	sor.u32 s24, s28;
	v14 =	vsel vm4, $0x17, v14;
	v5 =	vsel vm5, v58, v5;
	v8 =	vsel vm5, $0x18, v8  }
0x115: {  	v62 =	vld [tilespmem:s29+$0x0];
	v5 =	vsel vm6, v1, v5;
	v8 =	vsel vm6, v2, v8;
	vm7 =	vgt.f32 v59, v9  }
0x116: {  	v1 =	vsel vm6, v58, v1;
	vm8 =	vgt.f32 v59, v3;
	v2 =	vsel vm6, $0x18, v2  }
0x117: {  	vm9 =	vgt.f32 v60, v13;
	vm10 =	vgt.f32 v60, v6;
	vm11 =	vgt.f32 v61, v7  }
0x118: {  	vm12 =	vgt.f32 v61, v10;
	v9 =	vsel vm7, v59, v9;
	v12 =	vsel vm7, $0x18, v12  }
0x119: {  	v13 =	vsel vm9, v60, v13;
	v15 =	vsel vm9, $0x18, v15;
	v7 =	vsel vm11, v61, v7  }
0x11a: {  	s30 =	sor.u32 s23, s28;
	v18 =	vsel vm11, $0x18, v18;
	vm13 =	vgt.f32 v62, v5;
	vm14 =	vgt.f32 v62, v1  }
0x11b: {  	s31 =	sor.u32 s22, s28;
	v63 =	vld [tilespmem:s30+$0x0];
	v9 =	vsel vm8, v3, v9;
	v12 =	vsel vm8, v4, v12;
	v3 =	vsel vm8, v59, v3  }
0x11c: {  	s0 =	sor.u32 s21, s28;
	v21 =	vld [tilespmem:s31+$0x0];
	v4 =	vsel vm8, $0x18, v4;
	v13 =	vsel vm10, v6, v13;
	v15 =	vsel vm10, v17, v15  }
0x11d: {  	v22 =	vld [tilespmem:s0+$0x0];
	v6 =	vsel vm10, v60, v6;
	v17 =	vsel vm10, $0x18, v17;
	v7 =	vsel vm12, v10, v7  }
0x11e: {  	s1 =	sor.u32 $0x1900, s25;
	v18 =	vsel vm12, v14, v18;
	v10 =	vsel vm12, v61, v10;
	v5 =	vsel vm13, v62, v5  }
0x11f: {  	s28 =	sor.u32 s24, s1;
	v14 =	vsel vm12, $0x18, v14;
	v8 =	vsel vm13, $0x19, v8;
	v5 =	vsel vm14, v1, v5  }
0x120: {  	v23 =	vld [tilespmem:s28+$0x0];
	v8 =	vsel vm14, v2, v8;
	v1 =	vsel vm14, v62, v1;
	vm15 =	vgt.f32 v63, v9  }
0x121: {  	vm4 =	vgt.f32 v63, v3;
	v2 =	vsel vm14, $0x19, v2;
	vm5 =	vgt.f32 v21, v13  }
0x122: {  	vm6 =	vgt.f32 v21, v6;
	vm7 =	vgt.f32 v22, v7;
	vm8 =	vgt.f32 v22, v10  }
0x123: {  	v9 =	vsel vm15, v63, v9;
	v12 =	vsel vm15, $0x19, v12;
	v13 =	vsel vm5, v21, v13  }
0x124: {  	v15 =	vsel vm5, $0x19, v15;
	v7 =	vsel vm7, v22, v7;
	v18 =	vsel vm7, $0x19, v18  }
0x125: {  	s29 =	sor.u32 s23, s1;
	vm9 =	vgt.f32 v23, v5;
	vm10 =	vgt.f32 v23, v1;
	v9 =	vsel vm4, v3, v9  }
0x126: {  	s30 =	sor.u32 s22, s1;
	v24 =	vld [tilespmem:s29+$0x0];
	v12 =	vsel vm4, v4, v12;
	v3 =	vsel vm4, v63, v3;
	v4 =	vsel vm4, $0x19, v4  }
0x127: {  	s0 =	sor.u32 s21, s1;
	v25 =	vld [tilespmem:s30+$0x0];
	v13 =	vsel vm6, v6, v13;
	v15 =	vsel vm6, v17, v15;
	v6 =	vsel vm6, v21, v6  }
0x128: {  	s31 =	sor.u32 $0x1980, s25;
	v26 =	vld [tilespmem:s0+$0x0];
	v17 =	vsel vm6, $0x19, v17;
	v7 =	vsel vm8, v10, v7;
	v18 =	vsel vm8, v14, v18  }
0x129: {  	s1 =	sor.u32 s24, s31;
	v10 =	vsel vm8, v22, v10;
	v5 =	vsel vm9, v23, v5;
	v8 =	vsel vm9, $0x1A, v8  }
0x12a: {  	v27 =	vld [tilespmem:s1+$0x0];
	v14 =	vsel vm8, $0x19, v14;
	v5 =	vsel vm10, v1, v5;
	v8 =	vsel vm10, v2, v8  }
0x12b: {  	v1 =	vsel vm10, v23, v1;
	v2 =	vsel vm10, $0x1A, v2;
	vm11 =	vgt.f32 v24, v9  }
0x12c: {  	vm12 =	vgt.f32 v24, v3;
	vm13 =	vgt.f32 v25, v13;
	vm14 =	vgt.f32 v25, v6  }
0x12d: {  	vm15 =	vgt.f32 v26, v7;
	vm4 =	vgt.f32 v26, v10;
	v9 =	vsel vm11, v24, v9  }
0x12e: {  	v12 =	vsel vm11, $0x1A, v12;
	v13 =	vsel vm13, v25, v13;
	v15 =	vsel vm13, $0x1A, v15  }
0x12f: {  	s28 =	sor.u32 s23, s31;
	v7 =	vsel vm15, v26, v7;
	v18 =	vsel vm15, $0x1A, v18;
	vm5 =	vgt.f32 v27, v5  }
0x130: {  	s29 =	sor.u32 s22, s31;
	v28 =	vld [tilespmem:s28+$0x0];
	vm6 =	vgt.f32 v27, v1;
	v9 =	vsel vm12, v3, v9;
	v12 =	vsel vm12, v4, v12  }
0x131: {  	s0 =	sor.u32 s21, s31;
	v29 =	vld [tilespmem:s29+$0x0];
	v3 =	vsel vm12, v24, v3;
	v4 =	vsel vm12, $0x1A, v4;
	v13 =	vsel vm14, v6, v13  }
0x132: {  	v30 =	vld [tilespmem:s0+$0x0];
	v15 =	vsel vm14, v17, v15;
	v6 =	vsel vm14, v25, v6;
	v17 =	vsel vm14, $0x1A, v17  }
0x133: {  	s30 =	sor.u32 $0x1A00, s25;
	v7 =	vsel vm4, v10, v7;
	v18 =	vsel vm4, v14, v18;
	v10 =	vsel vm4, v26, v10  }
0x134: {  	s31 =	sor.u32 s24, s30;
	v14 =	vsel vm4, $0x1A, v14;
	v5 =	vsel vm5, v27, v5;
	v8 =	vsel vm5, $0x1B, v8  }
0x135: {  	v31 =	vld [tilespmem:s31+$0x0];
	v5 =	vsel vm6, v1, v5;
	v8 =	vsel vm6, v2, v8;
	vm7 =	vgt.f32 v28, v9  }
0x136: {  	v1 =	vsel vm6, v27, v1;
	vm8 =	vgt.f32 v28, v3;
	v2 =	vsel vm6, $0x1B, v2  }
0x137: {  	vm9 =	vgt.f32 v29, v13;
	vm10 =	vgt.f32 v29, v6;
	vm11 =	vgt.f32 v30, v7  }
0x138: {  	vm12 =	vgt.f32 v30, v10;
	v9 =	vsel vm7, v28, v9;
	v12 =	vsel vm7, $0x1B, v12  }
0x139: {  	v13 =	vsel vm9, v29, v13;
	v15 =	vsel vm9, $0x1B, v15;
	v7 =	vsel vm11, v30, v7  }
0x13a: {  	s1 =	sor.u32 s23, s30;
	v18 =	vsel vm11, $0x1B, v18;
	vm13 =	vgt.f32 v31, v5;
	vm14 =	vgt.f32 v31, v1  }
0x13b: {  	s28 =	sor.u32 s22, s30;
	v32 =	vld [tilespmem:s1+$0x0];
	v9 =	vsel vm8, v3, v9;
	v12 =	vsel vm8, v4, v12;
	v3 =	vsel vm8, v28, v3  }
0x13c: {  	s0 =	sor.u32 s21, s30;
	v33 =	vld [tilespmem:s28+$0x0];
	v4 =	vsel vm8, $0x1B, v4;
	v13 =	vsel vm10, v6, v13;
	v15 =	vsel vm10, v17, v15  }
0x13d: {  	v34 =	vld [tilespmem:s0+$0x0];
	v6 =	vsel vm10, v29, v6;
	v17 =	vsel vm10, $0x1B, v17;
	v7 =	vsel vm12, v10, v7  }
0x13e: {  	s29 =	sor.u32 $0x1A80, s25;
	v18 =	vsel vm12, v14, v18;
	v10 =	vsel vm12, v30, v10;
	v5 =	vsel vm13, v31, v5  }
0x13f: {  	s30 =	sor.u32 s24, s29;
	v14 =	vsel vm12, $0x1B, v14;
	v8 =	vsel vm13, $0x1C, v8;
	v5 =	vsel vm14, v1, v5  }
0x140: {  	v35 =	vld [tilespmem:s30+$0x0];
	v8 =	vsel vm14, v2, v8;
	v1 =	vsel vm14, v31, v1;
	vm15 =	vgt.f32 v32, v9  }
0x141: {  	vm4 =	vgt.f32 v32, v3;
	v2 =	vsel vm14, $0x1C, v2;
	vm5 =	vgt.f32 v33, v13  }
0x142: {  	vm6 =	vgt.f32 v33, v6;
	vm7 =	vgt.f32 v34, v7;
	vm8 =	vgt.f32 v34, v10  }
0x143: {  	v9 =	vsel vm15, v32, v9;
	v12 =	vsel vm15, $0x1C, v12;
	v13 =	vsel vm5, v33, v13  }
0x144: {  	v15 =	vsel vm5, $0x1C, v15;
	v7 =	vsel vm7, v34, v7;
	v18 =	vsel vm7, $0x1C, v18  }
0x145: {  	s31 =	sor.u32 s23, s29;
	vm9 =	vgt.f32 v35, v5;
	vm10 =	vgt.f32 v35, v1;
	v9 =	vsel vm4, v3, v9  }
0x146: {  	s1 =	sor.u32 s22, s29;
	v36 =	vld [tilespmem:s31+$0x0];
	v12 =	vsel vm4, v4, v12;
	v3 =	vsel vm4, v32, v3;
	v4 =	vsel vm4, $0x1C, v4  }
0x147: {  	s0 =	sor.u32 s21, s29;
	v37 =	vld [tilespmem:s1+$0x0];
	v13 =	vsel vm6, v6, v13;
	v15 =	vsel vm6, v17, v15;
	v6 =	vsel vm6, v33, v6  }
0x148: {  	s28 =	sor.u32 $0x1B00, s25;
	v38 =	vld [tilespmem:s0+$0x0];
	v17 =	vsel vm6, $0x1C, v17;
	v7 =	vsel vm8, v10, v7;
	v18 =	vsel vm8, v14, v18  }
0x149: {  	s29 =	sor.u32 s24, s28;
	v10 =	vsel vm8, v34, v10;
	v5 =	vsel vm9, v35, v5;
	v8 =	vsel vm9, $0x1D, v8  }
0x14a: {  	v39 =	vld [tilespmem:s29+$0x0];
	v14 =	vsel vm8, $0x1C, v14;
	v5 =	vsel vm10, v1, v5;
	v8 =	vsel vm10, v2, v8  }
0x14b: {  	v1 =	vsel vm10, v35, v1;
	v2 =	vsel vm10, $0x1D, v2;
	vm11 =	vgt.f32 v36, v9  }
0x14c: {  	vm12 =	vgt.f32 v36, v3;
	vm13 =	vgt.f32 v37, v13;
	vm14 =	vgt.f32 v37, v6  }
0x14d: {  	vm15 =	vgt.f32 v38, v7;
	vm4 =	vgt.f32 v38, v10;
	v9 =	vsel vm11, v36, v9  }
0x14e: {  	v12 =	vsel vm11, $0x1D, v12;
	v13 =	vsel vm13, v37, v13;
	v15 =	vsel vm13, $0x1D, v15  }
0x14f: {  	s30 =	sor.u32 s23, s28;
	v7 =	vsel vm15, v38, v7;
	v18 =	vsel vm15, $0x1D, v18;
	vm5 =	vgt.f32 v39, v5  }
0x150: {  	s31 =	sor.u32 s22, s28;
	v40 =	vld [tilespmem:s30+$0x0];
	vm6 =	vgt.f32 v39, v1;
	v9 =	vsel vm12, v3, v9;
	v12 =	vsel vm12, v4, v12  }
0x151: {  	s0 =	sor.u32 s21, s28;
	v41 =	vld [tilespmem:s31+$0x0];
	v3 =	vsel vm12, v36, v3;
	v4 =	vsel vm12, $0x1D, v4;
	v13 =	vsel vm14, v6, v13  }
0x152: {  	v42 =	vld [tilespmem:s0+$0x0];
	v15 =	vsel vm14, v17, v15;
	v6 =	vsel vm14, v37, v6;
	v17 =	vsel vm14, $0x1D, v17  }
0x153: {  	s1 =	sor.u32 $0x1B80, s25;
	v7 =	vsel vm4, v10, v7;
	v18 =	vsel vm4, v14, v18;
	v10 =	vsel vm4, v38, v10  }
0x154: {  	s28 =	sor.u32 s24, s1;
	v14 =	vsel vm4, $0x1D, v14;
	v5 =	vsel vm5, v39, v5;
	v8 =	vsel vm5, $0x1E, v8  }
0x155: {  	v43 =	vld [tilespmem:s28+$0x0];
	v5 =	vsel vm6, v1, v5;
	v8 =	vsel vm6, v2, v8;
	vm7 =	vgt.f32 v40, v9  }
0x156: {  	v1 =	vsel vm6, v39, v1;
	vm8 =	vgt.f32 v40, v3;
	v2 =	vsel vm6, $0x1E, v2  }
0x157: {  	vm9 =	vgt.f32 v41, v13;
	vm10 =	vgt.f32 v41, v6;
	vm11 =	vgt.f32 v42, v7  }
0x158: {  	vm12 =	vgt.f32 v42, v10;
	v9 =	vsel vm7, v40, v9;
	v12 =	vsel vm7, $0x1E, v12  }
0x159: {  	v13 =	vsel vm9, v41, v13;
	v15 =	vsel vm9, $0x1E, v15;
	v7 =	vsel vm11, v42, v7  }
0x15a: {  	s29 =	sor.u32 s23, s1;
	v18 =	vsel vm11, $0x1E, v18;
	vm13 =	vgt.f32 v43, v5;
	vm14 =	vgt.f32 v43, v1  }
0x15b: {  	s30 =	sor.u32 s22, s1;
	v44 =	vld [tilespmem:s29+$0x0];
	v9 =	vsel vm8, v3, v9;
	v12 =	vsel vm8, v4, v12;
	v3 =	vsel vm8, v40, v3  }
0x15c: {  	s0 =	sor.u32 s21, s1;
	v45 =	vld [tilespmem:s30+$0x0];
	v4 =	vsel vm8, $0x1E, v4;
	v13 =	vsel vm10, v6, v13;
	v15 =	vsel vm10, v17, v15  }
0x15d: {  	v46 =	vld [tilespmem:s0+$0x0];
	v6 =	vsel vm10, v41, v6;
	v17 =	vsel vm10, $0x1E, v17;
	v7 =	vsel vm12, v10, v7  }
0x15e: {  	s31 =	sor.u32 $0x2000, s25;
	v18 =	vsel vm12, v14, v18;
	v10 =	vsel vm12, v42, v10;
	v5 =	vsel vm13, v43, v5  }
0x15f: {  	s1 =	sor.u32 s24, s31;
	v14 =	vsel vm12, $0x1E, v14;
	v8 =	vsel vm13, $0x1F, v8;
	v5 =	vsel vm14, v1, v5  }
0x160: {  	v47 =	vld [tilespmem:s1+$0x0];
	v8 =	vsel vm14, v2, v8;
	v1 =	vsel vm14, v43, v1;
	vm15 =	vgt.f32 v44, v9  }
0x161: {  	vm4 =	vgt.f32 v44, v3;
	v2 =	vsel vm14, $0x1F, v2;
	vm5 =	vgt.f32 v45, v13  }
0x162: {  	vm6 =	vgt.f32 v45, v6;
	vm7 =	vgt.f32 v46, v7;
	vm8 =	vgt.f32 v46, v10  }
0x163: {  	v9 =	vsel vm15, v44, v9;
	v12 =	vsel vm15, $0x1F, v12;
	v13 =	vsel vm5, v45, v13  }
0x164: {  	v15 =	vsel vm5, $0x1F, v15;
	v7 =	vsel vm7, v46, v7;
	v18 =	vsel vm7, $0x1F, v18  }
0x165: {  	s28 =	sor.u32 s23, s31;
	vm9 =	vgt.f32 v47, v5;
	vm10 =	vgt.f32 v47, v1;
	v9 =	vsel vm4, v3, v9  }
0x166: {  	s29 =	sor.u32 s22, s31;
	v48 =	vld [tilespmem:s28+$0x0];
	v12 =	vsel vm4, v4, v12;
	v3 =	vsel vm4, v44, v3;
	v4 =	vsel vm4, $0x1F, v4  }
0x167: {  	s0 =	sor.u32 s21, s31;
	v49 =	vld [tilespmem:s29+$0x0];
	v13 =	vsel vm6, v6, v13;
	v15 =	vsel vm6, v17, v15;
	v6 =	vsel vm6, v45, v6  }
0x168: {  	s30 =	sor.u32 $0x2080, s25;
	v50 =	vld [tilespmem:s0+$0x0];
	v17 =	vsel vm6, $0x1F, v17;
	v7 =	vsel vm8, v10, v7;
	v18 =	vsel vm8, v14, v18  }
0x169: {  	s31 =	sor.u32 s24, s30;
	v10 =	vsel vm8, v46, v10;
	v5 =	vsel vm9, v47, v5;
	v8 =	vsel vm9, $0x20, v8  }
0x16a: {  	v51 =	vld [tilespmem:s31+$0x0];
	v14 =	vsel vm8, $0x1F, v14;
	v5 =	vsel vm10, v1, v5;
	v8 =	vsel vm10, v2, v8  }
0x16b: {  	v1 =	vsel vm10, v47, v1;
	v2 =	vsel vm10, $0x20, v2;
	vm11 =	vgt.f32 v48, v9  }
0x16c: {  	vm12 =	vgt.f32 v48, v3;
	vm13 =	vgt.f32 v49, v13;
	vm14 =	vgt.f32 v49, v6  }
0x16d: {  	vm15 =	vgt.f32 v50, v7;
	vm4 =	vgt.f32 v50, v10;
	v9 =	vsel vm11, v48, v9  }
0x16e: {  	v12 =	vsel vm11, $0x20, v12;
	v13 =	vsel vm13, v49, v13;
	v15 =	vsel vm13, $0x20, v15  }
0x16f: {  	s1 =	sor.u32 s23, s30;
	v7 =	vsel vm15, v50, v7;
	v18 =	vsel vm15, $0x20, v18;
	vm5 =	vgt.f32 v51, v5  }
0x170: {  	s28 =	sor.u32 s22, s30;
	v52 =	vld [tilespmem:s1+$0x0];
	vm6 =	vgt.f32 v51, v1;
	v9 =	vsel vm12, v3, v9;
	v12 =	vsel vm12, v4, v12  }
0x171: {  	s0 =	sor.u32 s21, s30;
	v53 =	vld [tilespmem:s28+$0x0];
	v3 =	vsel vm12, v48, v3;
	v4 =	vsel vm12, $0x20, v4;
	v13 =	vsel vm14, v6, v13  }
0x172: {  	v54 =	vld [tilespmem:s0+$0x0];
	v15 =	vsel vm14, v17, v15;
	v6 =	vsel vm14, v49, v6;
	v17 =	vsel vm14, $0x20, v17  }
0x173: {  	s29 =	sor.u32 $0x2100, s25;
	v7 =	vsel vm4, v10, v7;
	v18 =	vsel vm4, v14, v18;
	v10 =	vsel vm4, v50, v10  }
0x174: {  	s30 =	sor.u32 s24, s29;
	v14 =	vsel vm4, $0x20, v14;
	v5 =	vsel vm5, v51, v5;
	v8 =	vsel vm5, $0x21, v8  }
0x175: {  	v55 =	vld [tilespmem:s30+$0x0];
	v5 =	vsel vm6, v1, v5;
	v8 =	vsel vm6, v2, v8;
	vm7 =	vgt.f32 v52, v9  }
0x176: {  	v1 =	vsel vm6, v51, v1;
	vm8 =	vgt.f32 v52, v3;
	v2 =	vsel vm6, $0x21, v2  }
0x177: {  	vm9 =	vgt.f32 v53, v13;
	vm10 =	vgt.f32 v53, v6;
	vm11 =	vgt.f32 v54, v7  }
0x178: {  	vm12 =	vgt.f32 v54, v10;
	v9 =	vsel vm7, v52, v9;
	v12 =	vsel vm7, $0x21, v12  }
0x179: {  	v13 =	vsel vm9, v53, v13;
	v15 =	vsel vm9, $0x21, v15;
	v7 =	vsel vm11, v54, v7  }
0x17a: {  	s31 =	sor.u32 s23, s29;
	v18 =	vsel vm11, $0x21, v18;
	vm13 =	vgt.f32 v55, v5;
	vm14 =	vgt.f32 v55, v1  }
0x17b: {  	s1 =	sor.u32 s22, s29;
	v56 =	vld [tilespmem:s31+$0x0];
	v9 =	vsel vm8, v3, v9;
	v12 =	vsel vm8, v4, v12;
	v3 =	vsel vm8, v52, v3  }
0x17c: {  	s0 =	sor.u32 s21, s29;
	v57 =	vld [tilespmem:s1+$0x0];
	v4 =	vsel vm8, $0x21, v4;
	v13 =	vsel vm10, v6, v13;
	v15 =	vsel vm10, v17, v15  }
0x17d: {  	v58 =	vld [tilespmem:s0+$0x0];
	v6 =	vsel vm10, v53, v6;
	v17 =	vsel vm10, $0x21, v17;
	v7 =	vsel vm12, v10, v7  }
0x17e: {  	s28 =	sor.u32 $0x2180, s25;
	v18 =	vsel vm12, v14, v18;
	v10 =	vsel vm12, v54, v10;
	v5 =	vsel vm13, v55, v5  }
0x17f: {  	s29 =	sor.u32 s24, s28;
	v14 =	vsel vm12, $0x21, v14;
	v8 =	vsel vm13, $0x22, v8;
	v5 =	vsel vm14, v1, v5  }
0x180: {  	v59 =	vld [tilespmem:s29+$0x0];
	v8 =	vsel vm14, v2, v8;
	v1 =	vsel vm14, v55, v1;
	vm15 =	vgt.f32 v56, v9  }
0x181: {  	vm4 =	vgt.f32 v56, v3;
	v2 =	vsel vm14, $0x22, v2;
	vm5 =	vgt.f32 v57, v13  }
0x182: {  	vm6 =	vgt.f32 v57, v6;
	vm7 =	vgt.f32 v58, v7;
	vm8 =	vgt.f32 v58, v10  }
0x183: {  	v9 =	vsel vm15, v56, v9;
	v12 =	vsel vm15, $0x22, v12;
	v13 =	vsel vm5, v57, v13  }
0x184: {  	v15 =	vsel vm5, $0x22, v15;
	v7 =	vsel vm7, v58, v7;
	v18 =	vsel vm7, $0x22, v18  }
0x185: {  	s30 =	sor.u32 s23, s28;
	vm9 =	vgt.f32 v59, v5;
	vm10 =	vgt.f32 v59, v1;
	v9 =	vsel vm4, v3, v9  }
0x186: {  	s31 =	sor.u32 s22, s28;
	v60 =	vld [tilespmem:s30+$0x0];
	v12 =	vsel vm4, v4, v12;
	v3 =	vsel vm4, v56, v3;
	v4 =	vsel vm4, $0x22, v4  }
0x187: {  	s0 =	sor.u32 s21, s28;
	v61 =	vld [tilespmem:s31+$0x0];
	v13 =	vsel vm6, v6, v13;
	v15 =	vsel vm6, v17, v15;
	v6 =	vsel vm6, v57, v6  }
0x188: {  	s1 =	sor.u32 $0x2200, s25;
	v62 =	vld [tilespmem:s0+$0x0];
	v17 =	vsel vm6, $0x22, v17;
	v7 =	vsel vm8, v10, v7;
	v18 =	vsel vm8, v14, v18  }
0x189: {  	s28 =	sor.u32 s24, s1;
	v10 =	vsel vm8, v58, v10;
	v5 =	vsel vm9, v59, v5;
	v8 =	vsel vm9, $0x23, v8  }
0x18a: {  	v63 =	vld [tilespmem:s28+$0x0];
	v14 =	vsel vm8, $0x22, v14;
	v5 =	vsel vm10, v1, v5;
	v8 =	vsel vm10, v2, v8  }
0x18b: {  	v1 =	vsel vm10, v59, v1;
	v2 =	vsel vm10, $0x23, v2;
	vm11 =	vgt.f32 v60, v9  }
0x18c: {  	vm12 =	vgt.f32 v60, v3;
	vm13 =	vgt.f32 v61, v13;
	vm14 =	vgt.f32 v61, v6  }
0x18d: {  	vm15 =	vgt.f32 v62, v7;
	vm4 =	vgt.f32 v62, v10;
	v9 =	vsel vm11, v60, v9  }
0x18e: {  	v12 =	vsel vm11, $0x23, v12;
	v13 =	vsel vm13, v61, v13;
	v15 =	vsel vm13, $0x23, v15  }
0x18f: {  	s29 =	sor.u32 s23, s1;
	v7 =	vsel vm15, v62, v7;
	v18 =	vsel vm15, $0x23, v18;
	vm5 =	vgt.f32 v63, v5  }
0x190: {  	s30 =	sor.u32 s22, s1;
	v21 =	vld [tilespmem:s29+$0x0];
	vm6 =	vgt.f32 v63, v1;
	v9 =	vsel vm12, v3, v9;
	v12 =	vsel vm12, v4, v12  }
0x191: {  	s0 =	sor.u32 s21, s1;
	v22 =	vld [tilespmem:s30+$0x0];
	v3 =	vsel vm12, v60, v3;
	v4 =	vsel vm12, $0x23, v4;
	v13 =	vsel vm14, v6, v13  }
0x192: {  	v23 =	vld [tilespmem:s0+$0x0];
	v15 =	vsel vm14, v17, v15;
	v6 =	vsel vm14, v61, v6;
	v17 =	vsel vm14, $0x23, v17  }
0x193: {  	s31 =	sor.u32 $0x2280, s25;
	v7 =	vsel vm4, v10, v7;
	v18 =	vsel vm4, v14, v18;
	v10 =	vsel vm4, v62, v10  }
0x194: {  	s1 =	sor.u32 s24, s31;
	v14 =	vsel vm4, $0x23, v14;
	v5 =	vsel vm5, v63, v5;
	v8 =	vsel vm5, $0x24, v8  }
0x195: {  	v24 =	vld [tilespmem:s1+$0x0];
	v5 =	vsel vm6, v1, v5;
	v8 =	vsel vm6, v2, v8;
	vm7 =	vgt.f32 v21, v9  }
0x196: {  	v1 =	vsel vm6, v63, v1;
	vm8 =	vgt.f32 v21, v3;
	v2 =	vsel vm6, $0x24, v2  }
0x197: {  	vm9 =	vgt.f32 v22, v13;
	vm10 =	vgt.f32 v22, v6;
	vm11 =	vgt.f32 v23, v7  }
0x198: {  	vm12 =	vgt.f32 v23, v10;
	v9 =	vsel vm7, v21, v9;
	v12 =	vsel vm7, $0x24, v12  }
0x199: {  	v13 =	vsel vm9, v22, v13;
	v15 =	vsel vm9, $0x24, v15;
	v7 =	vsel vm11, v23, v7  }
0x19a: {  	s28 =	sor.u32 s23, s31;
	v18 =	vsel vm11, $0x24, v18;
	vm13 =	vgt.f32 v24, v5;
	vm14 =	vgt.f32 v24, v1  }
0x19b: {  	s29 =	sor.u32 s22, s31;
	v25 =	vld [tilespmem:s28+$0x0];
	v9 =	vsel vm8, v3, v9;
	v12 =	vsel vm8, v4, v12;
	v3 =	vsel vm8, v21, v3  }
0x19c: {  	s0 =	sor.u32 s21, s31;
	v26 =	vld [tilespmem:s29+$0x0];
	v4 =	vsel vm8, $0x24, v4;
	v13 =	vsel vm10, v6, v13;
	v15 =	vsel vm10, v17, v15  }
0x19d: {  	v27 =	vld [tilespmem:s0+$0x0];
	v6 =	vsel vm10, v22, v6;
	v17 =	vsel vm10, $0x24, v17;
	v7 =	vsel vm12, v10, v7  }
0x19e: {  	s30 =	sor.u32 $0x2300, s25;
	v18 =	vsel vm12, v14, v18;
	v10 =	vsel vm12, v23, v10;
	v5 =	vsel vm13, v24, v5  }
0x19f: {  	s31 =	sor.u32 s24, s30;
	v14 =	vsel vm12, $0x24, v14;
	v8 =	vsel vm13, $0x25, v8;
	v5 =	vsel vm14, v1, v5  }
0x1a0: {  	v28 =	vld [tilespmem:s31+$0x0];
	v8 =	vsel vm14, v2, v8;
	v1 =	vsel vm14, v24, v1;
	vm15 =	vgt.f32 v25, v9  }
0x1a1: {  	vm4 =	vgt.f32 v25, v3;
	v2 =	vsel vm14, $0x25, v2;
	vm5 =	vgt.f32 v26, v13  }
0x1a2: {  	vm6 =	vgt.f32 v26, v6;
	vm7 =	vgt.f32 v27, v7;
	vm8 =	vgt.f32 v27, v10  }
0x1a3: {  	v9 =	vsel vm15, v25, v9;
	v12 =	vsel vm15, $0x25, v12;
	v13 =	vsel vm5, v26, v13  }
0x1a4: {  	v15 =	vsel vm5, $0x25, v15;
	v7 =	vsel vm7, v27, v7;
	v18 =	vsel vm7, $0x25, v18  }
0x1a5: {  	s1 =	sor.u32 s23, s30;
	vm9 =	vgt.f32 v28, v5;
	vm10 =	vgt.f32 v28, v1;
	v9 =	vsel vm4, v3, v9  }
0x1a6: {  	s28 =	sor.u32 s22, s30;
	v29 =	vld [tilespmem:s1+$0x0];
	v12 =	vsel vm4, v4, v12;
	v3 =	vsel vm4, v25, v3;
	v4 =	vsel vm4, $0x25, v4  }
0x1a7: {  	s0 =	sor.u32 s21, s30;
	v30 =	vld [tilespmem:s28+$0x0];
	v13 =	vsel vm6, v6, v13;
	v15 =	vsel vm6, v17, v15;
	v6 =	vsel vm6, v26, v6  }
0x1a8: {  	s29 =	sor.u32 $0x2380, s25;
	v31 =	vld [tilespmem:s0+$0x0];
	v17 =	vsel vm6, $0x25, v17;
	v7 =	vsel vm8, v10, v7;
	v18 =	vsel vm8, v14, v18  }
0x1a9: {  	s30 =	sor.u32 s24, s29;
	v10 =	vsel vm8, v27, v10;
	v5 =	vsel vm9, v28, v5;
	v8 =	vsel vm9, $0x26, v8  }
0x1aa: {  	v32 =	vld [tilespmem:s30+$0x0];
	v14 =	vsel vm8, $0x25, v14;
	v5 =	vsel vm10, v1, v5;
	v8 =	vsel vm10, v2, v8  }
0x1ab: {  	v1 =	vsel vm10, v28, v1;
	v2 =	vsel vm10, $0x26, v2;
	vm11 =	vgt.f32 v29, v9  }
0x1ac: {  	vm12 =	vgt.f32 v29, v3;
	vm13 =	vgt.f32 v30, v13;
	vm14 =	vgt.f32 v30, v6  }
0x1ad: {  	vm15 =	vgt.f32 v31, v7;
	vm4 =	vgt.f32 v31, v10;
	v9 =	vsel vm11, v29, v9  }
0x1ae: {  	v12 =	vsel vm11, $0x26, v12;
	v13 =	vsel vm13, v30, v13;
	v15 =	vsel vm13, $0x26, v15  }
0x1af: {  	s31 =	sor.u32 s23, s29;
	v7 =	vsel vm15, v31, v7;
	v18 =	vsel vm15, $0x26, v18;
	vm5 =	vgt.f32 v32, v5  }
0x1b0: {  	s1 =	sor.u32 s22, s29;
	v33 =	vld [tilespmem:s31+$0x0];
	vm6 =	vgt.f32 v32, v1;
	v9 =	vsel vm12, v3, v9;
	v12 =	vsel vm12, v4, v12  }
0x1b1: {  	s0 =	sor.u32 s21, s29;
	v34 =	vld [tilespmem:s1+$0x0];
	v3 =	vsel vm12, v29, v3;
	v4 =	vsel vm12, $0x26, v4;
	v13 =	vsel vm14, v6, v13  }
0x1b2: {  	v35 =	vld [tilespmem:s0+$0x0];
	v15 =	vsel vm14, v17, v15;
	v6 =	vsel vm14, v30, v6;
	v17 =	vsel vm14, $0x26, v17  }
0x1b3: {  	s28 =	sor.u32 $0x2800, s25;
	v7 =	vsel vm4, v10, v7;
	v18 =	vsel vm4, v14, v18;
	v10 =	vsel vm4, v31, v10  }
0x1b4: {  	s29 =	sor.u32 s24, s28;
	v14 =	vsel vm4, $0x26, v14;
	v5 =	vsel vm5, v32, v5;
	v8 =	vsel vm5, $0x27, v8  }
0x1b5: {  	v36 =	vld [tilespmem:s29+$0x0];
	v5 =	vsel vm6, v1, v5;
	v8 =	vsel vm6, v2, v8;
	vm7 =	vgt.f32 v33, v9  }
0x1b6: {  	v1 =	vsel vm6, v32, v1;
	vm8 =	vgt.f32 v33, v3;
	v2 =	vsel vm6, $0x27, v2  }
0x1b7: {  	vm9 =	vgt.f32 v34, v13;
	vm10 =	vgt.f32 v34, v6;
	vm11 =	vgt.f32 v35, v7  }
0x1b8: {  	vm12 =	vgt.f32 v35, v10;
	v9 =	vsel vm7, v33, v9;
	v12 =	vsel vm7, $0x27, v12  }
0x1b9: {  	v13 =	vsel vm9, v34, v13;
	v15 =	vsel vm9, $0x27, v15;
	v7 =	vsel vm11, v35, v7  }
0x1ba: {  	s30 =	sor.u32 s23, s28;
	v18 =	vsel vm11, $0x27, v18;
	vm13 =	vgt.f32 v36, v5;
	vm14 =	vgt.f32 v36, v1  }
0x1bb: {  	s31 =	sor.u32 s22, s28;
	v37 =	vld [tilespmem:s30+$0x0];
	v9 =	vsel vm8, v3, v9;
	v12 =	vsel vm8, v4, v12;
	v3 =	vsel vm8, v33, v3  }
0x1bc: {  	s0 =	sor.u32 s21, s28;
	v38 =	vld [tilespmem:s31+$0x0];
	v4 =	vsel vm8, $0x27, v4;
	v13 =	vsel vm10, v6, v13;
	v15 =	vsel vm10, v17, v15  }
0x1bd: {  	v39 =	vld [tilespmem:s0+$0x0];
	v6 =	vsel vm10, v34, v6;
	v17 =	vsel vm10, $0x27, v17;
	v7 =	vsel vm12, v10, v7  }
0x1be: {  	s1 =	sor.u32 $0x2880, s25;
	v18 =	vsel vm12, v14, v18;
	v10 =	vsel vm12, v35, v10;
	v5 =	vsel vm13, v36, v5  }
0x1bf: {  	s28 =	sor.u32 s24, s1;
	v14 =	vsel vm12, $0x27, v14;
	v8 =	vsel vm13, $0x28, v8;
	v5 =	vsel vm14, v1, v5  }
0x1c0: {  	v40 =	vld [tilespmem:s28+$0x0];
	v8 =	vsel vm14, v2, v8;
	v1 =	vsel vm14, v36, v1;
	vm15 =	vgt.f32 v37, v9  }
0x1c1: {  	vm4 =	vgt.f32 v37, v3;
	v2 =	vsel vm14, $0x28, v2;
	vm5 =	vgt.f32 v38, v13  }
0x1c2: {  	vm6 =	vgt.f32 v38, v6;
	vm7 =	vgt.f32 v39, v7;
	vm8 =	vgt.f32 v39, v10  }
0x1c3: {  	v9 =	vsel vm15, v37, v9;
	v12 =	vsel vm15, $0x28, v12;
	v13 =	vsel vm5, v38, v13  }
0x1c4: {  	v15 =	vsel vm5, $0x28, v15;
	v7 =	vsel vm7, v39, v7;
	v18 =	vsel vm7, $0x28, v18  }
0x1c5: {  	s29 =	sor.u32 s23, s1;
	vm9 =	vgt.f32 v40, v5;
	vm10 =	vgt.f32 v40, v1;
	v9 =	vsel vm4, v3, v9  }
0x1c6: {  	s30 =	sor.u32 s22, s1;
	v41 =	vld [tilespmem:s29+$0x0];
	v12 =	vsel vm4, v4, v12;
	v3 =	vsel vm4, v37, v3;
	v4 =	vsel vm4, $0x28, v4  }
0x1c7: {  	s0 =	sor.u32 s21, s1;
	v42 =	vld [tilespmem:s30+$0x0];
	v13 =	vsel vm6, v6, v13;
	v15 =	vsel vm6, v17, v15;
	v6 =	vsel vm6, v38, v6  }
0x1c8: {  	s31 =	sor.u32 $0x2900, s25;
	v43 =	vld [tilespmem:s0+$0x0];
	v17 =	vsel vm6, $0x28, v17;
	v7 =	vsel vm8, v10, v7;
	v18 =	vsel vm8, v14, v18  }
0x1c9: {  	s1 =	sor.u32 s24, s31;
	v10 =	vsel vm8, v39, v10;
	v5 =	vsel vm9, v40, v5;
	v8 =	vsel vm9, $0x29, v8  }
0x1ca: {  	v44 =	vld [tilespmem:s1+$0x0];
	v14 =	vsel vm8, $0x28, v14;
	v5 =	vsel vm10, v1, v5;
	v8 =	vsel vm10, v2, v8  }
0x1cb: {  	v1 =	vsel vm10, v40, v1;
	v2 =	vsel vm10, $0x29, v2;
	vm11 =	vgt.f32 v41, v9  }
0x1cc: {  	vm12 =	vgt.f32 v41, v3;
	vm13 =	vgt.f32 v42, v13;
	vm14 =	vgt.f32 v42, v6  }
0x1cd: {  	vm15 =	vgt.f32 v43, v7;
	vm4 =	vgt.f32 v43, v10;
	v9 =	vsel vm11, v41, v9  }
0x1ce: {  	v12 =	vsel vm11, $0x29, v12;
	v13 =	vsel vm13, v42, v13;
	v15 =	vsel vm13, $0x29, v15  }
0x1cf: {  	s28 =	sor.u32 s23, s31;
	v7 =	vsel vm15, v43, v7;
	v18 =	vsel vm15, $0x29, v18;
	vm5 =	vgt.f32 v44, v5  }
0x1d0: {  	s29 =	sor.u32 s22, s31;
	v45 =	vld [tilespmem:s28+$0x0];
	vm6 =	vgt.f32 v44, v1;
	v9 =	vsel vm12, v3, v9;
	v12 =	vsel vm12, v4, v12  }
0x1d1: {  	s0 =	sor.u32 s21, s31;
	v46 =	vld [tilespmem:s29+$0x0];
	v3 =	vsel vm12, v41, v3;
	v4 =	vsel vm12, $0x29, v4;
	v13 =	vsel vm14, v6, v13  }
0x1d2: {  	v47 =	vld [tilespmem:s0+$0x0];
	v15 =	vsel vm14, v17, v15;
	v6 =	vsel vm14, v42, v6;
	v17 =	vsel vm14, $0x29, v17  }
0x1d3: {  	s30 =	sor.u32 $0x2980, s25;
	v7 =	vsel vm4, v10, v7;
	v18 =	vsel vm4, v14, v18;
	v10 =	vsel vm4, v43, v10  }
0x1d4: {  	s31 =	sor.u32 s24, s30;
	v14 =	vsel vm4, $0x29, v14;
	v5 =	vsel vm5, v44, v5;
	v8 =	vsel vm5, $0x2A, v8  }
0x1d5: {  	v48 =	vld [tilespmem:s31+$0x0];
	v5 =	vsel vm6, v1, v5;
	v8 =	vsel vm6, v2, v8;
	vm7 =	vgt.f32 v45, v9  }
0x1d6: {  	v1 =	vsel vm6, v44, v1;
	vm8 =	vgt.f32 v45, v3;
	v2 =	vsel vm6, $0x2A, v2  }
0x1d7: {  	vm9 =	vgt.f32 v46, v13;
	vm10 =	vgt.f32 v46, v6;
	vm11 =	vgt.f32 v47, v7  }
0x1d8: {  	vm12 =	vgt.f32 v47, v10;
	v9 =	vsel vm7, v45, v9;
	v12 =	vsel vm7, $0x2A, v12  }
0x1d9: {  	v13 =	vsel vm9, v46, v13;
	v15 =	vsel vm9, $0x2A, v15;
	v7 =	vsel vm11, v47, v7  }
0x1da: {  	s1 =	sor.u32 s23, s30;
	v18 =	vsel vm11, $0x2A, v18;
	vm13 =	vgt.f32 v48, v5;
	vm14 =	vgt.f32 v48, v1  }
0x1db: {  	s28 =	sor.u32 s22, s30;
	v49 =	vld [tilespmem:s1+$0x0];
	v9 =	vsel vm8, v3, v9;
	v12 =	vsel vm8, v4, v12;
	v3 =	vsel vm8, v45, v3  }
0x1dc: {  	s0 =	sor.u32 s21, s30;
	v50 =	vld [tilespmem:s28+$0x0];
	v4 =	vsel vm8, $0x2A, v4;
	v13 =	vsel vm10, v6, v13;
	v15 =	vsel vm10, v17, v15  }
0x1dd: {  	v51 =	vld [tilespmem:s0+$0x0];
	v6 =	vsel vm10, v46, v6;
	v17 =	vsel vm10, $0x2A, v17;
	v7 =	vsel vm12, v10, v7  }
0x1de: {  	s29 =	sor.u32 $0x2A00, s25;
	v18 =	vsel vm12, v14, v18;
	v10 =	vsel vm12, v47, v10;
	v5 =	vsel vm13, v48, v5  }
0x1df: {  	s30 =	sor.u32 s24, s29;
	v14 =	vsel vm12, $0x2A, v14;
	v8 =	vsel vm13, $0x2B, v8;
	v5 =	vsel vm14, v1, v5  }
0x1e0: {  	v52 =	vld [tilespmem:s30+$0x0];
	v8 =	vsel vm14, v2, v8;
	v1 =	vsel vm14, v48, v1;
	vm15 =	vgt.f32 v49, v9  }
0x1e1: {  	vm4 =	vgt.f32 v49, v3;
	v2 =	vsel vm14, $0x2B, v2;
	vm5 =	vgt.f32 v50, v13  }
0x1e2: {  	vm6 =	vgt.f32 v50, v6;
	vm7 =	vgt.f32 v51, v7;
	vm8 =	vgt.f32 v51, v10  }
0x1e3: {  	v9 =	vsel vm15, v49, v9;
	v12 =	vsel vm15, $0x2B, v12;
	v13 =	vsel vm5, v50, v13  }
0x1e4: {  	v15 =	vsel vm5, $0x2B, v15;
	v7 =	vsel vm7, v51, v7;
	v18 =	vsel vm7, $0x2B, v18  }
0x1e5: {  	s31 =	sor.u32 s23, s29;
	vm9 =	vgt.f32 v52, v5;
	vm10 =	vgt.f32 v52, v1;
	v9 =	vsel vm4, v3, v9  }
0x1e6: {  	s1 =	sor.u32 s22, s29;
	v53 =	vld [tilespmem:s31+$0x0];
	v12 =	vsel vm4, v4, v12;
	v3 =	vsel vm4, v49, v3;
	v4 =	vsel vm4, $0x2B, v4  }
0x1e7: {  	s0 =	sor.u32 s21, s29;
	v54 =	vld [tilespmem:s1+$0x0];
	v13 =	vsel vm6, v6, v13;
	v15 =	vsel vm6, v17, v15;
	v6 =	vsel vm6, v50, v6  }
0x1e8: {  	s28 =	sor.u32 $0x2A80, s25;
	v55 =	vld [tilespmem:s0+$0x0];
	v17 =	vsel vm6, $0x2B, v17;
	v7 =	vsel vm8, v10, v7;
	v18 =	vsel vm8, v14, v18  }
0x1e9: {  	s29 =	sor.u32 s24, s28;
	v10 =	vsel vm8, v51, v10;
	v5 =	vsel vm9, v52, v5;
	v8 =	vsel vm9, $0x2C, v8  }
0x1ea: {  	v56 =	vld [tilespmem:s29+$0x0];
	v14 =	vsel vm8, $0x2B, v14;
	v5 =	vsel vm10, v1, v5;
	v8 =	vsel vm10, v2, v8  }
0x1eb: {  	v1 =	vsel vm10, v52, v1;
	v2 =	vsel vm10, $0x2C, v2;
	vm11 =	vgt.f32 v53, v9  }
0x1ec: {  	vm12 =	vgt.f32 v53, v3;
	vm13 =	vgt.f32 v54, v13;
	vm14 =	vgt.f32 v54, v6  }
0x1ed: {  	vm15 =	vgt.f32 v55, v7;
	vm4 =	vgt.f32 v55, v10;
	v9 =	vsel vm11, v53, v9  }
0x1ee: {  	v12 =	vsel vm11, $0x2C, v12;
	v13 =	vsel vm13, v54, v13;
	v15 =	vsel vm13, $0x2C, v15  }
0x1ef: {  	s30 =	sor.u32 s23, s28;
	v7 =	vsel vm15, v55, v7;
	v18 =	vsel vm15, $0x2C, v18;
	vm5 =	vgt.f32 v56, v5  }
0x1f0: {  	s31 =	sor.u32 s22, s28;
	v57 =	vld [tilespmem:s30+$0x0];
	vm6 =	vgt.f32 v56, v1;
	v9 =	vsel vm12, v3, v9;
	v12 =	vsel vm12, v4, v12  }
0x1f1: {  	s0 =	sor.u32 s21, s28;
	v58 =	vld [tilespmem:s31+$0x0];
	v3 =	vsel vm12, v53, v3;
	v4 =	vsel vm12, $0x2C, v4;
	v13 =	vsel vm14, v6, v13  }
0x1f2: {  	v59 =	vld [tilespmem:s0+$0x0];
	v15 =	vsel vm14, v17, v15;
	v6 =	vsel vm14, v54, v6;
	v17 =	vsel vm14, $0x2C, v17  }
0x1f3: {  	s1 =	sor.u32 $0x2B00, s25;
	v7 =	vsel vm4, v10, v7;
	v18 =	vsel vm4, v14, v18;
	v10 =	vsel vm4, v55, v10  }
0x1f4: {  	s28 =	sor.u32 s24, s1;
	v14 =	vsel vm4, $0x2C, v14;
	v5 =	vsel vm5, v56, v5;
	v8 =	vsel vm5, $0x2D, v8  }
0x1f5: {  	v60 =	vld [tilespmem:s28+$0x0];
	v5 =	vsel vm6, v1, v5;
	v8 =	vsel vm6, v2, v8;
	vm7 =	vgt.f32 v57, v9  }
0x1f6: {  	v1 =	vsel vm6, v56, v1;
	vm8 =	vgt.f32 v57, v3;
	v2 =	vsel vm6, $0x2D, v2  }
0x1f7: {  	vm9 =	vgt.f32 v58, v13;
	vm10 =	vgt.f32 v58, v6;
	vm11 =	vgt.f32 v59, v7  }
0x1f8: {  	vm12 =	vgt.f32 v59, v10;
	v9 =	vsel vm7, v57, v9;
	v12 =	vsel vm7, $0x2D, v12  }
0x1f9: {  	v13 =	vsel vm9, v58, v13;
	v15 =	vsel vm9, $0x2D, v15;
	v7 =	vsel vm11, v59, v7  }
0x1fa: {  	s29 =	sor.u32 s23, s1;
	v18 =	vsel vm11, $0x2D, v18;
	vm13 =	vgt.f32 v60, v5;
	vm14 =	vgt.f32 v60, v1  }
0x1fb: {  	s30 =	sor.u32 s22, s1;
	v61 =	vld [tilespmem:s29+$0x0];
	v9 =	vsel vm8, v3, v9;
	v12 =	vsel vm8, v4, v12;
	v3 =	vsel vm8, v57, v3  }
0x1fc: {  	s0 =	sor.u32 s21, s1;
	v62 =	vld [tilespmem:s30+$0x0];
	v4 =	vsel vm8, $0x2D, v4;
	v13 =	vsel vm10, v6, v13;
	v15 =	vsel vm10, v17, v15  }
0x1fd: {  	v63 =	vld [tilespmem:s0+$0x0];
	v6 =	vsel vm10, v58, v6;
	v17 =	vsel vm10, $0x2D, v17;
	v7 =	vsel vm12, v10, v7  }
0x1fe: {  	s31 =	sor.u32 $0x2B80, s25;
	v18 =	vsel vm12, v14, v18;
	v10 =	vsel vm12, v59, v10;
	v5 =	vsel vm13, v60, v5  }
0x1ff: {  	s1 =	sor.u32 s24, s31;
	v14 =	vsel vm12, $0x2D, v14;
	v8 =	vsel vm13, $0x2E, v8;
	v5 =	vsel vm14, v1, v5  }
0x200: {  	v21 =	vld [tilespmem:s1+$0x0];
	v8 =	vsel vm14, v2, v8;
	v1 =	vsel vm14, v60, v1;
	vm15 =	vgt.f32 v61, v9  }
0x201: {  	vm4 =	vgt.f32 v61, v3;
	v2 =	vsel vm14, $0x2E, v2;
	vm5 =	vgt.f32 v62, v13  }
0x202: {  	vm6 =	vgt.f32 v62, v6;
	vm7 =	vgt.f32 v63, v7;
	vm8 =	vgt.f32 v63, v10  }
0x203: {  	v9 =	vsel vm15, v61, v9;
	v12 =	vsel vm15, $0x2E, v12;
	v13 =	vsel vm5, v62, v13  }
0x204: {  	v15 =	vsel vm5, $0x2E, v15;
	v7 =	vsel vm7, v63, v7;
	v18 =	vsel vm7, $0x2E, v18  }
0x205: {  	s28 =	sor.u32 s23, s31;
	vm9 =	vgt.f32 v21, v5;
	vm10 =	vgt.f32 v21, v1;
	v9 =	vsel vm4, v3, v9  }
0x206: {  	s29 =	sor.u32 s22, s31;
	v22 =	vld [tilespmem:s28+$0x0];
	v12 =	vsel vm4, v4, v12;
	v3 =	vsel vm4, v61, v3;
	v4 =	vsel vm4, $0x2E, v4  }
0x207: {  	s0 =	sor.u32 s21, s31;
	v23 =	vld [tilespmem:s29+$0x0];
	v13 =	vsel vm6, v6, v13;
	v15 =	vsel vm6, v17, v15;
	v6 =	vsel vm6, v62, v6  }
0x208: {  	s30 =	sor.u32 $0x3000, s25;
	v24 =	vld [tilespmem:s0+$0x0];
	v17 =	vsel vm6, $0x2E, v17;
	v7 =	vsel vm8, v10, v7;
	v18 =	vsel vm8, v14, v18  }
0x209: {  	s31 =	sor.u32 s24, s30;
	v10 =	vsel vm8, v63, v10;
	v5 =	vsel vm9, v21, v5;
	v8 =	vsel vm9, $0x2F, v8  }
0x20a: {  	v25 =	vld [tilespmem:s31+$0x0];
	v14 =	vsel vm8, $0x2E, v14;
	v5 =	vsel vm10, v1, v5;
	v8 =	vsel vm10, v2, v8  }
0x20b: {  	v1 =	vsel vm10, v21, v1;
	v2 =	vsel vm10, $0x2F, v2;
	vm11 =	vgt.f32 v22, v9  }
0x20c: {  	vm12 =	vgt.f32 v22, v3;
	vm13 =	vgt.f32 v23, v13;
	vm14 =	vgt.f32 v23, v6  }
0x20d: {  	vm15 =	vgt.f32 v24, v7;
	vm4 =	vgt.f32 v24, v10;
	v9 =	vsel vm11, v22, v9  }
0x20e: {  	v12 =	vsel vm11, $0x2F, v12;
	v13 =	vsel vm13, v23, v13;
	v15 =	vsel vm13, $0x2F, v15  }
0x20f: {  	v7 =	vsel vm15, v24, v7;
	v18 =	vsel vm15, $0x2F, v18;
	vm5 =	vgt.f32 v25, v5  }
0x210: {  	s1 =	sor.u32 s23, s30;
	vm6 =	vgt.f32 v25, v1;
	v9 =	vsel vm12, v3, v9;
	v12 =	vsel vm12, v4, v12  }
0x211: {  	s28 =	sor.u32 s22, s30;
	v26 =	vld [tilespmem:s1+$0x0];
	v3 =	vsel vm12, v22, v3;
	v4 =	vsel vm12, $0x2F, v4;
	v13 =	vsel vm14, v6, v13  }
0x212: {  	s0 =	sor.u32 s21, s30;
	v27 =	vld [tilespmem:s28+$0x0];
	v15 =	vsel vm14, v17, v15;
	v6 =	vsel vm14, v23, v6;
	v17 =	vsel vm14, $0x2F, v17  }
0x213: {  	s29 =	sor.u32 $0x3080, s25;
	v28 =	vld [tilespmem:s0+$0x0];
	v7 =	vsel vm4, v10, v7;
	v18 =	vsel vm4, v14, v18;
	v10 =	vsel vm4, v24, v10  }
0x214: {  	s30 =	sor.u32 s24, s29;
	v14 =	vsel vm4, $0x2F, v14;
	v5 =	vsel vm5, v25, v5;
	v8 =	vsel vm5, $0x30, v8  }
0x215: {  	v29 =	vld [tilespmem:s30+$0x0];
	v23 =	vimm.s32 $0x0;
	v5 =	vsel vm6, v1, v5;
	v8 =	vsel vm6, v2, v8  }
0x216: {  	vm7 =	vgt.f32 v26, v9;
	v1 =	vsel vm6, v25, v1;
	vm8 =	vgt.f32 v26, v3  }
0x217: {  	v2 =	vsel vm6, $0x30, v2;
	vm9 =	vgt.f32 v27, v13;
	vm10 =	vgt.f32 v27, v6  }
0x218: {  	vm11 =	vgt.f32 v28, v7;
	vm12 =	vgt.f32 v28, v10;
	v9 =	vsel vm7, v26, v9  }
0x219: {  	v12 =	vsel vm7, $0x30, v12;
	v13 =	vsel vm9, v27, v13;
	v15 =	vsel vm9, $0x30, v15  }
0x21a: {  	v7 =	vsel vm11, v28, v7;
	v18 =	vsel vm11, $0x30, v18;
	vm13 =	vgt.f32 v29, v5  }
0x21b: {  	s31 =	sor.u32 s23, s29;
	vm14 =	vgt.f32 v29, v1;
	v9 =	vsel vm8, v3, v9;
	v12 =	vsel vm8, v4, v12  }
0x21c: {  	s1 =	sor.u32 s22, s29;
	v30 =	vld [tilespmem:s31+$0x0];
	v3 =	vsel vm8, v26, v3;
	v4 =	vsel vm8, $0x30, v4;
	v13 =	vsel vm10, v6, v13  }
0x21d: {  	s0 =	sor.u32 s21, s29;
	v31 =	vld [tilespmem:s1+$0x0];
	v15 =	vsel vm10, v17, v15;
	v6 =	vsel vm10, v27, v6;
	v17 =	vsel vm10, $0x30, v17  }
0x21e: {  	s28 =	sor.u32 $0x3100, s25;
	v32 =	vld [tilespmem:s0+$0x0];
	v7 =	vsel vm12, v10, v7;
	v18 =	vsel vm12, v14, v18;
	v10 =	vsel vm12, v28, v10  }
0x21f: {  	s29 =	sor.u32 s24, s28;
	v5 =	vsel vm13, v29, v5;
	v14 =	vsel vm12, $0x30, v14;
	v8 =	vsel vm13, $0x31, v8  }
0x220: {  	v33 =	vld [tilespmem:s29+$0x0];
	v28 =	vimm.s32 $0x0;
	v5 =	vsel vm14, v1, v5;
	v8 =	vsel vm14, v2, v8  }
0x221: {  	v1 =	vsel vm14, v29, v1;
	vm15 =	vgt.f32 v30, v9;
	vm4 =	vgt.f32 v30, v3  }
0x222: {  	v2 =	vsel vm14, $0x31, v2;
	vm5 =	vgt.f32 v31, v13;
	vm6 =	vgt.f32 v31, v6  }
0x223: {  	vm7 =	vgt.f32 v32, v7;
	vm8 =	vgt.f32 v32, v10;
	v9 =	vsel vm15, v30, v9  }
0x224: {  	v12 =	vsel vm15, $0x31, v12;
	v13 =	vsel vm5, v31, v13;
	v15 =	vsel vm5, $0x31, v15  }
0x225: {  	v7 =	vsel vm7, v32, v7;
	v18 =	vsel vm7, $0x31, v18;
	vm9 =	vgt.f32 v33, v5  }
0x226: {  	s30 =	sor.u32 s23, s28;
	vm10 =	vgt.f32 v33, v1;
	v9 =	vsel vm4, v3, v9;
	v12 =	vsel vm4, v4, v12  }
0x227: {  	s31 =	sor.u32 s22, s28;
	v34 =	vld [tilespmem:s30+$0x0];
	v3 =	vsel vm4, v30, v3;
	v4 =	vsel vm4, $0x31, v4;
	v13 =	vsel vm6, v6, v13  }
0x228: {  	s0 =	sor.u32 s21, s28;
	v35 =	vld [tilespmem:s31+$0x0];
	v15 =	vsel vm6, v17, v15;
	v6 =	vsel vm6, v31, v6;
	v17 =	vsel vm6, $0x31, v17  }
0x229: {  	s1 =	sor.u32 $0x3180, s25;
	v36 =	vld [tilespmem:s0+$0x0];
	v7 =	vsel vm8, v10, v7;
	v18 =	vsel vm8, v14, v18;
	v10 =	vsel vm8, v32, v10  }
0x22a: {  	s28 =	sor.u32 s24, s1;
	v5 =	vsel vm9, v33, v5;
	v8 =	vsel vm9, $0x32, v8;
	v14 =	vsel vm8, $0x31, v14  }
0x22b: {  	v37 =	vld [tilespmem:s28+$0x0];
	v30 =	vimm.s32 $0x0;
	v5 =	vsel vm10, v1, v5;
	v8 =	vsel vm10, v2, v8  }
0x22c: {  	v1 =	vsel vm10, v33, v1;
	v2 =	vsel vm10, $0x32, v2;
	vm11 =	vgt.f32 v34, v9  }
0x22d: {  	vm12 =	vgt.f32 v34, v3;
	vm13 =	vgt.f32 v35, v13;
	vm14 =	vgt.f32 v35, v6  }
0x22e: {  	vm15 =	vgt.f32 v36, v7;
	vm4 =	vgt.f32 v36, v10;
	v9 =	vsel vm11, v34, v9  }
0x22f: {  	v12 =	vsel vm11, $0x32, v12;
	v13 =	vsel vm13, v35, v13;
	v15 =	vsel vm13, $0x32, v15  }
0x230: {  	v7 =	vsel vm15, v36, v7;
	v18 =	vsel vm15, $0x32, v18;
	vm5 =	vgt.f32 v37, v5  }
0x231: {  	s29 =	sor.u32 s23, s1;
	vm6 =	vgt.f32 v37, v1;
	v9 =	vsel vm12, v3, v9;
	v12 =	vsel vm12, v4, v12  }
0x232: {  	s30 =	sor.u32 s22, s1;
	v38 =	vld [tilespmem:s29+$0x0];
	v3 =	vsel vm12, v34, v3;
	v4 =	vsel vm12, $0x32, v4;
	v13 =	vsel vm14, v6, v13  }
0x233: {  	s0 =	sor.u32 s21, s1;
	v39 =	vld [tilespmem:s30+$0x0];
	v15 =	vsel vm14, v17, v15;
	v6 =	vsel vm14, v35, v6;
	v17 =	vsel vm14, $0x32, v17  }
0x234: {  	v40 =	vld [tilespmem:s0+$0x0];
	v7 =	vsel vm4, v10, v7;
	v18 =	vsel vm4, v14, v18;
	v10 =	vsel vm4, v36, v10  }
0x235: {  	s31 =	sor.u32 $0x3200, s25;
	v14 =	vsel vm4, $0x32, v14;
	v5 =	vsel vm5, v37, v5;
	v8 =	vsel vm5, $0x33, v8  }
0x236: {  	s1 =	sor.u32 s24, s31;
	v34 =	vimm.s32 $0x0;
	v35 =	vimm.s32 $0x0;
	v5 =	vsel vm6, v1, v5  }
0x237: {  	v41 =	vld [tilespmem:s1+$0x0];
	v8 =	vsel vm6, v2, v8;
	vm7 =	vgt.f32 v38, v9;
	v1 =	vsel vm6, v37, v1  }
0x238: {  	vm8 =	vgt.f32 v38, v3;
	v2 =	vsel vm6, $0x33, v2;
	vm9 =	vgt.f32 v39, v13  }
0x239: {  	vm10 =	vgt.f32 v39, v6;
	vm11 =	vgt.f32 v40, v7;
	vm12 =	vgt.f32 v40, v10  }
0x23a: {  	v9 =	vsel vm7, v38, v9;
	v12 =	vsel vm7, $0x33, v12;
	v13 =	vsel vm9, v39, v13  }
0x23b: {  	v15 =	vsel vm9, $0x33, v15;
	v7 =	vsel vm11, v40, v7;
	v18 =	vsel vm11, $0x33, v18  }
0x23c: {  	s28 =	sor.u32 s23, s31;
	vm13 =	vgt.f32 v41, v5;
	vm14 =	vgt.f32 v41, v1;
	v9 =	vsel vm8, v3, v9  }
0x23d: {  	s29 =	sor.u32 s22, s31;
	v42 =	vld [tilespmem:s28+$0x0];
	v12 =	vsel vm8, v4, v12;
	v3 =	vsel vm8, v38, v3;
	v4 =	vsel vm8, $0x33, v4  }
0x23e: {  	s0 =	sor.u32 s21, s31;
	v43 =	vld [tilespmem:s29+$0x0];
	v13 =	vsel vm10, v6, v13;
	v15 =	vsel vm10, v17, v15;
	v6 =	vsel vm10, v39, v6  }
0x23f: {  	v44 =	vld [tilespmem:s0+$0x0];
	v17 =	vsel vm10, $0x33, v17;
	v7 =	vsel vm12, v10, v7;
	v18 =	vsel vm12, v14, v18  }
0x240: {  	s30 =	sor.u32 $0x3280, s25;
	v10 =	vsel vm12, v40, v10;
	v5 =	vsel vm13, v41, v5;
	v14 =	vsel vm12, $0x33, v14  }
0x241: {  	s31 =	sor.u32 s24, s30;
	v8 =	vsel vm13, $0x34, v8;
	v38 =	vimm.s32 $0x0;
	v5 =	vsel vm14, v1, v5  }
0x242: {  	v45 =	vld [tilespmem:s31+$0x0];
	v8 =	vsel vm14, v2, v8;
	v1 =	vsel vm14, v41, v1;
	vm15 =	vgt.f32 v42, v9  }
0x243: {  	vm4 =	vgt.f32 v42, v3;
	v2 =	vsel vm14, $0x34, v2;
	vm5 =	vgt.f32 v43, v13  }
0x244: {  	vm6 =	vgt.f32 v43, v6;
	vm7 =	vgt.f32 v44, v7;
	vm8 =	vgt.f32 v44, v10  }
0x245: {  	v41 =	vimm.s32 $0x0;
	v9 =	vsel vm15, v42, v9;
	v12 =	vsel vm15, $0x34, v12  }
0x246: {  	v13 =	vsel vm5, v43, v13;
	v15 =	vsel vm5, $0x34, v15;
	v7 =	vsel vm7, v44, v7  }
0x247: {  	v18 =	vsel vm7, $0x34, v18;
	vm9 =	vgt.f32 v45, v5;
	vm10 =	vgt.f32 v45, v1  }
0x248: {  	s1 =	sor.u32 s23, s30;
	v9 =	vsel vm4, v3, v9;
	v12 =	vsel vm4, v4, v12;
	v3 =	vsel vm4, v42, v3  }
0x249: {  	s28 =	sor.u32 s22, s30;
	v46 =	vld [tilespmem:s1+$0x0];
	v4 =	vsel vm4, $0x34, v4;
	v13 =	vsel vm6, v6, v13;
	v15 =	vsel vm6, v17, v15  }
0x24a: {  	s0 =	sor.u32 s21, s30;
	v47 =	vld [tilespmem:s28+$0x0];
	v6 =	vsel vm6, v43, v6;
	v17 =	vsel vm6, $0x34, v17;
	v7 =	vsel vm8, v10, v7  }
0x24b: {  	s29 =	sor.u32 $0x3300, s25;
	v48 =	vld [tilespmem:s0+$0x0];
	v18 =	vsel vm8, v14, v18;
	v10 =	vsel vm8, v44, v10;
	v5 =	vsel vm9, v45, v5  }
0x24c: {  	s30 =	sor.u32 s24, s29;
	v8 =	vsel vm9, $0x35, v8;
	v14 =	vsel vm8, $0x34, v14;
	v43 =	vimm.s32 $0x0  }
0x24d: {  	v49 =	vld [tilespmem:s30+$0x0];
	v44 =	vimm.s32 $0x0;
	v5 =	vsel vm10, v1, v5;
	v8 =	vsel vm10, v2, v8  }
0x24e: {  	v1 =	vsel vm10, v45, v1;
	v2 =	vsel vm10, $0x35, v2;
	vm11 =	vgt.f32 v46, v9  }
0x24f: {  	vm12 =	vgt.f32 v46, v3;
	vm13 =	vgt.f32 v47, v13;
	vm14 =	vgt.f32 v47, v6  }
0x250: {  	vm15 =	vgt.f32 v48, v7;
	vm4 =	vgt.f32 v48, v10;
	v9 =	vsel vm11, v46, v9  }
0x251: {  	v12 =	vsel vm11, $0x35, v12;
	v13 =	vsel vm13, v47, v13;
	v15 =	vsel vm13, $0x35, v15  }
0x252: {  	v7 =	vsel vm15, v48, v7;
	v18 =	vsel vm15, $0x35, v18;
	vm5 =	vgt.f32 v49, v5  }
0x253: {  	s31 =	sor.u32 s23, s29;
	vm6 =	vgt.f32 v49, v1;
	v9 =	vsel vm12, v3, v9;
	v12 =	vsel vm12, v4, v12  }
0x254: {  	s1 =	sor.u32 s22, s29;
	v50 =	vld [tilespmem:s31+$0x0];
	v3 =	vsel vm12, v46, v3;
	v4 =	vsel vm12, $0x35, v4;
	v13 =	vsel vm14, v6, v13  }
0x255: {  	s0 =	sor.u32 s21, s29;
	v51 =	vld [tilespmem:s1+$0x0];
	v15 =	vsel vm14, v17, v15;
	v6 =	vsel vm14, v47, v6;
	v17 =	vsel vm14, $0x35, v17  }
0x256: {  	v52 =	vld [tilespmem:s0+$0x0];
	v7 =	vsel vm4, v10, v7;
	v18 =	vsel vm4, v14, v18;
	v10 =	vsel vm4, v48, v10  }
0x257: {  	s28 =	sor.u32 $0x3380, s25;
	v14 =	vsel vm4, $0x35, v14;
	v5 =	vsel vm5, v49, v5;
	v8 =	vsel vm5, $0x36, v8  }
0x258: {  	s29 =	sor.u32 s24, s28;
	v46 =	vimm.s32 $0x0;
	v47 =	vimm.s32 $0x0;
	v5 =	vsel vm6, v1, v5  }
0x259: {  	v53 =	vld [tilespmem:s29+$0x0];
	v8 =	vsel vm6, v2, v8;
	vm7 =	vgt.f32 v50, v9;
	v1 =	vsel vm6, v49, v1  }
0x25a: {  	vm8 =	vgt.f32 v50, v3;
	v2 =	vsel vm6, $0x36, v2;
	vm9 =	vgt.f32 v51, v13  }
0x25b: {  	vm10 =	vgt.f32 v51, v6;
	vm11 =	vgt.f32 v52, v7;
	vm12 =	vgt.f32 v52, v10  }
0x25c: {  	v49 =	vimm.s32 $0x0;
	v9 =	vsel vm7, v50, v9;
	v12 =	vsel vm7, $0x36, v12  }
0x25d: {  	v13 =	vsel vm9, v51, v13;
	v15 =	vsel vm9, $0x36, v15;
	v7 =	vsel vm11, v52, v7  }
0x25e: {  	s30 =	sor.u32 s23, s28;
	v18 =	vsel vm11, $0x36, v18;
	vm13 =	vgt.f32 v53, v5;
	vm14 =	vgt.f32 v53, v1  }
0x25f: {  	s31 =	sor.u32 s22, s28;
	v54 =	vld [tilespmem:s30+$0x0];
	v9 =	vsel vm8, v3, v9;
	v12 =	vsel vm8, v4, v12;
	v3 =	vsel vm8, v50, v3  }
0x260: {  	s0 =	sor.u32 s21, s28;
	v55 =	vld [tilespmem:s31+$0x0];
	v4 =	vsel vm8, $0x36, v4;
	v13 =	vsel vm10, v6, v13;
	v15 =	vsel vm10, v17, v15  }
0x261: {  	v56 =	vld [tilespmem:s0+$0x0];
	v6 =	vsel vm10, v51, v6;
	v17 =	vsel vm10, $0x36, v17;
	v7 =	vsel vm12, v10, v7  }
0x262: {  	v18 =	vsel vm12, v14, v18;
	v10 =	vsel vm12, v52, v10;
	v5 =	vsel vm13, v53, v5  }
0x263: {  	s26 =	sor.u32 $0x3800, s25;
	v14 =	vsel vm12, $0x36, v14;
	v8 =	vsel vm13, $0x37, v8;
	v20 =	vsel vm14, $0x37, v2  }
0x264: {  	s1 =	sor.u32 s24, s26;
	v52 =	vimm.s32 $0x0;
	v5 =	vsel vm14, v1, v5;
	v8 =	vsel vm14, v2, v8  }
0x265: {  	v57 =	vld [tilespmem:s1+$0x0];
	v1 =	vsel vm14, v53, v1;
	vm15 =	vgt.f32 v54, v9;
	vm4 =	vgt.f32 v54, v3  }
0x266: {  	s28 =	sor.u32 s23, s26;
	vm5 =	vgt.f32 v55, v13;
	vm6 =	vgt.f32 v55, v6;
	vm7 =	vgt.f32 v56, v7  }
0x267: {  	s30 =	sor.u32 s22, s26;
	v58 =	vld [tilespmem:s28+$0x0];
	vm8 =	vgt.f32 v56, v10;
	v53 =	vimm.s32 $0x0;
	v9 =	vsel vm15, v54, v9  }
0x268: {  	v24 =	vld [tilespmem:s30+$0x0];
	v12 =	vsel vm15, $0x37, v12;
	v19 =	vsel vm4, v54, v3;
	v21 =	vsel vm4, $0x37, v4  }
0x269: {  	s0 =	sor.u32 $0x3880, s25;
	v2 =	vsel vm5, v55, v13;
	v16 =	vsel vm6, v55, v6;
	v59 =	vsel vm6, $0x37, v17  }
0x26a: {  	s29 =	sor.u32 s24, s0;
	vm9 =	vgt.f32 v57, v5;
	vm10 =	vgt.f32 v57, v1;
	v55 =	vimm.s32 $0x0  }
0x26b: {  	v61 =	vld [tilespmem:s29+$0x0];
	v9 =	vsel vm4, v3, v9;
	v12 =	vsel vm4, v4, v12;
	v3 =	vsel vm5, $0x37, v15  }
0x26c: {  	s31 =	sor.u32 $0x3900, s25;
	v13 =	vsel vm6, v6, v2;
	v2 =	vsel vm7, v56, v7;
	v62 =	vsel vm9, $0x38, v8  }
0x26d: {  	s1 =	sor.u32 s24, s31;
	v22 =	vsel vm10, v57, v1;
	vm12 =	vgt.f32 v58, v19;
	vm15 =	vgt.f32 v24, v16  }
0x26e: {  	v25 =	vld [tilespmem:s1+$0x0];
	s1 =	sor.u32 s21, s26;
	v15 =	vsel vm6, v17, v3;
	v60 =	vsel vm8, v10, v2;
	v2 =	vsel vm7, $0x37, v18  }
0x26f: {  	v33 =	vld [tilespmem:s1+$0x0];
	v10 =	vsel vm8, v56, v10;
	v3 =	vsel vm8, $0x37, v14;
	vm11 =	vgt.f32 v58, v9  }
0x270: {  	v29 =	vsel vm12, v58, v19;
	vm14 =	vgt.f32 v61, v22;
	vm6 =	vgt.f32 v24, v13  }
0x271: {  	v7 =	vsel vm15, $0x38, v59;
	v56 =	vimm.s32 $0x0;
	v18 =	vsel vm8, v14, v2  }
0x272: {  	v2 =	vsel vm9, v57, v5;
	v26 =	vsel vm11, v58, v9;
	v27 =	vsel vm11, $0x38, v12  }
0x273: {  	v11 =	vsel vm14, v61, v22;
	v13 =	vsel vm6, v24, v13;
	v15 =	vsel vm6, $0x38, v15  }
0x274: {  	v14 =	vsel vm15, v24, v16;
	vm9 =	vgt.f32 v33, v60;
	vm5 =	vgt.f32 v33, v10  }
0x275: {  	s1 =	sor.u32 s23, s0;
	v58 =	vimm.s32 $0x0;
	v24 =	vimm.s32 $0x0;
	v63 =	vsel vm10, v1, v2  }
0x276: {  	s30 =	sor.u32 $0x3980, s25;
	v37 =	vld [tilespmem:s1+$0x0];
	v2 =	vsel vm10, v20, v62;
	v1 =	vsel vm10, $0x38, v20;
	v9 =	vsel vm12, v19, v26  }
0x277: {  	s29 =	sor.u32 s24, s30;
	s26 =	sor.u32 $0x3A00, s25;
	v4 =	vsel vm12, v21, v27;
	vm2 =	vgt.f32 v25, v11;
	v13 =	vsel vm15, v16, v13  }
0x278: {  	s28 =	sor.u32 $0x3A80, s25;
	v32 =	vld [tilespmem:s29+$0x0];
	s29 =	sor.u32 s24, s26;
	v17 =	vsel vm9, v33, v60;
	v60 =	vimm.s32 $0x0;
	v62 =	vimm.s32 $0x0  }
0x279: {  	v36 =	vld [tilespmem:s29+$0x0];
	s1 =	sor.u32 s24, s28;
	v26 =	vimm.s32 $0x0;
	vm13 =	vgt.f32 v61, v63;
	v17 =	vsel vm5, v10, v17  }
0x27a: {  	s29 =	sor.u32 $0x3B00, s25;
	s25 =	sor.u32 $0x3B80, s25;
	v40 =	vld [tilespmem:s1+$0x0];
	s1 =	sor.u32 s23, s31;
	v10 =	vsel vm5, v33, v10;
	v5 =	vsel vm13, $0xFFFFFFFF, v28;
	v31 =	vsel vm13, v61, v63  }
0x27b: {  	v42 =	vld [tilespmem:s1+$0x0];
	s1 =	sor.u32 s24, s29;
	s24 =	sor.u32 s24, s25;
	vm13 =	vgt.f32 v37, v9;
	v28 =	vimm.s32 $0x0;
	[tilespmem:$0x1FD80] =	vst v5;
	v5 =	vsel vm14, $0xFFFFFFFF, v30  }
0x27c: {  	v51 =	vld [tilespmem:s24+$0x0];
	s24 =	sor.u32 s22, s0;
	v6 =	vsel vm14, v22, v31;
	v9 =	vsel vm13, v37, v9;
	v30 =	vimm.s32 $0x0  }
0x27d: {  	v54 =	vld [tilespmem:s24+$0x0];
	v31 =	vimm.s32 $0x0;
	[tilespmem:$0x1FD90] =	vst v5;
	v5 =	vsel vm12, $0x38, v21;
	vm7 =	vgt.f32 v25, v6  }
0x27e: {  	vm12 =	vgt.f32 v37, v29;
	v21 =	vsel vm7, $0xFFFFFFFF, v34;
	v6 =	vsel vm7, v25, v6  }
0x27f: {  	v23 =	vsel vm12, $0xFFFFFFFF, v23;
	v9 =	vsel vm12, v29, v9;
	v34 =	vimm.s32 $0x0  }
0x280: {  	[tilespmem:$0x1FDD0] =	vst v21;
	v21 =	vsel vm2, $0xFFFFFFFF, v35;
	v22 =	vsel vm2, v11, v6;
	v6 =	vsel vm15, v59, v15  }
0x281: {  	v11 =	vsel vm2, v25, v11;
	[tilespmem:$0x1FDB0] =	vst v23;
	v23 =	vsel vm13, $0xFFFFFFFF, v46;
	v15 =	vsel vm12, v37, v29  }
0x282: {  	v45 =	vld [tilespmem:s1+$0x0];
	s1 =	sor.u32 s23, s30;
	vm6 =	vgt.f32 v42, v9;
	v59 =	vimm.s32 $0x0;
	vm12 =	vgt.f32 v54, v13  }
0x283: {  	v48 =	vld [tilespmem:s1+$0x0];
	v35 =	vimm.s32 $0x0;
	v37 =	vimm.s32 $0x0;
	v46 =	vimm.s32 $0x0  }
0x284: {  	vm8 =	vgt.f32 v32, v22;
	vm2 =	vgt.f32 v32, v11;
	vm15 =	vgt.f32 v42, v15  }
0x285: {  	v9 =	vsel vm6, v42, v9;
	v13 =	vsel vm12, v54, v13;
	v20 =	vsel vm8, $0xFFFFFFFF, v38  }
0x286: {  	v39 =	vsel vm8, v32, v22;
	v22 =	vsel vm2, $0xFFFFFFFF, v41;
	v9 =	vsel vm15, v15, v9  }
0x287: {  	v15 =	vsel vm15, v42, v15;
	v38 =	vimm.s32 $0x0;
	v41 =	vimm.s32 $0x0  }
0x288: {  	s24 =	sor.u32 s23, s26;
	v16 =	vsel vm2, v11, v39;
	v11 =	vsel vm2, v32, v11;
	vm8 =	vgt.f32 v48, v9  }
0x289: {  	v57 =	vld [tilespmem:s24+$0x0];
	v32 =	vimm.s32 $0x0;
	vm10 =	vgt.f32 v36, v16;
	vm11 =	vgt.f32 v36, v11  }
0x28a: {  	v9 =	vsel vm8, v48, v9;
	v8 =	vsel vm10, $0xFFFFFFFF, v43;
	v16 =	vsel vm10, v36, v16  }
0x28b: {  	vm10 =	vgt.f32 v48, v15;
	[tilespmem:$0x1FE80] =	vst v8;
	v8 =	vsel vm9, $0x38, v18;
	v18 =	vsel vm11, $0xFFFFFFFF, v44  }
0x28c: {  	v16 =	vsel vm11, v11, v16;
	v11 =	vsel vm11, v36, v11;
	v9 =	vsel vm10, v15, v9  }
0x28d: {  	s24 =	sor.u32 s23, s28;
	v15 =	vsel vm10, v48, v15;
	vm14 =	vgt.f32 v40, v16;
	vm0 =	vgt.f32 v40, v11  }
0x28e: {  	v61 =	vld [tilespmem:s24+$0x0];
	s24 =	sor.u32 s22, s31;
	[tilespmem:$0x1FE90] =	vst v18;
	v18 =	vsel vm8, $0xFFFFFFFF, v58;
	vm13 =	vgt.f32 v57, v9;
	vm8 =	vgt.f32 v54, v14  }
0x28f: {  	v63 =	vld [tilespmem:s24+$0x0];
	[tilespmem:$0x1FDE0] =	vst v21;
	v8 =	vsel vm5, v3, v8;
	v3 =	vsel vm5, $0x38, v3;
	v21 =	vsel vm14, $0xFFFFFFFF, v47  }
0x290: {  	[tilespmem:$0x1FDA0] =	vst v23;
	v23 =	vsel vm0, $0xFFFFFFFF, v49;
	v16 =	vsel vm14, v40, v16;
	v9 =	vsel vm13, v57, v9  }
0x291: {  	vm14 =	vgt.f32 v57, v15;
	v13 =	vsel vm8, v14, v13;
	v14 =	vsel vm8, v54, v14  }
0x292: {  	s0 =	sor.u32 s21, s0;
	v49 =	vimm.s32 $0x0;
	[tilespmem:$0x1FED0] =	vst v23;
	v50 =	vsel vm0, v11, v16;
	v23 =	vsel vm6, $0xFFFFFFFF, v52  }
0x293: {  	v36 =	vld [tilespmem:s0+$0x0];
	[tilespmem:$0x1FEB0] =	vst v21;
	v11 =	vsel vm0, v40, v11;
	v21 =	vsel vm14, $0xFFFFFFFF, v26;
	v9 =	vsel vm14, v15, v9  }
0x294: {  	v15 =	vsel vm14, v57, v15;
	vm4 =	vgt.f32 v63, v13;
	v52 =	vimm.s32 $0x0  }
0x295: {  	[tilespmem:$0x1FE30] =	vst v20;
	v57 =	vimm.s32 $0x0;
	vm7 =	vgt.f32 v45, v50;
	vm0 =	vgt.f32 v45, v11  }
0x296: {  	[tilespmem:$0x1FEC0] =	vst v21;
	v21 =	vsel vm4, $0xFFFFFFFF, v30;
	vm6 =	vgt.f32 v61, v15;
	v13 =	vsel vm4, v63, v13  }
0x297: {  	[tilespmem:$0x1FDF0] =	vst v23;
	v20 =	vsel vm7, $0xFFFFFFFF, v53;
	v23 =	vsel vm0, $0xFFFFFFFF, v55;
	v12 =	vsel vm7, v45, v50  }
0x298: {  	s24 =	sor.u32 s23, s29;
	[tilespmem:$0x1FE00] =	vst v21;
	v21 =	vsel vm6, $0xFFFFFFFF, v31;
	vm1 =	vgt.f32 v36, v10;
	v50 =	vimm.s32 $0x0  }
0x299: {  	v25 =	vld [tilespmem:s24+$0x0];
	[tilespmem:$0x1FF00] =	vst v23;
	v23 =	vsel vm15, $0xFFFFFFFF, v56;
	v12 =	vsel vm0, v11, v12;
	v11 =	vsel vm0, v45, v11  }
0x29a: {  	[tilespmem:$0x1FE50] =	vst v18;
	vm15 =	vgt.f32 v61, v9;
	vm9 =	vgt.f32 v51, v12;
	vm11 =	vgt.f32 v51, v11  }
0x29b: {  	s24 =	sor.u32 s22, s30;
	[tilespmem:$0x1FE10] =	vst v23;
	v23 =	vimm.s32 $0x0;
	v9 =	vsel vm15, v61, v9;
	v18 =	vsel vm9, $0xFFFFFFFF, v59  }
0x29c: {  	v27 =	vld [tilespmem:s24+$0x0];
	v12 =	vsel vm9, v51, v12;
	v9 =	vsel vm6, v15, v9;
	v15 =	vsel vm6, v61, v15  }
0x29d: {  	vm9 =	vgt.f32 v63, v14;
	v59 =	vimm.s32 $0x0;
	[tilespmem:$0x1FF20] =	vst v18;
	v18 =	vsel vm11, $0xFFFFFFFF, v60  }
0x29e: {  	s24 =	sor.u32 s23, s25;
	v12 =	vsel vm11, v11, v12;
	v11 =	vsel vm11, v51, v11;
	vm7 =	vgt.f32 v25, v9  }
0x29f: {  	v29 =	vld [tilespmem:s24+$0x0];
	v13 =	vsel vm9, v14, v13;
	[tilespmem:$0x1FF30] =	vst v18;
	v18 =	vsel vm10, $0xFFFFFFFF, v62;
	v11 =	vsub.f32 v12, v11  }
0x2a0: {  	v16 =	vsel vm7, $0xFFFFFFFF, v32;
	v9 =	vsel vm7, v25, v9;
	vm10 =	vgt.f32 v25, v15  }
0x2a1: {  	s24 =	sor.u32 s22, s26;
	v12 =	vsel vm9, v63, v14;
	vm11 =	vgt.f32 v27, v13;
	[tilespmem:$0x1FE70] =	vst v18;
	v18 =	vsel vm12, $0xFFFFFFFF, v23  }
0x2a2: {  	v33 =	vld [tilespmem:s24+$0x0];
	[tilespmem:$0x1FEF0] =	vst v20;
	v20 =	vsel vm10, $0xFFFFFFFF, v34;
	v9 =	vsel vm10, v15, v9;
	v14 =	vsel vm11, $0xFFFFFFFF, v35  }
0x2a3: {  	v13 =	vsel vm11, v27, v13;
	v15 =	vsel vm10, v25, v15;
	vm7 =	vgt.f32 v27, v12  }
0x2a4: {  	v60 =	vld [tilespmem:$0x1FD80];
	[tilespmem:$0x1FDC0] =	vst v18;
	v18 =	vsel vm13, $0xFFFFFFFF, v24;
	v11 =	vmul.f32 $1.442695020e+00, v11;
	vm12 =	vgt.f32 v29, v9  }
0x2a5: {  	[tilespmem:$0x1FF70] =	vst v20;
	vm13 =	vgt.f32 v29, v15;
	v13 =	vsel vm7, v12, v13;
	v12 =	vsel vm7, v27, v12  }
0x2a6: {  	s24 =	sor.u32 s22, s28;
	v62 =	vld [tilespmem:$0x1FD90];
	v20 =	vimm.s32 $0x0;
	[tilespmem:$0x1FEA0] =	vst v18;
	v18 =	vsel vm12, $0xFFFFFFFF, v37;
	v9 =	vsel vm12, v29, v9  }
0x2a7: {  	v39 =	vld [tilespmem:s24+$0x0];
	vm14 =	vgt.f32 v33, v13;
	vm11 =	vgt.f32 v33, v12;
	(erf) = vpow2.f32 v11  }
0x2a8: {  	v11 =	vsel vm15, $0xFFFFFFFF, v28;
	[tilespmem:$0x1FF90] =	vst v18;
	v18 =	vsel vm13, $0xFFFFFFFF, v38;
	v9 =	vsel vm13, v15, v9  }
0x2a9: {  	v63 =	vld [tilespmem:$0x1FDA0];
	v13 =	vsel vm14, v33, v13;
	vm3 =	vnez.u8 v60;
	[tilespmem:$0x1FF10] =	vst v11;
	v11 =	vsel vm13, v29, v15  }
0x2aa: {  	v13 =	vsel vm11, v12, v13;
	vm13 =	vgt.f32 v36, v17;
	v12 =	vsel vm11, v33, v12  }
0x2ab: {  	v2 =	vsel vm3, $0x39, v2;
	vm3 =	vnez.u8 v62;
	v9 =	vsub.f32 v9, v11  }
0x2ac: {  	s1 =	sor.u32 s21, s31;
	v24 =	vld [tilespmem:$0x1FDE0];
	v11 =	vsel vm14, $0xFFFFFFFF, v41;
	v44 =	vsel vm13, v36, v17;
	vm15 =	vgt.f32 v39, v13  }
0x2ad: {  	v42 =	vld [tilespmem:s1+$0x0];
	s24 =	sor.u32 s22, s29;
	vm12 =	vgt.f32 v39, v12;
	v2 =	vsel vm3, v1, v2;
	v1 =	vsel vm3, $0x39, v1  }
0x2ae: {  	v43 =	vld [tilespmem:s24+$0x0];
	vm3 =	vnez.u8 v63;
	v17 =	vimm.s32 $0x0;
	v8 =	vsel vm13, $0x39, v8  }
0x2af: {  	v47 =	vsel vm1, v10, v44;
	v13 =	vsel vm15, v39, v13;
	v10 =	vsel vm1, v36, v10  }
0x2b0: {  	s31 =	sor.u32 s22, s25;
	v4 =	vsel vm3, $0x39, v4;
	v8 =	vsel vm1, v3, v8;
	v3 =	vsel vm1, $0x39, v3;
	v40 =	vpop (erf)  }
0x2b1: {  	v48 =	vld [tilespmem:s31+$0x0];
	vm13 =	vnez.u8 v24;
	v9 =	vmul.f32 $1.442695020e+00, v9;
	v15 =	vadd.f32 $1.000000000e+00, v40  }
0x2b2: {  	s30 =	sor.u32 s21, s30;
	v13 =	vsel vm12, v12, v13;
	vm4 =	vgt.f32 v42, v47;
	v12 =	vsel vm12, v39, v12  }
0x2b3: {  	v45 =	vld [tilespmem:s30+$0x0];
	[tilespmem:$0x1FE60] =	vst v14;
	v14 =	vsel vm4, $0xFFFFFFFF, v49;
	vm6 =	vgt.f32 v43, v13;
	(erf) = vrcp.f32 v15  }
0x2b4: {  	vm14 =	vgt.f32 v43, v12;
	v13 =	vsel vm6, v43, v13;
	(erf) = vpow2.f32 v9  }
0x2b5: {  	s1 =	sor.u32 s21, s26;
	[tilespmem:$0x1FE20] =	vst v14;
	v14 =	vsel vm6, $0xFFFFFFFF, v50;
	v13 =	vsel vm14, v12, v13;
	v9 =	vsel vm15, $0xFFFFFFFF, v46  }
0x2b6: {  	v51 =	vld [tilespmem:s1+$0x0];
	vm10 =	vgt.f32 v48, v13;
	[tilespmem:$0x1FF80] =	vst v9;
	v9 =	vsel vm4, v42, v47;
	vm4 =	vgt.f32 v42, v10  }
0x2b7: {  	[tilespmem:$0x1FFB0] =	vst v14;
	v12 =	vsel vm14, v43, v12;
	v14 =	vsel vm10, $0xFFFFFFFF, v52;
	v9 =	vsel vm4, v10, v9  }
0x2b8: {  	s24 =	sor.u32 s21, s28;
	v13 =	vsel vm10, v48, v13;
	v10 =	vsel vm4, v42, v10;
	vm15 =	vgt.f32 v45, v9  }
0x2b9: {  	v53 =	vld [tilespmem:s24+$0x0];
	vm10 =	vgt.f32 v48, v12;
	vm2 =	vgt.f32 v45, v10;
	v9 =	vsel vm15, v45, v9  }
0x2ba: {  	[tilespmem:$0x1FFA0] =	vst v18;
	v18 =	vld [tilespmem:$0x1FDB0];
	v13 =	vsel vm10, v12, v13;
	v12 =	vsel vm10, v48, v12;
	v9 =	vsel vm2, v10, v9  }
0x2bb: {  	v12 =	vsub.f32 v13, v12;
	v10 =	vsel vm2, v45, v10;
	vm6 =	vgt.f32 v51, v9  }
0x2bc: {  	s26 =	sor.u32 s21, s29;
	v19 =	vld [tilespmem:$0x1FDC0];
	v15 =	vsel vm6, $0xFFFFFFFF, v57;
	v9 =	vsel vm6, v51, v9;
	vm6 =	vgt.f32 v51, v10;
	v54 =	vpop (erf)  }
0x2bd: {  	v58 =	vld [tilespmem:s26+$0x0];
	v12 =	vmul.f32 $1.442695020e+00, v12;
	v9 =	vsel vm6, v10, v9;
	v10 =	vsel vm6, v51, v10;
	v55 =	vpop (erf)  }
0x2be: {  	vm0 =	vgt.f32 v53, v9;
	vm5 =	vgt.f32 v53, v10;
	v56 =	vadd.f32 $1.000000000e+00, v55  }
0x2bf: {  	s28 =	sor.u32 s21, s25;
	[tilespmem:$0x1FEE0] =	vst v11;
	v11 =	vsel vm0, $0xFFFFFFFF, v59;
	v9 =	vsel vm0, v53, v9;
	vm0 =	vnez.u8 v18  }
0x2c0: {  	v61 =	vld [tilespmem:s28+$0x0];
	v9 =	vsel vm5, v10, v9;
	v10 =	vsel vm5, v53, v10;
	v4 =	vsel vm0, v5, v4  }
0x2c1: {  	[tilespmem:$0x1FE40] =	vst v22;
	v22 =	vld [tilespmem:$0x1FDD0];
	v5 =	vsel vm0, $0x39, v5;
	vm0 =	vnez.u8 v19;
	(erf) = vrcp.f32 v56  }
0x2c2: {  	v30 =	vld [tilespmem:$0x1FE40];
	vm3 =	vgt.f32 v58, v9;
	v6 =	vsel vm0, $0x39, v6;
	(erf) = vpow2.f32 v12  }
0x2c3: {  	v25 =	vld [tilespmem:$0x1FDF0];
	v12 =	vsel vm3, $0xFFFFFFFF, v17;
	v9 =	vsel vm3, v58, v9;
	vm3 =	vgt.f32 v58, v10  }
0x2c4: {  	v26 =	vld [tilespmem:$0x1FE00];
	v6 =	vsel vm8, v7, v6;
	v9 =	vsel vm3, v10, v9;
	v10 =	vsel vm3, v58, v10  }
0x2c5: {  	v27 =	vld [tilespmem:$0x1FE10];
	v7 =	vsel vm8, $0x39, v7;
	vm0 =	vgt.f32 v61, v9;
	vm8 =	vgt.f32 v61, v10  }
0x2c6: {  	v31 =	vld [tilespmem:$0x1FE50];
	[tilespmem:$0x1FFE0] =	vst v12;
	v12 =	vsel vm0, $0xFFFFFFFF, v20;
	v9 =	vsel vm0, v61, v9;
	vm0 =	vnez.u8 v22  }
0x2c7: {  	v28 =	vld [tilespmem:$0x1FE20];
	v9 =	vsel vm8, v10, v9;
	v10 =	vsel vm8, v61, v10;
	v2 =	vsel vm0, $0x3A, v2  }
0x2c8: {  	v29 =	vld [tilespmem:$0x1FE30];
	v2 =	vsel vm13, v1, v2;
	v1 =	vsel vm13, $0x3A, v1;
	vm13 =	vnez.u8 v25  }
0x2c9: {  	v34 =	vld [tilespmem:$0x1FE80];
	v9 =	vsub.f32 v9, v10;
	v4 =	vsel vm13, $0x3A, v4;
	vm13 =	vnez.u8 v26  }
0x2ca: {  	[tilespmem:$0x1FF40] =	vst v21;
	v32 =	vld [tilespmem:$0x1FE60];
	v45 =	vsub.f32 $1.000000000e+00, v54;
	v6 =	vsel vm13, $0x3A, v6;
	vm13 =	vnez.u8 v27;
	v21 =	vpop (erf)  }
0x2cb: {  	v35 =	vld [tilespmem:$0x1FE90];
	v9 =	vmul.f32 $1.442695020e+00, v9;
	v4 =	vsel vm13, v5, v4;
	v5 =	vsel vm13, $0x3A, v5;
	v23 =	vpop (erf)  }
0x2cc: {  	v33 =	vld [tilespmem:$0x1FE70];
	v6 =	vsel vm9, v7, v6;
	vm13 =	vnez.u8 v28;
	v10 =	vadd.f32 $1.000000000e+00, v23  }
0x2cd: {  	v36 =	vld [tilespmem:$0x1FEA0];
	v7 =	vsel vm9, $0x3A, v7;
	vm9 =	vnez.u8 v29;
	v8 =	vsel vm13, $0x3A, v8  }
0x2ce: {  	v37 =	vld [tilespmem:$0x1FEB0];
	v2 =	vsel vm9, $0x3B, v2;
	vm13 =	vnez.u8 v30;
	(erf) = vrcp.f32 v10  }
0x2cf: {  	v44 =	vld [tilespmem:$0x1FF00];
	vm9 =	vnez.u8 v32;
	v8 =	vsel vm4, v3, v8;
	(erf) = vpow2.f32 v9  }
0x2d0: {  	v40 =	vld [tilespmem:$0x1FED0];
	v3 =	vsel vm4, $0x3A, v3;
	v2 =	vsel vm13, v1, v2;
	v1 =	vsel vm13, $0x3B, v1  }
0x2d1: {  	v41 =	vld [tilespmem:$0x1FEE0];
	vm4 =	vnez.u8 v31;
	v6 =	vsel vm9, $0x3B, v6;
	vm13 =	vnez.u8 v33  }
0x2d2: {  	v42 =	vld [tilespmem:$0x1FEF0];
	vm9 =	vnez.u8 v36;
	v4 =	vsel vm4, $0x3B, v4;
	v6 =	vsel vm7, v7, v6  }
0x2d3: {  	v48 =	vld [tilespmem:$0x1FF30];
	v7 =	vsel vm7, $0x3B, v7;
	vm4 =	vnez.u8 v34;
	vm7 =	vnez.u8 v35  }
0x2d4: {  	v4 =	vsel vm13, v5, v4;
	v5 =	vsel vm13, $0x3B, v5;
	v2 =	vsel vm4, $0x3C, v2  }
0x2d5: {  	v47 =	vld [tilespmem:$0x1FF20];
	vm13 =	vnez.u8 v37;
	vm4 =	vnez.u8 v40;
	v2 =	vsel vm7, v1, v2  }
0x2d6: {  	v1 =	vsel vm7, $0x3C, v1;
	v4 =	vsel vm9, $0x3C, v4;
	vm7 =	vnez.u8 v41  }
0x2d7: {  	vm9 =	vnez.u8 v42;
	v2 =	vsel vm13, $0x3D, v2;
	v6 =	vsel vm7, $0x3C, v6;
	v39 =	vpop (erf)  }
0x2d8: {  	vm13 =	vnez.u8 v44;
	vm7 =	vnez.u8 v48;
	v2 =	vsel vm4, v1, v2;
	v43 =	vpop (erf)  }
0x2d9: {  	v1 =	vsel vm4, $0x3D, v1;
	v2 =	vsel vm9, $0x3E, v2;
	v10 =	vadd.f32 $1.000000000e+00, v43  }
0x2da: {  	[tilespmem:s18+$0x0] =	vst v54;
	vm4 =	vnez.u8 v47;
	v2 =	vsel vm13, v1, v2;
	v1 =	vsel vm13, $0x3E, v1  }
0x2db: {  	v38 =	vld [tilespmem:$0x1FEC0];
	[tilespmem:s17+$0x0] =	vst v45;
	v2 =	vsel vm4, $0x3F, v2;
	(erf) = vrcp.f32 v10;
	v10 =	vsel vm7, $0x3F, v1  }
0x2dc: {  	v46 =	vld [tilespmem:$0x1FF10];
	v1 =	vsel vm7, v1, v2;
	[tilespmem:s16+$0x0] =	vst v10  }
0x2dd: {  	s29 =	sand.u32 $0x80, s20;
	v2 =	vld [tilespmem:$0x1FF40];
	[tilespmem:s15+$0x0] =	vst v1;
	v1 =	vsub.f32 $1.000000000e+00, v21  }
0x2de: {  	s30 =	sor.u32 s29, s23;
	v52 =	vld [tilespmem:$0x1FF70]  }
0x2df: {  	[tilespmem:s30+$0x4100] =	vst v1;
	v1 =	vld [tilespmem:$0x1FFA0]  }
0x2e0: {  	[tilespmem:$0x1FF50] =	vst v16;
	v53 =	vld [tilespmem:$0x1FF80];
	v8 =	vsel vm15, $0x3B, v8;
	vm15 =	vnez.u8 v38  }
0x2e1: {  	v50 =	vld [tilespmem:$0x1FF50];
	[tilespmem:$0x1FF60] =	vst v15;
	v8 =	vsel vm2, v3, v8;
	v4 =	vsel vm15, v5, v4  }
0x2e2: {  	v51 =	vld [tilespmem:$0x1FF60];
	[tilespmem:$0x1FFC0] =	vst v11;
	v5 =	vsel vm15, $0x3C, v5;
	vm15 =	vnez.u8 v46;
	vm9 =	vnez.u8 v2  }
0x2e3: {  	v57 =	vld [tilespmem:$0x1FFC0];
	v4 =	vsel vm15, $0x3D, v4;
	vm15 =	vnez.u8 v52;
	v49 =	vsel vm9, $0x3D, v5  }
0x2e4: {  	[tilespmem:$0x1FFD0] =	vst v14;
	v54 =	vld [tilespmem:$0x1FF90];
	v2 =	vsel vm9, v5, v4;
	v4 =	vsel vm15, $0x3E, v49;
	vm9 =	vnez.u8 v1  }
0x2e5: {  	v58 =	vld [tilespmem:$0x1FFD0];
	v6 =	vsel vm11, v7, v6;
	vm4 =	vnez.u8 v53;
	v1 =	vsel vm9, $0x3F, v4  }
0x2e6: {  	v3 =	vsel vm2, $0x3B, v3;
	v7 =	vsel vm11, $0x3C, v7;
	v6 =	vsel vm4, $0x3D, v6;
	[tilespmem:s30+$0x4200] =	vst v1;
	v1 =	vld [tilespmem:$0x1FFB0]  }
0x2e7: {  	vm11 =	vnez.u8 v50;
	vm13 =	vnez.u8 v51;
	v6 =	vsel vm12, v7, v6  }
0x2e8: {  	v7 =	vsel vm12, $0x3D, v7;
	vm12 =	vnez.u8 v57;
	v2 =	vsel vm11, $0x3E, v2  }
0x2e9: {  	v61 =	vld [tilespmem:$0x1FFE0];
	v56 =	vsel vm14, $0x3E, v7;
	vm7 =	vnez.u8 v54;
	v2 =	vsel vm15, v49, v2  }
0x2ea: {  	[tilespmem:$0x1FFF0] =	vst v12;
	v59 =	vsel vm10, $0x3F, v56;
	v5 =	vsel vm13, $0x3C, v8;
	v2 =	vsel vm7, $0x3F, v2  }
0x2eb: {  	[tilespmem:s30+$0x4000] =	vst v21;
	vm13 =	vnez.u8 v58;
	v2 =	vsel vm9, v4, v2;
	vm11 =	vnez.u8 v1  }
0x2ec: {  	s31 =	sor.u32 s29, s22;
	v62 =	vld [tilespmem:$0x1FFF0];
	v55 =	vsel vm6, v3, v5;
	[tilespmem:s30+$0x4300] =	vst v2;
	v2 =	vsub.f32 $1.000000000e+00, v39;
	v1 =	vsel vm11, $0x3E, v6  }
0x2ed: {  	v3 =	vsel vm6, $0x3C, v3;
	v4 =	vsel vm12, $0x3D, v55;
	[tilespmem:s31+$0x4000] =	vst v39;
	v1 =	vsel vm14, v7, v1  }
0x2ee: {  	[tilespmem:s31+$0x4100] =	vst v2;
	v2 =	vsel vm5, v3, v4;
	vm14 =	vnez.u8 v61;
	v1 =	vsel vm13, $0x3F, v1  }
0x2ef: {  	p0 =	sne.s32 s20, $0xC0;
	[tilespmem:s31+$0x4200] =	vst v59;
	v3 =	vsel vm5, $0x3D, v3;
	v2 =	vsel vm14, $0x3E, v2;
	v1 =	vsel vm10, v56, v1  }
.Ltmp0:
0x2f0: {  	s0 =	sor.u32 s29, s21;
	v60 =	vpop (erf);
	v2 =	vsel vm3, v3, v2;
	v3 =	vsel vm3, $0x3E, v3;
	[tilespmem:s31+$0x4300] =	vst v1;
	(pc) =	sbr.rel @p0 .LBB2_2-.Ltmp0, $4  }
0x2f1: {  	vm15 =	vnez.u8 v62;
	v1 =	vsub.f32 $1.000000000e+00, v60;
	v63 =	vsel vm8, $0x3F, v3;
	[tilespmem:s0+$0x4000] =	vst v60  }
0x2f2: {  	v2 =	vsel vm15, $0x3F, v2;
	[tilespmem:s0+$0x4200] =	vst v63  }
0x2f3: {  	s19 =	sadd.s32 $0x200, s19;
	s20 =	sadd.s32 $0x40, s20;
	s18 =	sadd.s32 $0x40, s18;
	[tilespmem:s0+$0x4100] =	vst v1;
	v1 =	vsel vm8, v3, v2  }
0x2f4: {  	s17 =	sadd.s32 $0x40, s17;
	s16 =	sadd.s32 $0x40, s16;
	s15 =	sadd.s32 $0x40, s15;
	[tilespmem:s0+$0x4300] =	vst v1  }
0x2f5: {  	[hbm4b:s4+s2] =	stream.linear.scatter [tilespmem:s10], [sflag:$0x1], $0x100, $0x38;
	[tilespmem:$0x4400] =	vst v63  }
0x2f6: {  	_ =	swait.ge [sflag:s9], $0x100  }
0x2f7: {  	[sflag:s9] =	ssyncset.done $0x0  }
0x2f8: {  	[sflag:s9] =	ssyncadd.s32 $0xFFFFFF00  }
0x2f9: {  	[hbm4b:s5+s2] =	stream.linear.scatter [tilespmem:s11], [sflag:$0x1], $0x100, $0x38;
	[tilespmem:$0x4400] =	vst v63  }
0x2fa: {  	_ =	swait.ge [sflag:s9], $0x100  }
0x2fb: {  	[sflag:s9] =	ssyncset.done $0x0  }
0x2fc: {  	[sflag:s9] =	ssyncadd.s32 $0xFFFFFF00  }
0x2fd: {  	[hbm4b:s6+s2] =	stream.linear.scatter [tilespmem:s12], [sflag:$0x1], $0x100, $0x38;
	[tilespmem:$0x4400] =	vst v63  }
0x2fe: {  	s14 =	sadd.s32 $0x1, s14;
	_ =	swait.ge [sflag:s9], $0x100  }
0x2ff: {  	p0 =	sne.s32 s14, s8;
	[sflag:s9] =	ssyncset.done $0x0  }
.Ltmp1:
0x300: {  	[sflag:s9] =	ssyncadd.s32 $0xFFFFFF00;
	(pc) =	sbr.rel @p0 .LBB2_1-.Ltmp1, $4  }
0x301: {  	[hbm4b:s7+s2] =	stream.linear.scatter [tilespmem:s13], [sflag:$0x1], $0x100, $0x38;
	[tilespmem:$0x4400] =	vst v63  }
0x302: {  	_ =	swait.ge [sflag:s9], $0x100  }
0x303: {  	[sflag:s9] =	ssyncset.done $0x0  }
0x304: {  	[sflag:s9] =	ssyncadd.s32 $0xFFFFFF00  }
0x305: {  	_ =	sfence.sel $0x180000  }
0x306: {  	[bflag:$0x0] =	sbarrier.arrive $0xFFFF  }
0x307: {  	_ =	strace $0x90000047  }
0x308: {  	s0 =	stileid.u32;
	[bflag:$0x2] =	sbarrier.arrive $0xFFFF  }
0x309: {  	p0 =	sne.s32 s0, $0x0;
	s0 =	rddreg [dreg:$0x2]  }
0x30a: {  	s0 =	sadd.s32 @!p0 $0x100000, s0  }
0x30b: {  	[sflag:s0] =	ssyncadd.tile.s32 @!p0 $0x1;
	_ =	shalt  }
.Lfunc_end2:
_tile_overlayer_lowered:
.L_overlay_start_2:
0x30c: {  	(tag) =	ssettag $0x2  }
0x30d: {  	s0 =	rddreg [dreg:$0x0];
	s2 =	stileid.u32  }
0x30e: {  	s1 =	rddreg [dreg:$0x1];
	p0 =	sne.s32 s2, $0x0  }
0x30f: {  	s3 =	rddreg [dreg:$0x2];
	[bflag:$0x3] =	sbarrier.arrive $0xFFFF;
	s2 =	simm.s32 @!p0 $0x1C01  }
0x310: {  	[timem:s3], [sflag:s2] =	dma.local @!p0 [hbm:s0], s1  }
0x311: {  	s0 =	simm.s32 @!p0 $0x1  }
0x312: {  	_ =	swait.ge @!p0 [sflag:s0], s1  }
0x313: {  	s1 =	ssub.s32 @!p0 $0x0, s1;
	[sflag:s0] =	ssyncset.done @!p0 $0x0  }
0x314: {  	[sflag:s0] =	ssyncadd.s32 @!p0 s1  }
0x315: {  	[bflag:$0x3] =	sbarrier.arrive $0xFFFF  }
0x316: {  	_ =	shalt  }

</sc_bundles>
